<compile_context>
chip_gen: v7x
topology: tpu7x:2x2x1
jax: 0.10.2.dev20260603
libtpu: 0.0.44.dev20260713+nightly
codegen_flags: <defaults>
</compile_context>

<pallas_src>
import dataclasses
import functools

import jax
import jax.numpy as jnp
from jax import lax
from jax.experimental import pallas as pl
from jax.experimental.pallas import tpu as pltpu
from jax.experimental.pallas import tpu_sc as plsc

HEADS = 4
CPH = 64
HC = HEADS * CPH
NEG = 0.2
N_SC = 2
N_TILES = 16
LANES = 16

_SC_PARAMS = pltpu.CompilerParams()
if "needs_layout_passes" in pltpu.CompilerParams.__dataclass_fields__:
    _SC_PARAMS = dataclasses.replace(_SC_PARAMS, needs_layout_passes=False)


def _splat(v, idx_vec):
    dnums = lax.GatherDimensionNumbers(
        offset_dims=(), collapsed_slice_dims=(0,), start_index_map=(0,))
    return lax.gather(v, idx_vec[:, None], dnums, (1,),
                      mode=lax.GatherScatterMode.PROMISE_IN_BOUNDS)



def _proj_body(x_ref, w_ref, b_ref, o_ref):
    y = lax.dot_general(
        x_ref[...], w_ref[...], (((1,), (1,)), ((), ())),
        preferred_element_type=jnp.float32,
        precision=lax.Precision.HIGHEST)
    o_ref[...] = y + b_ref[...]


def _proj_headsplit(x, W, b, rows_per_block):
    M, K = x.shape
    nb = M // rows_per_block
    b2 = b.reshape(1, HC)
    return pl.pallas_call(
        _proj_body,
        grid=(2, nb),
        in_specs=[
            pl.BlockSpec((rows_per_block, K), lambda h, i: (i, 0)),
            pl.BlockSpec((128, K), lambda h, i: (h, 0)),
            pl.BlockSpec((1, 128), lambda h, i: (0, h)),
        ],
        out_specs=pl.BlockSpec((rows_per_block, 128), lambda h, i: (h * nb + i, 0)),
        out_shape=jax.ShapeDtypeStruct((2 * M, 128), jnp.float32),
    )(x, W, b2)



def _self_body(ad_ref, xl0_ref, xl1_ref,
               xr0_ref, xr1_ref, we_ref, att_ref, o_ref):
    ad = ad_ref[...]
    attr = ad[:, 16:32]
    deg = jnp.clip(ad[:, 32:33], 1.0, None)
    la = attr / deg
    le = lax.dot_general(la, we_ref[...], (((1,), (1,)), ((), ())),
                         preferred_element_type=jnp.float32,
                         precision=lax.Precision.HIGHEST)
    xl = jnp.concatenate([xl0_ref[...], xl1_ref[...]], axis=1)
    xr = jnp.concatenate([xr0_ref[...], xr1_ref[...]], axis=1)
    t = xl + xr + le
    lk = jnp.maximum(t, NEG * t)
    za = lk * att_ref[...]
    i0 = lax.broadcasted_iota(jnp.int32, (HC, HEADS), 0)
    i1 = lax.broadcasted_iota(jnp.int32, (HC, HEADS), 1)
    mask = (i0 // CPH == i1).astype(jnp.float32)
    lg = lax.dot_general(za, mask, (((1,), (0,)), ((), ())),
                         preferred_element_type=jnp.float32,
                         precision=lax.Precision.HIGHEST)
    o_ref[...] = jnp.exp(lg)


def _self_loop_ex(attrdeg_p, xl_cat, xr_cat, W_e, att1, n_nodes, n_pad, R):
    nb = n_nodes // R
    offx = n_nodes // R
    return pl.pallas_call(
        _self_body,
        grid=(nb,),
        in_specs=[
            pl.BlockSpec((R, 128), lambda i: (i, 0)),
            pl.BlockSpec((R, 128), lambda i: (i, 0)),
            pl.BlockSpec((R, 128), lambda i, o=offx: (o + i, 0)),
            pl.BlockSpec((R, 128), lambda i: (i, 0)),
            pl.BlockSpec((R, 128), lambda i, o=offx: (o + i, 0)),
            pl.BlockSpec((HC, 16), lambda i: (0, 0)),
            pl.BlockSpec((1, HC), lambda i: (0, 0)),
        ],
        out_specs=pl.BlockSpec((R, HEADS), lambda i: (i, 0)),
        out_shape=jax.ShapeDtypeStruct((n_nodes, HEADS), jnp.float32),
    )(attrdeg_p, xl_cat, xl_cat, xr_cat, xr_cat, W_e, att1)



def _merge_body(n0_ref, n1_ref, x0_ref, x1_ref, dx0_ref, dx1_ref,
                exs_ref, b_ref, o_ref):
    exs = exs_ref[...]
    R = exs.shape[0]

    def rep(col):
        return jnp.broadcast_to(col, (R, CPH))

    outs = []
    for c in range(2):
        n = (n0_ref, n1_ref)[c][...]
        xl = (x0_ref, x1_ref)[c][...]
        dx = (dx0_ref, dx1_ref)[c][...]
        exh = jnp.concatenate(
            [rep(exs[:, 2 * c + i:2 * c + i + 1]) for i in range(2)], axis=1)
        den = jnp.concatenate([rep(dx[:, i:i + 1]) for i in range(2)], axis=1)
        outs.append((n + exh * xl) / (den + exh + 1e-16))
    o_ref[...] = jnp.concatenate(outs, axis=1) + b_ref[...]


def _merge(numer_cat, dex_cat, xl_cat, exs, bias, n_nodes, n_pad_b, n_pad, R):
    nb = n_nodes // R
    offn = n_pad_b // R
    offd = n_pad // R
    offx = n_nodes // R
    b2 = bias.reshape(1, HC)
    return pl.pallas_call(
        _merge_body,
        grid=(nb,),
        in_specs=[
            pl.BlockSpec((R, 128), lambda i: (i, 0)),
            pl.BlockSpec((R, 128), lambda i, o=offn: (o + i, 0)),
            pl.BlockSpec((R, 128), lambda i: (i, 0)),
            pl.BlockSpec((R, 128), lambda i, o=offx: (o + i, 0)),
            pl.BlockSpec((R, 128), lambda i: (i, 0)),
            pl.BlockSpec((R, 128), lambda i, o=offd: (o + i, 0)),
            pl.BlockSpec((R, HEADS), lambda i: (i, 0)),
            pl.BlockSpec((1, HC), lambda i: (0, 0)),
        ],
        out_specs=pl.BlockSpec((R, HC), lambda i: (i, 0)),
        out_shape=jax.ShapeDtypeStruct((n_nodes, HC), jnp.float32),
    )(numer_cat, numer_cat, xl_cat, xl_cat, dex_cat, dex_cat, exs, b2)



def _sc_edges(src, dst, xl_cat, xr_cat, ee_cat, att_flat, z128b,
              n_nodes, n_pad_b):
    E = src.shape[0]
    N = n_pad_b
    NX = n_nodes
    per_tile = E // N_TILES
    B = 80
    nb = per_tile // B
    NG = B // LANES
    rows = N // N_TILES
    mesh = plsc.VectorSubcoreMesh(core_axis_name="c", subcore_axis_name="s")

    @functools.partial(
        pl.kernel,
        out_type=(jax.ShapeDtypeStruct((2 * N, 128), jnp.float32),
                  jax.ShapeDtypeStruct((2 * E, 16), jnp.float32)),
        mesh=mesh,
        compiler_params=_SC_PARAMS,
        scratch_types=[
            pltpu.VMEM((B,), jnp.int32),
            pltpu.VMEM((B,), jnp.int32),
            pltpu.VMEM((B,), jnp.int32),
            pltpu.VMEM((B, 128), jnp.float32),
            pltpu.VMEM((B, 128), jnp.float32),
            pltpu.VMEM((B, 128), jnp.float32),
            pltpu.VMEM((B, 16), jnp.float32),
            pltpu.VMEM((LANES, 16), jnp.float32),
            pltpu.VMEM((LANES, 16), jnp.float32),
            pltpu.VMEM((LANES, 16), jnp.int32),
            pltpu.VMEM((HC,), jnp.float32),
            pltpu.VMEM_SHARED((N, 128), jnp.float32),
        ],
    )
    def k(src_hbm, dst_hbm, xl_hbm, xr_hbm, ee_hbm, att_hbm, zA_hbm,
          numer_out, ex_out,
          si_v, di_v, dg_v, xj_v, xi_v, ee_v, ex_v, p0_v, p1_v, spl_v, att_v,
          numer_t):
        c = lax.axis_index("c")
        s = lax.axis_index("s")
        pltpu.sync_copy(zA_hbm, numer_t.at[pl.ds(s * rows, rows)])
        pltpu.sync_copy(att_hbm, att_v)
        zero16 = jnp.zeros((LANES,), jnp.float32)

        @pl.loop(0, B)
        def _(i):
            ex_v[i] = zero16

        plsc.subcore_barrier()

        lane = lax.iota(jnp.int32, LANES)
        cN_vec = jnp.full((LANES,), c * NX, jnp.int32)
        nmax_vec = jnp.full((LANES,), NX - 1, jnp.int32)
        av = [att_v[pl.ds(c * 128 + j * 16, 16)] for j in range(8)]
        for _l in range(LANES):
            spl_v[_l] = jnp.full((LANES,), _l, jnp.int32)
        base0 = s * per_tile

        @pl.loop(0, nb)
        def _(ib):
            base = base0 + ib * B
            pltpu.sync_copy(src_hbm.at[pl.ds(base, B)], si_v)
            pltpu.sync_copy(dst_hbm.at[pl.ds(base, B)], di_v)

            @pl.loop(0, B, step=LANES)
            def _(i):
                si_v[pl.ds(i, LANES)] = si_v[pl.ds(i, LANES)] + cN_vec
                dg_v[pl.ds(i, LANES)] = (
                    jnp.minimum(di_v[pl.ds(i, LANES)], nmax_vec) + cN_vec)

            pltpu.sync_copy(xl_hbm.at[si_v], xj_v)
            pltpu.sync_copy(xr_hbm.at[dg_v], xi_v)
            pltpu.sync_copy(ee_hbm.at[pl.ds(c * E + base, B)], ee_v)

            @pl.loop(0, NG)
            def _(g):
                for e in range(LANES):
                    r = g * LANES + e
                    for h in range(2):
                        acc = None
                        for kk4 in range(4):
                            j = h * 4 + kk4
                            t = (xj_v[r, pl.ds(j * 16, 16)]
                                 + xi_v[r, pl.ds(j * 16, 16)]
                                 + ee_v[r, pl.ds(j * 16, 16)])
                            lk = jnp.maximum(t, NEG * t)
                            term = lk * av[j]
                            acc = term if acc is None else acc + term
                        if h == 0:
                            p0_v[e] = acc
                        else:
                            p1_v[e] = acc
                tot0 = None
                tot1 = None
                for l in range(LANES):
                    cs = spl_v[l]
                    g0 = plsc.load_gather(p0_v, [lane, cs])
                    g1 = plsc.load_gather(p1_v, [lane, cs])
                    tot0 = g0 if tot0 is None else tot0 + g0
                    tot1 = g1 if tot1 is None else tot1 + g1
                exv0 = jnp.exp(tot0)
                exv1 = jnp.exp(tot1)
                row0 = g * LANES + lane
                plsc.store_scatter(ex_v, [row0, spl_v[0]], exv0)
                plsc.store_scatter(ex_v, [row0, spl_v[1]], exv1)
                for e in range(LANES):
                    r = g * LANES + e
                    b0 = _splat(exv0, spl_v[e])
                    b1 = _splat(exv1, spl_v[e])
                    for j in range(8):
                        bex = b0 if j < 4 else b1
                        xi_v[r, pl.ds(j * 16, 16)] = (
                            bex * xj_v[r, pl.ds(j * 16, 16)])

            pltpu.sync_copy(xi_v, numer_t.at[di_v], add=True)
            pltpu.sync_copy(ex_v, ex_out.at[pl.ds(c * E + base, B)])

        plsc.subcore_barrier()
        pltpu.sync_copy(numer_t.at[pl.ds(s * rows, rows)],
                        numer_out.at[pl.ds(c * N + s * rows, rows)])

    return k(src, dst, xl_cat, xr_cat, ee_cat, att_flat, z128b)



def _sc_dex_attr(dst, ex_e, edge_attr, z128, n_pad):
    E = dst.shape[0]
    N = n_pad
    per_tile = E // N_TILES
    B = 64
    nb = per_tile // B
    rows = N // N_TILES
    mesh = plsc.VectorSubcoreMesh(core_axis_name="c", subcore_axis_name="s")

    @functools.partial(
        pl.kernel,
        out_type=jax.ShapeDtypeStruct((2 * N, 128), jnp.float32),
        mesh=mesh,
        compiler_params=_SC_PARAMS,
        scratch_types=[
            pltpu.VMEM((B,), jnp.int32),
            pltpu.VMEM((B, 16), jnp.float32),
            pltpu.VMEM((B, 16), jnp.float32),
            pltpu.VMEM((B, 128), jnp.float32),
            pltpu.VMEM_SHARED((N, 128), jnp.float32),
        ],
    )
    def k(dst_hbm, ex_hbm, ea_hbm, z_hbm, dex_out, di_v, ex_v, ea_v, st_v,
          dex_t):
        c = lax.axis_index("c")
        s = lax.axis_index("s")
        pltpu.sync_copy(z_hbm, dex_t.at[pl.ds(s * rows, rows)])
        zrow = jnp.zeros((LANES,), jnp.float32)
        onerow = jnp.where(lax.iota(jnp.int32, LANES) == 0, 1.0, 0.0)

        @pl.loop(0, B)
        def _(i):
            st_v[i, pl.ds(32, 16)] = onerow
            for j in range(3, 8):
                st_v[i, pl.ds(j * 16, 16)] = zrow

        plsc.subcore_barrier()
        base0 = s * per_tile

        @pl.loop(0, nb)
        def _(ib):
            base = base0 + ib * B
            pltpu.sync_copy(dst_hbm.at[pl.ds(base, B)], di_v)
            pltpu.sync_copy(ex_hbm.at[pl.ds(c * E + base, B)], ex_v)
            pltpu.sync_copy(ea_hbm.at[pl.ds(base, B)], ea_v)

            @pl.loop(0, B)
            def _(i):
                st_v[i, pl.ds(0, 16)] = ex_v[i]
                st_v[i, pl.ds(16, 16)] = ea_v[i]

            pltpu.sync_copy(st_v, dex_t.at[di_v], add=True)

        plsc.subcore_barrier()
        pltpu.sync_copy(dex_t.at[pl.ds(s * rows, rows)],
                        dex_out.at[pl.ds(c * N + s * rows, rows)])

    return k(dst, ex_e, edge_attr, z128)



def kernel(x, edge_index, edge_attr, W_l, b_l, W_r, b_r, W_e, att, bias):
    N = x.shape[0]
    E = edge_attr.shape[0]
    e_pad = ((E + 4095) // 4096) * 4096
    npad_e = e_pad - E
    src = jnp.concatenate([edge_index[0],
                           jnp.zeros((npad_e,), edge_index.dtype)])
    dst = jnp.concatenate([edge_index[1],
                           jnp.full((npad_e,), 10016, edge_index.dtype)])
    ea_p = jnp.concatenate(
        [edge_attr, jnp.zeros((npad_e, edge_attr.shape[1]), edge_attr.dtype)])
    att_flat = att.reshape(HC)
    att1 = att.reshape(1, HC)
    n_pad = 10240
    n_pad_b = 10112
    rows = n_pad // N_TILES
    z128 = jnp.zeros((rows, 128), jnp.float32)
    z128b = jnp.zeros((n_pad_b // N_TILES, 128), jnp.float32)

    xl_cat = _proj_headsplit(x, W_l, b_l, 1000)
    xr_cat = _proj_headsplit(x, W_r, b_r, 1000)
    zeb = jnp.zeros((HC,), jnp.float32)
    ee_cat = _proj_headsplit(ea_p, W_e, zeb, 2048)

    numer_cat, ex_e = _sc_edges(src, dst, xl_cat, xr_cat, ee_cat,
                                att_flat, z128b, N, n_pad_b)
    dexad_cat = _sc_dex_attr(dst, ex_e, ea_p, z128, n_pad)
    exs = _self_loop_ex(dexad_cat, xl_cat, xr_cat, W_e, att1, N, n_pad, 80)
    return _merge(numer_cat, dexad_cat, xl_cat, exs, bias, N, n_pad_b, n_pad, 16)

# --- scband reference (transcript-rebuilt; emitter-appended) ---
"""Pipeline reference for scband-gatlayer-79018808312243 (READ-ONLY COPY).

The authoritative reference and input builder live on the scoring server;
editing this copy changes nothing except your own understanding.
"""

import jax, jax.numpy as jnp
import numpy as np

IN_F = 256
OUT_F = 64
HEADS = 4
EDGE_DIM = 16
N_NODES = 10000
N_EDGES = 160000
NEG_SLOPE = 0.2
HC = HEADS * OUT_F


def setup_inputs(seed: int = 0) -> dict:
    key = jax.random.key(seed)
    ks = jax.random.split(key, 10)
    inp = {}
    inp['x'] = jax.random.normal(ks[0], (N_NODES, IN_F), dtype=jnp.float32)
    inp['edge_index'] = jax.random.randint(ks[1], (2, N_EDGES), 0, N_NODES, dtype=jnp.int32)
    inp['edge_attr'] = jax.random.normal(ks[2], (N_EDGES, EDGE_DIM), dtype=jnp.float32)
    # GATv2Conv learned parameters (PyG layout: lin_l, lin_r, lin_edge, att, bias)
    s_in = 1.0 / np.sqrt(IN_F)
    s_e = 1.0 / np.sqrt(EDGE_DIM)
    s_c = 1.0 / np.sqrt(OUT_F)
    inp['W_l'] = jax.random.normal(ks[3], (HC, IN_F), dtype=jnp.float32) * s_in
    inp['b_l'] = jax.random.normal(ks[4], (HC,), dtype=jnp.float32) * 0.01
    inp['W_r'] = jax.random.normal(ks[5], (HC, IN_F), dtype=jnp.float32) * s_in
    inp['b_r'] = jax.random.normal(ks[6], (HC,), dtype=jnp.float32) * 0.01
    inp['W_e'] = jax.random.normal(ks[7], (HC, EDGE_DIM), dtype=jnp.float32) * s_e
    inp['att'] = jax.random.normal(ks[8], (HEADS, OUT_F), dtype=jnp.float32) * s_c
    inp['bias'] = jax.random.normal(ks[9], (HC,), dtype=jnp.float32) * 0.01
    return inp


def reference(x, edge_index, edge_attr, W_l, b_l, W_r, b_r, W_e, att, bias):
    # GATv2Conv forward (eval mode, dropout=0.0), concat=True, add_self_loops=True
    N = x.shape[0]
    dst0 = edge_index[1]
    # self-loop edge_attr fill_value='mean' (per-dst-node mean of incoming edge_attr)
    deg = jax.ops.segment_sum(jnp.ones((edge_attr.shape[0],), dtype=jnp.float32), dst0, num_segments=N)
    loop_attr = jax.ops.segment_sum(edge_attr, dst0, num_segments=N) / jnp.clip(deg, 1.0, None)[:, None]
    loop_idx = jnp.arange(N, dtype=edge_index.dtype)
    src = jnp.concatenate([edge_index[0], loop_idx], axis=0)
    dst = jnp.concatenate([edge_index[1], loop_idx], axis=0)
    ea = jnp.concatenate([edge_attr, loop_attr], axis=0)
    # linear projections
    x_l = (x @ W_l.T + b_l).reshape(N, HEADS, OUT_F)
    x_r = (x @ W_r.T + b_r).reshape(N, HEADS, OUT_F)
    x_j = x_l[src]            # [E', H, C] source features
    x_i = x_r[dst]            # [E', H, C] target features
    e_emb = (ea @ W_e.T).reshape(-1, HEADS, OUT_F)
    z = jax.nn.leaky_relu(x_j + x_i + e_emb, negative_slope=NEG_SLOPE)
    logits = jnp.sum(z * att[None, :, :], axis=-1)  # [E', H]
    # segment softmax over edges grouped by dst
    lmax = jax.ops.segment_max(logits, dst, num_segments=N)
    ex = jnp.exp(logits - lmax[dst])
    denom = jax.ops.segment_sum(ex, dst, num_segments=N)
    alpha = ex / (denom[dst] + 1e-16)
    out = jax.ops.segment_sum(x_j * alpha[:, :, None], dst, num_segments=N)  # [N, H, C]
    out = out.reshape(N, HC) + bias
    return out

if __name__ == "__main__":
    import jax
    _d = setup_inputs()
    print(jax.jit(kernel)(*tuple(_d.values())))

</pallas_src>

<mosaic_0001>
#map = affine_map<(d0, d1) -> (0)>
#map1 = affine_map<(d0, d1) -> (0, 0)>
module attributes {stable_mosaic.version = 14 : i64} {
  func.func @k(%arg0: i32, %arg1: i32, %arg2: memref<163840xi32, #tpu.memory_space<hbm>>, %arg3: memref<163840xi32, #tpu.memory_space<hbm>>, %arg4: memref<20000x128xf32, #tpu.memory_space<hbm>>, %arg5: memref<20000x128xf32, #tpu.memory_space<hbm>>, %arg6: memref<327680x128xf32, #tpu.memory_space<hbm>>, %arg7: memref<256xf32, #tpu.memory_space<hbm>>, %arg8: memref<632x128xf32, #tpu.memory_space<hbm>>, %arg9: memref<20224x128xf32, #tpu.memory_space<hbm>>, %arg10: memref<327680x16xf32, #tpu.memory_space<hbm>>, %arg11: memref<80xi32, #tpu.memory_space<vmem>>, %arg12: memref<80xi32, #tpu.memory_space<vmem>>, %arg13: memref<80xi32, #tpu.memory_space<vmem>>, %arg14: memref<80x128xf32, #tpu.memory_space<vmem>>, %arg15: memref<80x128xf32, #tpu.memory_space<vmem>>, %arg16: memref<80x128xf32, #tpu.memory_space<vmem>>, %arg17: memref<80x16xf32, #tpu.memory_space<vmem>>, %arg18: memref<16x16xf32, #tpu.memory_space<vmem>>, %arg19: memref<16x16xf32, #tpu.memory_space<vmem>>, %arg20: memref<16x16xi32, #tpu.memory_space<vmem>>, %arg21: memref<256xf32, #tpu.memory_space<vmem>>, %arg22: memref<10112x128xf32, #tpu.memory_space<vmem_shared>>) attributes {dimension_semantics = [#tpu.dimension_semantics<core_parallel>, #tpu.dimension_semantics<subcore_parallel>], iteration_bounds = array<i64: 2, 16>, scalar_prefetch = 0 : i64, scratch_operands = 12 : i64, tpu.core_type = #tpu.core_type<sc_vector_subcore>, window_params = [{transform_indices = #map}, {transform_indices = #map}, {transform_indices = #map1}, {transform_indices = #map1}, {transform_indices = #map1}, {transform_indices = #map}, {transform_indices = #map1}, {transform_indices = #map1}, {transform_indices = #map1}]} {
    %mul3A = arith.constant 632 : i32
    %mul3A_0 = arith.muli %arg1, %mul3A : i32
    "tpu.region"() ({
      %run_scoped3A = tpu.sem_alloc : memref<!tpu.dma_semaphore, #tpu.memory_space<semaphore_mem>>
      %dma_start3A = arith.constant 0 : i32
      %dma_start3A_167 = tpu.memref_slice %arg22[%mul3A_0, %dma_start3A] : memref<10112x128xf32, #tpu.memory_space<vmem_shared>> -> memref<632x128xf32, #tpu.memory_space<vmem_shared>>
      tpu.enqueue_dma source(%arg8 : memref<632x128xf32, #tpu.memory_space<hbm>>) target(%dma_start3A_167 : memref<632x128xf32, #tpu.memory_space<vmem_shared>>) target_semaphore(%run_scoped3A : memref<!tpu.dma_semaphore, #tpu.memory_space<semaphore_mem>>)
      %dma_wait3A = arith.constant 0 : i32
      %dma_wait3A_168 = tpu.memref_slice %arg22[%mul3A_0, %dma_wait3A] : memref<10112x128xf32, #tpu.memory_space<vmem_shared>> -> memref<632x128xf32, #tpu.memory_space<vmem_shared>>
      tpu.wait_dma2 semaphore(%run_scoped3A : memref<!tpu.dma_semaphore, #tpu.memory_space<semaphore_mem>>) src(%arg8 : memref<632x128xf32, #tpu.memory_space<hbm>>) dst(%dma_wait3A_168 : memref<632x128xf32, #tpu.memory_space<vmem_shared>>)
      tpu.yield
    }) : () -> ()
    "tpu.region"() ({
      %run_scoped3A = tpu.sem_alloc : memref<!tpu.dma_semaphore, #tpu.memory_space<semaphore_mem>>
      tpu.enqueue_dma source(%arg7 : memref<256xf32, #tpu.memory_space<hbm>>) target(%arg21 : memref<256xf32, #tpu.memory_space<vmem>>) target_semaphore(%run_scoped3A : memref<!tpu.dma_semaphore, #tpu.memory_space<semaphore_mem>>)
      tpu.wait_dma2 semaphore(%run_scoped3A : memref<!tpu.dma_semaphore, #tpu.memory_space<semaphore_mem>>) src(%arg7 : memref<256xf32, #tpu.memory_space<hbm>>) dst(%arg21 : memref<256xf32, #tpu.memory_space<vmem>>)
      tpu.yield
    }) : () -> ()
    %broadcast_in_dim3A = arith.constant 0.000000e+00 : f32
    %broadcast_in_dim3A_1 = vector.broadcast %broadcast_in_dim3A : f32 to vector<16xf32>
    %scan3A = arith.constant 0 : i32
    %scan3A_2 = arith.constant 80 : i32
    %scan3A_3 = arith.addi %scan3A, %scan3A_2 : i32
    %scan3A_4 = arith.constant 1 : i32
    scf.for %scan3A_167 = %scan3A to %scan3A_3 step %scan3A_4  : i32 {
      %mul3A_168 = arith.constant 1 : i32
      %mul3A_169 = arith.muli %scan3A_167, %mul3A_168 : i32
      %add3A_170 = arith.constant 0 : i32
      %add3A_171 = arith.addi %add3A_170, %mul3A_169 : i32
      %swap3A_172 = arith.index_cast %add3A_171 : i32 to index
      %swap3A_173 = arith.constant 0 : index
      %swap3A_174 = tpu.vector_load %arg17[%swap3A_172, %swap3A_173] {strides = array<i32>} : memref<80x16xf32, #tpu.memory_space<vmem>>, vector<16xf32>,
      tpu.vector_store %arg17[%swap3A_172, %swap3A_173], %broadcast_in_dim3A_1 {strides = array<i32>} : memref<80x16xf32, #tpu.memory_space<vmem>>, vector<16xf32>,
    }
    %scan3A_5 = arith.constant 80 : i32
    %barrier3A = arith.constant 0 : index
    tpu.barrier barrier_id(%barrier3A)
    %iota3A = tpu.iota {dimensions = array<i32: 0>} : vector<16xi32>
    %mul3A_6 = arith.constant 10000 : i32
    %mul3A_7 = arith.muli %arg0, %mul3A_6 : i32
    %broadcast_in_dim3A_8 = vector.broadcast %mul3A_7 : i32 to vector<16xi32>
    %broadcast_in_dim3A_9 = arith.constant 9999 : i32
    %broadcast_in_dim3A_10 = vector.broadcast %broadcast_in_dim3A_9 : i32 to vector<16xi32>
    %mul3A_11 = arith.constant 128 : i32
    %mul3A_12 = arith.muli %arg0, %mul3A_11 : i32
    %add3A = arith.constant 0 : i32
    %add3A_13 = arith.addi %mul3A_12, %add3A : i32
    %get3A = arith.index_cast %add3A_13 : i32 to index
    %get3A_14 = tpu.vector_load %arg21[%get3A] {strides = array<i32>} : memref<256xf32, #tpu.memory_space<vmem>>, vector<16xf32>,
    %mul3A_15 = arith.constant 128 : i32
    %mul3A_16 = arith.muli %arg0, %mul3A_15 : i32
    %add3A_17 = arith.constant 16 : i32
    %add3A_18 = arith.addi %mul3A_16, %add3A_17 : i32
    %get3A_19 = arith.index_cast %add3A_18 : i32 to index
    %get3A_20 = tpu.vector_load %arg21[%get3A_19] {strides = array<i32>} : memref<256xf32, #tpu.memory_space<vmem>>, vector<16xf32>,
    %mul3A_21 = arith.constant 128 : i32
    %mul3A_22 = arith.muli %arg0, %mul3A_21 : i32
    %add3A_23 = arith.constant 32 : i32
    %add3A_24 = arith.addi %mul3A_22, %add3A_23 : i32
    %get3A_25 = arith.index_cast %add3A_24 : i32 to index
    %get3A_26 = tpu.vector_load %arg21[%get3A_25] {strides = array<i32>} : memref<256xf32, #tpu.memory_space<vmem>>, vector<16xf32>,
    %mul3A_27 = arith.constant 128 : i32
    %mul3A_28 = arith.muli %arg0, %mul3A_27 : i32
    %add3A_29 = arith.constant 48 : i32
    %add3A_30 = arith.addi %mul3A_28, %add3A_29 : i32
    %get3A_31 = arith.index_cast %add3A_30 : i32 to index
    %get3A_32 = tpu.vector_load %arg21[%get3A_31] {strides = array<i32>} : memref<256xf32, #tpu.memory_space<vmem>>, vector<16xf32>,
    %mul3A_33 = arith.constant 128 : i32
    %mul3A_34 = arith.muli %arg0, %mul3A_33 : i32
    %add3A_35 = arith.constant 64 : i32
    %add3A_36 = arith.addi %mul3A_34, %add3A_35 : i32
    %get3A_37 = arith.index_cast %add3A_36 : i32 to index
    %get3A_38 = tpu.vector_load %arg21[%get3A_37] {strides = array<i32>} : memref<256xf32, #tpu.memory_space<vmem>>, vector<16xf32>,
    %mul3A_39 = arith.constant 128 : i32
    %mul3A_40 = arith.muli %arg0, %mul3A_39 : i32
    %add3A_41 = arith.constant 80 : i32
    %add3A_42 = arith.addi %mul3A_40, %add3A_41 : i32
    %get3A_43 = arith.index_cast %add3A_42 : i32 to index
    %get3A_44 = tpu.vector_load %arg21[%get3A_43] {strides = array<i32>} : memref<256xf32, #tpu.memory_space<vmem>>, vector<16xf32>,
    %mul3A_45 = arith.constant 128 : i32
    %mul3A_46 = arith.muli %arg0, %mul3A_45 : i32
    %add3A_47 = arith.constant 96 : i32
    %add3A_48 = arith.addi %mul3A_46, %add3A_47 : i32
    %get3A_49 = arith.index_cast %add3A_48 : i32 to index
    %get3A_50 = tpu.vector_load %arg21[%get3A_49] {strides = array<i32>} : memref<256xf32, #tpu.memory_space<vmem>>, vector<16xf32>,
    %mul3A_51 = arith.constant 128 : i32
    %mul3A_52 = arith.muli %arg0, %mul3A_51 : i32
    %add3A_53 = arith.constant 112 : i32
    %add3A_54 = arith.addi %mul3A_52, %add3A_53 : i32
    %get3A_55 = arith.index_cast %add3A_54 : i32 to index
    %get3A_56 = tpu.vector_load %arg21[%get3A_55] {strides = array<i32>} : memref<256xf32, #tpu.memory_space<vmem>>, vector<16xf32>,
    %broadcast_in_dim3A_57 = arith.constant 0 : i32
    %broadcast_in_dim3A_58 = vector.broadcast %broadcast_in_dim3A_57 : i32 to vector<16xi32>
    %swap3A = arith.constant 0 : i32
    %swap3A_59 = arith.index_cast %swap3A : i32 to index
    %swap3A_60 = arith.constant 0 : index
    %swap3A_61 = tpu.vector_load %arg20[%swap3A_59, %swap3A_60] {strides = array<i32>} : memref<16x16xi32, #tpu.memory_space<vmem>>, vector<16xi32>,
    tpu.vector_store %arg20[%swap3A_59, %swap3A_60], %broadcast_in_dim3A_58 {strides = array<i32>} : memref<16x16xi32, #tpu.memory_space<vmem>>, vector<16xi32>,
    %broadcast_in_dim3A_62 = arith.constant 1 : i32
    %broadcast_in_dim3A_63 = vector.broadcast %broadcast_in_dim3A_62 : i32 to vector<16xi32>
    %swap3A_64 = arith.constant 1 : i32
    %swap3A_65 = arith.index_cast %swap3A_64 : i32 to index
    %swap3A_66 = arith.constant 0 : index
    %swap3A_67 = tpu.vector_load %arg20[%swap3A_65, %swap3A_66] {strides = array<i32>} : memref<16x16xi32, #tpu.memory_space<vmem>>, vector<16xi32>,
    tpu.vector_store %arg20[%swap3A_65, %swap3A_66], %broadcast_in_dim3A_63 {strides = array<i32>} : memref<16x16xi32, #tpu.memory_space<vmem>>, vector<16xi32>,
    %broadcast_in_dim3A_68 = arith.constant 2 : i32
    %broadcast_in_dim3A_69 = vector.broadcast %broadcast_in_dim3A_68 : i32 to vector<16xi32>
    %swap3A_70 = arith.constant 2 : i32
    %swap3A_71 = arith.index_cast %swap3A_70 : i32 to index
    %swap3A_72 = arith.constant 0 : index
    %swap3A_73 = tpu.vector_load %arg20[%swap3A_71, %swap3A_72] {strides = array<i32>} : memref<16x16xi32, #tpu.memory_space<vmem>>, vector<16xi32>,
    tpu.vector_store %arg20[%swap3A_71, %swap3A_72], %broadcast_in_dim3A_69 {strides = array<i32>} : memref<16x16xi32, #tpu.memory_space<vmem>>, vector<16xi32>,
    %broadcast_in_dim3A_74 = arith.constant 3 : i32
    %broadcast_in_dim3A_75 = vector.broadcast %broadcast_in_dim3A_74 : i32 to vector<16xi32>
    %swap3A_76 = arith.constant 3 : i32
    %swap3A_77 = arith.index_cast %swap3A_76 : i32 to index
    %swap3A_78 = arith.constant 0 : index
    %swap3A_79 = tpu.vector_load %arg20[%swap3A_77, %swap3A_78] {strides = array<i32>} : memref<16x16xi32, #tpu.memory_space<vmem>>, vector<16xi32>,
    tpu.vector_store %arg20[%swap3A_77, %swap3A_78], %broadcast_in_dim3A_75 {strides = array<i32>} : memref<16x16xi32, #tpu.memory_space<vmem>>, vector<16xi32>,
    %broadcast_in_dim3A_80 = arith.constant 4 : i32
    %broadcast_in_dim3A_81 = vector.broadcast %broadcast_in_dim3A_80 : i32 to vector<16xi32>
    %swap3A_82 = arith.constant 4 : i32
    %swap3A_83 = arith.index_cast %swap3A_82 : i32 to index
    %swap3A_84 = arith.constant 0 : index
    %swap3A_85 = tpu.vector_load %arg20[%swap3A_83, %swap3A_84] {strides = array<i32>} : memref<16x16xi32, #tpu.memory_space<vmem>>, vector<16xi32>,
    tpu.vector_store %arg20[%swap3A_83, %swap3A_84], %broadcast_in_dim3A_81 {strides = array<i32>} : memref<16x16xi32, #tpu.memory_space<vmem>>, vector<16xi32>,
    %broadcast_in_dim3A_86 = arith.constant 5 : i32
    %broadcast_in_dim3A_87 = vector.broadcast %broadcast_in_dim3A_86 : i32 to vector<16xi32>
    %swap3A_88 = arith.constant 5 : i32
    %swap3A_89 = arith.index_cast %swap3A_88 : i32 to index
    %swap3A_90 = arith.constant 0 : index
    %swap3A_91 = tpu.vector_load %arg20[%swap3A_89, %swap3A_90] {strides = array<i32>} : memref<16x16xi32, #tpu.memory_space<vmem>>, vector<16xi32>,
    tpu.vector_store %arg20[%swap3A_89, %swap3A_90], %broadcast_in_dim3A_87 {strides = array<i32>} : memref<16x16xi32, #tpu.memory_space<vmem>>, vector<16xi32>,
    %broadcast_in_dim3A_92 = arith.constant 6 : i32
    %broadcast_in_dim3A_93 = vector.broadcast %broadcast_in_dim3A_92 : i32 to vector<16xi32>
    %swap3A_94 = arith.constant 6 : i32
    %swap3A_95 = arith.index_cast %swap3A_94 : i32 to index
    %swap3A_96 = arith.constant 0 : index
    %swap3A_97 = tpu.vector_load %arg20[%swap3A_95, %swap3A_96] {strides = array<i32>} : memref<16x16xi32, #tpu.memory_space<vmem>>, vector<16xi32>,
    tpu.vector_store %arg20[%swap3A_95, %swap3A_96], %broadcast_in_dim3A_93 {strides = array<i32>} : memref<16x16xi32, #tpu.memory_space<vmem>>, vector<16xi32>,
    %broadcast_in_dim3A_98 = arith.constant 7 : i32
    %broadcast_in_dim3A_99 = vector.broadcast %broadcast_in_dim3A_98 : i32 to vector<16xi32>
    %swap3A_100 = arith.constant 7 : i32
    %swap3A_101 = arith.index_cast %swap3A_100 : i32 to index
    %swap3A_102 = arith.constant 0 : index
    %swap3A_103 = tpu.vector_load %arg20[%swap3A_101, %swap3A_102] {strides = array<i32>} : memref<16x16xi32, #tpu.memory_space<vmem>>, vector<16xi32>,
    tpu.vector_store %arg20[%swap3A_101, %swap3A_102], %broadcast_in_dim3A_99 {strides = array<i32>} : memref<16x16xi32, #tpu.memory_space<vmem>>, vector<16xi32>,
    %broadcast_in_dim3A_104 = arith.constant 8 : i32
    %broadcast_in_dim3A_105 = vector.broadcast %broadcast_in_dim3A_104 : i32 to vector<16xi32>
    %swap3A_106 = arith.constant 8 : i32
    %swap3A_107 = arith.index_cast %swap3A_106 : i32 to index
    %swap3A_108 = arith.constant 0 : index
    %swap3A_109 = tpu.vector_load %arg20[%swap3A_107, %swap3A_108] {strides = array<i32>} : memref<16x16xi32, #tpu.memory_space<vmem>>, vector<16xi32>,
    tpu.vector_store %arg20[%swap3A_107, %swap3A_108], %broadcast_in_dim3A_105 {strides = array<i32>} : memref<16x16xi32, #tpu.memory_space<vmem>>, vector<16xi32>,
    %broadcast_in_dim3A_110 = arith.constant 9 : i32
    %broadcast_in_dim3A_111 = vector.broadcast %broadcast_in_dim3A_110 : i32 to vector<16xi32>
    %swap3A_112 = arith.constant 9 : i32
    %swap3A_113 = arith.index_cast %swap3A_112 : i32 to index
    %swap3A_114 = arith.constant 0 : index
    %swap3A_115 = tpu.vector_load %arg20[%swap3A_113, %swap3A_114] {strides = array<i32>} : memref<16x16xi32, #tpu.memory_space<vmem>>, vector<16xi32>,
    tpu.vector_store %arg20[%swap3A_113, %swap3A_114], %broadcast_in_dim3A_111 {strides = array<i32>} : memref<16x16xi32, #tpu.memory_space<vmem>>, vector<16xi32>,
    %broadcast_in_dim3A_116 = arith.constant 10 : i32
    %broadcast_in_dim3A_117 = vector.broadcast %broadcast_in_dim3A_116 : i32 to vector<16xi32>
    %swap3A_118 = arith.constant 10 : i32
    %swap3A_119 = arith.index_cast %swap3A_118 : i32 to index
    %swap3A_120 = arith.constant 0 : index
    %swap3A_121 = tpu.vector_load %arg20[%swap3A_119, %swap3A_120] {strides = array<i32>} : memref<16x16xi32, #tpu.memory_space<vmem>>, vector<16xi32>,
    tpu.vector_store %arg20[%swap3A_119, %swap3A_120], %broadcast_in_dim3A_117 {strides = array<i32>} : memref<16x16xi32, #tpu.memory_space<vmem>>, vector<16xi32>,
    %broadcast_in_dim3A_122 = arith.constant 11 : i32
    %broadcast_in_dim3A_123 = vector.broadcast %broadcast_in_dim3A_122 : i32 to vector<16xi32>
    %swap3A_124 = arith.constant 11 : i32
    %swap3A_125 = arith.index_cast %swap3A_124 : i32 to index
    %swap3A_126 = arith.constant 0 : index
    %swap3A_127 = tpu.vector_load %arg20[%swap3A_125, %swap3A_126] {strides = array<i32>} : memref<16x16xi32, #tpu.memory_space<vmem>>, vector<16xi32>,
    tpu.vector_store %arg20[%swap3A_125, %swap3A_126], %broadcast_in_dim3A_123 {strides = array<i32>} : memref<16x16xi32, #tpu.memory_space<vmem>>, vector<16xi32>,
    %broadcast_in_dim3A_128 = arith.constant 12 : i32
    %broadcast_in_dim3A_129 = vector.broadcast %broadcast_in_dim3A_128 : i32 to vector<16xi32>
    %swap3A_130 = arith.constant 12 : i32
    %swap3A_131 = arith.index_cast %swap3A_130 : i32 to index
    %swap3A_132 = arith.constant 0 : index
    %swap3A_133 = tpu.vector_load %arg20[%swap3A_131, %swap3A_132] {strides = array<i32>} : memref<16x16xi32, #tpu.memory_space<vmem>>, vector<16xi32>,
    tpu.vector_store %arg20[%swap3A_131, %swap3A_132], %broadcast_in_dim3A_129 {strides = array<i32>} : memref<16x16xi32, #tpu.memory_space<vmem>>, vector<16xi32>,
    %broadcast_in_dim3A_134 = arith.constant 13 : i32
    %broadcast_in_dim3A_135 = vector.broadcast %broadcast_in_dim3A_134 : i32 to vector<16xi32>
    %swap3A_136 = arith.constant 13 : i32
    %swap3A_137 = arith.index_cast %swap3A_136 : i32 to index
    %swap3A_138 = arith.constant 0 : index
    %swap3A_139 = tpu.vector_load %arg20[%swap3A_137, %swap3A_138] {strides = array<i32>} : memref<16x16xi32, #tpu.memory_space<vmem>>, vector<16xi32>,
    tpu.vector_store %arg20[%swap3A_137, %swap3A_138], %broadcast_in_dim3A_135 {strides = array<i32>} : memref<16x16xi32, #tpu.memory_space<vmem>>, vector<16xi32>,
    %broadcast_in_dim3A_140 = arith.constant 14 : i32
    %broadcast_in_dim3A_141 = vector.broadcast %broadcast_in_dim3A_140 : i32 to vector<16xi32>
    %swap3A_142 = arith.constant 14 : i32
    %swap3A_143 = arith.index_cast %swap3A_142 : i32 to index
    %swap3A_144 = arith.constant 0 : index
    %swap3A_145 = tpu.vector_load %arg20[%swap3A_143, %swap3A_144] {strides = array<i32>} : memref<16x16xi32, #tpu.memory_space<vmem>>, vector<16xi32>,
    tpu.vector_store %arg20[%swap3A_143, %swap3A_144], %broadcast_in_dim3A_141 {strides = array<i32>} : memref<16x16xi32, #tpu.memory_space<vmem>>, vector<16xi32>,
    %broadcast_in_dim3A_146 = arith.constant 15 : i32
    %broadcast_in_dim3A_147 = vector.broadcast %broadcast_in_dim3A_146 : i32 to vector<16xi32>
    %swap3A_148 = arith.constant 15 : i32
    %swap3A_149 = arith.index_cast %swap3A_148 : i32 to index
    %swap3A_150 = arith.constant 0 : index
    %swap3A_151 = tpu.vector_load %arg20[%swap3A_149, %swap3A_150] {strides = array<i32>} : memref<16x16xi32, #tpu.memory_space<vmem>>, vector<16xi32>,
    tpu.vector_store %arg20[%swap3A_149, %swap3A_150], %broadcast_in_dim3A_147 {strides = array<i32>} : memref<16x16xi32, #tpu.memory_space<vmem>>, vector<16xi32>,
    %mul3A_152 = arith.constant 10240 : i32
    %mul3A_153 = arith.muli %arg1, %mul3A_152 : i32
    %scan3A_154 = arith.constant 0 : i32
    %scan3A_155 = arith.constant 128 : i32
    %scan3A_156 = arith.addi %scan3A_154, %scan3A_155 : i32
    %scan3A_157 = arith.constant 1 : i32
    scf.for %scan3A_167 = %scan3A_154 to %scan3A_156 step %scan3A_157  : i32 {
      %mul3A_168 = arith.constant 1 : i32
      %mul3A_169 = arith.muli %scan3A_167, %mul3A_168 : i32
      %add3A_170 = arith.constant 0 : i32
      %add3A_171 = arith.addi %add3A_170, %mul3A_169 : i32
      %mul3A_172 = arith.constant 80 : i32
      %mul3A_173 = arith.muli %add3A_171, %mul3A_172 : i32
      %add3A_174 = arith.addi %mul3A_153, %mul3A_173 : i32
      "tpu.region"() ({
        %run_scoped3A = tpu.sem_alloc : memref<!tpu.dma_semaphore, #tpu.memory_space<semaphore_mem>>
        %dma_start3A = tpu.memref_slice %arg2[%add3A_174] : memref<163840xi32, #tpu.memory_space<hbm>> -> memref<80xi32, #tpu.memory_space<hbm>>
        %dma_start3A_191 = tpu.memref_slice %arg2[%add3A_174] : memref<163840xi32, #tpu.memory_space<hbm>> -> memref<80xi32, #tpu.memory_space<hbm>>
        tpu.enqueue_dma source(%dma_start3A_191 : memref<80xi32, #tpu.memory_space<hbm>>) target(%arg11 : memref<80xi32, #tpu.memory_space<vmem>>) target_semaphore(%run_scoped3A : memref<!tpu.dma_semaphore, #tpu.memory_space<semaphore_mem>>)
        %dma_wait3A = tpu.memref_slice %arg2[%add3A_174] : memref<163840xi32, #tpu.memory_space<hbm>> -> memref<80xi32, #tpu.memory_space<hbm>>
        %dma_wait3A_192 = tpu.memref_slice %arg2[%add3A_174] : memref<163840xi32, #tpu.memory_space<hbm>> -> memref<80xi32, #tpu.memory_space<hbm>>
        tpu.wait_dma2 semaphore(%run_scoped3A : memref<!tpu.dma_semaphore, #tpu.memory_space<semaphore_mem>>) src(%dma_wait3A_192 : memref<80xi32, #tpu.memory_space<hbm>>) dst(%arg11 : memref<80xi32, #tpu.memory_space<vmem>>)
        tpu.yield
      }) : () -> ()
      "tpu.region"() ({
        %run_scoped3A = tpu.sem_alloc : memref<!tpu.dma_semaphore, #tpu.memory_space<semaphore_mem>>
        %dma_start3A = tpu.memref_slice %arg3[%add3A_174] : memref<163840xi32, #tpu.memory_space<hbm>> -> memref<80xi32, #tpu.memory_space<hbm>>
        %dma_start3A_191 = tpu.memref_slice %arg3[%add3A_174] : memref<163840xi32, #tpu.memory_space<hbm>> -> memref<80xi32, #tpu.memory_space<hbm>>
        tpu.enqueue_dma source(%dma_start3A_191 : memref<80xi32, #tpu.memory_space<hbm>>) target(%arg12 : memref<80xi32, #tpu.memory_space<vmem>>) target_semaphore(%run_scoped3A : memref<!tpu.dma_semaphore, #tpu.memory_space<semaphore_mem>>)
        %dma_wait3A = tpu.memref_slice %arg3[%add3A_174] : memref<163840xi32, #tpu.memory_space<hbm>> -> memref<80xi32, #tpu.memory_space<hbm>>
        %dma_wait3A_192 = tpu.memref_slice %arg3[%add3A_174] : memref<163840xi32, #tpu.memory_space<hbm>> -> memref<80xi32, #tpu.memory_space<hbm>>
        tpu.wait_dma2 semaphore(%run_scoped3A : memref<!tpu.dma_semaphore, #tpu.memory_space<semaphore_mem>>) src(%dma_wait3A_192 : memref<80xi32, #tpu.memory_space<hbm>>) dst(%arg12 : memref<80xi32, #tpu.memory_space<vmem>>)
        tpu.yield
      }) : () -> ()
      %scan3A_175 = arith.constant 0 : i32
      %scan3A_176 = arith.constant 5 : i32
      %scan3A_177 = arith.addi %scan3A_175, %scan3A_176 : i32
      %scan3A_178 = arith.constant 1 : i32
      scf.for %scan3A_191 = %scan3A_175 to %scan3A_177 step %scan3A_178  : i32 {
        %mul3A_192 = arith.constant 16 : i32
        %mul3A_193 = arith.muli %scan3A_191, %mul3A_192 : i32
        %add3A_194 = arith.constant 0 : i32
        %add3A_195 = arith.addi %add3A_194, %mul3A_193 : i32
        %get3A_196 = arith.index_cast %add3A_195 : i32 to index
        %get3A_197 = tpu.vector_load %arg11[%get3A_196] {strides = array<i32>} : memref<80xi32, #tpu.memory_space<vmem>>, vector<16xi32>,
        %add3A_198 = arith.addi %get3A_197, %broadcast_in_dim3A_8 : vector<16xi32>
        %swap3A_199 = arith.index_cast %add3A_195 : i32 to index
        %swap3A_200 = tpu.vector_load %arg11[%swap3A_199] {strides = array<i32>} : memref<80xi32, #tpu.memory_space<vmem>>, vector<16xi32>,
        tpu.vector_store %arg11[%swap3A_199], %add3A_198 {strides = array<i32>} : memref<80xi32, #tpu.memory_space<vmem>>, vector<16xi32>,
        %get3A_201 = arith.index_cast %add3A_195 : i32 to index
        %get3A_202 = tpu.vector_load %arg12[%get3A_201] {strides = array<i32>} : memref<80xi32, #tpu.memory_space<vmem>>, vector<16xi32>,
        %min3A = arith.minsi %get3A_202, %broadcast_in_dim3A_10 : vector<16xi32>
        %add3A_203 = arith.addi %min3A, %broadcast_in_dim3A_8 : vector<16xi32>
        %swap3A_204 = arith.index_cast %add3A_195 : i32 to index
        %swap3A_205 = tpu.vector_load %arg13[%swap3A_204] {strides = array<i32>} : memref<80xi32, #tpu.memory_space<vmem>>, vector<16xi32>,
        tpu.vector_store %arg13[%swap3A_204], %add3A_203 {strides = array<i32>} : memref<80xi32, #tpu.memory_space<vmem>>, vector<16xi32>,
      }
      %scan3A_179 = arith.constant 5 : i32
      "tpu.region"() ({
        %run_scoped3A = tpu.sem_alloc : memref<!tpu.dma_semaphore, #tpu.memory_space<semaphore_mem>>
        %dma_start3A = arith.constant 0 : i32
        %dma_start3A_191 = arith.constant 0 : i32
        %dma_start3A_192 = tpu.memref_slice %arg4[%dma_start3A, %dma_start3A_191] : memref<20000x128xf32, #tpu.memory_space<hbm>> -> memref<20000x128xf32, #tpu.memory_space<hbm>>
        tpu.enqueue_indirect_dma source(%dma_start3A_192 : memref<20000x128xf32, #tpu.memory_space<hbm>>) target(%arg14 : memref<80x128xf32, #tpu.memory_space<vmem>>) offsets(%arg11 : memref<80xi32, #tpu.memory_space<vmem>>) semaphore(%run_scoped3A : memref<!tpu.dma_semaphore, #tpu.memory_space<semaphore_mem>>)
        %dma_wait3A = arith.constant 0 : i32
        %dma_wait3A_193 = arith.constant 0 : i32
        %dma_wait3A_194 = tpu.memref_slice %arg4[%dma_wait3A, %dma_wait3A_193] : memref<20000x128xf32, #tpu.memory_space<hbm>> -> memref<20000x128xf32, #tpu.memory_space<hbm>>
        tpu.wait_indirect_dma semaphore(%run_scoped3A : memref<!tpu.dma_semaphore, #tpu.memory_space<semaphore_mem>>) src(%dma_wait3A_194 : memref<20000x128xf32, #tpu.memory_space<hbm>>) dst(%arg14 : memref<80x128xf32, #tpu.memory_space<vmem>>)
        tpu.yield
      }) : () -> ()
      "tpu.region"() ({
        %run_scoped3A = tpu.sem_alloc : memref<!tpu.dma_semaphore, #tpu.memory_space<semaphore_mem>>
        %dma_start3A = arith.constant 0 : i32
        %dma_start3A_191 = arith.constant 0 : i32
        %dma_start3A_192 = tpu.memref_slice %arg5[%dma_start3A, %dma_start3A_191] : memref<20000x128xf32, #tpu.memory_space<hbm>> -> memref<20000x128xf32, #tpu.memory_space<hbm>>
        tpu.enqueue_indirect_dma source(%dma_start3A_192 : memref<20000x128xf32, #tpu.memory_space<hbm>>) target(%arg15 : memref<80x128xf32, #tpu.memory_space<vmem>>) offsets(%arg13 : memref<80xi32, #tpu.memory_space<vmem>>) semaphore(%run_scoped3A : memref<!tpu.dma_semaphore, #tpu.memory_space<semaphore_mem>>)
        %dma_wait3A = arith.constant 0 : i32
        %dma_wait3A_193 = arith.constant 0 : i32
        %dma_wait3A_194 = tpu.memref_slice %arg5[%dma_wait3A, %dma_wait3A_193] : memref<20000x128xf32, #tpu.memory_space<hbm>> -> memref<20000x128xf32, #tpu.memory_space<hbm>>
        tpu.wait_indirect_dma semaphore(%run_scoped3A : memref<!tpu.dma_semaphore, #tpu.memory_space<semaphore_mem>>) src(%dma_wait3A_194 : memref<20000x128xf32, #tpu.memory_space<hbm>>) dst(%arg15 : memref<80x128xf32, #tpu.memory_space<vmem>>)
        tpu.yield
      }) : () -> ()
      %mul3A_180 = arith.constant 163840 : i32
      %mul3A_181 = arith.muli %arg0, %mul3A_180 : i32
      %add3A_182 = arith.addi %mul3A_181, %add3A_174 : i32
      "tpu.region"() ({
        %run_scoped3A = tpu.sem_alloc : memref<!tpu.dma_semaphore, #tpu.memory_space<semaphore_mem>>
        %dma_start3A = arith.constant 0 : i32
        %dma_start3A_191 = tpu.memref_slice %arg6[%add3A_182, %dma_start3A] : memref<327680x128xf32, #tpu.memory_space<hbm>> -> memref<80x128xf32, #tpu.memory_space<hbm>>
        %dma_start3A_192 = arith.constant 0 : i32
        %dma_start3A_193 = tpu.memref_slice %arg6[%add3A_182, %dma_start3A_192] : memref<327680x128xf32, #tpu.memory_space<hbm>> -> memref<80x128xf32, #tpu.memory_space<hbm>>
        tpu.enqueue_dma source(%dma_start3A_193 : memref<80x128xf32, #tpu.memory_space<hbm>>) target(%arg16 : memref<80x128xf32, #tpu.memory_space<vmem>>) target_semaphore(%run_scoped3A : memref<!tpu.dma_semaphore, #tpu.memory_space<semaphore_mem>>)
        %dma_wait3A = arith.constant 0 : i32
        %dma_wait3A_194 = tpu.memref_slice %arg6[%add3A_182, %dma_wait3A] : memref<327680x128xf32, #tpu.memory_space<hbm>> -> memref<80x128xf32, #tpu.memory_space<hbm>>
        %dma_wait3A_195 = arith.constant 0 : i32
        %dma_wait3A_196 = tpu.memref_slice %arg6[%add3A_182, %dma_wait3A_195] : memref<327680x128xf32, #tpu.memory_space<hbm>> -> memref<80x128xf32, #tpu.memory_space<hbm>>
        tpu.wait_dma2 semaphore(%run_scoped3A : memref<!tpu.dma_semaphore, #tpu.memory_space<semaphore_mem>>) src(%dma_wait3A_196 : memref<80x128xf32, #tpu.memory_space<hbm>>) dst(%arg16 : memref<80x128xf32, #tpu.memory_space<vmem>>)
        tpu.yield
      }) : () -> ()
      %scan3A_183 = arith.constant 0 : i32
      %scan3A_184 = arith.constant 5 : i32
      %scan3A_185 = arith.addi %scan3A_183, %scan3A_184 : i32
      %scan3A_186 = arith.constant 1 : i32
      scf.for %scan3A_191 = %scan3A_183 to %scan3A_185 step %scan3A_186  : i32 {
        %mul3A_192 = arith.constant 1 : i32
        %mul3A_193 = arith.muli %scan3A_191, %mul3A_192 : i32
        %add3A_194 = arith.constant 0 : i32
        %add3A_195 = arith.addi %add3A_194, %mul3A_193 : i32
        %mul3A_196 = arith.constant 16 : i32
        %mul3A_197 = arith.muli %add3A_195, %mul3A_196 : i32
        %add3A_198 = arith.constant 0 : i32
        %add3A_199 = arith.addi %mul3A_197, %add3A_198 : i32
        %get3A_200 = arith.index_cast %add3A_199 : i32 to index
        %get3A_201 = arith.constant 0 : index
        %get3A_202 = tpu.vector_load %arg14[%get3A_200, %get3A_201] {strides = array<i32>} : memref<80x128xf32, #tpu.memory_space<vmem>>, vector<16xf32>,
        %get3A_203 = arith.index_cast %add3A_199 : i32 to index
        %get3A_204 = arith.constant 0 : index
        %get3A_205 = tpu.vector_load %arg15[%get3A_203, %get3A_204] {strides = array<i32>} : memref<80x128xf32, #tpu.memory_space<vmem>>, vector<16xf32>,
        %add3A_206 = arith.addf %get3A_202, %get3A_205 : vector<16xf32>
        %get3A_207 = arith.index_cast %add3A_199 : i32 to index
        %get3A_208 = arith.constant 0 : index
        %get3A_209 = tpu.vector_load %arg16[%get3A_207, %get3A_208] {strides = array<i32>} : memref<80x128xf32, #tpu.memory_space<vmem>>, vector<16xf32>,
        %add3A_210 = arith.addf %add3A_206, %get3A_209 : vector<16xf32>
        %mul3A_211 = arith.constant 2.000000e-01 : f32
        %mul3A_212 = vector.broadcast %mul3A_211 : f32 to vector<16xf32>
        %mul3A_213 = arith.mulf %mul3A_212, %add3A_210 : vector<16xf32>
        %max3A = arith.maximumf %add3A_210, %mul3A_213 : vector<16xf32>
        %mul3A_214 = arith.mulf %max3A, %get3A_14 : vector<16xf32>
        %get3A_215 = arith.index_cast %add3A_199 : i32 to index
        %get3A_216 = arith.constant 16 : index
        %get3A_217 = tpu.vector_load %arg14[%get3A_215, %get3A_216] {strides = array<i32>} : memref<80x128xf32, #tpu.memory_space<vmem>>, vector<16xf32>,
        %get3A_218 = arith.index_cast %add3A_199 : i32 to index
        %get3A_219 = arith.constant 16 : index
        %get3A_220 = tpu.vector_load %arg15[%get3A_218, %get3A_219] {strides = array<i32>} : memref<80x128xf32, #tpu.memory_space<vmem>>, vector<16xf32>,
        %add3A_221 = arith.addf %get3A_217, %get3A_220 : vector<16xf32>
        %get3A_222 = arith.index_cast %add3A_199 : i32 to index
        %get3A_223 = arith.constant 16 : index
        %get3A_224 = tpu.vector_load %arg16[%get3A_222, %get3A_223] {strides = array<i32>} : memref<80x128xf32, #tpu.memory_space<vmem>>, vector<16xf32>,
        %add3A_225 = arith.addf %add3A_221, %get3A_224 : vector<16xf32>
        %mul3A_226 = arith.constant 2.000000e-01 : f32
        %mul3A_227 = vector.broadcast %mul3A_226 : f32 to vector<16xf32>
        %mul3A_228 = arith.mulf %mul3A_227, %add3A_225 : vector<16xf32>
        %max3A_229 = arith.maximumf %add3A_225, %mul3A_228 : vector<16xf32>
        %mul3A_230 = arith.mulf %max3A_229, %get3A_20 : vector<16xf32>
        %add3A_231 = arith.addf %mul3A_214, %mul3A_230 : vector<16xf32>
        %get3A_232 = arith.index_cast %add3A_199 : i32 to index
        %get3A_233 = arith.constant 32 : index
        %get3A_234 = tpu.vector_load %arg14[%get3A_232, %get3A_233] {strides = array<i32>} : memref<80x128xf32, #tpu.memory_space<vmem>>, vector<16xf32>,
        %get3A_235 = arith.index_cast %add3A_199 : i32 to index
        %get3A_236 = arith.constant 32 : index
        %get3A_237 = tpu.vector_load %arg15[%get3A_235, %get3A_236] {strides = array<i32>} : memref<80x128xf32, #tpu.memory_space<vmem>>, vector<16xf32>,
        %add3A_238 = arith.addf %get3A_234, %get3A_237 : vector<16xf32>
        %get3A_239 = arith.index_cast %add3A_199 : i32 to index
        %get3A_240 = arith.constant 32 : index
        %get3A_241 = tpu.vector_load %arg16[%get3A_239, %get3A_240] {strides = array<i32>} : memref<80x128xf32, #tpu.memory_space<vmem>>, vector<16xf32>,
        %add3A_242 = arith.addf %add3A_238, %get3A_241 : vector<16xf32>
        %mul3A_243 = arith.constant 2.000000e-01 : f32
        %mul3A_244 = vector.broadcast %mul3A_243 : f32 to vector<16xf32>
        %mul3A_245 = arith.mulf %mul3A_244, %add3A_242 : vector<16xf32>
        %max3A_246 = arith.maximumf %add3A_242, %mul3A_245 : vector<16xf32>
        %mul3A_247 = arith.mulf %max3A_246, %get3A_26 : vector<16xf32>
        %add3A_248 = arith.addf %add3A_231, %mul3A_247 : vector<16xf32>
        %get3A_249 = arith.index_cast %add3A_199 : i32 to index
        %get3A_250 = arith.constant 48 : index
        %get3A_251 = tpu.vector_load %arg14[%get3A_249, %get3A_250] {strides = array<i32>} : memref<80x128xf32, #tpu.memory_space<vmem>>, vector<16xf32>,
        %get3A_252 = arith.index_cast %add3A_199 : i32 to index
        %get3A_253 = arith.constant 48 : index
        %get3A_254 = tpu.vector_load %arg15[%get3A_252, %get3A_253] {strides = array<i32>} : memref<80x128xf32, #tpu.memory_space<vmem>>, vector<16xf32>,
        %add3A_255 = arith.addf %get3A_251, %get3A_254 : vector<16xf32>
        %get3A_256 = arith.index_cast %add3A_199 : i32 to index
        %get3A_257 = arith.constant 48 : index
        %get3A_258 = tpu.vector_load %arg16[%get3A_256, %get3A_257] {strides = array<i32>} : memref<80x128xf32, #tpu.memory_space<vmem>>, vector<16xf32>,
        %add3A_259 = arith.addf %add3A_255, %get3A_258 : vector<16xf32>
        %mul3A_260 = arith.constant 2.000000e-01 : f32
        %mul3A_261 = vector.broadcast %mul3A_260 : f32 to vector<16xf32>
        %mul3A_262 = arith.mulf %mul3A_261, %add3A_259 : vector<16xf32>
        %max3A_263 = arith.maximumf %add3A_259, %mul3A_262 : vector<16xf32>
        %mul3A_264 = arith.mulf %max3A_263, %get3A_32 : vector<16xf32>
        %add3A_265 = arith.addf %add3A_248, %mul3A_264 : vector<16xf32>
        %swap3A_266 = arith.constant 0 : i32
        %swap3A_267 = arith.index_cast %swap3A_266 : i32 to index
        %swap3A_268 = arith.constant 0 : index
        %swap3A_269 = tpu.vector_load %arg18[%swap3A_267, %swap3A_268] {strides = array<i32>} : memref<16x16xf32, #tpu.memory_space<vmem>>, vector<16xf32>,
        tpu.vector_store %arg18[%swap3A_267, %swap3A_268], %add3A_265 {strides = array<i32>} : memref<16x16xf32, #tpu.memory_space<vmem>>, vector<16xf32>,
        %get3A_270 = arith.index_cast %add3A_199 : i32 to index
        %get3A_271 = arith.constant 64 : index
        %get3A_272 = tpu.vector_load %arg14[%get3A_270, %get3A_271] {strides = array<i32>} : memref<80x128xf32, #tpu.memory_space<vmem>>, vector<16xf32>,
        %get3A_273 = arith.index_cast %add3A_199 : i32 to index
        %get3A_274 = arith.constant 64 : index
        %get3A_275 = tpu.vector_load %arg15[%get3A_273, %get3A_274] {strides = array<i32>} : memref<80x128xf32, #tpu.memory_space<vmem>>, vector<16xf32>,
        %add3A_276 = arith.addf %get3A_272, %get3A_275 : vector<16xf32>
        %get3A_277 = arith.index_cast %add3A_199 : i32 to index
        %get3A_278 = arith.constant 64 : index
        %get3A_279 = tpu.vector_load %arg16[%get3A_277, %get3A_278] {strides = array<i32>} : memref<80x128xf32, #tpu.memory_space<vmem>>, vector<16xf32>,
        %add3A_280 = arith.addf %add3A_276, %get3A_279 : vector<16xf32>
        %mul3A_281 = arith.constant 2.000000e-01 : f32
        %mul3A_282 = vector.broadcast %mul3A_281 : f32 to vector<16xf32>
        %mul3A_283 = arith.mulf %mul3A_282, %add3A_280 : vector<16xf32>
        %max3A_284 = arith.maximumf %add3A_280, %mul3A_283 : vector<16xf32>
        %mul3A_285 = arith.mulf %max3A_284, %get3A_38 : vector<16xf32>
        %get3A_286 = arith.index_cast %add3A_199 : i32 to index
        %get3A_287 = arith.constant 80 : index
        %get3A_288 = tpu.vector_load %arg14[%get3A_286, %get3A_287] {strides = array<i32>} : memref<80x128xf32, #tpu.memory_space<vmem>>, vector<16xf32>,
        %get3A_289 = arith.index_cast %add3A_199 : i32 to index
        %get3A_290 = arith.constant 80 : index
        %get3A_291 = tpu.vector_load %arg15[%get3A_289, %get3A_290] {strides = array<i32>} : memref<80x128xf32, #tpu.memory_space<vmem>>, vector<16xf32>,
        %add3A_292 = arith.addf %get3A_288, %get3A_291 : vector<16xf32>
        %get3A_293 = arith.index_cast %add3A_199 : i32 to index
        %get3A_294 = arith.constant 80 : index
        %get3A_295 = tpu.vector_load %arg16[%get3A_293, %get3A_294] {strides = array<i32>} : memref<80x128xf32, #tpu.memory_space<vmem>>, vector<16xf32>,
        %add3A_296 = arith.addf %add3A_292, %get3A_295 : vector<16xf32>
        %mul3A_297 = arith.constant 2.000000e-01 : f32
        %mul3A_298 = vector.broadcast %mul3A_297 : f32 to vector<16xf32>
        %mul3A_299 = arith.mulf %mul3A_298, %add3A_296 : vector<16xf32>
        %max3A_300 = arith.maximumf %add3A_296, %mul3A_299 : vector<16xf32>
        %mul3A_301 = arith.mulf %max3A_300, %get3A_44 : vector<16xf32>
        %add3A_302 = arith.addf %mul3A_285, %mul3A_301 : vector<16xf32>
        %get3A_303 = arith.index_cast %add3A_199 : i32 to index
        %get3A_304 = arith.constant 96 : index
        %get3A_305 = tpu.vector_load %arg14[%get3A_303, %get3A_304] {strides = array<i32>} : memref<80x128xf32, #tpu.memory_space<vmem>>, vector<16xf32>,
        %get3A_306 = arith.index_cast %add3A_199 : i32 to index
        %get3A_307 = arith.constant 96 : index
        %get3A_308 = tpu.vector_load %arg15[%get3A_306, %get3A_307] {strides = array<i32>} : memref<80x128xf32, #tpu.memory_space<vmem>>, vector<16xf32>,
        %add3A_309 = arith.addf %get3A_305, %get3A_308 : vector<16xf32>
        %get3A_310 = arith.index_cast %add3A_199 : i32 to index
        %get3A_311 = arith.constant 96 : index
        %get3A_312 = tpu.vector_load %arg16[%get3A_310, %get3A_311] {strides = array<i32>} : memref<80x128xf32, #tpu.memory_space<vmem>>, vector<16xf32>,
        %add3A_313 = arith.addf %add3A_309, %get3A_312 : vector<16xf32>
        %mul3A_314 = arith.constant 2.000000e-01 : f32
        %mul3A_315 = vector.broadcast %mul3A_314 : f32 to vector<16xf32>
        %mul3A_316 = arith.mulf %mul3A_315, %add3A_313 : vector<16xf32>
        %max3A_317 = arith.maximumf %add3A_313, %mul3A_316 : vector<16xf32>
        %mul3A_318 = arith.mulf %max3A_317, %get3A_50 : vector<16xf32>
        %add3A_319 = arith.addf %add3A_302, %mul3A_318 : vector<16xf32>
        %get3A_320 = arith.index_cast %add3A_199 : i32 to index
        %get3A_321 = arith.constant 112 : index
        %get3A_322 = tpu.vector_load %arg14[%get3A_320, %get3A_321] {strides = array<i32>} : memref<80x128xf32, #tpu.memory_space<vmem>>, vector<16xf32>,
        %get3A_323 = arith.index_cast %add3A_199 : i32 to index
        %get3A_324 = arith.constant 112 : index
        %get3A_325 = tpu.vector_load %arg15[%get3A_323, %get3A_324] {strides = array<i32>} : memref<80x128xf32, #tpu.memory_space<vmem>>, vector<16xf32>,
        %add3A_326 = arith.addf %get3A_322, %get3A_325 : vector<16xf32>
        %get3A_327 = arith.index_cast %add3A_199 : i32 to index
        %get3A_328 = arith.constant 112 : index
        %get3A_329 = tpu.vector_load %arg16[%get3A_327, %get3A_328] {strides = array<i32>} : memref<80x128xf32, #tpu.memory_space<vmem>>, vector<16xf32>,
        %add3A_330 = arith.addf %add3A_326, %get3A_329 : vector<16xf32>
        %mul3A_331 = arith.constant 2.000000e-01 : f32
        %mul3A_332 = vector.broadcast %mul3A_331 : f32 to vector<16xf32>
        %mul3A_333 = arith.mulf %mul3A_332, %add3A_330 : vector<16xf32>
        %max3A_334 = arith.maximumf %add3A_330, %mul3A_333 : vector<16xf32>
        %mul3A_335 = arith.mulf %max3A_334, %get3A_56 : vector<16xf32>
        %add3A_336 = arith.addf %add3A_319, %mul3A_335 : vector<16xf32>
        %swap3A_337 = arith.constant 0 : i32
        %swap3A_338 = arith.index_cast %swap3A_337 : i32 to index
        %swap3A_339 = arith.constant 0 : index
        %swap3A_340 = tpu.vector_load %arg19[%swap3A_338, %swap3A_339] {strides = array<i32>} : memref<16x16xf32, #tpu.memory_space<vmem>>, vector<16xf32>,
        tpu.vector_store %arg19[%swap3A_338, %swap3A_339], %add3A_336 {strides = array<i32>} : memref<16x16xf32, #tpu.memory_space<vmem>>, vector<16xf32>,
        %mul3A_341 = arith.constant 16 : i32
        %mul3A_342 = arith.muli %add3A_195, %mul3A_341 : i32
        %add3A_343 = arith.constant 1 : i32
        %add3A_344 = arith.addi %mul3A_342, %add3A_343 : i32
        %get3A_345 = arith.index_cast %add3A_344 : i32 to index
        %get3A_346 = arith.constant 0 : index
        %get3A_347 = tpu.vector_load %arg14[%get3A_345, %get3A_346] {strides = array<i32>} : memref<80x128xf32, #tpu.memory_space<vmem>>, vector<16xf32>,
        %get3A_348 = arith.index_cast %add3A_344 : i32 to index
        %get3A_349 = arith.constant 0 : index
        %get3A_350 = tpu.vector_load %arg15[%get3A_348, %get3A_349] {strides = array<i32>} : memref<80x128xf32, #tpu.memory_space<vmem>>, vector<16xf32>,
        %add3A_351 = arith.addf %get3A_347, %get3A_350 : vector<16xf32>
        %get3A_352 = arith.index_cast %add3A_344 : i32 to index
        %get3A_353 = arith.constant 0 : index
        %get3A_354 = tpu.vector_load %arg16[%get3A_352, %get3A_353] {strides = array<i32>} : memref<80x128xf32, #tpu.memory_space<vmem>>, vector<16xf32>,
        %add3A_355 = arith.addf %add3A_351, %get3A_354 : vector<16xf32>
        %mul3A_356 = arith.constant 2.000000e-01 : f32
        %mul3A_357 = vector.broadcast %mul3A_356 : f32 to vector<16xf32>
        %mul3A_358 = arith.mulf %mul3A_357, %add3A_355 : vector<16xf32>
        %max3A_359 = arith.maximumf %add3A_355, %mul3A_358 : vector<16xf32>
        %mul3A_360 = arith.mulf %max3A_359, %get3A_14 : vector<16xf32>
        %get3A_361 = arith.index_cast %add3A_344 : i32 to index
        %get3A_362 = arith.constant 16 : index
        %get3A_363 = tpu.vector_load %arg14[%get3A_361, %get3A_362] {strides = array<i32>} : memref<80x128xf32, #tpu.memory_space<vmem>>, vector<16xf32>,
        %get3A_364 = arith.index_cast %add3A_344 : i32 to index
        %get3A_365 = arith.constant 16 : index
        %get3A_366 = tpu.vector_load %arg15[%get3A_364, %get3A_365] {strides = array<i32>} : memref<80x128xf32, #tpu.memory_space<vmem>>, vector<16xf32>,
        %add3A_367 = arith.addf %get3A_363, %get3A_366 : vector<16xf32>
        %get3A_368 = arith.index_cast %add3A_344 : i32 to index
        %get3A_369 = arith.constant 16 : index
        %get3A_370 = tpu.vector_load %arg16[%get3A_368, %get3A_369] {strides = array<i32>} : memref<80x128xf32, #tpu.memory_space<vmem>>, vector<16xf32>,
        %add3A_371 = arith.addf %add3A_367, %get3A_370 : vector<16xf32>
        %mul3A_372 = arith.constant 2.000000e-01 : f32
        %mul3A_373 = vector.broadcast %mul3A_372 : f32 to vector<16xf32>
        %mul3A_374 = arith.mulf %mul3A_373, %add3A_371 : vector<16xf32>
        %max3A_375 = arith.maximumf %add3A_371, %mul3A_374 : vector<16xf32>
        %mul3A_376 = arith.mulf %max3A_375, %get3A_20 : vector<16xf32>
        %add3A_377 = arith.addf %mul3A_360, %mul3A_376 : vector<16xf32>
        %get3A_378 = arith.index_cast %add3A_344 : i32 to index
        %get3A_379 = arith.constant 32 : index
        %get3A_380 = tpu.vector_load %arg14[%get3A_378, %get3A_379] {strides = array<i32>} : memref<80x128xf32, #tpu.memory_space<vmem>>, vector<16xf32>,
        %get3A_381 = arith.index_cast %add3A_344 : i32 to index
        %get3A_382 = arith.constant 32 : index
        %get3A_383 = tpu.vector_load %arg15[%get3A_381, %get3A_382] {strides = array<i32>} : memref<80x128xf32, #tpu.memory_space<vmem>>, vector<16xf32>,
        %add3A_384 = arith.addf %get3A_380, %get3A_383 : vector<16xf32>
        %get3A_385 = arith.index_cast %add3A_344 : i32 to index
        %get3A_386 = arith.constant 32 : index
        %get3A_387 = tpu.vector_load %arg16[%get3A_385, %get3A_386] {strides = array<i32>} : memref<80x128xf32, #tpu.memory_space<vmem>>, vector<16xf32>,
        %add3A_388 = arith.addf %add3A_384, %get3A_387 : vector<16xf32>
        %mul3A_389 = arith.constant 2.000000e-01 : f32
        %mul3A_390 = vector.broadcast %mul3A_389 : f32 to vector<16xf32>
        %mul3A_391 = arith.mulf %mul3A_390, %add3A_388 : vector<16xf32>
        %max3A_392 = arith.maximumf %add3A_388, %mul3A_391 : vector<16xf32>
        %mul3A_393 = arith.mulf %max3A_392, %get3A_26 : vector<16xf32>
        %add3A_394 = arith.addf %add3A_377, %mul3A_393 : vector<16xf32>
        %get3A_395 = arith.index_cast %add3A_344 : i32 to index
        %get3A_396 = arith.constant 48 : index
        %get3A_397 = tpu.vector_load %arg14[%get3A_395, %get3A_396] {strides = array<i32>} : memref<80x128xf32, #tpu.memory_space<vmem>>, vector<16xf32>,
        %get3A_398 = arith.index_cast %add3A_344 : i32 to index
        %get3A_399 = arith.constant 48 : index
        %get3A_400 = tpu.vector_load %arg15[%get3A_398, %get3A_399] {strides = array<i32>} : memref<80x128xf32, #tpu.memory_space<vmem>>, vector<16xf32>,
        %add3A_401 = arith.addf %get3A_397, %get3A_400 : vector<16xf32>
        %get3A_402 = arith.index_cast %add3A_344 : i32 to index
        %get3A_403 = arith.constant 48 : index
        %get3A_404 = tpu.vector_load %arg16[%get3A_402, %get3A_403] {strides = array<i32>} : memref<80x128xf32, #tpu.memory_space<vmem>>, vector<16xf32>,
        %add3A_405 = arith.addf %add3A_401, %get3A_404 : vector<16xf32>
        %mul3A_406 = arith.constant 2.000000e-01 : f32
        %mul3A_407 = vector.broadcast %mul3A_406 : f32 to vector<16xf32>
        %mul3A_408 = arith.mulf %mul3A_407, %add3A_405 : vector<16xf32>
        %max3A_409 = arith.maximumf %add3A_405, %mul3A_408 : vector<16xf32>
        %mul3A_410 = arith.mulf %max3A_409, %get3A_32 : vector<16xf32>
        %add3A_411 = arith.addf %add3A_394, %mul3A_410 : vector<16xf32>
        %swap3A_412 = arith.constant 1 : i32
        %swap3A_413 = arith.index_cast %swap3A_412 : i32 to index
        %swap3A_414 = arith.constant 0 : index
        %swap3A_415 = tpu.vector_load %arg18[%swap3A_413, %swap3A_414] {strides = array<i32>} : memref<16x16xf32, #tpu.memory_space<vmem>>, vector<16xf32>,
        tpu.vector_store %arg18[%swap3A_413, %swap3A_414], %add3A_411 {strides = array<i32>} : memref<16x16xf32, #tpu.memory_space<vmem>>, vector<16xf32>,
        %get3A_416 = arith.index_cast %add3A_344 : i32 to index
        %get3A_417 = arith.constant 64 : index
        %get3A_418 = tpu.vector_load %arg14[%get3A_416, %get3A_417] {strides = array<i32>} : memref<80x128xf32, #tpu.memory_space<vmem>>, vector<16xf32>,
        %get3A_419 = arith.index_cast %add3A_344 : i32 to index
        %get3A_420 = arith.constant 64 : index
        %get3A_421 = tpu.vector_load %arg15[%get3A_419, %get3A_420] {strides = array<i32>} : memref<80x128xf32, #tpu.memory_space<vmem>>, vector<16xf32>,
        %add3A_422 = arith.addf %get3A_418, %get3A_421 : vector<16xf32>
        %get3A_423 = arith.index_cast %add3A_344 : i32 to index
        %get3A_424 = arith.constant 64 : index
        %get3A_425 = tpu.vector_load %arg16[%get3A_423, %get3A_424] {strides = array<i32>} : memref<80x128xf32, #tpu.memory_space<vmem>>, vector<16xf32>,
        %add3A_426 = arith.addf %add3A_422, %get3A_425 : vector<16xf32>
        %mul3A_427 = arith.constant 2.000000e-01 : f32
        %mul3A_428 = vector.broadcast %mul3A_427 : f32 to vector<16xf32>
        %mul3A_429 = arith.mulf %mul3A_428, %add3A_426 : vector<16xf32>
        %max3A_430 = arith.maximumf %add3A_426, %mul3A_429 : vector<16xf32>
        %mul3A_431 = arith.mulf %max3A_430, %get3A_38 : vector<16xf32>
        %get3A_432 = arith.index_cast %add3A_344 : i32 to index
        %get3A_433 = arith.constant 80 : index
        %get3A_434 = tpu.vector_load %arg14[%get3A_432, %get3A_433] {strides = array<i32>} : memref<80x128xf32, #tpu.memory_space<vmem>>, vector<16xf32>,
        %get3A_435 = arith.index_cast %add3A_344 : i32 to index
        %get3A_436 = arith.constant 80 : index
        %get3A_437 = tpu.vector_load %arg15[%get3A_435, %get3A_436] {strides = array<i32>} : memref<80x128xf32, #tpu.memory_space<vmem>>, vector<16xf32>,
        %add3A_438 = arith.addf %get3A_434, %get3A_437 : vector<16xf32>
        %get3A_439 = arith.index_cast %add3A_344 : i32 to index
        %get3A_440 = arith.constant 80 : index
        %get3A_441 = tpu.vector_load %arg16[%get3A_439, %get3A_440] {strides = array<i32>} : memref<80x128xf32, #tpu.memory_space<vmem>>, vector<16xf32>,
        %add3A_442 = arith.addf %add3A_438, %get3A_441 : vector<16xf32>
        %mul3A_443 = arith.constant 2.000000e-01 : f32
        %mul3A_444 = vector.broadcast %mul3A_443 : f32 to vector<16xf32>
        %mul3A_445 = arith.mulf %mul3A_444, %add3A_442 : vector<16xf32>
        %max3A_446 = arith.maximumf %add3A_442, %mul3A_445 : vector<16xf32>
        %mul3A_447 = arith.mulf %max3A_446, %get3A_44 : vector<16xf32>
        %add3A_448 = arith.addf %mul3A_431, %mul3A_447 : vector<16xf32>
        %get3A_449 = arith.index_cast %add3A_344 : i32 to index
        %get3A_450 = arith.constant 96 : index
        %get3A_451 = tpu.vector_load %arg14[%get3A_449, %get3A_450] {strides = array<i32>} : memref<80x128xf32, #tpu.memory_space<vmem>>, vector<16xf32>,
        %get3A_452 = arith.index_cast %add3A_344 : i32 to index
        %get3A_453 = arith.constant 96 : index
        %get3A_454 = tpu.vector_load %arg15[%get3A_452, %get3A_453] {strides = array<i32>} : memref<80x128xf32, #tpu.memory_space<vmem>>, vector<16xf32>,
        %add3A_455 = arith.addf %get3A_451, %get3A_454 : vector<16xf32>
        %get3A_456 = arith.index_cast %add3A_344 : i32 to index
        %get3A_457 = arith.constant 96 : index
        %get3A_458 = tpu.vector_load %arg16[%get3A_456, %get3A_457] {strides = array<i32>} : memref<80x128xf32, #tpu.memory_space<vmem>>, vector<16xf32>,
        %add3A_459 = arith.addf %add3A_455, %get3A_458 : vector<16xf32>
        %mul3A_460 = arith.constant 2.000000e-01 : f32
        %mul3A_461 = vector.broadcast %mul3A_460 : f32 to vector<16xf32>
        %mul3A_462 = arith.mulf %mul3A_461, %add3A_459 : vector<16xf32>
        %max3A_463 = arith.maximumf %add3A_459, %mul3A_462 : vector<16xf32>
        %mul3A_464 = arith.mulf %max3A_463, %get3A_50 : vector<16xf32>
        %add3A_465 = arith.addf %add3A_448, %mul3A_464 : vector<16xf32>
        %get3A_466 = arith.index_cast %add3A_344 : i32 to index
        %get3A_467 = arith.constant 112 : index
        %get3A_468 = tpu.vector_load %arg14[%get3A_466, %get3A_467] {strides = array<i32>} : memref<80x128xf32, #tpu.memory_space<vmem>>, vector<16xf32>,
        %get3A_469 = arith.index_cast %add3A_344 : i32 to index
        %get3A_470 = arith.constant 112 : index
        %get3A_471 = tpu.vector_load %arg15[%get3A_469, %get3A_470] {strides = array<i32>} : memref<80x128xf32, #tpu.memory_space<vmem>>, vector<16xf32>,
        %add3A_472 = arith.addf %get3A_468, %get3A_471 : vector<16xf32>
        %get3A_473 = arith.index_cast %add3A_344 : i32 to index
        %get3A_474 = arith.constant 112 : index
        %get3A_475 = tpu.vector_load %arg16[%get3A_473, %get3A_474] {strides = array<i32>} : memref<80x128xf32, #tpu.memory_space<vmem>>, vector<16xf32>,
        %add3A_476 = arith.addf %add3A_472, %get3A_475 : vector<16xf32>
        %mul3A_477 = arith.constant 2.000000e-01 : f32
        %mul3A_478 = vector.broadcast %mul3A_477 : f32 to vector<16xf32>
        %mul3A_479 = arith.mulf %mul3A_478, %add3A_476 : vector<16xf32>
        %max3A_480 = arith.maximumf %add3A_476, %mul3A_479 : vector<16xf32>
        %mul3A_481 = arith.mulf %max3A_480, %get3A_56 : vector<16xf32>
        %add3A_482 = arith.addf %add3A_465, %mul3A_481 : vector<16xf32>
        %swap3A_483 = arith.constant 1 : i32
        %swap3A_484 = arith.index_cast %swap3A_483 : i32 to index
        %swap3A_485 = arith.constant 0 : index
        %swap3A_486 = tpu.vector_load %arg19[%swap3A_484, %swap3A_485] {strides = array<i32>} : memref<16x16xf32, #tpu.memory_space<vmem>>, vector<16xf32>,
        tpu.vector_store %arg19[%swap3A_484, %swap3A_485], %add3A_482 {strides = array<i32>} : memref<16x16xf32, #tpu.memory_space<vmem>>, vector<16xf32>,
        %mul3A_487 = arith.constant 16 : i32
        %mul3A_488 = arith.muli %add3A_195, %mul3A_487 : i32
        %add3A_489 = arith.constant 2 : i32
        %add3A_490 = arith.addi %mul3A_488, %add3A_489 : i32
        %get3A_491 = arith.index_cast %add3A_490 : i32 to index
        %get3A_492 = arith.constant 0 : index
        %get3A_493 = tpu.vector_load %arg14[%get3A_491, %get3A_492] {strides = array<i32>} : memref<80x128xf32, #tpu.memory_space<vmem>>, vector<16xf32>,
        %get3A_494 = arith.index_cast %add3A_490 : i32 to index
        %get3A_495 = arith.constant 0 : index
        %get3A_496 = tpu.vector_load %arg15[%get3A_494, %get3A_495] {strides = array<i32>} : memref<80x128xf32, #tpu.memory_space<vmem>>, vector<16xf32>,
        %add3A_497 = arith.addf %get3A_493, %get3A_496 : vector<16xf32>
        %get3A_498 = arith.index_cast %add3A_490 : i32 to index
        %get3A_499 = arith.constant 0 : index
        %get3A_500 = tpu.vector_load %arg16[%get3A_498, %get3A_499] {strides = array<i32>} : memref<80x128xf32, #tpu.memory_space<vmem>>, vector<16xf32>,
        %add3A_501 = arith.addf %add3A_497, %get3A_500 : vector<16xf32>
        %mul3A_502 = arith.constant 2.000000e-01 : f32
        %mul3A_503 = vector.broadcast %mul3A_502 : f32 to vector<16xf32>
        %mul3A_504 = arith.mulf %mul3A_503, %add3A_501 : vector<16xf32>
        %max3A_505 = arith.maximumf %add3A_501, %mul3A_504 : vector<16xf32>
        %mul3A_506 = arith.mulf %max3A_505, %get3A_14 : vector<16xf32>
        %get3A_507 = arith.index_cast %add3A_490 : i32 to index
        %get3A_508 = arith.constant 16 : index
        %get3A_509 = tpu.vector_load %arg14[%get3A_507, %get3A_508] {strides = array<i32>} : memref<80x128xf32, #tpu.memory_space<vmem>>, vector<16xf32>,
        %get3A_510 = arith.index_cast %add3A_490 : i32 to index
        %get3A_511 = arith.constant 16 : index
        %get3A_512 = tpu.vector_load %arg15[%get3A_510, %get3A_511] {strides = array<i32>} : memref<80x128xf32, #tpu.memory_space<vmem>>, vector<16xf32>,
        %add3A_513 = arith.addf %get3A_509, %get3A_512 : vector<16xf32>
        %get3A_514 = arith.index_cast %add3A_490 : i32 to index
        %get3A_515 = arith.constant 16 : index
        %get3A_516 = tpu.vector_load %arg16[%get3A_514, %get3A_515] {strides = array<i32>} : memref<80x128xf32, #tpu.memory_space<vmem>>, vector<16xf32>,
        %add3A_517 = arith.addf %add3A_513, %get3A_516 : vector<16xf32>
        %mul3A_518 = arith.constant 2.000000e-01 : f32
        %mul3A_519 = vector.broadcast %mul3A_518 : f32 to vector<16xf32>
        %mul3A_520 = arith.mulf %mul3A_519, %add3A_517 : vector<16xf32>
        %max3A_521 = arith.maximumf %add3A_517, %mul3A_520 : vector<16xf32>
        %mul3A_522 = arith.mulf %max3A_521, %get3A_20 : vector<16xf32>
        %add3A_523 = arith.addf %mul3A_506, %mul3A_522 : vector<16xf32>
        %get3A_524 = arith.index_cast %add3A_490 : i32 to index
        %get3A_525 = arith.constant 32 : index
        %get3A_526 = tpu.vector_load %arg14[%get3A_524, %get3A_525] {strides = array<i32>} : memref<80x128xf32, #tpu.memory_space<vmem>>, vector<16xf32>,
        %get3A_527 = arith.index_cast %add3A_490 : i32 to index
        %get3A_528 = arith.constant 32 : index
        %get3A_529 = tpu.vector_load %arg15[%get3A_527, %get3A_528] {strides = array<i32>} : memref<80x128xf32, #tpu.memory_space<vmem>>, vector<16xf32>,
        %add3A_530 = arith.addf %get3A_526, %get3A_529 : vector<16xf32>
        %get3A_531 = arith.index_cast %add3A_490 : i32 to index
        %get3A_532 = arith.constant 32 : index
        %get3A_533 = tpu.vector_load %arg16[%get3A_531, %get3A_532] {strides = array<i32>} : memref<80x128xf32, #tpu.memory_space<vmem>>, vector<16xf32>,
        %add3A_534 = arith.addf %add3A_530, %get3A_533 : vector<16xf32>
        %mul3A_535 = arith.constant 2.000000e-01 : f32
        %mul3A_536 = vector.broadcast %mul3A_535 : f32 to vector<16xf32>
        %mul3A_537 = arith.mulf %mul3A_536, %add3A_534 : vector<16xf32>
        %max3A_538 = arith.maximumf %add3A_534, %mul3A_537 : vector<16xf32>
        %mul3A_539 = arith.mulf %max3A_538, %get3A_26 : vector<16xf32>
        %add3A_540 = arith.addf %add3A_523, %mul3A_539 : vector<16xf32>
        %get3A_541 = arith.index_cast %add3A_490 : i32 to index
        %get3A_542 = arith.constant 48 : index
        %get3A_543 = tpu.vector_load %arg14[%get3A_541, %get3A_542] {strides = array<i32>} : memref<80x128xf32, #tpu.memory_space<vmem>>, vector<16xf32>,
        %get3A_544 = arith.index_cast %add3A_490 : i32 to index
        %get3A_545 = arith.constant 48 : index
        %get3A_546 = tpu.vector_load %arg15[%get3A_544, %get3A_545] {strides = array<i32>} : memref<80x128xf32, #tpu.memory_space<vmem>>, vector<16xf32>,
        %add3A_547 = arith.addf %get3A_543, %get3A_546 : vector<16xf32>
        %get3A_548 = arith.index_cast %add3A_490 : i32 to index
        %get3A_549 = arith.constant 48 : index
        %get3A_550 = tpu.vector_load %arg16[%get3A_548, %get3A_549] {strides = array<i32>} : memref<80x128xf32, #tpu.memory_space<vmem>>, vector<16xf32>,
        %add3A_551 = arith.addf %add3A_547, %get3A_550 : vector<16xf32>
        %mul3A_552 = arith.constant 2.000000e-01 : f32
        %mul3A_553 = vector.broadcast %mul3A_552 : f32 to vector<16xf32>
        %mul3A_554 = arith.mulf %mul3A_553, %add3A_551 : vector<16xf32>
        %max3A_555 = arith.maximumf %add3A_551, %mul3A_554 : vector<16xf32>
        %mul3A_556 = arith.mulf %max3A_555, %get3A_32 : vector<16xf32>
        %add3A_557 = arith.addf %add3A_540, %mul3A_556 : vector<16xf32>
        %swap3A_558 = arith.constant 2 : i32
        %swap3A_559 = arith.index_cast %swap3A_558 : i32 to index
        %swap3A_560 = arith.constant 0 : index
        %swap3A_561 = tpu.vector_load %arg18[%swap3A_559, %swap3A_560] {strides = array<i32>} : memref<16x16xf32, #tpu.memory_space<vmem>>, vector<16xf32>,
        tpu.vector_store %arg18[%swap3A_559, %swap3A_560], %add3A_557 {strides = array<i32>} : memref<16x16xf32, #tpu.memory_space<vmem>>, vector<16xf32>,
        %get3A_562 = arith.index_cast %add3A_490 : i32 to index
        %get3A_563 = arith.constant 64 : index
        %get3A_564 = tpu.vector_load %arg14[%get3A_562, %get3A_563] {strides = array<i32>} : memref<80x128xf32, #tpu.memory_space<vmem>>, vector<16xf32>,
        %get3A_565 = arith.index_cast %add3A_490 : i32 to index
        %get3A_566 = arith.constant 64 : index
        %get3A_567 = tpu.vector_load %arg15[%get3A_565, %get3A_566] {strides = array<i32>} : memref<80x128xf32, #tpu.memory_space<vmem>>, vector<16xf32>,
        %add3A_568 = arith.addf %get3A_564, %get3A_567 : vector<16xf32>
        %get3A_569 = arith.index_cast %add3A_490 : i32 to index
        %get3A_570 = arith.constant 64 : index
        %get3A_571 = tpu.vector_load %arg16[%get3A_569, %get3A_570] {strides = array<i32>} : memref<80x128xf32, #tpu.memory_space<vmem>>, vector<16xf32>,
        %add3A_572 = arith.addf %add3A_568, %get3A_571 : vector<16xf32>
        %mul3A_573 = arith.constant 2.000000e-01 : f32
        %mul3A_574 = vector.broadcast %mul3A_573 : f32 to vector<16xf32>
        %mul3A_575 = arith.mulf %mul3A_574, %add3A_572 : vector<16xf32>
        %max3A_576 = arith.maximumf %add3A_572, %mul3A_575 : vector<16xf32>
        %mul3A_577 = arith.mulf %max3A_576, %get3A_38 : vector<16xf32>
        %get3A_578 = arith.index_cast %add3A_490 : i32 to index
        %get3A_579 = arith.constant 80 : index
        %get3A_580 = tpu.vector_load %arg14[%get3A_578, %get3A_579] {strides = array<i32>} : memref<80x128xf32, #tpu.memory_space<vmem>>, vector<16xf32>,
        %get3A_581 = arith.index_cast %add3A_490 : i32 to index
        %get3A_582 = arith.constant 80 : index
        %get3A_583 = tpu.vector_load %arg15[%get3A_581, %get3A_582] {strides = array<i32>} : memref<80x128xf32, #tpu.memory_space<vmem>>, vector<16xf32>,
        %add3A_584 = arith.addf %get3A_580, %get3A_583 : vector<16xf32>
        %get3A_585 = arith.index_cast %add3A_490 : i32 to index
        %get3A_586 = arith.constant 80 : index
        %get3A_587 = tpu.vector_load %arg16[%get3A_585, %get3A_586] {strides = array<i32>} : memref<80x128xf32, #tpu.memory_space<vmem>>, vector<16xf32>,
        %add3A_588 = arith.addf %add3A_584, %get3A_587 : vector<16xf32>
        %mul3A_589 = arith.constant 2.000000e-01 : f32
        %mul3A_590 = vector.broadcast %mul3A_589 : f32 to vector<16xf32>
        %mul3A_591 = arith.mulf %mul3A_590, %add3A_588 : vector<16xf32>
        %max3A_592 = arith.maximumf %add3A_588, %mul3A_591 : vector<16xf32>
        %mul3A_593 = arith.mulf %max3A_592, %get3A_44 : vector<16xf32>
        %add3A_594 = arith.addf %mul3A_577, %mul3A_593 : vector<16xf32>
        %get3A_595 = arith.index_cast %add3A_490 : i32 to index
        %get3A_596 = arith.constant 96 : index
        %get3A_597 = tpu.vector_load %arg14[%get3A_595, %get3A_596] {strides = array<i32>} : memref<80x128xf32, #tpu.memory_space<vmem>>, vector<16xf32>,
        %get3A_598 = arith.index_cast %add3A_490 : i32 to index
        %get3A_599 = arith.constant 96 : index
        %get3A_600 = tpu.vector_load %arg15[%get3A_598, %get3A_599] {strides = array<i32>} : memref<80x128xf32, #tpu.memory_space<vmem>>, vector<16xf32>,
        %add3A_601 = arith.addf %get3A_597, %get3A_600 : vector<16xf32>
        %get3A_602 = arith.index_cast %add3A_490 : i32 to index
        %get3A_603 = arith.constant 96 : index
        %get3A_604 = tpu.vector_load %arg16[%get3A_602, %get3A_603] {strides = array<i32>} : memref<80x128xf32, #tpu.memory_space<vmem>>, vector<16xf32>,
        %add3A_605 = arith.addf %add3A_601, %get3A_604 : vector<16xf32>
        %mul3A_606 = arith.constant 2.000000e-01 : f32
        %mul3A_607 = vector.broadcast %mul3A_606 : f32 to vector<16xf32>
        %mul3A_608 = arith.mulf %mul3A_607, %add3A_605 : vector<16xf32>
        %max3A_609 = arith.maximumf %add3A_605, %mul3A_608 : vector<16xf32>
        %mul3A_610 = arith.mulf %max3A_609, %get3A_50 : vector<16xf32>
        %add3A_611 = arith.addf %add3A_594, %mul3A_610 : vector<16xf32>
        %get3A_612 = arith.index_cast %add3A_490 : i32 to index
        %get3A_613 = arith.constant 112 : index
        %get3A_614 = tpu.vector_load %arg14[%get3A_612, %get3A_613] {strides = array<i32>} : memref<80x128xf32, #tpu.memory_space<vmem>>, vector<16xf32>,
        %get3A_615 = arith.index_cast %add3A_490 : i32 to index
        %get3A_616 = arith.constant 112 : index
        %get3A_617 = tpu.vector_load %arg15[%get3A_615, %get3A_616] {strides = array<i32>} : memref<80x128xf32, #tpu.memory_space<vmem>>, vector<16xf32>,
        %add3A_618 = arith.addf %get3A_614, %get3A_617 : vector<16xf32>
        %get3A_619 = arith.index_cast %add3A_490 : i32 to index
        %get3A_620 = arith.constant 112 : index
        %get3A_621 = tpu.vector_load %arg16[%get3A_619, %get3A_620] {strides = array<i32>} : memref<80x128xf32, #tpu.memory_space<vmem>>, vector<16xf32>,
        %add3A_622 = arith.addf %add3A_618, %get3A_621 : vector<16xf32>
        %mul3A_623 = arith.constant 2.000000e-01 : f32
        %mul3A_624 = vector.broadcast %mul3A_623 : f32 to vector<16xf32>
        %mul3A_625 = arith.mulf %mul3A_624, %add3A_622 : vector<16xf32>
        %max3A_626 = arith.maximumf %add3A_622, %mul3A_625 : vector<16xf32>
        %mul3A_627 = arith.mulf %max3A_626, %get3A_56 : vector<16xf32>
        %add3A_628 = arith.addf %add3A_611, %mul3A_627 : vector<16xf32>
        %swap3A_629 = arith.constant 2 : i32
        %swap3A_630 = arith.index_cast %swap3A_629 : i32 to index
        %swap3A_631 = arith.constant 0 : index
        %swap3A_632 = tpu.vector_load %arg19[%swap3A_630, %swap3A_631] {strides = array<i32>} : memref<16x16xf32, #tpu.memory_space<vmem>>, vector<16xf32>,
        tpu.vector_store %arg19[%swap3A_630, %swap3A_631], %add3A_628 {strides = array<i32>} : memref<16x16xf32, #tpu.memory_space<vmem>>, vector<16xf32>,
        %mul3A_633 = arith.constant 16 : i32
        %mul3A_634 = arith.muli %add3A_195, %mul3A_633 : i32
        %add3A_635 = arith.constant 3 : i32
        %add3A_636 = arith.addi %mul3A_634, %add3A_635 : i32
        %get3A_637 = arith.index_cast %add3A_636 : i32 to index
        %get3A_638 = arith.constant 0 : index
        %get3A_639 = tpu.vector_load %arg14[%get3A_637, %get3A_638] {strides = array<i32>} : memref<80x128xf32, #tpu.memory_space<vmem>>, vector<16xf32>,
        %get3A_640 = arith.index_cast %add3A_636 : i32 to index
        %get3A_641 = arith.constant 0 : index
        %get3A_642 = tpu.vector_load %arg15[%get3A_640, %get3A_641] {strides = array<i32>} : memref<80x128xf32, #tpu.memory_space<vmem>>, vector<16xf32>,
        %add3A_643 = arith.addf %get3A_639, %get3A_642 : vector<16xf32>
        %get3A_644 = arith.index_cast %add3A_636 : i32 to index
        %get3A_645 = arith.constant 0 : index
        %get3A_646 = tpu.vector_load %arg16[%get3A_644, %get3A_645] {strides = array<i32>} : memref<80x128xf32, #tpu.memory_space<vmem>>, vector<16xf32>,
        %add3A_647 = arith.addf %add3A_643, %get3A_646 : vector<16xf32>
        %mul3A_648 = arith.constant 2.000000e-01 : f32
        %mul3A_649 = vector.broadcast %mul3A_648 : f32 to vector<16xf32>
        %mul3A_650 = arith.mulf %mul3A_649, %add3A_647 : vector<16xf32>
        %max3A_651 = arith.maximumf %add3A_647, %mul3A_650 : vector<16xf32>
        %mul3A_652 = arith.mulf %max3A_651, %get3A_14 : vector<16xf32>
        %get3A_653 = arith.index_cast %add3A_636 : i32 to index
        %get3A_654 = arith.constant 16 : index
        %get3A_655 = tpu.vector_load %arg14[%get3A_653, %get3A_654] {strides = array<i32>} : memref<80x128xf32, #tpu.memory_space<vmem>>, vector<16xf32>,
        %get3A_656 = arith.index_cast %add3A_636 : i32 to index
        %get3A_657 = arith.constant 16 : index
        %get3A_658 = tpu.vector_load %arg15[%get3A_656, %get3A_657] {strides = array<i32>} : memref<80x128xf32, #tpu.memory_space<vmem>>, vector<16xf32>,
        %add3A_659 = arith.addf %get3A_655, %get3A_658 : vector<16xf32>
        %get3A_660 = arith.index_cast %add3A_636 : i32 to index
        %get3A_661 = arith.constant 16 : index
        %get3A_662 = tpu.vector_load %arg16[%get3A_660, %get3A_661] {strides = array<i32>} : memref<80x128xf32, #tpu.memory_space<vmem>>, vector<16xf32>,
        %add3A_663 = arith.addf %add3A_659, %get3A_662 : vector<16xf32>
        %mul3A_664 = arith.constant 2.000000e-01 : f32
        %mul3A_665 = vector.broadcast %mul3A_664 : f32 to vector<16xf32>
        %mul3A_666 = arith.mulf %mul3A_665, %add3A_663 : vector<16xf32>
        %max3A_667 = arith.maximumf %add3A_663, %mul3A_666 : vector<16xf32>
        %mul3A_668 = arith.mulf %max3A_667, %get3A_20 : vector<16xf32>
        %add3A_669 = arith.addf %mul3A_652, %mul3A_668 : vector<16xf32>
        %get3A_670 = arith.index_cast %add3A_636 : i32 to index
        %get3A_671 = arith.constant 32 : index
        %get3A_672 = tpu.vector_load %arg14[%get3A_670, %get3A_671] {strides = array<i32>} : memref<80x128xf32, #tpu.memory_space<vmem>>, vector<16xf32>,
        %get3A_673 = arith.index_cast %add3A_636 : i32 to index
        %get3A_674 = arith.constant 32 : index
        %get3A_675 = tpu.vector_load %arg15[%get3A_673, %get3A_674] {strides = array<i32>} : memref<80x128xf32, #tpu.memory_space<vmem>>, vector<16xf32>,
        %add3A_676 = arith.addf %get3A_672, %get3A_675 : vector<16xf32>
        %get3A_677 = arith.index_cast %add3A_636 : i32 to index
        %get3A_678 = arith.constant 32 : index
        %get3A_679 = tpu.vector_load %arg16[%get3A_677, %get3A_678] {strides = array<i32>} : memref<80x128xf32, #tpu.memory_space<vmem>>, vector<16xf32>,
        %add3A_680 = arith.addf %add3A_676, %get3A_679 : vector<16xf32>
        %mul3A_681 = arith.constant 2.000000e-01 : f32
        %mul3A_682 = vector.broadcast %mul3A_681 : f32 to vector<16xf32>
        %mul3A_683 = arith.mulf %mul3A_682, %add3A_680 : vector<16xf32>
        %max3A_684 = arith.maximumf %add3A_680, %mul3A_683 : vector<16xf32>
        %mul3A_685 = arith.mulf %max3A_684, %get3A_26 : vector<16xf32>
        %add3A_686 = arith.addf %add3A_669, %mul3A_685 : vector<16xf32>
        %get3A_687 = arith.index_cast %add3A_636 : i32 to index
        %get3A_688 = arith.constant 48 : index
        %get3A_689 = tpu.vector_load %arg14[%get3A_687, %get3A_688] {strides = array<i32>} : memref<80x128xf32, #tpu.memory_space<vmem>>, vector<16xf32>,
        %get3A_690 = arith.index_cast %add3A_636 : i32 to index
        %get3A_691 = arith.constant 48 : index
        %get3A_692 = tpu.vector_load %arg15[%get3A_690, %get3A_691] {strides = array<i32>} : memref<80x128xf32, #tpu.memory_space<vmem>>, vector<16xf32>,
        %add3A_693 = arith.addf %get3A_689, %get3A_692 : vector<16xf32>
        %get3A_694 = arith.index_cast %add3A_636 : i32 to index
        %get3A_695 = arith.constant 48 : index
        %get3A_696 = tpu.vector_load %arg16[%get3A_694, %get3A_695] {strides = array<i32>} : memref<80x128xf32, #tpu.memory_space<vmem>>, vector<16xf32>,
        %add3A_697 = arith.addf %add3A_693, %get3A_696 : vector<16xf32>
        %mul3A_698 = arith.constant 2.000000e-01 : f32
        %mul3A_699 = vector.broadcast %mul3A_698 : f32 to vector<16xf32>
        %mul3A_700 = arith.mulf %mul3A_699, %add3A_697 : vector<16xf32>
        %max3A_701 = arith.maximumf %add3A_697, %mul3A_700 : vector<16xf32>
        %mul3A_702 = arith.mulf %max3A_701, %get3A_32 : vector<16xf32>
        %add3A_703 = arith.addf %add3A_686, %mul3A_702 : vector<16xf32>
        %swap3A_704 = arith.constant 3 : i32
        %swap3A_705 = arith.index_cast %swap3A_704 : i32 to index
        %swap3A_706 = arith.constant 0 : index
        %swap3A_707 = tpu.vector_load %arg18[%swap3A_705, %swap3A_706] {strides = array<i32>} : memref<16x16xf32, #tpu.memory_space<vmem>>, vector<16xf32>,
        tpu.vector_store %arg18[%swap3A_705, %swap3A_706], %add3A_703 {strides = array<i32>} : memref<16x16xf32, #tpu.memory_space<vmem>>, vector<16xf32>,
        %get3A_708 = arith.index_cast %add3A_636 : i32 to index
        %get3A_709 = arith.constant 64 : index
        %get3A_710 = tpu.vector_load %arg14[%get3A_708, %get3A_709] {strides = array<i32>} : memref<80x128xf32, #tpu.memory_space<vmem>>, vector<16xf32>,
        %get3A_711 = arith.index_cast %add3A_636 : i32 to index
        %get3A_712 = arith.constant 64 : index
        %get3A_713 = tpu.vector_load %arg15[%get3A_711, %get3A_712] {strides = array<i32>} : memref<80x128xf32, #tpu.memory_space<vmem>>, vector<16xf32>,
        %add3A_714 = arith.addf %get3A_710, %get3A_713 : vector<16xf32>
        %get3A_715 = arith.index_cast %add3A_636 : i32 to index
        %get3A_716 = arith.constant 64 : index
        %get3A_717 = tpu.vector_load %arg16[%get3A_715, %get3A_716] {strides = array<i32>} : memref<80x128xf32, #tpu.memory_space<vmem>>, vector<16xf32>,
        %add3A_718 = arith.addf %add3A_714, %get3A_717 : vector<16xf32>
        %mul3A_719 = arith.constant 2.000000e-01 : f32
        %mul3A_720 = vector.broadcast %mul3A_719 : f32 to vector<16xf32>
        %mul3A_721 = arith.mulf %mul3A_720, %add3A_718 : vector<16xf32>
        %max3A_722 = arith.maximumf %add3A_718, %mul3A_721 : vector<16xf32>
        %mul3A_723 = arith.mulf %max3A_722, %get3A_38 : vector<16xf32>
        %get3A_724 = arith.index_cast %add3A_636 : i32 to index
        %get3A_725 = arith.constant 80 : index
        %get3A_726 = tpu.vector_load %arg14[%get3A_724, %get3A_725] {strides = array<i32>} : memref<80x128xf32, #tpu.memory_space<vmem>>, vector<16xf32>,
        %get3A_727 = arith.index_cast %add3A_636 : i32 to index
        %get3A_728 = arith.constant 80 : index
        %get3A_729 = tpu.vector_load %arg15[%get3A_727, %get3A_728] {strides = array<i32>} : memref<80x128xf32, #tpu.memory_space<vmem>>, vector<16xf32>,
        %add3A_730 = arith.addf %get3A_726, %get3A_729 : vector<16xf32>
        %get3A_731 = arith.index_cast %add3A_636 : i32 to index
        %get3A_732 = arith.constant 80 : index
        %get3A_733 = tpu.vector_load %arg16[%get3A_731, %get3A_732] {strides = array<i32>} : memref<80x128xf32, #tpu.memory_space<vmem>>, vector<16xf32>,
        %add3A_734 = arith.addf %add3A_730, %get3A_733 : vector<16xf32>
        %mul3A_735 = arith.constant 2.000000e-01 : f32
        %mul3A_736 = vector.broadcast %mul3A_735 : f32 to vector<16xf32>
        %mul3A_737 = arith.mulf %mul3A_736, %add3A_734 : vector<16xf32>
        %max3A_738 = arith.maximumf %add3A_734, %mul3A_737 : vector<16xf32>
        %mul3A_739 = arith.mulf %max3A_738, %get3A_44 : vector<16xf32>
        %add3A_740 = arith.addf %mul3A_723, %mul3A_739 : vector<16xf32>
        %get3A_741 = arith.index_cast %add3A_636 : i32 to index
        %get3A_742 = arith.constant 96 : index
        %get3A_743 = tpu.vector_load %arg14[%get3A_741, %get3A_742] {strides = array<i32>} : memref<80x128xf32, #tpu.memory_space<vmem>>, vector<16xf32>,
        %get3A_744 = arith.index_cast %add3A_636 : i32 to index
        %get3A_745 = arith.constant 96 : index
        %get3A_746 = tpu.vector_load %arg15[%get3A_744, %get3A_745] {strides = array<i32>} : memref<80x128xf32, #tpu.memory_space<vmem>>, vector<16xf32>,
        %add3A_747 = arith.addf %get3A_743, %get3A_746 : vector<16xf32>
        %get3A_748 = arith.index_cast %add3A_636 : i32 to index
        %get3A_749 = arith.constant 96 : index
        %get3A_750 = tpu.vector_load %arg16[%get3A_748, %get3A_749] {strides = array<i32>} : memref<80x128xf32, #tpu.memory_space<vmem>>, vector<16xf32>,
        %add3A_751 = arith.addf %add3A_747, %get3A_750 : vector<16xf32>
        %mul3A_752 = arith.constant 2.000000e-01 : f32
        %mul3A_753 = vector.broadcast %mul3A_752 : f32 to vector<16xf32>
        %mul3A_754 = arith.mulf %mul3A_753, %add3A_751 : vector<16xf32>
        %max3A_755 = arith.maximumf %add3A_751, %mul3A_754 : vector<16xf32>
        %mul3A_756 = arith.mulf %max3A_755, %get3A_50 : vector<16xf32>
        %add3A_757 = arith.addf %add3A_740, %mul3A_756 : vector<16xf32>
        %get3A_758 = arith.index_cast %add3A_636 : i32 to index
        %get3A_759 = arith.constant 112 : index
        %get3A_760 = tpu.vector_load %arg14[%get3A_758, %get3A_759] {strides = array<i32>} : memref<80x128xf32, #tpu.memory_space<vmem>>, vector<16xf32>,
        %get3A_761 = arith.index_cast %add3A_636 : i32 to index
        %get3A_762 = arith.constant 112 : index
        %get3A_763 = tpu.vector_load %arg15[%get3A_761, %get3A_762] {strides = array<i32>} : memref<80x128xf32, #tpu.memory_space<vmem>>, vector<16xf32>,
        %add3A_764 = arith.addf %get3A_760, %get3A_763 : vector<16xf32>
        %get3A_765 = arith.index_cast %add3A_636 : i32 to index
        %get3A_766 = arith.constant 112 : index
        %get3A_767 = tpu.vector_load %arg16[%get3A_765, %get3A_766] {strides = array<i32>} : memref<80x128xf32, #tpu.memory_space<vmem>>, vector<16xf32>,
        %add3A_768 = arith.addf %add3A_764, %get3A_767 : vector<16xf32>
        %mul3A_769 = arith.constant 2.000000e-01 : f32
        %mul3A_770 = vector.broadcast %mul3A_769 : f32 to vector<16xf32>
        %mul3A_771 = arith.mulf %mul3A_770, %add3A_768 : vector<16xf32>
        %max3A_772 = arith.maximumf %add3A_768, %mul3A_771 : vector<16xf32>
        %mul3A_773 = arith.mulf %max3A_772, %get3A_56 : vector<16xf32>
        %add3A_774 = arith.addf %add3A_757, %mul3A_773 : vector<16xf32>
        %swap3A_775 = arith.constant 3 : i32
        %swap3A_776 = arith.index_cast %swap3A_775 : i32 to index
        %swap3A_777 = arith.constant 0 : index
        %swap3A_778 = tpu.vector_load %arg19[%swap3A_776, %swap3A_777] {strides = array<i32>} : memref<16x16xf32, #tpu.memory_space<vmem>>, vector<16xf32>,
        tpu.vector_store %arg19[%swap3A_776, %swap3A_777], %add3A_774 {strides = array<i32>} : memref<16x16xf32, #tpu.memory_space<vmem>>, vector<16xf32>,
        %mul3A_779 = arith.constant 16 : i32
        %mul3A_780 = arith.muli %add3A_195, %mul3A_779 : i32
        %add3A_781 = arith.constant 4 : i32
        %add3A_782 = arith.addi %mul3A_780, %add3A_781 : i32
        %get3A_783 = arith.index_cast %add3A_782 : i32 to index
        %get3A_784 = arith.constant 0 : index
        %get3A_785 = tpu.vector_load %arg14[%get3A_783, %get3A_784] {strides = array<i32>} : memref<80x128xf32, #tpu.memory_space<vmem>>, vector<16xf32>,
        %get3A_786 = arith.index_cast %add3A_782 : i32 to index
        %get3A_787 = arith.constant 0 : index
        %get3A_788 = tpu.vector_load %arg15[%get3A_786, %get3A_787] {strides = array<i32>} : memref<80x128xf32, #tpu.memory_space<vmem>>, vector<16xf32>,
        %add3A_789 = arith.addf %get3A_785, %get3A_788 : vector<16xf32>
        %get3A_790 = arith.index_cast %add3A_782 : i32 to index
        %get3A_791 = arith.constant 0 : index
        %get3A_792 = tpu.vector_load %arg16[%get3A_790, %get3A_791] {strides = array<i32>} : memref<80x128xf32, #tpu.memory_space<vmem>>, vector<16xf32>,
        %add3A_793 = arith.addf %add3A_789, %get3A_792 : vector<16xf32>
        %mul3A_794 = arith.constant 2.000000e-01 : f32
        %mul3A_795 = vector.broadcast %mul3A_794 : f32 to vector<16xf32>
        %mul3A_796 = arith.mulf %mul3A_795, %add3A_793 : vector<16xf32>
        %max3A_797 = arith.maximumf %add3A_793, %mul3A_796 : vector<16xf32>
        %mul3A_798 = arith.mulf %max3A_797, %get3A_14 : vector<16xf32>
        %get3A_799 = arith.index_cast %add3A_782 : i32 to index
        %get3A_800 = arith.constant 16 : index
        %get3A_801 = tpu.vector_load %arg14[%get3A_799, %get3A_800] {strides = array<i32>} : memref<80x128xf32, #tpu.memory_space<vmem>>, vector<16xf32>,
        %get3A_802 = arith.index_cast %add3A_782 : i32 to index
        %get3A_803 = arith.constant 16 : index
        %get3A_804 = tpu.vector_load %arg15[%get3A_802, %get3A_803] {strides = array<i32>} : memref<80x128xf32, #tpu.memory_space<vmem>>, vector<16xf32>,
        %add3A_805 = arith.addf %get3A_801, %get3A_804 : vector<16xf32>
        %get3A_806 = arith.index_cast %add3A_782 : i32 to index
        %get3A_807 = arith.constant 16 : index
        %get3A_808 = tpu.vector_load %arg16[%get3A_806, %get3A_807] {strides = array<i32>} : memref<80x128xf32, #tpu.memory_space<vmem>>, vector<16xf32>,
        %add3A_809 = arith.addf %add3A_805, %get3A_808 : vector<16xf32>
        %mul3A_810 = arith.constant 2.000000e-01 : f32
        %mul3A_811 = vector.broadcast %mul3A_810 : f32 to vector<16xf32>
        %mul3A_812 = arith.mulf %mul3A_811, %add3A_809 : vector<16xf32>
        %max3A_813 = arith.maximumf %add3A_809, %mul3A_812 : vector<16xf32>
        %mul3A_814 = arith.mulf %max3A_813, %get3A_20 : vector<16xf32>
        %add3A_815 = arith.addf %mul3A_798, %mul3A_814 : vector<16xf32>
        %get3A_816 = arith.index_cast %add3A_782 : i32 to index
        %get3A_817 = arith.constant 32 : index
        %get3A_818 = tpu.vector_load %arg14[%get3A_816, %get3A_817] {strides = array<i32>} : memref<80x128xf32, #tpu.memory_space<vmem>>, vector<16xf32>,
        %get3A_819 = arith.index_cast %add3A_782 : i32 to index
        %get3A_820 = arith.constant 32 : index
        %get3A_821 = tpu.vector_load %arg15[%get3A_819, %get3A_820] {strides = array<i32>} : memref<80x128xf32, #tpu.memory_space<vmem>>, vector<16xf32>,
        %add3A_822 = arith.addf %get3A_818, %get3A_821 : vector<16xf32>
        %get3A_823 = arith.index_cast %add3A_782 : i32 to index
        %get3A_824 = arith.constant 32 : index
        %get3A_825 = tpu.vector_load %arg16[%get3A_823, %get3A_824] {strides = array<i32>} : memref<80x128xf32, #tpu.memory_space<vmem>>, vector<16xf32>,
        %add3A_826 = arith.addf %add3A_822, %get3A_825 : vector<16xf32>
        %mul3A_827 = arith.constant 2.000000e-01 : f32
        %mul3A_828 = vector.broadcast %mul3A_827 : f32 to vector<16xf32>
        %mul3A_829 = arith.mulf %mul3A_828, %add3A_826 : vector<16xf32>
        %max3A_830 = arith.maximumf %add3A_826, %mul3A_829 : vector<16xf32>
        %mul3A_831 = arith.mulf %max3A_830, %get3A_26 : vector<16xf32>
        %add3A_832 = arith.addf %add3A_815, %mul3A_831 : vector<16xf32>
        %get3A_833 = arith.index_cast %add3A_782 : i32 to index
        %get3A_834 = arith.constant 48 : index
        %get3A_835 = tpu.vector_load %arg14[%get3A_833, %get3A_834] {strides = array<i32>} : memref<80x128xf32, #tpu.memory_space<vmem>>, vector<16xf32>,
        %get3A_836 = arith.index_cast %add3A_782 : i32 to index
        %get3A_837 = arith.constant 48 : index
        %get3A_838 = tpu.vector_load %arg15[%get3A_836, %get3A_837] {strides = array<i32>} : memref<80x128xf32, #tpu.memory_space<vmem>>, vector<16xf32>,
        %add3A_839 = arith.addf %get3A_835, %get3A_838 : vector<16xf32>
        %get3A_840 = arith.index_cast %add3A_782 : i32 to index
        %get3A_841 = arith.constant 48 : index
        %get3A_842 = tpu.vector_load %arg16[%get3A_840, %get3A_841] {strides = array<i32>} : memref<80x128xf32, #tpu.memory_space<vmem>>, vector<16xf32>,
        %add3A_843 = arith.addf %add3A_839, %get3A_842 : vector<16xf32>
        %mul3A_844 = arith.constant 2.000000e-01 : f32
        %mul3A_845 = vector.broadcast %mul3A_844 : f32 to vector<16xf32>
        %mul3A_846 = arith.mulf %mul3A_845, %add3A_843 : vector<16xf32>
        %max3A_847 = arith.maximumf %add3A_843, %mul3A_846 : vector<16xf32>
        %mul3A_848 = arith.mulf %max3A_847, %get3A_32 : vector<16xf32>
        %add3A_849 = arith.addf %add3A_832, %mul3A_848 : vector<16xf32>
        %swap3A_850 = arith.constant 4 : i32
        %swap3A_851 = arith.index_cast %swap3A_850 : i32 to index
        %swap3A_852 = arith.constant 0 : index
        %swap3A_853 = tpu.vector_load %arg18[%swap3A_851, %swap3A_852] {strides = array<i32>} : memref<16x16xf32, #tpu.memory_space<vmem>>, vector<16xf32>,
        tpu.vector_store %arg18[%swap3A_851, %swap3A_852], %add3A_849 {strides = array<i32>} : memref<16x16xf32, #tpu.memory_space<vmem>>, vector<16xf32>,
        %get3A_854 = arith.index_cast %add3A_782 : i32 to index
        %get3A_855 = arith.constant 64 : index
        %get3A_856 = tpu.vector_load %arg14[%get3A_854, %get3A_855] {strides = array<i32>} : memref<80x128xf32, #tpu.memory_space<vmem>>, vector<16xf32>,
        %get3A_857 = arith.index_cast %add3A_782 : i32 to index
        %get3A_858 = arith.constant 64 : index
        %get3A_859 = tpu.vector_load %arg15[%get3A_857, %get3A_858] {strides = array<i32>} : memref<80x128xf32, #tpu.memory_space<vmem>>, vector<16xf32>,
        %add3A_860 = arith.addf %get3A_856, %get3A_859 : vector<16xf32>
        %get3A_861 = arith.index_cast %add3A_782 : i32 to index
        %get3A_862 = arith.constant 64 : index
        %get3A_863 = tpu.vector_load %arg16[%get3A_861, %get3A_862] {strides = array<i32>} : memref<80x128xf32, #tpu.memory_space<vmem>>, vector<16xf32>,
        %add3A_864 = arith.addf %add3A_860, %get3A_863 : vector<16xf32>
        %mul3A_865 = arith.constant 2.000000e-01 : f32
        %mul3A_866 = vector.broadcast %mul3A_865 : f32 to vector<16xf32>
        %mul3A_867 = arith.mulf %mul3A_866, %add3A_864 : vector<16xf32>
        %max3A_868 = arith.maximumf %add3A_864, %mul3A_867 : vector<16xf32>
        %mul3A_869 = arith.mulf %max3A_868, %get3A_38 : vector<16xf32>
        %get3A_870 = arith.index_cast %add3A_782 : i32 to index
        %get3A_871 = arith.constant 80 : index
        %get3A_872 = tpu.vector_load %arg14[%get3A_870, %get3A_871] {strides = array<i32>} : memref<80x128xf32, #tpu.memory_space<vmem>>, vector<16xf32>,
        %get3A_873 = arith.index_cast %add3A_782 : i32 to index
        %get3A_874 = arith.constant 80 : index
        %get3A_875 = tpu.vector_load %arg15[%get3A_873, %get3A_874] {strides = array<i32>} : memref<80x128xf32, #tpu.memory_space<vmem>>, vector<16xf32>,
        %add3A_876 = arith.addf %get3A_872, %get3A_875 : vector<16xf32>
        %get3A_877 = arith.index_cast %add3A_782 : i32 to index
        %get3A_878 = arith.constant 80 : index
        %get3A_879 = tpu.vector_load %arg16[%get3A_877, %get3A_878] {strides = array<i32>} : memref<80x128xf32, #tpu.memory_space<vmem>>, vector<16xf32>,
        %add3A_880 = arith.addf %add3A_876, %get3A_879 : vector<16xf32>
        %mul3A_881 = arith.constant 2.000000e-01 : f32
        %mul3A_882 = vector.broadcast %mul3A_881 : f32 to vector<16xf32>
        %mul3A_883 = arith.mulf %mul3A_882, %add3A_880 : vector<16xf32>
        %max3A_884 = arith.maximumf %add3A_880, %mul3A_883 : vector<16xf32>
        %mul3A_885 = arith.mulf %max3A_884, %get3A_44 : vector<16xf32>
        %add3A_886 = arith.addf %mul3A_869, %mul3A_885 : vector<16xf32>
        %get3A_887 = arith.index_cast %add3A_782 : i32 to index
        %get3A_888 = arith.constant 96 : index
        %get3A_889 = tpu.vector_load %arg14[%get3A_887, %get3A_888] {strides = array<i32>} : memref<80x128xf32, #tpu.memory_space<vmem>>, vector<16xf32>,
        %get3A_890 = arith.index_cast %add3A_782 : i32 to index
        %get3A_891 = arith.constant 96 : index
        %get3A_892 = tpu.vector_load %arg15[%get3A_890, %get3A_891] {strides = array<i32>} : memref<80x128xf32, #tpu.memory_space<vmem>>, vector<16xf32>,
        %add3A_893 = arith.addf %get3A_889, %get3A_892 : vector<16xf32>
        %get3A_894 = arith.index_cast %add3A_782 : i32 to index
        %get3A_895 = arith.constant 96 : index
        %get3A_896 = tpu.vector_load %arg16[%get3A_894, %get3A_895] {strides = array<i32>} : memref<80x128xf32, #tpu.memory_space<vmem>>, vector<16xf32>,
        %add3A_897 = arith.addf %add3A_893, %get3A_896 : vector<16xf32>
        %mul3A_898 = arith.constant 2.000000e-01 : f32
        %mul3A_899 = vector.broadcast %mul3A_898 : f32 to vector<16xf32>
        %mul3A_900 = arith.mulf %mul3A_899, %add3A_897 : vector<16xf32>
        %max3A_901 = arith.maximumf %add3A_897, %mul3A_900 : vector<16xf32>
        %mul3A_902 = arith.mulf %max3A_901, %get3A_50 : vector<16xf32>
        %add3A_903 = arith.addf %add3A_886, %mul3A_902 : vector<16xf32>
        %get3A_904 = arith.index_cast %add3A_782 : i32 to index
        %get3A_905 = arith.constant 112 : index
        %get3A_906 = tpu.vector_load %arg14[%get3A_904, %get3A_905] {strides = array<i32>} : memref<80x128xf32, #tpu.memory_space<vmem>>, vector<16xf32>,
        %get3A_907 = arith.index_cast %add3A_782 : i32 to index
        %get3A_908 = arith.constant 112 : index
        %get3A_909 = tpu.vector_load %arg15[%get3A_907, %get3A_908] {strides = array<i32>} : memref<80x128xf32, #tpu.memory_space<vmem>>, vector<16xf32>,
        %add3A_910 = arith.addf %get3A_906, %get3A_909 : vector<16xf32>
        %get3A_911 = arith.index_cast %add3A_782 : i32 to index
        %get3A_912 = arith.constant 112 : index
        %get3A_913 = tpu.vector_load %arg16[%get3A_911, %get3A_912] {strides = array<i32>} : memref<80x128xf32, #tpu.memory_space<vmem>>, vector<16xf32>,
        %add3A_914 = arith.addf %add3A_910, %get3A_913 : vector<16xf32>
        %mul3A_915 = arith.constant 2.000000e-01 : f32
        %mul3A_916 = vector.broadcast %mul3A_915 : f32 to vector<16xf32>
        %mul3A_917 = arith.mulf %mul3A_916, %add3A_914 : vector<16xf32>
        %max3A_918 = arith.maximumf %add3A_914, %mul3A_917 : vector<16xf32>
        %mul3A_919 = arith.mulf %max3A_918, %get3A_56 : vector<16xf32>
        %add3A_920 = arith.addf %add3A_903, %mul3A_919 : vector<16xf32>
        %swap3A_921 = arith.constant 4 : i32
        %swap3A_922 = arith.index_cast %swap3A_921 : i32 to index
        %swap3A_923 = arith.constant 0 : index
        %swap3A_924 = tpu.vector_load %arg19[%swap3A_922, %swap3A_923] {strides = array<i32>} : memref<16x16xf32, #tpu.memory_space<vmem>>, vector<16xf32>,
        tpu.vector_store %arg19[%swap3A_922, %swap3A_923], %add3A_920 {strides = array<i32>} : memref<16x16xf32, #tpu.memory_space<vmem>>, vector<16xf32>,
        %mul3A_925 = arith.constant 16 : i32
        %mul3A_926 = arith.muli %add3A_195, %mul3A_925 : i32
        %add3A_927 = arith.constant 5 : i32
        %add3A_928 = arith.addi %mul3A_926, %add3A_927 : i32
        %get3A_929 = arith.index_cast %add3A_928 : i32 to index
        %get3A_930 = arith.constant 0 : index
        %get3A_931 = tpu.vector_load %arg14[%get3A_929, %get3A_930] {strides = array<i32>} : memref<80x128xf32, #tpu.memory_space<vmem>>, vector<16xf32>,
        %get3A_932 = arith.index_cast %add3A_928 : i32 to index
        %get3A_933 = arith.constant 0 : index
        %get3A_934 = tpu.vector_load %arg15[%get3A_932, %get3A_933] {strides = array<i32>} : memref<80x128xf32, #tpu.memory_space<vmem>>, vector<16xf32>,
        %add3A_935 = arith.addf %get3A_931, %get3A_934 : vector<16xf32>
        %get3A_936 = arith.index_cast %add3A_928 : i32 to index
        %get3A_937 = arith.constant 0 : index
        %get3A_938 = tpu.vector_load %arg16[%get3A_936, %get3A_937] {strides = array<i32>} : memref<80x128xf32, #tpu.memory_space<vmem>>, vector<16xf32>,
        %add3A_939 = arith.addf %add3A_935, %get3A_938 : vector<16xf32>
        %mul3A_940 = arith.constant 2.000000e-01 : f32
        %mul3A_941 = vector.broadcast %mul3A_940 : f32 to vector<16xf32>
        %mul3A_942 = arith.mulf %mul3A_941, %add3A_939 : vector<16xf32>
        %max3A_943 = arith.maximumf %add3A_939, %mul3A_942 : vector<16xf32>
        %mul3A_944 = arith.mulf %max3A_943, %get3A_14 : vector<16xf32>
        %get3A_945 = arith.index_cast %add3A_928 : i32 to index
        %get3A_946 = arith.constant 16 : index
        %get3A_947 = tpu.vector_load %arg14[%get3A_945, %get3A_946] {strides = array<i32>} : memref<80x128xf32, #tpu.memory_space<vmem>>, vector<16xf32>,
        %get3A_948 = arith.index_cast %add3A_928 : i32 to index
        %get3A_949 = arith.constant 16 : index
        %get3A_950 = tpu.vector_load %arg15[%get3A_948, %get3A_949] {strides = array<i32>} : memref<80x128xf32, #tpu.memory_space<vmem>>, vector<16xf32>,
        %add3A_951 = arith.addf %get3A_947, %get3A_950 : vector<16xf32>
        %get3A_952 = arith.index_cast %add3A_928 : i32 to index
        %get3A_953 = arith.constant 16 : index
        %get3A_954 = tpu.vector_load %arg16[%get3A_952, %get3A_953] {strides = array<i32>} : memref<80x128xf32, #tpu.memory_space<vmem>>, vector<16xf32>,
        %add3A_955 = arith.addf %add3A_951, %get3A_954 : vector<16xf32>
        %mul3A_956 = arith.constant 2.000000e-01 : f32
        %mul3A_957 = vector.broadcast %mul3A_956 : f32 to vector<16xf32>
        %mul3A_958 = arith.mulf %mul3A_957, %add3A_955 : vector<16xf32>
        %max3A_959 = arith.maximumf %add3A_955, %mul3A_958 : vector<16xf32>
        %mul3A_960 = arith.mulf %max3A_959, %get3A_20 : vector<16xf32>
        %add3A_961 = arith.addf %mul3A_944, %mul3A_960 : vector<16xf32>
        %get3A_962 = arith.index_cast %add3A_928 : i32 to index
        %get3A_963 = arith.constant 32 : index
        %get3A_964 = tpu.vector_load %arg14[%get3A_962, %get3A_963] {strides = array<i32>} : memref<80x128xf32, #tpu.memory_space<vmem>>, vector<16xf32>,
        %get3A_965 = arith.index_cast %add3A_928 : i32 to index
        %get3A_966 = arith.constant 32 : index
        %get3A_967 = tpu.vector_load %arg15[%get3A_965, %get3A_966] {strides = array<i32>} : memref<80x128xf32, #tpu.memory_space<vmem>>, vector<16xf32>,
        %add3A_968 = arith.addf %get3A_964, %get3A_967 : vector<16xf32>
        %get3A_969 = arith.index_cast %add3A_928 : i32 to index
        %get3A_970 = arith.constant 32 : index
        %get3A_971 = tpu.vector_load %arg16[%get3A_969, %get3A_970] {strides = array<i32>} : memref<80x128xf32, #tpu.memory_space<vmem>>, vector<16xf32>,
        %add3A_972 = arith.addf %add3A_968, %get3A_971 : vector<16xf32>
        %mul3A_973 = arith.constant 2.000000e-01 : f32
        %mul3A_974 = vector.broadcast %mul3A_973 : f32 to vector<16xf32>
        %mul3A_975 = arith.mulf %mul3A_974, %add3A_972 : vector<16xf32>
        %max3A_976 = arith.maximumf %add3A_972, %mul3A_975 : vector<16xf32>
        %mul3A_977 = arith.mulf %max3A_976, %get3A_26 : vector<16xf32>
        %add3A_978 = arith.addf %add3A_961, %mul3A_977 : vector<16xf32>
        %get3A_979 = arith.index_cast %add3A_928 : i32 to index
        %get3A_980 = arith.constant 48 : index
        %get3A_981 = tpu.vector_load %arg14[%get3A_979, %get3A_980] {strides = array<i32>} : memref<80x128xf32, #tpu.memory_space<vmem>>, vector<16xf32>,
        %get3A_982 = arith.index_cast %add3A_928 : i32 to index
        %get3A_983 = arith.constant 48 : index
        %get3A_984 = tpu.vector_load %arg15[%get3A_982, %get3A_983] {strides = array<i32>} : memref<80x128xf32, #tpu.memory_space<vmem>>, vector<16xf32>,
        %add3A_985 = arith.addf %get3A_981, %get3A_984 : vector<16xf32>
        %get3A_986 = arith.index_cast %add3A_928 : i32 to index
        %get3A_987 = arith.constant 48 : index
        %get3A_988 = tpu.vector_load %arg16[%get3A_986, %get3A_987] {strides = array<i32>} : memref<80x128xf32, #tpu.memory_space<vmem>>, vector<16xf32>,
        %add3A_989 = arith.addf %add3A_985, %get3A_988 : vector<16xf32>
        %mul3A_990 = arith.constant 2.000000e-01 : f32
        %mul3A_991 = vector.broadcast %mul3A_990 : f32 to vector<16xf32>
        %mul3A_992 = arith.mulf %mul3A_991, %add3A_989 : vector<16xf32>
        %max3A_993 = arith.maximumf %add3A_989, %mul3A_992 : vector<16xf32>
        %mul3A_994 = arith.mulf %max3A_993, %get3A_32 : vector<16xf32>
        %add3A_995 = arith.addf %add3A_978, %mul3A_994 : vector<16xf32>
        %swap3A_996 = arith.constant 5 : i32
        %swap3A_997 = arith.index_cast %swap3A_996 : i32 to index
        %swap3A_998 = arith.constant 0 : index
        %swap3A_999 = tpu.vector_load %arg18[%swap3A_997, %swap3A_998] {strides = array<i32>} : memref<16x16xf32, #tpu.memory_space<vmem>>, vector<16xf32>,
        tpu.vector_store %arg18[%swap3A_997, %swap3A_998], %add3A_995 {strides = array<i32>} : memref<16x16xf32, #tpu.memory_space<vmem>>, vector<16xf32>,
        %get3A_1000 = arith.index_cast %add3A_928 : i32 to index
        %get3A_1001 = arith.constant 64 : index
        %get3A_1002 = tpu.vector_load %arg14[%get3A_1000, %get3A_1001] {strides = array<i32>} : memref<80x128xf32, #tpu.memory_space<vmem>>, vector<16xf32>,
        %get3A_1003 = arith.index_cast %add3A_928 : i32 to index
        %get3A_1004 = arith.constant 64 : index
        %get3A_1005 = tpu.vector_load %arg15[%get3A_1003, %get3A_1004] {strides = array<i32>} : memref<80x128xf32, #tpu.memory_space<vmem>>, vector<16xf32>,
        %add3A_1006 = arith.addf %get3A_1002, %get3A_1005 : vector<16xf32>
        %get3A_1007 = arith.index_cast %add3A_928 : i32 to index
        %get3A_1008 = arith.constant 64 : index
        %get3A_1009 = tpu.vector_load %arg16[%get3A_1007, %get3A_1008] {strides = array<i32>} : memref<80x128xf32, #tpu.memory_space<vmem>>, vector<16xf32>,
        %add3A_1010 = arith.addf %add3A_1006, %get3A_1009 : vector<16xf32>
        %mul3A_1011 = arith.constant 2.000000e-01 : f32
        %mul3A_1012 = vector.broadcast %mul3A_1011 : f32 to vector<16xf32>
        %mul3A_1013 = arith.mulf %mul3A_1012, %add3A_1010 : vector<16xf32>
        %max3A_1014 = arith.maximumf %add3A_1010, %mul3A_1013 : vector<16xf32>
        %mul3A_1015 = arith.mulf %max3A_1014, %get3A_38 : vector<16xf32>
        %get3A_1016 = arith.index_cast %add3A_928 : i32 to index
        %get3A_1017 = arith.constant 80 : index
        %get3A_1018 = tpu.vector_load %arg14[%get3A_1016, %get3A_1017] {strides = array<i32>} : memref<80x128xf32, #tpu.memory_space<vmem>>, vector<16xf32>,
        %get3A_1019 = arith.index_cast %add3A_928 : i32 to index
        %get3A_1020 = arith.constant 80 : index
        %get3A_1021 = tpu.vector_load %arg15[%get3A_1019, %get3A_1020] {strides = array<i32>} : memref<80x128xf32, #tpu.memory_space<vmem>>, vector<16xf32>,
        %add3A_1022 = arith.addf %get3A_1018, %get3A_1021 : vector<16xf32>
        %get3A_1023 = arith.index_cast %add3A_928 : i32 to index
        %get3A_1024 = arith.constant 80 : index
        %get3A_1025 = tpu.vector_load %arg16[%get3A_1023, %get3A_1024] {strides = array<i32>} : memref<80x128xf32, #tpu.memory_space<vmem>>, vector<16xf32>,
        %add3A_1026 = arith.addf %add3A_1022, %get3A_1025 : vector<16xf32>
        %mul3A_1027 = arith.constant 2.000000e-01 : f32
        %mul3A_1028 = vector.broadcast %mul3A_1027 : f32 to vector<16xf32>
        %mul3A_1029 = arith.mulf %mul3A_1028, %add3A_1026 : vector<16xf32>
        %max3A_1030 = arith.maximumf %add3A_1026, %mul3A_1029 : vector<16xf32>
        %mul3A_1031 = arith.mulf %max3A_1030, %get3A_44 : vector<16xf32>
        %add3A_1032 = arith.addf %mul3A_1015, %mul3A_1031 : vector<16xf32>
        %get3A_1033 = arith.index_cast %add3A_928 : i32 to index
        %get3A_1034 = arith.constant 96 : index
        %get3A_1035 = tpu.vector_load %arg14[%get3A_1033, %get3A_1034] {strides = array<i32>} : memref<80x128xf32, #tpu.memory_space<vmem>>, vector<16xf32>,
        %get3A_1036 = arith.index_cast %add3A_928 : i32 to index
        %get3A_1037 = arith.constant 96 : index
        %get3A_1038 = tpu.vector_load %arg15[%get3A_1036, %get3A_1037] {strides = array<i32>} : memref<80x128xf32, #tpu.memory_space<vmem>>, vector<16xf32>,
        %add3A_1039 = arith.addf %get3A_1035, %get3A_1038 : vector<16xf32>
        %get3A_1040 = arith.index_cast %add3A_928 : i32 to index
        %get3A_1041 = arith.constant 96 : index
        %get3A_1042 = tpu.vector_load %arg16[%get3A_1040, %get3A_1041] {strides = array<i32>} : memref<80x128xf32, #tpu.memory_space<vmem>>, vector<16xf32>,
        %add3A_1043 = arith.addf %add3A_1039, %get3A_1042 : vector<16xf32>
        %mul3A_1044 = arith.constant 2.000000e-01 : f32
        %mul3A_1045 = vector.broadcast %mul3A_1044 : f32 to vector<16xf32>
        %mul3A_1046 = arith.mulf %mul3A_1045, %add3A_1043 : vector<16xf32>
        %max3A_1047 = arith.maximumf %add3A_1043, %mul3A_1046 : vector<16xf32>
        %mul3A_1048 = arith.mulf %max3A_1047, %get3A_50 : vector<16xf32>
        %add3A_1049 = arith.addf %add3A_1032, %mul3A_1048 : vector<16xf32>
        %get3A_1050 = arith.index_cast %add3A_928 : i32 to index
        %get3A_1051 = arith.constant 112 : index
        %get3A_1052 = tpu.vector_load %arg14[%get3A_1050, %get3A_1051] {strides = array<i32>} : memref<80x128xf32, #tpu.memory_space<vmem>>, vector<16xf32>,
        %get3A_1053 = arith.index_cast %add3A_928 : i32 to index
        %get3A_1054 = arith.constant 112 : index
        %get3A_1055 = tpu.vector_load %arg15[%get3A_1053, %get3A_1054] {strides = array<i32>} : memref<80x128xf32, #tpu.memory_space<vmem>>, vector<16xf32>,
        %add3A_1056 = arith.addf %get3A_1052, %get3A_1055 : vector<16xf32>
        %get3A_1057 = arith.index_cast %add3A_928 : i32 to index
        %get3A_1058 = arith.constant 112 : index
        %get3A_1059 = tpu.vector_load %arg16[%get3A_1057, %get3A_1058] {strides = array<i32>} : memref<80x128xf32, #tpu.memory_space<vmem>>, vector<16xf32>,
        %add3A_1060 = arith.addf %add3A_1056, %get3A_1059 : vector<16xf32>
        %mul3A_1061 = arith.constant 2.000000e-01 : f32
        %mul3A_1062 = vector.broadcast %mul3A_1061 : f32 to vector<16xf32>
        %mul3A_1063 = arith.mulf %mul3A_1062, %add3A_1060 : vector<16xf32>
        %max3A_1064 = arith.maximumf %add3A_1060, %mul3A_1063 : vector<16xf32>
        %mul3A_1065 = arith.mulf %max3A_1064, %get3A_56 : vector<16xf32>
        %add3A_1066 = arith.addf %add3A_1049, %mul3A_1065 : vector<16xf32>
        %swap3A_1067 = arith.constant 5 : i32
        %swap3A_1068 = arith.index_cast %swap3A_1067 : i32 to index
        %swap3A_1069 = arith.constant 0 : index
        %swap3A_1070 = tpu.vector_load %arg19[%swap3A_1068, %swap3A_1069] {strides = array<i32>} : memref<16x16xf32, #tpu.memory_space<vmem>>, vector<16xf32>,
        tpu.vector_store %arg19[%swap3A_1068, %swap3A_1069], %add3A_1066 {strides = array<i32>} : memref<16x16xf32, #tpu.memory_space<vmem>>, vector<16xf32>,
        %mul3A_1071 = arith.constant 16 : i32
        %mul3A_1072 = arith.muli %add3A_195, %mul3A_1071 : i32
        %add3A_1073 = arith.constant 6 : i32
        %add3A_1074 = arith.addi %mul3A_1072, %add3A_1073 : i32
        %get3A_1075 = arith.index_cast %add3A_1074 : i32 to index
        %get3A_1076 = arith.constant 0 : index
        %get3A_1077 = tpu.vector_load %arg14[%get3A_1075, %get3A_1076] {strides = array<i32>} : memref<80x128xf32, #tpu.memory_space<vmem>>, vector<16xf32>,
        %get3A_1078 = arith.index_cast %add3A_1074 : i32 to index
        %get3A_1079 = arith.constant 0 : index
        %get3A_1080 = tpu.vector_load %arg15[%get3A_1078, %get3A_1079] {strides = array<i32>} : memref<80x128xf32, #tpu.memory_space<vmem>>, vector<16xf32>,
        %add3A_1081 = arith.addf %get3A_1077, %get3A_1080 : vector<16xf32>
        %get3A_1082 = arith.index_cast %add3A_1074 : i32 to index
        %get3A_1083 = arith.constant 0 : index
        %get3A_1084 = tpu.vector_load %arg16[%get3A_1082, %get3A_1083] {strides = array<i32>} : memref<80x128xf32, #tpu.memory_space<vmem>>, vector<16xf32>,
        %add3A_1085 = arith.addf %add3A_1081, %get3A_1084 : vector<16xf32>
        %mul3A_1086 = arith.constant 2.000000e-01 : f32
        %mul3A_1087 = vector.broadcast %mul3A_1086 : f32 to vector<16xf32>
        %mul3A_1088 = arith.mulf %mul3A_1087, %add3A_1085 : vector<16xf32>
        %max3A_1089 = arith.maximumf %add3A_1085, %mul3A_1088 : vector<16xf32>
        %mul3A_1090 = arith.mulf %max3A_1089, %get3A_14 : vector<16xf32>
        %get3A_1091 = arith.index_cast %add3A_1074 : i32 to index
        %get3A_1092 = arith.constant 16 : index
        %get3A_1093 = tpu.vector_load %arg14[%get3A_1091, %get3A_1092] {strides = array<i32>} : memref<80x128xf32, #tpu.memory_space<vmem>>, vector<16xf32>,
        %get3A_1094 = arith.index_cast %add3A_1074 : i32 to index
        %get3A_1095 = arith.constant 16 : index
        %get3A_1096 = tpu.vector_load %arg15[%get3A_1094, %get3A_1095] {strides = array<i32>} : memref<80x128xf32, #tpu.memory_space<vmem>>, vector<16xf32>,
        %add3A_1097 = arith.addf %get3A_1093, %get3A_1096 : vector<16xf32>
        %get3A_1098 = arith.index_cast %add3A_1074 : i32 to index
        %get3A_1099 = arith.constant 16 : index
        %get3A_1100 = tpu.vector_load %arg16[%get3A_1098, %get3A_1099] {strides = array<i32>} : memref<80x128xf32, #tpu.memory_space<vmem>>, vector<16xf32>,
        %add3A_1101 = arith.addf %add3A_1097, %get3A_1100 : vector<16xf32>
        %mul3A_1102 = arith.constant 2.000000e-01 : f32
        %mul3A_1103 = vector.broadcast %mul3A_1102 : f32 to vector<16xf32>
        %mul3A_1104 = arith.mulf %mul3A_1103, %add3A_1101 : vector<16xf32>
        %max3A_1105 = arith.maximumf %add3A_1101, %mul3A_1104 : vector<16xf32>
        %mul3A_1106 = arith.mulf %max3A_1105, %get3A_20 : vector<16xf32>
        %add3A_1107 = arith.addf %mul3A_1090, %mul3A_1106 : vector<16xf32>
        %get3A_1108 = arith.index_cast %add3A_1074 : i32 to index
        %get3A_1109 = arith.constant 32 : index
        %get3A_1110 = tpu.vector_load %arg14[%get3A_1108, %get3A_1109] {strides = array<i32>} : memref<80x128xf32, #tpu.memory_space<vmem>>, vector<16xf32>,
        %get3A_1111 = arith.index_cast %add3A_1074 : i32 to index
        %get3A_1112 = arith.constant 32 : index
        %get3A_1113 = tpu.vector_load %arg15[%get3A_1111, %get3A_1112] {strides = array<i32>} : memref<80x128xf32, #tpu.memory_space<vmem>>, vector<16xf32>,
        %add3A_1114 = arith.addf %get3A_1110, %get3A_1113 : vector<16xf32>
        %get3A_1115 = arith.index_cast %add3A_1074 : i32 to index
        %get3A_1116 = arith.constant 32 : index
        %get3A_1117 = tpu.vector_load %arg16[%get3A_1115, %get3A_1116] {strides = array<i32>} : memref<80x128xf32, #tpu.memory_space<vmem>>, vector<16xf32>,
        %add3A_1118 = arith.addf %add3A_1114, %get3A_1117 : vector<16xf32>
        %mul3A_1119 = arith.constant 2.000000e-01 : f32
        %mul3A_1120 = vector.broadcast %mul3A_1119 : f32 to vector<16xf32>
        %mul3A_1121 = arith.mulf %mul3A_1120, %add3A_1118 : vector<16xf32>
        %max3A_1122 = arith.maximumf %add3A_1118, %mul3A_1121 : vector<16xf32>
        %mul3A_1123 = arith.mulf %max3A_1122, %get3A_26 : vector<16xf32>
        %add3A_1124 = arith.addf %add3A_1107, %mul3A_1123 : vector<16xf32>
        %get3A_1125 = arith.index_cast %add3A_1074 : i32 to index
        %get3A_1126 = arith.constant 48 : index
        %get3A_1127 = tpu.vector_load %arg14[%get3A_1125, %get3A_1126] {strides = array<i32>} : memref<80x128xf32, #tpu.memory_space<vmem>>, vector<16xf32>,
        %get3A_1128 = arith.index_cast %add3A_1074 : i32 to index
        %get3A_1129 = arith.constant 48 : index
        %get3A_1130 = tpu.vector_load %arg15[%get3A_1128, %get3A_1129] {strides = array<i32>} : memref<80x128xf32, #tpu.memory_space<vmem>>, vector<16xf32>,
        %add3A_1131 = arith.addf %get3A_1127, %get3A_1130 : vector<16xf32>
        %get3A_1132 = arith.index_cast %add3A_1074 : i32 to index
        %get3A_1133 = arith.constant 48 : index
        %get3A_1134 = tpu.vector_load %arg16[%get3A_1132, %get3A_1133] {strides = array<i32>} : memref<80x128xf32, #tpu.memory_space<vmem>>, vector<16xf32>,
        %add3A_1135 = arith.addf %add3A_1131, %get3A_1134 : vector<16xf32>
        %mul3A_1136 = arith.constant 2.000000e-01 : f32
        %mul3A_1137 = vector.broadcast %mul3A_1136 : f32 to vector<16xf32>
        %mul3A_1138 = arith.mulf %mul3A_1137, %add3A_1135 : vector<16xf32>
        %max3A_1139 = arith.maximumf %add3A_1135, %mul3A_1138 : vector<16xf32>
        %mul3A_1140 = arith.mulf %max3A_1139, %get3A_32 : vector<16xf32>
        %add3A_1141 = arith.addf %add3A_1124, %mul3A_1140 : vector<16xf32>
        %swap3A_1142 = arith.constant 6 : i32
        %swap3A_1143 = arith.index_cast %swap3A_1142 : i32 to index
        %swap3A_1144 = arith.constant 0 : index
        %swap3A_1145 = tpu.vector_load %arg18[%swap3A_1143, %swap3A_1144] {strides = array<i32>} : memref<16x16xf32, #tpu.memory_space<vmem>>, vector<16xf32>,
        tpu.vector_store %arg18[%swap3A_1143, %swap3A_1144], %add3A_1141 {strides = array<i32>} : memref<16x16xf32, #tpu.memory_space<vmem>>, vector<16xf32>,
        %get3A_1146 = arith.index_cast %add3A_1074 : i32 to index
        %get3A_1147 = arith.constant 64 : index
        %get3A_1148 = tpu.vector_load %arg14[%get3A_1146, %get3A_1147] {strides = array<i32>} : memref<80x128xf32, #tpu.memory_space<vmem>>, vector<16xf32>,
        %get3A_1149 = arith.index_cast %add3A_1074 : i32 to index
        %get3A_1150 = arith.constant 64 : index
        %get3A_1151 = tpu.vector_load %arg15[%get3A_1149, %get3A_1150] {strides = array<i32>} : memref<80x128xf32, #tpu.memory_space<vmem>>, vector<16xf32>,
        %add3A_1152 = arith.addf %get3A_1148, %get3A_1151 : vector<16xf32>
        %get3A_1153 = arith.index_cast %add3A_1074 : i32 to index
        %get3A_1154 = arith.constant 64 : index
        %get3A_1155 = tpu.vector_load %arg16[%get3A_1153, %get3A_1154] {strides = array<i32>} : memref<80x128xf32, #tpu.memory_space<vmem>>, vector<16xf32>,
        %add3A_1156 = arith.addf %add3A_1152, %get3A_1155 : vector<16xf32>
        %mul3A_1157 = arith.constant 2.000000e-01 : f32
        %mul3A_1158 = vector.broadcast %mul3A_1157 : f32 to vector<16xf32>
        %mul3A_1159 = arith.mulf %mul3A_1158, %add3A_1156 : vector<16xf32>
        %max3A_1160 = arith.maximumf %add3A_1156, %mul3A_1159 : vector<16xf32>
        %mul3A_1161 = arith.mulf %max3A_1160, %get3A_38 : vector<16xf32>
        %get3A_1162 = arith.index_cast %add3A_1074 : i32 to index
        %get3A_1163 = arith.constant 80 : index
        %get3A_1164 = tpu.vector_load %arg14[%get3A_1162, %get3A_1163] {strides = array<i32>} : memref<80x128xf32, #tpu.memory_space<vmem>>, vector<16xf32>,
        %get3A_1165 = arith.index_cast %add3A_1074 : i32 to index
        %get3A_1166 = arith.constant 80 : index
        %get3A_1167 = tpu.vector_load %arg15[%get3A_1165, %get3A_1166] {strides = array<i32>} : memref<80x128xf32, #tpu.memory_space<vmem>>, vector<16xf32>,
        %add3A_1168 = arith.addf %get3A_1164, %get3A_1167 : vector<16xf32>
        %get3A_1169 = arith.index_cast %add3A_1074 : i32 to index
        %get3A_1170 = arith.constant 80 : index
        %get3A_1171 = tpu.vector_load %arg16[%get3A_1169, %get3A_1170] {strides = array<i32>} : memref<80x128xf32, #tpu.memory_space<vmem>>, vector<16xf32>,
        %add3A_1172 = arith.addf %add3A_1168, %get3A_1171 : vector<16xf32>
        %mul3A_1173 = arith.constant 2.000000e-01 : f32
        %mul3A_1174 = vector.broadcast %mul3A_1173 : f32 to vector<16xf32>
        %mul3A_1175 = arith.mulf %mul3A_1174, %add3A_1172 : vector<16xf32>
        %max3A_1176 = arith.maximumf %add3A_1172, %mul3A_1175 : vector<16xf32>
        %mul3A_1177 = arith.mulf %max3A_1176, %get3A_44 : vector<16xf32>
        %add3A_1178 = arith.addf %mul3A_1161, %mul3A_1177 : vector<16xf32>
        %get3A_1179 = arith.index_cast %add3A_1074 : i32 to index
        %get3A_1180 = arith.constant 96 : index
        %get3A_1181 = tpu.vector_load %arg14[%get3A_1179, %get3A_1180] {strides = array<i32>} : memref<80x128xf32, #tpu.memory_space<vmem>>, vector<16xf32>,
        %get3A_1182 = arith.index_cast %add3A_1074 : i32 to index
        %get3A_1183 = arith.constant 96 : index
        %get3A_1184 = tpu.vector_load %arg15[%get3A_1182, %get3A_1183] {strides = array<i32>} : memref<80x128xf32, #tpu.memory_space<vmem>>, vector<16xf32>,
        %add3A_1185 = arith.addf %get3A_1181, %get3A_1184 : vector<16xf32>
        %get3A_1186 = arith.index_cast %add3A_1074 : i32 to index
        %get3A_1187 = arith.constant 96 : index
        %get3A_1188 = tpu.vector_load %arg16[%get3A_1186, %get3A_1187] {strides = array<i32>} : memref<80x128xf32, #tpu.memory_space<vmem>>, vector<16xf32>,
        %add3A_1189 = arith.addf %add3A_1185, %get3A_1188 : vector<16xf32>
        %mul3A_1190 = arith.constant 2.000000e-01 : f32
        %mul3A_1191 = vector.broadcast %mul3A_1190 : f32 to vector<16xf32>
        %mul3A_1192 = arith.mulf %mul3A_1191, %add3A_1189 : vector<16xf32>
        %max3A_1193 = arith.maximumf %add3A_1189, %mul3A_1192 : vector<16xf32>
        %mul3A_1194 = arith.mulf %max3A_1193, %get3A_50 : vector<16xf32>
        %add3A_1195 = arith.addf %add3A_1178, %mul3A_1194 : vector<16xf32>
        %get3A_1196 = arith.index_cast %add3A_1074 : i32 to index
        %get3A_1197 = arith.constant 112 : index
        %get3A_1198 = tpu.vector_load %arg14[%get3A_1196, %get3A_1197] {strides = array<i32>} : memref<80x128xf32, #tpu.memory_space<vmem>>, vector<16xf32>,
        %get3A_1199 = arith.index_cast %add3A_1074 : i32 to index
        %get3A_1200 = arith.constant 112 : index
        %get3A_1201 = tpu.vector_load %arg15[%get3A_1199, %get3A_1200] {strides = array<i32>} : memref<80x128xf32, #tpu.memory_space<vmem>>, vector<16xf32>,
        %add3A_1202 = arith.addf %get3A_1198, %get3A_1201 : vector<16xf32>
        %get3A_1203 = arith.index_cast %add3A_1074 : i32 to index
        %get3A_1204 = arith.constant 112 : index
        %get3A_1205 = tpu.vector_load %arg16[%get3A_1203, %get3A_1204] {strides = array<i32>} : memref<80x128xf32, #tpu.memory_space<vmem>>, vector<16xf32>,
        %add3A_1206 = arith.addf %add3A_1202, %get3A_1205 : vector<16xf32>
        %mul3A_1207 = arith.constant 2.000000e-01 : f32
        %mul3A_1208 = vector.broadcast %mul3A_1207 : f32 to vector<16xf32>
        %mul3A_1209 = arith.mulf %mul3A_1208, %add3A_1206 : vector<16xf32>
        %max3A_1210 = arith.maximumf %add3A_1206, %mul3A_1209 : vector<16xf32>
        %mul3A_1211 = arith.mulf %max3A_1210, %get3A_56 : vector<16xf32>
        %add3A_1212 = arith.addf %add3A_1195, %mul3A_1211 : vector<16xf32>
        %swap3A_1213 = arith.constant 6 : i32
        %swap3A_1214 = arith.index_cast %swap3A_1213 : i32 to index
        %swap3A_1215 = arith.constant 0 : index
        %swap3A_1216 = tpu.vector_load %arg19[%swap3A_1214, %swap3A_1215] {strides = array<i32>} : memref<16x16xf32, #tpu.memory_space<vmem>>, vector<16xf32>,
        tpu.vector_store %arg19[%swap3A_1214, %swap3A_1215], %add3A_1212 {strides = array<i32>} : memref<16x16xf32, #tpu.memory_space<vmem>>, vector<16xf32>,
        %mul3A_1217 = arith.constant 16 : i32
        %mul3A_1218 = arith.muli %add3A_195, %mul3A_1217 : i32
        %add3A_1219 = arith.constant 7 : i32
        %add3A_1220 = arith.addi %mul3A_1218, %add3A_1219 : i32
        %get3A_1221 = arith.index_cast %add3A_1220 : i32 to index
        %get3A_1222 = arith.constant 0 : index
        %get3A_1223 = tpu.vector_load %arg14[%get3A_1221, %get3A_1222] {strides = array<i32>} : memref<80x128xf32, #tpu.memory_space<vmem>>, vector<16xf32>,
        %get3A_1224 = arith.index_cast %add3A_1220 : i32 to index
        %get3A_1225 = arith.constant 0 : index
        %get3A_1226 = tpu.vector_load %arg15[%get3A_1224, %get3A_1225] {strides = array<i32>} : memref<80x128xf32, #tpu.memory_space<vmem>>, vector<16xf32>,
        %add3A_1227 = arith.addf %get3A_1223, %get3A_1226 : vector<16xf32>
        %get3A_1228 = arith.index_cast %add3A_1220 : i32 to index
        %get3A_1229 = arith.constant 0 : index
        %get3A_1230 = tpu.vector_load %arg16[%get3A_1228, %get3A_1229] {strides = array<i32>} : memref<80x128xf32, #tpu.memory_space<vmem>>, vector<16xf32>,
        %add3A_1231 = arith.addf %add3A_1227, %get3A_1230 : vector<16xf32>
        %mul3A_1232 = arith.constant 2.000000e-01 : f32
        %mul3A_1233 = vector.broadcast %mul3A_1232 : f32 to vector<16xf32>
        %mul3A_1234 = arith.mulf %mul3A_1233, %add3A_1231 : vector<16xf32>
        %max3A_1235 = arith.maximumf %add3A_1231, %mul3A_1234 : vector<16xf32>
        %mul3A_1236 = arith.mulf %max3A_1235, %get3A_14 : vector<16xf32>
        %get3A_1237 = arith.index_cast %add3A_1220 : i32 to index
        %get3A_1238 = arith.constant 16 : index
        %get3A_1239 = tpu.vector_load %arg14[%get3A_1237, %get3A_1238] {strides = array<i32>} : memref<80x128xf32, #tpu.memory_space<vmem>>, vector<16xf32>,
        %get3A_1240 = arith.index_cast %add3A_1220 : i32 to index
        %get3A_1241 = arith.constant 16 : index
        %get3A_1242 = tpu.vector_load %arg15[%get3A_1240, %get3A_1241] {strides = array<i32>} : memref<80x128xf32, #tpu.memory_space<vmem>>, vector<16xf32>,
        %add3A_1243 = arith.addf %get3A_1239, %get3A_1242 : vector<16xf32>
        %get3A_1244 = arith.index_cast %add3A_1220 : i32 to index
        %get3A_1245 = arith.constant 16 : index
        %get3A_1246 = tpu.vector_load %arg16[%get3A_1244, %get3A_1245] {strides = array<i32>} : memref<80x128xf32, #tpu.memory_space<vmem>>, vector<16xf32>,
        %add3A_1247 = arith.addf %add3A_1243, %get3A_1246 : vector<16xf32>
        %mul3A_1248 = arith.constant 2.000000e-01 : f32
        %mul3A_1249 = vector.broadcast %mul3A_1248 : f32 to vector<16xf32>
        %mul3A_1250 = arith.mulf %mul3A_1249, %add3A_1247 : vector<16xf32>
        %max3A_1251 = arith.maximumf %add3A_1247, %mul3A_1250 : vector<16xf32>
        %mul3A_1252 = arith.mulf %max3A_1251, %get3A_20 : vector<16xf32>
        %add3A_1253 = arith.addf %mul3A_1236, %mul3A_1252 : vector<16xf32>
        %get3A_1254 = arith.index_cast %add3A_1220 : i32 to index
        %get3A_1255 = arith.constant 32 : index
        %get3A_1256 = tpu.vector_load %arg14[%get3A_1254, %get3A_1255] {strides = array<i32>} : memref<80x128xf32, #tpu.memory_space<vmem>>, vector<16xf32>,
        %get3A_1257 = arith.index_cast %add3A_1220 : i32 to index
        %get3A_1258 = arith.constant 32 : index
        %get3A_1259 = tpu.vector_load %arg15[%get3A_1257, %get3A_1258] {strides = array<i32>} : memref<80x128xf32, #tpu.memory_space<vmem>>, vector<16xf32>,
        %add3A_1260 = arith.addf %get3A_1256, %get3A_1259 : vector<16xf32>
        %get3A_1261 = arith.index_cast %add3A_1220 : i32 to index
        %get3A_1262 = arith.constant 32 : index
        %get3A_1263 = tpu.vector_load %arg16[%get3A_1261, %get3A_1262] {strides = array<i32>} : memref<80x128xf32, #tpu.memory_space<vmem>>, vector<16xf32>,
        %add3A_1264 = arith.addf %add3A_1260, %get3A_1263 : vector<16xf32>
        %mul3A_1265 = arith.constant 2.000000e-01 : f32
        %mul3A_1266 = vector.broadcast %mul3A_1265 : f32 to vector<16xf32>
        %mul3A_1267 = arith.mulf %mul3A_1266, %add3A_1264 : vector<16xf32>
        %max3A_1268 = arith.maximumf %add3A_1264, %mul3A_1267 : vector<16xf32>
        %mul3A_1269 = arith.mulf %max3A_1268, %get3A_26 : vector<16xf32>
        %add3A_1270 = arith.addf %add3A_1253, %mul3A_1269 : vector<16xf32>
        %get3A_1271 = arith.index_cast %add3A_1220 : i32 to index
        %get3A_1272 = arith.constant 48 : index
        %get3A_1273 = tpu.vector_load %arg14[%get3A_1271, %get3A_1272] {strides = array<i32>} : memref<80x128xf32, #tpu.memory_space<vmem>>, vector<16xf32>,
        %get3A_1274 = arith.index_cast %add3A_1220 : i32 to index
        %get3A_1275 = arith.constant 48 : index
        %get3A_1276 = tpu.vector_load %arg15[%get3A_1274, %get3A_1275] {strides = array<i32>} : memref<80x128xf32, #tpu.memory_space<vmem>>, vector<16xf32>,
        %add3A_1277 = arith.addf %get3A_1273, %get3A_1276 : vector<16xf32>
        %get3A_1278 = arith.index_cast %add3A_1220 : i32 to index
        %get3A_1279 = arith.constant 48 : index
        %get3A_1280 = tpu.vector_load %arg16[%get3A_1278, %get3A_1279] {strides = array<i32>} : memref<80x128xf32, #tpu.memory_space<vmem>>, vector<16xf32>,
        %add3A_1281 = arith.addf %add3A_1277, %get3A_1280 : vector<16xf32>
        %mul3A_1282 = arith.constant 2.000000e-01 : f32
        %mul3A_1283 = vector.broadcast %mul3A_1282 : f32 to vector<16xf32>
        %mul3A_1284 = arith.mulf %mul3A_1283, %add3A_1281 : vector<16xf32>
        %max3A_1285 = arith.maximumf %add3A_1281, %mul3A_1284 : vector<16xf32>
        %mul3A_1286 = arith.mulf %max3A_1285, %get3A_32 : vector<16xf32>
        %add3A_1287 = arith.addf %add3A_1270, %mul3A_1286 : vector<16xf32>
        %swap3A_1288 = arith.constant 7 : i32
        %swap3A_1289 = arith.index_cast %swap3A_1288 : i32 to index
        %swap3A_1290 = arith.constant 0 : index
        %swap3A_1291 = tpu.vector_load %arg18[%swap3A_1289, %swap3A_1290] {strides = array<i32>} : memref<16x16xf32, #tpu.memory_space<vmem>>, vector<16xf32>,
        tpu.vector_store %arg18[%swap3A_1289, %swap3A_1290], %add3A_1287 {strides = array<i32>} : memref<16x16xf32, #tpu.memory_space<vmem>>, vector<16xf32>,
        %get3A_1292 = arith.index_cast %add3A_1220 : i32 to index
        %get3A_1293 = arith.constant 64 : index
        %get3A_1294 = tpu.vector_load %arg14[%get3A_1292, %get3A_1293] {strides = array<i32>} : memref<80x128xf32, #tpu.memory_space<vmem>>, vector<16xf32>,
        %get3A_1295 = arith.index_cast %add3A_1220 : i32 to index
        %get3A_1296 = arith.constant 64 : index
        %get3A_1297 = tpu.vector_load %arg15[%get3A_1295, %get3A_1296] {strides = array<i32>} : memref<80x128xf32, #tpu.memory_space<vmem>>, vector<16xf32>,
        %add3A_1298 = arith.addf %get3A_1294, %get3A_1297 : vector<16xf32>
        %get3A_1299 = arith.index_cast %add3A_1220 : i32 to index
        %get3A_1300 = arith.constant 64 : index
        %get3A_1301 = tpu.vector_load %arg16[%get3A_1299, %get3A_1300] {strides = array<i32>} : memref<80x128xf32, #tpu.memory_space<vmem>>, vector<16xf32>,
        %add3A_1302 = arith.addf %add3A_1298, %get3A_1301 : vector<16xf32>
        %mul3A_1303 = arith.constant 2.000000e-01 : f32
        %mul3A_1304 = vector.broadcast %mul3A_1303 : f32 to vector<16xf32>
        %mul3A_1305 = arith.mulf %mul3A_1304, %add3A_1302 : vector<16xf32>
        %max3A_1306 = arith.maximumf %add3A_1302, %mul3A_1305 : vector<16xf32>
        %mul3A_1307 = arith.mulf %max3A_1306, %get3A_38 : vector<16xf32>
        %get3A_1308 = arith.index_cast %add3A_1220 : i32 to index
        %get3A_1309 = arith.constant 80 : index
        %get3A_1310 = tpu.vector_load %arg14[%get3A_1308, %get3A_1309] {strides = array<i32>} : memref<80x128xf32, #tpu.memory_space<vmem>>, vector<16xf32>,
        %get3A_1311 = arith.index_cast %add3A_1220 : i32 to index
        %get3A_1312 = arith.constant 80 : index
        %get3A_1313 = tpu.vector_load %arg15[%get3A_1311, %get3A_1312] {strides = array<i32>} : memref<80x128xf32, #tpu.memory_space<vmem>>, vector<16xf32>,
        %add3A_1314 = arith.addf %get3A_1310, %get3A_1313 : vector<16xf32>
        %get3A_1315 = arith.index_cast %add3A_1220 : i32 to index
        %get3A_1316 = arith.constant 80 : index
        %get3A_1317 = tpu.vector_load %arg16[%get3A_1315, %get3A_1316] {strides = array<i32>} : memref<80x128xf32, #tpu.memory_space<vmem>>, vector<16xf32>,
        %add3A_1318 = arith.addf %add3A_1314, %get3A_1317 : vector<16xf32>
        %mul3A_1319 = arith.constant 2.000000e-01 : f32
        %mul3A_1320 = vector.broadcast %mul3A_1319 : f32 to vector<16xf32>
        %mul3A_1321 = arith.mulf %mul3A_1320, %add3A_1318 : vector<16xf32>
        %max3A_1322 = arith.maximumf %add3A_1318, %mul3A_1321 : vector<16xf32>
        %mul3A_1323 = arith.mulf %max3A_1322, %get3A_44 : vector<16xf32>
        %add3A_1324 = arith.addf %mul3A_1307, %mul3A_1323 : vector<16xf32>
        %get3A_1325 = arith.index_cast %add3A_1220 : i32 to index
        %get3A_1326 = arith.constant 96 : index
        %get3A_1327 = tpu.vector_load %arg14[%get3A_1325, %get3A_1326] {strides = array<i32>} : memref<80x128xf32, #tpu.memory_space<vmem>>, vector<16xf32>,
        %get3A_1328 = arith.index_cast %add3A_1220 : i32 to index
        %get3A_1329 = arith.constant 96 : index
        %get3A_1330 = tpu.vector_load %arg15[%get3A_1328, %get3A_1329] {strides = array<i32>} : memref<80x128xf32, #tpu.memory_space<vmem>>, vector<16xf32>,
        %add3A_1331 = arith.addf %get3A_1327, %get3A_1330 : vector<16xf32>
        %get3A_1332 = arith.index_cast %add3A_1220 : i32 to index
        %get3A_1333 = arith.constant 96 : index
        %get3A_1334 = tpu.vector_load %arg16[%get3A_1332, %get3A_1333] {strides = array<i32>} : memref<80x128xf32, #tpu.memory_space<vmem>>, vector<16xf32>,
        %add3A_1335 = arith.addf %add3A_1331, %get3A_1334 : vector<16xf32>
        %mul3A_1336 = arith.constant 2.000000e-01 : f32
        %mul3A_1337 = vector.broadcast %mul3A_1336 : f32 to vector<16xf32>
        %mul3A_1338 = arith.mulf %mul3A_1337, %add3A_1335 : vector<16xf32>
        %max3A_1339 = arith.maximumf %add3A_1335, %mul3A_1338 : vector<16xf32>
        %mul3A_1340 = arith.mulf %max3A_1339, %get3A_50 : vector<16xf32>
        %add3A_1341 = arith.addf %add3A_1324, %mul3A_1340 : vector<16xf32>
        %get3A_1342 = arith.index_cast %add3A_1220 : i32 to index
        %get3A_1343 = arith.constant 112 : index
        %get3A_1344 = tpu.vector_load %arg14[%get3A_1342, %get3A_1343] {strides = array<i32>} : memref<80x128xf32, #tpu.memory_space<vmem>>, vector<16xf32>,
        %get3A_1345 = arith.index_cast %add3A_1220 : i32 to index
        %get3A_1346 = arith.constant 112 : index
        %get3A_1347 = tpu.vector_load %arg15[%get3A_1345, %get3A_1346] {strides = array<i32>} : memref<80x128xf32, #tpu.memory_space<vmem>>, vector<16xf32>,
        %add3A_1348 = arith.addf %get3A_1344, %get3A_1347 : vector<16xf32>
        %get3A_1349 = arith.index_cast %add3A_1220 : i32 to index
        %get3A_1350 = arith.constant 112 : index
        %get3A_1351 = tpu.vector_load %arg16[%get3A_1349, %get3A_1350] {strides = array<i32>} : memref<80x128xf32, #tpu.memory_space<vmem>>, vector<16xf32>,
        %add3A_1352 = arith.addf %add3A_1348, %get3A_1351 : vector<16xf32>
        %mul3A_1353 = arith.constant 2.000000e-01 : f32
        %mul3A_1354 = vector.broadcast %mul3A_1353 : f32 to vector<16xf32>
        %mul3A_1355 = arith.mulf %mul3A_1354, %add3A_1352 : vector<16xf32>
        %max3A_1356 = arith.maximumf %add3A_1352, %mul3A_1355 : vector<16xf32>
        %mul3A_1357 = arith.mulf %max3A_1356, %get3A_56 : vector<16xf32>
        %add3A_1358 = arith.addf %add3A_1341, %mul3A_1357 : vector<16xf32>
        %swap3A_1359 = arith.constant 7 : i32
        %swap3A_1360 = arith.index_cast %swap3A_1359 : i32 to index
        %swap3A_1361 = arith.constant 0 : index
        %swap3A_1362 = tpu.vector_load %arg19[%swap3A_1360, %swap3A_1361] {strides = array<i32>} : memref<16x16xf32, #tpu.memory_space<vmem>>, vector<16xf32>,
        tpu.vector_store %arg19[%swap3A_1360, %swap3A_1361], %add3A_1358 {strides = array<i32>} : memref<16x16xf32, #tpu.memory_space<vmem>>, vector<16xf32>,
        %mul3A_1363 = arith.constant 16 : i32
        %mul3A_1364 = arith.muli %add3A_195, %mul3A_1363 : i32
        %add3A_1365 = arith.constant 8 : i32
        %add3A_1366 = arith.addi %mul3A_1364, %add3A_1365 : i32
        %get3A_1367 = arith.index_cast %add3A_1366 : i32 to index
        %get3A_1368 = arith.constant 0 : index
        %get3A_1369 = tpu.vector_load %arg14[%get3A_1367, %get3A_1368] {strides = array<i32>} : memref<80x128xf32, #tpu.memory_space<vmem>>, vector<16xf32>,
        %get3A_1370 = arith.index_cast %add3A_1366 : i32 to index
        %get3A_1371 = arith.constant 0 : index
        %get3A_1372 = tpu.vector_load %arg15[%get3A_1370, %get3A_1371] {strides = array<i32>} : memref<80x128xf32, #tpu.memory_space<vmem>>, vector<16xf32>,
        %add3A_1373 = arith.addf %get3A_1369, %get3A_1372 : vector<16xf32>
        %get3A_1374 = arith.index_cast %add3A_1366 : i32 to index
        %get3A_1375 = arith.constant 0 : index
        %get3A_1376 = tpu.vector_load %arg16[%get3A_1374, %get3A_1375] {strides = array<i32>} : memref<80x128xf32, #tpu.memory_space<vmem>>, vector<16xf32>,
        %add3A_1377 = arith.addf %add3A_1373, %get3A_1376 : vector<16xf32>
        %mul3A_1378 = arith.constant 2.000000e-01 : f32
        %mul3A_1379 = vector.broadcast %mul3A_1378 : f32 to vector<16xf32>
        %mul3A_1380 = arith.mulf %mul3A_1379, %add3A_1377 : vector<16xf32>
        %max3A_1381 = arith.maximumf %add3A_1377, %mul3A_1380 : vector<16xf32>
        %mul3A_1382 = arith.mulf %max3A_1381, %get3A_14 : vector<16xf32>
        %get3A_1383 = arith.index_cast %add3A_1366 : i32 to index
        %get3A_1384 = arith.constant 16 : index
        %get3A_1385 = tpu.vector_load %arg14[%get3A_1383, %get3A_1384] {strides = array<i32>} : memref<80x128xf32, #tpu.memory_space<vmem>>, vector<16xf32>,
        %get3A_1386 = arith.index_cast %add3A_1366 : i32 to index
        %get3A_1387 = arith.constant 16 : index
        %get3A_1388 = tpu.vector_load %arg15[%get3A_1386, %get3A_1387] {strides = array<i32>} : memref<80x128xf32, #tpu.memory_space<vmem>>, vector<16xf32>,
        %add3A_1389 = arith.addf %get3A_1385, %get3A_1388 : vector<16xf32>
        %get3A_1390 = arith.index_cast %add3A_1366 : i32 to index
        %get3A_1391 = arith.constant 16 : index
        %get3A_1392 = tpu.vector_load %arg16[%get3A_1390, %get3A_1391] {strides = array<i32>} : memref<80x128xf32, #tpu.memory_space<vmem>>, vector<16xf32>,
        %add3A_1393 = arith.addf %add3A_1389, %get3A_1392 : vector<16xf32>
        %mul3A_1394 = arith.constant 2.000000e-01 : f32
        %mul3A_1395 = vector.broadcast %mul3A_1394 : f32 to vector<16xf32>
        %mul3A_1396 = arith.mulf %mul3A_1395, %add3A_1393 : vector<16xf32>
        %max3A_1397 = arith.maximumf %add3A_1393, %mul3A_1396 : vector<16xf32>
        %mul3A_1398 = arith.mulf %max3A_1397, %get3A_20 : vector<16xf32>
        %add3A_1399 = arith.addf %mul3A_1382, %mul3A_1398 : vector<16xf32>
        %get3A_1400 = arith.index_cast %add3A_1366 : i32 to index
        %get3A_1401 = arith.constant 32 : index
        %get3A_1402 = tpu.vector_load %arg14[%get3A_1400, %get3A_1401] {strides = array<i32>} : memref<80x128xf32, #tpu.memory_space<vmem>>, vector<16xf32>,
        %get3A_1403 = arith.index_cast %add3A_1366 : i32 to index
        %get3A_1404 = arith.constant 32 : index
        %get3A_1405 = tpu.vector_load %arg15[%get3A_1403, %get3A_1404] {strides = array<i32>} : memref<80x128xf32, #tpu.memory_space<vmem>>, vector<16xf32>,
        %add3A_1406 = arith.addf %get3A_1402, %get3A_1405 : vector<16xf32>
        %get3A_1407 = arith.index_cast %add3A_1366 : i32 to index
        %get3A_1408 = arith.constant 32 : index
        %get3A_1409 = tpu.vector_load %arg16[%get3A_1407, %get3A_1408] {strides = array<i32>} : memref<80x128xf32, #tpu.memory_space<vmem>>, vector<16xf32>,
        %add3A_1410 = arith.addf %add3A_1406, %get3A_1409 : vector<16xf32>
        %mul3A_1411 = arith.constant 2.000000e-01 : f32
        %mul3A_1412 = vector.broadcast %mul3A_1411 : f32 to vector<16xf32>
        %mul3A_1413 = arith.mulf %mul3A_1412, %add3A_1410 : vector<16xf32>
        %max3A_1414 = arith.maximumf %add3A_1410, %mul3A_1413 : vector<16xf32>
        %mul3A_1415 = arith.mulf %max3A_1414, %get3A_26 : vector<16xf32>
        %add3A_1416 = arith.addf %add3A_1399, %mul3A_1415 : vector<16xf32>
        %get3A_1417 = arith.index_cast %add3A_1366 : i32 to index
        %get3A_1418 = arith.constant 48 : index
        %get3A_1419 = tpu.vector_load %arg14[%get3A_1417, %get3A_1418] {strides = array<i32>} : memref<80x128xf32, #tpu.memory_space<vmem>>, vector<16xf32>,
        %get3A_1420 = arith.index_cast %add3A_1366 : i32 to index
        %get3A_1421 = arith.constant 48 : index
        %get3A_1422 = tpu.vector_load %arg15[%get3A_1420, %get3A_1421] {strides = array<i32>} : memref<80x128xf32, #tpu.memory_space<vmem>>, vector<16xf32>,
        %add3A_1423 = arith.addf %get3A_1419, %get3A_1422 : vector<16xf32>
        %get3A_1424 = arith.index_cast %add3A_1366 : i32 to index
        %get3A_1425 = arith.constant 48 : index
        %get3A_1426 = tpu.vector_load %arg16[%get3A_1424, %get3A_1425] {strides = array<i32>} : memref<80x128xf32, #tpu.memory_space<vmem>>, vector<16xf32>,
        %add3A_1427 = arith.addf %add3A_1423, %get3A_1426 : vector<16xf32>
        %mul3A_1428 = arith.constant 2.000000e-01 : f32
        %mul3A_1429 = vector.broadcast %mul3A_1428 : f32 to vector<16xf32>
        %mul3A_1430 = arith.mulf %mul3A_1429, %add3A_1427 : vector<16xf32>
        %max3A_1431 = arith.maximumf %add3A_1427, %mul3A_1430 : vector<16xf32>
        %mul3A_1432 = arith.mulf %max3A_1431, %get3A_32 : vector<16xf32>
        %add3A_1433 = arith.addf %add3A_1416, %mul3A_1432 : vector<16xf32>
        %swap3A_1434 = arith.constant 8 : i32
        %swap3A_1435 = arith.index_cast %swap3A_1434 : i32 to index
        %swap3A_1436 = arith.constant 0 : index
        %swap3A_1437 = tpu.vector_load %arg18[%swap3A_1435, %swap3A_1436] {strides = array<i32>} : memref<16x16xf32, #tpu.memory_space<vmem>>, vector<16xf32>,
        tpu.vector_store %arg18[%swap3A_1435, %swap3A_1436], %add3A_1433 {strides = array<i32>} : memref<16x16xf32, #tpu.memory_space<vmem>>, vector<16xf32>,
        %get3A_1438 = arith.index_cast %add3A_1366 : i32 to index
        %get3A_1439 = arith.constant 64 : index
        %get3A_1440 = tpu.vector_load %arg14[%get3A_1438, %get3A_1439] {strides = array<i32>} : memref<80x128xf32, #tpu.memory_space<vmem>>, vector<16xf32>,
        %get3A_1441 = arith.index_cast %add3A_1366 : i32 to index
        %get3A_1442 = arith.constant 64 : index
        %get3A_1443 = tpu.vector_load %arg15[%get3A_1441, %get3A_1442] {strides = array<i32>} : memref<80x128xf32, #tpu.memory_space<vmem>>, vector<16xf32>,
        %add3A_1444 = arith.addf %get3A_1440, %get3A_1443 : vector<16xf32>
        %get3A_1445 = arith.index_cast %add3A_1366 : i32 to index
        %get3A_1446 = arith.constant 64 : index
        %get3A_1447 = tpu.vector_load %arg16[%get3A_1445, %get3A_1446] {strides = array<i32>} : memref<80x128xf32, #tpu.memory_space<vmem>>, vector<16xf32>,
        %add3A_1448 = arith.addf %add3A_1444, %get3A_1447 : vector<16xf32>
        %mul3A_1449 = arith.constant 2.000000e-01 : f32
        %mul3A_1450 = vector.broadcast %mul3A_1449 : f32 to vector<16xf32>
        %mul3A_1451 = arith.mulf %mul3A_1450, %add3A_1448 : vector<16xf32>
        %max3A_1452 = arith.maximumf %add3A_1448, %mul3A_1451 : vector<16xf32>
        %mul3A_1453 = arith.mulf %max3A_1452, %get3A_38 : vector<16xf32>
        %get3A_1454 = arith.index_cast %add3A_1366 : i32 to index
        %get3A_1455 = arith.constant 80 : index
        %get3A_1456 = tpu.vector_load %arg14[%get3A_1454, %get3A_1455] {strides = array<i32>} : memref<80x128xf32, #tpu.memory_space<vmem>>, vector<16xf32>,
        %get3A_1457 = arith.index_cast %add3A_1366 : i32 to index
        %get3A_1458 = arith.constant 80 : index
        %get3A_1459 = tpu.vector_load %arg15[%get3A_1457, %get3A_1458] {strides = array<i32>} : memref<80x128xf32, #tpu.memory_space<vmem>>, vector<16xf32>,
        %add3A_1460 = arith.addf %get3A_1456, %get3A_1459 : vector<16xf32>
        %get3A_1461 = arith.index_cast %add3A_1366 : i32 to index
        %get3A_1462 = arith.constant 80 : index
        %get3A_1463 = tpu.vector_load %arg16[%get3A_1461, %get3A_1462] {strides = array<i32>} : memref<80x128xf32, #tpu.memory_space<vmem>>, vector<16xf32>,
        %add3A_1464 = arith.addf %add3A_1460, %get3A_1463 : vector<16xf32>
        %mul3A_1465 = arith.constant 2.000000e-01 : f32
        %mul3A_1466 = vector.broadcast %mul3A_1465 : f32 to vector<16xf32>
        %mul3A_1467 = arith.mulf %mul3A_1466, %add3A_1464 : vector<16xf32>
        %max3A_1468 = arith.maximumf %add3A_1464, %mul3A_1467 : vector<16xf32>
        %mul3A_1469 = arith.mulf %max3A_1468, %get3A_44 : vector<16xf32>
        %add3A_1470 = arith.addf %mul3A_1453, %mul3A_1469 : vector<16xf32>
        %get3A_1471 = arith.index_cast %add3A_1366 : i32 to index
        %get3A_1472 = arith.constant 96 : index
        %get3A_1473 = tpu.vector_load %arg14[%get3A_1471, %get3A_1472] {strides = array<i32>} : memref<80x128xf32, #tpu.memory_space<vmem>>, vector<16xf32>,
        %get3A_1474 = arith.index_cast %add3A_1366 : i32 to index
        %get3A_1475 = arith.constant 96 : index
        %get3A_1476 = tpu.vector_load %arg15[%get3A_1474, %get3A_1475] {strides = array<i32>} : memref<80x128xf32, #tpu.memory_space<vmem>>, vector<16xf32>,
        %add3A_1477 = arith.addf %get3A_1473, %get3A_1476 : vector<16xf32>
        %get3A_1478 = arith.index_cast %add3A_1366 : i32 to index
        %get3A_1479 = arith.constant 96 : index
        %get3A_1480 = tpu.vector_load %arg16[%get3A_1478, %get3A_1479] {strides = array<i32>} : memref<80x128xf32, #tpu.memory_space<vmem>>, vector<16xf32>,
        %add3A_1481 = arith.addf %add3A_1477, %get3A_1480 : vector<16xf32>
        %mul3A_1482 = arith.constant 2.000000e-01 : f32
        %mul3A_1483 = vector.broadcast %mul3A_1482 : f32 to vector<16xf32>
        %mul3A_1484 = arith.mulf %mul3A_1483, %add3A_1481 : vector<16xf32>
        %max3A_1485 = arith.maximumf %add3A_1481, %mul3A_1484 : vector<16xf32>
        %mul3A_1486 = arith.mulf %max3A_1485, %get3A_50 : vector<16xf32>
        %add3A_1487 = arith.addf %add3A_1470, %mul3A_1486 : vector<16xf32>
        %get3A_1488 = arith.index_cast %add3A_1366 : i32 to index
        %get3A_1489 = arith.constant 112 : index
        %get3A_1490 = tpu.vector_load %arg14[%get3A_1488, %get3A_1489] {strides = array<i32>} : memref<80x128xf32, #tpu.memory_space<vmem>>, vector<16xf32>,
        %get3A_1491 = arith.index_cast %add3A_1366 : i32 to index
        %get3A_1492 = arith.constant 112 : index
        %get3A_1493 = tpu.vector_load %arg15[%get3A_1491, %get3A_1492] {strides = array<i32>} : memref<80x128xf32, #tpu.memory_space<vmem>>, vector<16xf32>,
        %add3A_1494 = arith.addf %get3A_1490, %get3A_1493 : vector<16xf32>
        %get3A_1495 = arith.index_cast %add3A_1366 : i32 to index
        %get3A_1496 = arith.constant 112 : index
        %get3A_1497 = tpu.vector_load %arg16[%get3A_1495, %get3A_1496] {strides = array<i32>} : memref<80x128xf32, #tpu.memory_space<vmem>>, vector<16xf32>,
        %add3A_1498 = arith.addf %add3A_1494, %get3A_1497 : vector<16xf32>
        %mul3A_1499 = arith.constant 2.000000e-01 : f32
        %mul3A_1500 = vector.broadcast %mul3A_1499 : f32 to vector<16xf32>
        %mul3A_1501 = arith.mulf %mul3A_1500, %add3A_1498 : vector<16xf32>
        %max3A_1502 = arith.maximumf %add3A_1498, %mul3A_1501 : vector<16xf32>
        %mul3A_1503 = arith.mulf %max3A_1502, %get3A_56 : vector<16xf32>
        %add3A_1504 = arith.addf %add3A_1487, %mul3A_1503 : vector<16xf32>
        %swap3A_1505 = arith.constant 8 : i32
        %swap3A_1506 = arith.index_cast %swap3A_1505 : i32 to index
        %swap3A_1507 = arith.constant 0 : index
        %swap3A_1508 = tpu.vector_load %arg19[%swap3A_1506, %swap3A_1507] {strides = array<i32>} : memref<16x16xf32, #tpu.memory_space<vmem>>, vector<16xf32>,
        tpu.vector_store %arg19[%swap3A_1506, %swap3A_1507], %add3A_1504 {strides = array<i32>} : memref<16x16xf32, #tpu.memory_space<vmem>>, vector<16xf32>,
        %mul3A_1509 = arith.constant 16 : i32
        %mul3A_1510 = arith.muli %add3A_195, %mul3A_1509 : i32
        %add3A_1511 = arith.constant 9 : i32
        %add3A_1512 = arith.addi %mul3A_1510, %add3A_1511 : i32
        %get3A_1513 = arith.index_cast %add3A_1512 : i32 to index
        %get3A_1514 = arith.constant 0 : index
        %get3A_1515 = tpu.vector_load %arg14[%get3A_1513, %get3A_1514] {strides = array<i32>} : memref<80x128xf32, #tpu.memory_space<vmem>>, vector<16xf32>,
        %get3A_1516 = arith.index_cast %add3A_1512 : i32 to index
        %get3A_1517 = arith.constant 0 : index
        %get3A_1518 = tpu.vector_load %arg15[%get3A_1516, %get3A_1517] {strides = array<i32>} : memref<80x128xf32, #tpu.memory_space<vmem>>, vector<16xf32>,
        %add3A_1519 = arith.addf %get3A_1515, %get3A_1518 : vector<16xf32>
        %get3A_1520 = arith.index_cast %add3A_1512 : i32 to index
        %get3A_1521 = arith.constant 0 : index
        %get3A_1522 = tpu.vector_load %arg16[%get3A_1520, %get3A_1521] {strides = array<i32>} : memref<80x128xf32, #tpu.memory_space<vmem>>, vector<16xf32>,
        %add3A_1523 = arith.addf %add3A_1519, %get3A_1522 : vector<16xf32>
        %mul3A_1524 = arith.constant 2.000000e-01 : f32
        %mul3A_1525 = vector.broadcast %mul3A_1524 : f32 to vector<16xf32>
        %mul3A_1526 = arith.mulf %mul3A_1525, %add3A_1523 : vector<16xf32>
        %max3A_1527 = arith.maximumf %add3A_1523, %mul3A_1526 : vector<16xf32>
        %mul3A_1528 = arith.mulf %max3A_1527, %get3A_14 : vector<16xf32>
        %get3A_1529 = arith.index_cast %add3A_1512 : i32 to index
        %get3A_1530 = arith.constant 16 : index
        %get3A_1531 = tpu.vector_load %arg14[%get3A_1529, %get3A_1530] {strides = array<i32>} : memref<80x128xf32, #tpu.memory_space<vmem>>, vector<16xf32>,
        %get3A_1532 = arith.index_cast %add3A_1512 : i32 to index
        %get3A_1533 = arith.constant 16 : index
        %get3A_1534 = tpu.vector_load %arg15[%get3A_1532, %get3A_1533] {strides = array<i32>} : memref<80x128xf32, #tpu.memory_space<vmem>>, vector<16xf32>,
        %add3A_1535 = arith.addf %get3A_1531, %get3A_1534 : vector<16xf32>
        %get3A_1536 = arith.index_cast %add3A_1512 : i32 to index
        %get3A_1537 = arith.constant 16 : index
        %get3A_1538 = tpu.vector_load %arg16[%get3A_1536, %get3A_1537] {strides = array<i32>} : memref<80x128xf32, #tpu.memory_space<vmem>>, vector<16xf32>,
        %add3A_1539 = arith.addf %add3A_1535, %get3A_1538 : vector<16xf32>
        %mul3A_1540 = arith.constant 2.000000e-01 : f32
        %mul3A_1541 = vector.broadcast %mul3A_1540 : f32 to vector<16xf32>
        %mul3A_1542 = arith.mulf %mul3A_1541, %add3A_1539 : vector<16xf32>
        %max3A_1543 = arith.maximumf %add3A_1539, %mul3A_1542 : vector<16xf32>
        %mul3A_1544 = arith.mulf %max3A_1543, %get3A_20 : vector<16xf32>
        %add3A_1545 = arith.addf %mul3A_1528, %mul3A_1544 : vector<16xf32>
        %get3A_1546 = arith.index_cast %add3A_1512 : i32 to index
        %get3A_1547 = arith.constant 32 : index
        %get3A_1548 = tpu.vector_load %arg14[%get3A_1546, %get3A_1547] {strides = array<i32>} : memref<80x128xf32, #tpu.memory_space<vmem>>, vector<16xf32>,
        %get3A_1549 = arith.index_cast %add3A_1512 : i32 to index
        %get3A_1550 = arith.constant 32 : index
        %get3A_1551 = tpu.vector_load %arg15[%get3A_1549, %get3A_1550] {strides = array<i32>} : memref<80x128xf32, #tpu.memory_space<vmem>>, vector<16xf32>,
        %add3A_1552 = arith.addf %get3A_1548, %get3A_1551 : vector<16xf32>
        %get3A_1553 = arith.index_cast %add3A_1512 : i32 to index
        %get3A_1554 = arith.constant 32 : index
        %get3A_1555 = tpu.vector_load %arg16[%get3A_1553, %get3A_1554] {strides = array<i32>} : memref<80x128xf32, #tpu.memory_space<vmem>>, vector<16xf32>,
        %add3A_1556 = arith.addf %add3A_1552, %get3A_1555 : vector<16xf32>
        %mul3A_1557 = arith.constant 2.000000e-01 : f32
        %mul3A_1558 = vector.broadcast %mul3A_1557 : f32 to vector<16xf32>
        %mul3A_1559 = arith.mulf %mul3A_1558, %add3A_1556 : vector<16xf32>
        %max3A_1560 = arith.maximumf %add3A_1556, %mul3A_1559 : vector<16xf32>
        %mul3A_1561 = arith.mulf %max3A_1560, %get3A_26 : vector<16xf32>
        %add3A_1562 = arith.addf %add3A_1545, %mul3A_1561 : vector<16xf32>
        %get3A_1563 = arith.index_cast %add3A_1512 : i32 to index
        %get3A_1564 = arith.constant 48 : index
        %get3A_1565 = tpu.vector_load %arg14[%get3A_1563, %get3A_1564] {strides = array<i32>} : memref<80x128xf32, #tpu.memory_space<vmem>>, vector<16xf32>,
        %get3A_1566 = arith.index_cast %add3A_1512 : i32 to index
        %get3A_1567 = arith.constant 48 : index
        %get3A_1568 = tpu.vector_load %arg15[%get3A_1566, %get3A_1567] {strides = array<i32>} : memref<80x128xf32, #tpu.memory_space<vmem>>, vector<16xf32>,
        %add3A_1569 = arith.addf %get3A_1565, %get3A_1568 : vector<16xf32>
        %get3A_1570 = arith.index_cast %add3A_1512 : i32 to index
        %get3A_1571 = arith.constant 48 : index
        %get3A_1572 = tpu.vector_load %arg16[%get3A_1570, %get3A_1571] {strides = array<i32>} : memref<80x128xf32, #tpu.memory_space<vmem>>, vector<16xf32>,
        %add3A_1573 = arith.addf %add3A_1569, %get3A_1572 : vector<16xf32>
        %mul3A_1574 = arith.constant 2.000000e-01 : f32
        %mul3A_1575 = vector.broadcast %mul3A_1574 : f32 to vector<16xf32>
        %mul3A_1576 = arith.mulf %mul3A_1575, %add3A_1573 : vector<16xf32>
        %max3A_1577 = arith.maximumf %add3A_1573, %mul3A_1576 : vector<16xf32>
        %mul3A_1578 = arith.mulf %max3A_1577, %get3A_32 : vector<16xf32>
        %add3A_1579 = arith.addf %add3A_1562, %mul3A_1578 : vector<16xf32>
        %swap3A_1580 = arith.constant 9 : i32
        %swap3A_1581 = arith.index_cast %swap3A_1580 : i32 to index
        %swap3A_1582 = arith.constant 0 : index
        %swap3A_1583 = tpu.vector_load %arg18[%swap3A_1581, %swap3A_1582] {strides = array<i32>} : memref<16x16xf32, #tpu.memory_space<vmem>>, vector<16xf32>,
        tpu.vector_store %arg18[%swap3A_1581, %swap3A_1582], %add3A_1579 {strides = array<i32>} : memref<16x16xf32, #tpu.memory_space<vmem>>, vector<16xf32>,
        %get3A_1584 = arith.index_cast %add3A_1512 : i32 to index
        %get3A_1585 = arith.constant 64 : index
        %get3A_1586 = tpu.vector_load %arg14[%get3A_1584, %get3A_1585] {strides = array<i32>} : memref<80x128xf32, #tpu.memory_space<vmem>>, vector<16xf32>,
        %get3A_1587 = arith.index_cast %add3A_1512 : i32 to index
        %get3A_1588 = arith.constant 64 : index
        %get3A_1589 = tpu.vector_load %arg15[%get3A_1587, %get3A_1588] {strides = array<i32>} : memref<80x128xf32, #tpu.memory_space<vmem>>, vector<16xf32>,
        %add3A_1590 = arith.addf %get3A_1586, %get3A_1589 : vector<16xf32>
        %get3A_1591 = arith.index_cast %add3A_1512 : i32 to index
        %get3A_1592 = arith.constant 64 : index
        %get3A_1593 = tpu.vector_load %arg16[%get3A_1591, %get3A_1592] {strides = array<i32>} : memref<80x128xf32, #tpu.memory_space<vmem>>, vector<16xf32>,
        %add3A_1594 = arith.addf %add3A_1590, %get3A_1593 : vector<16xf32>
        %mul3A_1595 = arith.constant 2.000000e-01 : f32
        %mul3A_1596 = vector.broadcast %mul3A_1595 : f32 to vector<16xf32>
        %mul3A_1597 = arith.mulf %mul3A_1596, %add3A_1594 : vector<16xf32>
        %max3A_1598 = arith.maximumf %add3A_1594, %mul3A_1597 : vector<16xf32>
        %mul3A_1599 = arith.mulf %max3A_1598, %get3A_38 : vector<16xf32>
        %get3A_1600 = arith.index_cast %add3A_1512 : i32 to index
        %get3A_1601 = arith.constant 80 : index
        %get3A_1602 = tpu.vector_load %arg14[%get3A_1600, %get3A_1601] {strides = array<i32>} : memref<80x128xf32, #tpu.memory_space<vmem>>, vector<16xf32>,
        %get3A_1603 = arith.index_cast %add3A_1512 : i32 to index
        %get3A_1604 = arith.constant 80 : index
        %get3A_1605 = tpu.vector_load %arg15[%get3A_1603, %get3A_1604] {strides = array<i32>} : memref<80x128xf32, #tpu.memory_space<vmem>>, vector<16xf32>,
        %add3A_1606 = arith.addf %get3A_1602, %get3A_1605 : vector<16xf32>
        %get3A_1607 = arith.index_cast %add3A_1512 : i32 to index
        %get3A_1608 = arith.constant 80 : index
        %get3A_1609 = tpu.vector_load %arg16[%get3A_1607, %get3A_1608] {strides = array<i32>} : memref<80x128xf32, #tpu.memory_space<vmem>>, vector<16xf32>,
        %add3A_1610 = arith.addf %add3A_1606, %get3A_1609 : vector<16xf32>
        %mul3A_1611 = arith.constant 2.000000e-01 : f32
        %mul3A_1612 = vector.broadcast %mul3A_1611 : f32 to vector<16xf32>
        %mul3A_1613 = arith.mulf %mul3A_1612, %add3A_1610 : vector<16xf32>
        %max3A_1614 = arith.maximumf %add3A_1610, %mul3A_1613 : vector<16xf32>
        %mul3A_1615 = arith.mulf %max3A_1614, %get3A_44 : vector<16xf32>
        %add3A_1616 = arith.addf %mul3A_1599, %mul3A_1615 : vector<16xf32>
        %get3A_1617 = arith.index_cast %add3A_1512 : i32 to index
        %get3A_1618 = arith.constant 96 : index
        %get3A_1619 = tpu.vector_load %arg14[%get3A_1617, %get3A_1618] {strides = array<i32>} : memref<80x128xf32, #tpu.memory_space<vmem>>, vector<16xf32>,
        %get3A_1620 = arith.index_cast %add3A_1512 : i32 to index
        %get3A_1621 = arith.constant 96 : index
        %get3A_1622 = tpu.vector_load %arg15[%get3A_1620, %get3A_1621] {strides = array<i32>} : memref<80x128xf32, #tpu.memory_space<vmem>>, vector<16xf32>,
        %add3A_1623 = arith.addf %get3A_1619, %get3A_1622 : vector<16xf32>
        %get3A_1624 = arith.index_cast %add3A_1512 : i32 to index
        %get3A_1625 = arith.constant 96 : index
        %get3A_1626 = tpu.vector_load %arg16[%get3A_1624, %get3A_1625] {strides = array<i32>} : memref<80x128xf32, #tpu.memory_space<vmem>>, vector<16xf32>,
        %add3A_1627 = arith.addf %add3A_1623, %get3A_1626 : vector<16xf32>
        %mul3A_1628 = arith.constant 2.000000e-01 : f32
        %mul3A_1629 = vector.broadcast %mul3A_1628 : f32 to vector<16xf32>
        %mul3A_1630 = arith.mulf %mul3A_1629, %add3A_1627 : vector<16xf32>
        %max3A_1631 = arith.maximumf %add3A_1627, %mul3A_1630 : vector<16xf32>
        %mul3A_1632 = arith.mulf %max3A_1631, %get3A_50 : vector<16xf32>
        %add3A_1633 = arith.addf %add3A_1616, %mul3A_1632 : vector<16xf32>
        %get3A_1634 = arith.index_cast %add3A_1512 : i32 to index
        %get3A_1635 = arith.constant 112 : index
        %get3A_1636 = tpu.vector_load %arg14[%get3A_1634, %get3A_1635] {strides = array<i32>} : memref<80x128xf32, #tpu.memory_space<vmem>>, vector<16xf32>,
        %get3A_1637 = arith.index_cast %add3A_1512 : i32 to index
        %get3A_1638 = arith.constant 112 : index
        %get3A_1639 = tpu.vector_load %arg15[%get3A_1637, %get3A_1638] {strides = array<i32>} : memref<80x128xf32, #tpu.memory_space<vmem>>, vector<16xf32>,
        %add3A_1640 = arith.addf %get3A_1636, %get3A_1639 : vector<16xf32>
        %get3A_1641 = arith.index_cast %add3A_1512 : i32 to index
        %get3A_1642 = arith.constant 112 : index
        %get3A_1643 = tpu.vector_load %arg16[%get3A_1641, %get3A_1642] {strides = array<i32>} : memref<80x128xf32, #tpu.memory_space<vmem>>, vector<16xf32>,
        %add3A_1644 = arith.addf %add3A_1640, %get3A_1643 : vector<16xf32>
        %mul3A_1645 = arith.constant 2.000000e-01 : f32
        %mul3A_1646 = vector.broadcast %mul3A_1645 : f32 to vector<16xf32>
        %mul3A_1647 = arith.mulf %mul3A_1646, %add3A_1644 : vector<16xf32>
        %max3A_1648 = arith.maximumf %add3A_1644, %mul3A_1647 : vector<16xf32>
        %mul3A_1649 = arith.mulf %max3A_1648, %get3A_56 : vector<16xf32>
        %add3A_1650 = arith.addf %add3A_1633, %mul3A_1649 : vector<16xf32>
        %swap3A_1651 = arith.constant 9 : i32
        %swap3A_1652 = arith.index_cast %swap3A_1651 : i32 to index
        %swap3A_1653 = arith.constant 0 : index
        %swap3A_1654 = tpu.vector_load %arg19[%swap3A_1652, %swap3A_1653] {strides = array<i32>} : memref<16x16xf32, #tpu.memory_space<vmem>>, vector<16xf32>,
        tpu.vector_store %arg19[%swap3A_1652, %swap3A_1653], %add3A_1650 {strides = array<i32>} : memref<16x16xf32, #tpu.memory_space<vmem>>, vector<16xf32>,
        %mul3A_1655 = arith.constant 16 : i32
        %mul3A_1656 = arith.muli %add3A_195, %mul3A_1655 : i32
        %add3A_1657 = arith.constant 10 : i32
        %add3A_1658 = arith.addi %mul3A_1656, %add3A_1657 : i32
        %get3A_1659 = arith.index_cast %add3A_1658 : i32 to index
        %get3A_1660 = arith.constant 0 : index
        %get3A_1661 = tpu.vector_load %arg14[%get3A_1659, %get3A_1660] {strides = array<i32>} : memref<80x128xf32, #tpu.memory_space<vmem>>, vector<16xf32>,
        %get3A_1662 = arith.index_cast %add3A_1658 : i32 to index
        %get3A_1663 = arith.constant 0 : index
        %get3A_1664 = tpu.vector_load %arg15[%get3A_1662, %get3A_1663] {strides = array<i32>} : memref<80x128xf32, #tpu.memory_space<vmem>>, vector<16xf32>,
        %add3A_1665 = arith.addf %get3A_1661, %get3A_1664 : vector<16xf32>
        %get3A_1666 = arith.index_cast %add3A_1658 : i32 to index
        %get3A_1667 = arith.constant 0 : index
        %get3A_1668 = tpu.vector_load %arg16[%get3A_1666, %get3A_1667] {strides = array<i32>} : memref<80x128xf32, #tpu.memory_space<vmem>>, vector<16xf32>,
        %add3A_1669 = arith.addf %add3A_1665, %get3A_1668 : vector<16xf32>
        %mul3A_1670 = arith.constant 2.000000e-01 : f32
        %mul3A_1671 = vector.broadcast %mul3A_1670 : f32 to vector<16xf32>
        %mul3A_1672 = arith.mulf %mul3A_1671, %add3A_1669 : vector<16xf32>
        %max3A_1673 = arith.maximumf %add3A_1669, %mul3A_1672 : vector<16xf32>
        %mul3A_1674 = arith.mulf %max3A_1673, %get3A_14 : vector<16xf32>
        %get3A_1675 = arith.index_cast %add3A_1658 : i32 to index
        %get3A_1676 = arith.constant 16 : index
        %get3A_1677 = tpu.vector_load %arg14[%get3A_1675, %get3A_1676] {strides = array<i32>} : memref<80x128xf32, #tpu.memory_space<vmem>>, vector<16xf32>,
        %get3A_1678 = arith.index_cast %add3A_1658 : i32 to index
        %get3A_1679 = arith.constant 16 : index
        %get3A_1680 = tpu.vector_load %arg15[%get3A_1678, %get3A_1679] {strides = array<i32>} : memref<80x128xf32, #tpu.memory_space<vmem>>, vector<16xf32>,
        %add3A_1681 = arith.addf %get3A_1677, %get3A_1680 : vector<16xf32>
        %get3A_1682 = arith.index_cast %add3A_1658 : i32 to index
        %get3A_1683 = arith.constant 16 : index
        %get3A_1684 = tpu.vector_load %arg16[%get3A_1682, %get3A_1683] {strides = array<i32>} : memref<80x128xf32, #tpu.memory_space<vmem>>, vector<16xf32>,
        %add3A_1685 = arith.addf %add3A_1681, %get3A_1684 : vector<16xf32>
        %mul3A_1686 = arith.constant 2.000000e-01 : f32
        %mul3A_1687 = vector.broadcast %mul3A_1686 : f32 to vector<16xf32>
        %mul3A_1688 = arith.mulf %mul3A_1687, %add3A_1685 : vector<16xf32>
        %max3A_1689 = arith.maximumf %add3A_1685, %mul3A_1688 : vector<16xf32>
        %mul3A_1690 = arith.mulf %max3A_1689, %get3A_20 : vector<16xf32>
        %add3A_1691 = arith.addf %mul3A_1674, %mul3A_1690 : vector<16xf32>
        %get3A_1692 = arith.index_cast %add3A_1658 : i32 to index
        %get3A_1693 = arith.constant 32 : index
        %get3A_1694 = tpu.vector_load %arg14[%get3A_1692, %get3A_1693] {strides = array<i32>} : memref<80x128xf32, #tpu.memory_space<vmem>>, vector<16xf32>,
        %get3A_1695 = arith.index_cast %add3A_1658 : i32 to index
        %get3A_1696 = arith.constant 32 : index
        %get3A_1697 = tpu.vector_load %arg15[%get3A_1695, %get3A_1696] {strides = array<i32>} : memref<80x128xf32, #tpu.memory_space<vmem>>, vector<16xf32>,
        %add3A_1698 = arith.addf %get3A_1694, %get3A_1697 : vector<16xf32>
        %get3A_1699 = arith.index_cast %add3A_1658 : i32 to index
        %get3A_1700 = arith.constant 32 : index
        %get3A_1701 = tpu.vector_load %arg16[%get3A_1699, %get3A_1700] {strides = array<i32>} : memref<80x128xf32, #tpu.memory_space<vmem>>, vector<16xf32>,
        %add3A_1702 = arith.addf %add3A_1698, %get3A_1701 : vector<16xf32>
        %mul3A_1703 = arith.constant 2.000000e-01 : f32
        %mul3A_1704 = vector.broadcast %mul3A_1703 : f32 to vector<16xf32>
        %mul3A_1705 = arith.mulf %mul3A_1704, %add3A_1702 : vector<16xf32>
        %max3A_1706 = arith.maximumf %add3A_1702, %mul3A_1705 : vector<16xf32>
        %mul3A_1707 = arith.mulf %max3A_1706, %get3A_26 : vector<16xf32>
        %add3A_1708 = arith.addf %add3A_1691, %mul3A_1707 : vector<16xf32>
        %get3A_1709 = arith.index_cast %add3A_1658 : i32 to index
        %get3A_1710 = arith.constant 48 : index
        %get3A_1711 = tpu.vector_load %arg14[%get3A_1709, %get3A_1710] {strides = array<i32>} : memref<80x128xf32, #tpu.memory_space<vmem>>, vector<16xf32>,
        %get3A_1712 = arith.index_cast %add3A_1658 : i32 to index
        %get3A_1713 = arith.constant 48 : index
        %get3A_1714 = tpu.vector_load %arg15[%get3A_1712, %get3A_1713] {strides = array<i32>} : memref<80x128xf32, #tpu.memory_space<vmem>>, vector<16xf32>,
        %add3A_1715 = arith.addf %get3A_1711, %get3A_1714 : vector<16xf32>
        %get3A_1716 = arith.index_cast %add3A_1658 : i32 to index
        %get3A_1717 = arith.constant 48 : index
        %get3A_1718 = tpu.vector_load %arg16[%get3A_1716, %get3A_1717] {strides = array<i32>} : memref<80x128xf32, #tpu.memory_space<vmem>>, vector<16xf32>,
        %add3A_1719 = arith.addf %add3A_1715, %get3A_1718 : vector<16xf32>
        %mul3A_1720 = arith.constant 2.000000e-01 : f32
        %mul3A_1721 = vector.broadcast %mul3A_1720 : f32 to vector<16xf32>
        %mul3A_1722 = arith.mulf %mul3A_1721, %add3A_1719 : vector<16xf32>
        %max3A_1723 = arith.maximumf %add3A_1719, %mul3A_1722 : vector<16xf32>
        %mul3A_1724 = arith.mulf %max3A_1723, %get3A_32 : vector<16xf32>
        %add3A_1725 = arith.addf %add3A_1708, %mul3A_1724 : vector<16xf32>
        %swap3A_1726 = arith.constant 10 : i32
        %swap3A_1727 = arith.index_cast %swap3A_1726 : i32 to index
        %swap3A_1728 = arith.constant 0 : index
        %swap3A_1729 = tpu.vector_load %arg18[%swap3A_1727, %swap3A_1728] {strides = array<i32>} : memref<16x16xf32, #tpu.memory_space<vmem>>, vector<16xf32>,
        tpu.vector_store %arg18[%swap3A_1727, %swap3A_1728], %add3A_1725 {strides = array<i32>} : memref<16x16xf32, #tpu.memory_space<vmem>>, vector<16xf32>,
        %get3A_1730 = arith.index_cast %add3A_1658 : i32 to index
        %get3A_1731 = arith.constant 64 : index
        %get3A_1732 = tpu.vector_load %arg14[%get3A_1730, %get3A_1731] {strides = array<i32>} : memref<80x128xf32, #tpu.memory_space<vmem>>, vector<16xf32>,
        %get3A_1733 = arith.index_cast %add3A_1658 : i32 to index
        %get3A_1734 = arith.constant 64 : index
        %get3A_1735 = tpu.vector_load %arg15[%get3A_1733, %get3A_1734] {strides = array<i32>} : memref<80x128xf32, #tpu.memory_space<vmem>>, vector<16xf32>,
        %add3A_1736 = arith.addf %get3A_1732, %get3A_1735 : vector<16xf32>
        %get3A_1737 = arith.index_cast %add3A_1658 : i32 to index
        %get3A_1738 = arith.constant 64 : index
        %get3A_1739 = tpu.vector_load %arg16[%get3A_1737, %get3A_1738] {strides = array<i32>} : memref<80x128xf32, #tpu.memory_space<vmem>>, vector<16xf32>,
        %add3A_1740 = arith.addf %add3A_1736, %get3A_1739 : vector<16xf32>
        %mul3A_1741 = arith.constant 2.000000e-01 : f32
        %mul3A_1742 = vector.broadcast %mul3A_1741 : f32 to vector<16xf32>
        %mul3A_1743 = arith.mulf %mul3A_1742, %add3A_1740 : vector<16xf32>
        %max3A_1744 = arith.maximumf %add3A_1740, %mul3A_1743 : vector<16xf32>
        %mul3A_1745 = arith.mulf %max3A_1744, %get3A_38 : vector<16xf32>
        %get3A_1746 = arith.index_cast %add3A_1658 : i32 to index
        %get3A_1747 = arith.constant 80 : index
        %get3A_1748 = tpu.vector_load %arg14[%get3A_1746, %get3A_1747] {strides = array<i32>} : memref<80x128xf32, #tpu.memory_space<vmem>>, vector<16xf32>,
        %get3A_1749 = arith.index_cast %add3A_1658 : i32 to index
        %get3A_1750 = arith.constant 80 : index
        %get3A_1751 = tpu.vector_load %arg15[%get3A_1749, %get3A_1750] {strides = array<i32>} : memref<80x128xf32, #tpu.memory_space<vmem>>, vector<16xf32>,
        %add3A_1752 = arith.addf %get3A_1748, %get3A_1751 : vector<16xf32>
        %get3A_1753 = arith.index_cast %add3A_1658 : i32 to index
        %get3A_1754 = arith.constant 80 : index
        %get3A_1755 = tpu.vector_load %arg16[%get3A_1753, %get3A_1754] {strides = array<i32>} : memref<80x128xf32, #tpu.memory_space<vmem>>, vector<16xf32>,
        %add3A_1756 = arith.addf %add3A_1752, %get3A_1755 : vector<16xf32>
        %mul3A_1757 = arith.constant 2.000000e-01 : f32
        %mul3A_1758 = vector.broadcast %mul3A_1757 : f32 to vector<16xf32>
        %mul3A_1759 = arith.mulf %mul3A_1758, %add3A_1756 : vector<16xf32>
        %max3A_1760 = arith.maximumf %add3A_1756, %mul3A_1759 : vector<16xf32>
        %mul3A_1761 = arith.mulf %max3A_1760, %get3A_44 : vector<16xf32>
        %add3A_1762 = arith.addf %mul3A_1745, %mul3A_1761 : vector<16xf32>
        %get3A_1763 = arith.index_cast %add3A_1658 : i32 to index
        %get3A_1764 = arith.constant 96 : index
        %get3A_1765 = tpu.vector_load %arg14[%get3A_1763, %get3A_1764] {strides = array<i32>} : memref<80x128xf32, #tpu.memory_space<vmem>>, vector<16xf32>,
        %get3A_1766 = arith.index_cast %add3A_1658 : i32 to index
        %get3A_1767 = arith.constant 96 : index
        %get3A_1768 = tpu.vector_load %arg15[%get3A_1766, %get3A_1767] {strides = array<i32>} : memref<80x128xf32, #tpu.memory_space<vmem>>, vector<16xf32>,
        %add3A_1769 = arith.addf %get3A_1765, %get3A_1768 : vector<16xf32>
        %get3A_1770 = arith.index_cast %add3A_1658 : i32 to index
        %get3A_1771 = arith.constant 96 : index
        %get3A_1772 = tpu.vector_load %arg16[%get3A_1770, %get3A_1771] {strides = array<i32>} : memref<80x128xf32, #tpu.memory_space<vmem>>, vector<16xf32>,
        %add3A_1773 = arith.addf %add3A_1769, %get3A_1772 : vector<16xf32>
        %mul3A_1774 = arith.constant 2.000000e-01 : f32
        %mul3A_1775 = vector.broadcast %mul3A_1774 : f32 to vector<16xf32>
        %mul3A_1776 = arith.mulf %mul3A_1775, %add3A_1773 : vector<16xf32>
        %max3A_1777 = arith.maximumf %add3A_1773, %mul3A_1776 : vector<16xf32>
        %mul3A_1778 = arith.mulf %max3A_1777, %get3A_50 : vector<16xf32>
        %add3A_1779 = arith.addf %add3A_1762, %mul3A_1778 : vector<16xf32>
        %get3A_1780 = arith.index_cast %add3A_1658 : i32 to index
        %get3A_1781 = arith.constant 112 : index
        %get3A_1782 = tpu.vector_load %arg14[%get3A_1780, %get3A_1781] {strides = array<i32>} : memref<80x128xf32, #tpu.memory_space<vmem>>, vector<16xf32>,
        %get3A_1783 = arith.index_cast %add3A_1658 : i32 to index
        %get3A_1784 = arith.constant 112 : index
        %get3A_1785 = tpu.vector_load %arg15[%get3A_1783, %get3A_1784] {strides = array<i32>} : memref<80x128xf32, #tpu.memory_space<vmem>>, vector<16xf32>,
        %add3A_1786 = arith.addf %get3A_1782, %get3A_1785 : vector<16xf32>
        %get3A_1787 = arith.index_cast %add3A_1658 : i32 to index
        %get3A_1788 = arith.constant 112 : index
        %get3A_1789 = tpu.vector_load %arg16[%get3A_1787, %get3A_1788] {strides = array<i32>} : memref<80x128xf32, #tpu.memory_space<vmem>>, vector<16xf32>,
        %add3A_1790 = arith.addf %add3A_1786, %get3A_1789 : vector<16xf32>
        %mul3A_1791 = arith.constant 2.000000e-01 : f32
        %mul3A_1792 = vector.broadcast %mul3A_1791 : f32 to vector<16xf32>
        %mul3A_1793 = arith.mulf %mul3A_1792, %add3A_1790 : vector<16xf32>
        %max3A_1794 = arith.maximumf %add3A_1790, %mul3A_1793 : vector<16xf32>
        %mul3A_1795 = arith.mulf %max3A_1794, %get3A_56 : vector<16xf32>
        %add3A_1796 = arith.addf %add3A_1779, %mul3A_1795 : vector<16xf32>
        %swap3A_1797 = arith.constant 10 : i32
        %swap3A_1798 = arith.index_cast %swap3A_1797 : i32 to index
        %swap3A_1799 = arith.constant 0 : index
        %swap3A_1800 = tpu.vector_load %arg19[%swap3A_1798, %swap3A_1799] {strides = array<i32>} : memref<16x16xf32, #tpu.memory_space<vmem>>, vector<16xf32>,
        tpu.vector_store %arg19[%swap3A_1798, %swap3A_1799], %add3A_1796 {strides = array<i32>} : memref<16x16xf32, #tpu.memory_space<vmem>>, vector<16xf32>,
        %mul3A_1801 = arith.constant 16 : i32
        %mul3A_1802 = arith.muli %add3A_195, %mul3A_1801 : i32
        %add3A_1803 = arith.constant 11 : i32
        %add3A_1804 = arith.addi %mul3A_1802, %add3A_1803 : i32
        %get3A_1805 = arith.index_cast %add3A_1804 : i32 to index
        %get3A_1806 = arith.constant 0 : index
        %get3A_1807 = tpu.vector_load %arg14[%get3A_1805, %get3A_1806] {strides = array<i32>} : memref<80x128xf32, #tpu.memory_space<vmem>>, vector<16xf32>,
        %get3A_1808 = arith.index_cast %add3A_1804 : i32 to index
        %get3A_1809 = arith.constant 0 : index
        %get3A_1810 = tpu.vector_load %arg15[%get3A_1808, %get3A_1809] {strides = array<i32>} : memref<80x128xf32, #tpu.memory_space<vmem>>, vector<16xf32>,
        %add3A_1811 = arith.addf %get3A_1807, %get3A_1810 : vector<16xf32>
        %get3A_1812 = arith.index_cast %add3A_1804 : i32 to index
        %get3A_1813 = arith.constant 0 : index
        %get3A_1814 = tpu.vector_load %arg16[%get3A_1812, %get3A_1813] {strides = array<i32>} : memref<80x128xf32, #tpu.memory_space<vmem>>, vector<16xf32>,
        %add3A_1815 = arith.addf %add3A_1811, %get3A_1814 : vector<16xf32>
        %mul3A_1816 = arith.constant 2.000000e-01 : f32
        %mul3A_1817 = vector.broadcast %mul3A_1816 : f32 to vector<16xf32>
        %mul3A_1818 = arith.mulf %mul3A_1817, %add3A_1815 : vector<16xf32>
        %max3A_1819 = arith.maximumf %add3A_1815, %mul3A_1818 : vector<16xf32>
        %mul3A_1820 = arith.mulf %max3A_1819, %get3A_14 : vector<16xf32>
        %get3A_1821 = arith.index_cast %add3A_1804 : i32 to index
        %get3A_1822 = arith.constant 16 : index
        %get3A_1823 = tpu.vector_load %arg14[%get3A_1821, %get3A_1822] {strides = array<i32>} : memref<80x128xf32, #tpu.memory_space<vmem>>, vector<16xf32>,
        %get3A_1824 = arith.index_cast %add3A_1804 : i32 to index
        %get3A_1825 = arith.constant 16 : index
        %get3A_1826 = tpu.vector_load %arg15[%get3A_1824, %get3A_1825] {strides = array<i32>} : memref<80x128xf32, #tpu.memory_space<vmem>>, vector<16xf32>,
        %add3A_1827 = arith.addf %get3A_1823, %get3A_1826 : vector<16xf32>
        %get3A_1828 = arith.index_cast %add3A_1804 : i32 to index
        %get3A_1829 = arith.constant 16 : index
        %get3A_1830 = tpu.vector_load %arg16[%get3A_1828, %get3A_1829] {strides = array<i32>} : memref<80x128xf32, #tpu.memory_space<vmem>>, vector<16xf32>,
        %add3A_1831 = arith.addf %add3A_1827, %get3A_1830 : vector<16xf32>
        %mul3A_1832 = arith.constant 2.000000e-01 : f32
        %mul3A_1833 = vector.broadcast %mul3A_1832 : f32 to vector<16xf32>
        %mul3A_1834 = arith.mulf %mul3A_1833, %add3A_1831 : vector<16xf32>
        %max3A_1835 = arith.maximumf %add3A_1831, %mul3A_1834 : vector<16xf32>
        %mul3A_1836 = arith.mulf %max3A_1835, %get3A_20 : vector<16xf32>
        %add3A_1837 = arith.addf %mul3A_1820, %mul3A_1836 : vector<16xf32>
        %get3A_1838 = arith.index_cast %add3A_1804 : i32 to index
        %get3A_1839 = arith.constant 32 : index
        %get3A_1840 = tpu.vector_load %arg14[%get3A_1838, %get3A_1839] {strides = array<i32>} : memref<80x128xf32, #tpu.memory_space<vmem>>, vector<16xf32>,
        %get3A_1841 = arith.index_cast %add3A_1804 : i32 to index
        %get3A_1842 = arith.constant 32 : index
        %get3A_1843 = tpu.vector_load %arg15[%get3A_1841, %get3A_1842] {strides = array<i32>} : memref<80x128xf32, #tpu.memory_space<vmem>>, vector<16xf32>,
        %add3A_1844 = arith.addf %get3A_1840, %get3A_1843 : vector<16xf32>
        %get3A_1845 = arith.index_cast %add3A_1804 : i32 to index
        %get3A_1846 = arith.constant 32 : index
        %get3A_1847 = tpu.vector_load %arg16[%get3A_1845, %get3A_1846] {strides = array<i32>} : memref<80x128xf32, #tpu.memory_space<vmem>>, vector<16xf32>,
        %add3A_1848 = arith.addf %add3A_1844, %get3A_1847 : vector<16xf32>
        %mul3A_1849 = arith.constant 2.000000e-01 : f32
        %mul3A_1850 = vector.broadcast %mul3A_1849 : f32 to vector<16xf32>
        %mul3A_1851 = arith.mulf %mul3A_1850, %add3A_1848 : vector<16xf32>
        %max3A_1852 = arith.maximumf %add3A_1848, %mul3A_1851 : vector<16xf32>
        %mul3A_1853 = arith.mulf %max3A_1852, %get3A_26 : vector<16xf32>
        %add3A_1854 = arith.addf %add3A_1837, %mul3A_1853 : vector<16xf32>
        %get3A_1855 = arith.index_cast %add3A_1804 : i32 to index
        %get3A_1856 = arith.constant 48 : index
        %get3A_1857 = tpu.vector_load %arg14[%get3A_1855, %get3A_1856] {strides = array<i32>} : memref<80x128xf32, #tpu.memory_space<vmem>>, vector<16xf32>,
        %get3A_1858 = arith.index_cast %add3A_1804 : i32 to index
        %get3A_1859 = arith.constant 48 : index
        %get3A_1860 = tpu.vector_load %arg15[%get3A_1858, %get3A_1859] {strides = array<i32>} : memref<80x128xf32, #tpu.memory_space<vmem>>, vector<16xf32>,
        %add3A_1861 = arith.addf %get3A_1857, %get3A_1860 : vector<16xf32>
        %get3A_1862 = arith.index_cast %add3A_1804 : i32 to index
        %get3A_1863 = arith.constant 48 : index
        %get3A_1864 = tpu.vector_load %arg16[%get3A_1862, %get3A_1863] {strides = array<i32>} : memref<80x128xf32, #tpu.memory_space<vmem>>, vector<16xf32>,
        %add3A_1865 = arith.addf %add3A_1861, %get3A_1864 : vector<16xf32>
        %mul3A_1866 = arith.constant 2.000000e-01 : f32
        %mul3A_1867 = vector.broadcast %mul3A_1866 : f32 to vector<16xf32>
        %mul3A_1868 = arith.mulf %mul3A_1867, %add3A_1865 : vector<16xf32>
        %max3A_1869 = arith.maximumf %add3A_1865, %mul3A_1868 : vector<16xf32>
        %mul3A_1870 = arith.mulf %max3A_1869, %get3A_32 : vector<16xf32>
        %add3A_1871 = arith.addf %add3A_1854, %mul3A_1870 : vector<16xf32>
        %swap3A_1872 = arith.constant 11 : i32
        %swap3A_1873 = arith.index_cast %swap3A_1872 : i32 to index
        %swap3A_1874 = arith.constant 0 : index
        %swap3A_1875 = tpu.vector_load %arg18[%swap3A_1873, %swap3A_1874] {strides = array<i32>} : memref<16x16xf32, #tpu.memory_space<vmem>>, vector<16xf32>,
        tpu.vector_store %arg18[%swap3A_1873, %swap3A_1874], %add3A_1871 {strides = array<i32>} : memref<16x16xf32, #tpu.memory_space<vmem>>, vector<16xf32>,
        %get3A_1876 = arith.index_cast %add3A_1804 : i32 to index
        %get3A_1877 = arith.constant 64 : index
        %get3A_1878 = tpu.vector_load %arg14[%get3A_1876, %get3A_1877] {strides = array<i32>} : memref<80x128xf32, #tpu.memory_space<vmem>>, vector<16xf32>,
        %get3A_1879 = arith.index_cast %add3A_1804 : i32 to index
        %get3A_1880 = arith.constant 64 : index
        %get3A_1881 = tpu.vector_load %arg15[%get3A_1879, %get3A_1880] {strides = array<i32>} : memref<80x128xf32, #tpu.memory_space<vmem>>, vector<16xf32>,
        %add3A_1882 = arith.addf %get3A_1878, %get3A_1881 : vector<16xf32>
        %get3A_1883 = arith.index_cast %add3A_1804 : i32 to index
        %get3A_1884 = arith.constant 64 : index
        %get3A_1885 = tpu.vector_load %arg16[%get3A_1883, %get3A_1884] {strides = array<i32>} : memref<80x128xf32, #tpu.memory_space<vmem>>, vector<16xf32>,
        %add3A_1886 = arith.addf %add3A_1882, %get3A_1885 : vector<16xf32>
        %mul3A_1887 = arith.constant 2.000000e-01 : f32
        %mul3A_1888 = vector.broadcast %mul3A_1887 : f32 to vector<16xf32>
        %mul3A_1889 = arith.mulf %mul3A_1888, %add3A_1886 : vector<16xf32>
        %max3A_1890 = arith.maximumf %add3A_1886, %mul3A_1889 : vector<16xf32>
        %mul3A_1891 = arith.mulf %max3A_1890, %get3A_38 : vector<16xf32>
        %get3A_1892 = arith.index_cast %add3A_1804 : i32 to index
        %get3A_1893 = arith.constant 80 : index
        %get3A_1894 = tpu.vector_load %arg14[%get3A_1892, %get3A_1893] {strides = array<i32>} : memref<80x128xf32, #tpu.memory_space<vmem>>, vector<16xf32>,
        %get3A_1895 = arith.index_cast %add3A_1804 : i32 to index
        %get3A_1896 = arith.constant 80 : index
        %get3A_1897 = tpu.vector_load %arg15[%get3A_1895, %get3A_1896] {strides = array<i32>} : memref<80x128xf32, #tpu.memory_space<vmem>>, vector<16xf32>,
        %add3A_1898 = arith.addf %get3A_1894, %get3A_1897 : vector<16xf32>
        %get3A_1899 = arith.index_cast %add3A_1804 : i32 to index
        %get3A_1900 = arith.constant 80 : index
        %get3A_1901 = tpu.vector_load %arg16[%get3A_1899, %get3A_1900] {strides = array<i32>} : memref<80x128xf32, #tpu.memory_space<vmem>>, vector<16xf32>,
        %add3A_1902 = arith.addf %add3A_1898, %get3A_1901 : vector<16xf32>
        %mul3A_1903 = arith.constant 2.000000e-01 : f32
        %mul3A_1904 = vector.broadcast %mul3A_1903 : f32 to vector<16xf32>
        %mul3A_1905 = arith.mulf %mul3A_1904, %add3A_1902 : vector<16xf32>
        %max3A_1906 = arith.maximumf %add3A_1902, %mul3A_1905 : vector<16xf32>
        %mul3A_1907 = arith.mulf %max3A_1906, %get3A_44 : vector<16xf32>
        %add3A_1908 = arith.addf %mul3A_1891, %mul3A_1907 : vector<16xf32>
        %get3A_1909 = arith.index_cast %add3A_1804 : i32 to index
        %get3A_1910 = arith.constant 96 : index
        %get3A_1911 = tpu.vector_load %arg14[%get3A_1909, %get3A_1910] {strides = array<i32>} : memref<80x128xf32, #tpu.memory_space<vmem>>, vector<16xf32>,
        %get3A_1912 = arith.index_cast %add3A_1804 : i32 to index
        %get3A_1913 = arith.constant 96 : index
        %get3A_1914 = tpu.vector_load %arg15[%get3A_1912, %get3A_1913] {strides = array<i32>} : memref<80x128xf32, #tpu.memory_space<vmem>>, vector<16xf32>,
        %add3A_1915 = arith.addf %get3A_1911, %get3A_1914 : vector<16xf32>
        %get3A_1916 = arith.index_cast %add3A_1804 : i32 to index
        %get3A_1917 = arith.constant 96 : index
        %get3A_1918 = tpu.vector_load %arg16[%get3A_1916, %get3A_1917] {strides = array<i32>} : memref<80x128xf32, #tpu.memory_space<vmem>>, vector<16xf32>,
        %add3A_1919 = arith.addf %add3A_1915, %get3A_1918 : vector<16xf32>
        %mul3A_1920 = arith.constant 2.000000e-01 : f32
        %mul3A_1921 = vector.broadcast %mul3A_1920 : f32 to vector<16xf32>
        %mul3A_1922 = arith.mulf %mul3A_1921, %add3A_1919 : vector<16xf32>
        %max3A_1923 = arith.maximumf %add3A_1919, %mul3A_1922 : vector<16xf32>
        %mul3A_1924 = arith.mulf %max3A_1923, %get3A_50 : vector<16xf32>
        %add3A_1925 = arith.addf %add3A_1908, %mul3A_1924 : vector<16xf32>
        %get3A_1926 = arith.index_cast %add3A_1804 : i32 to index
        %get3A_1927 = arith.constant 112 : index
        %get3A_1928 = tpu.vector_load %arg14[%get3A_1926, %get3A_1927] {strides = array<i32>} : memref<80x128xf32, #tpu.memory_space<vmem>>, vector<16xf32>,
        %get3A_1929 = arith.index_cast %add3A_1804 : i32 to index
        %get3A_1930 = arith.constant 112 : index
        %get3A_1931 = tpu.vector_load %arg15[%get3A_1929, %get3A_1930] {strides = array<i32>} : memref<80x128xf32, #tpu.memory_space<vmem>>, vector<16xf32>,
        %add3A_1932 = arith.addf %get3A_1928, %get3A_1931 : vector<16xf32>
        %get3A_1933 = arith.index_cast %add3A_1804 : i32 to index
        %get3A_1934 = arith.constant 112 : index
        %get3A_1935 = tpu.vector_load %arg16[%get3A_1933, %get3A_1934] {strides = array<i32>} : memref<80x128xf32, #tpu.memory_space<vmem>>, vector<16xf32>,
        %add3A_1936 = arith.addf %add3A_1932, %get3A_1935 : vector<16xf32>
        %mul3A_1937 = arith.constant 2.000000e-01 : f32
        %mul3A_1938 = vector.broadcast %mul3A_1937 : f32 to vector<16xf32>
        %mul3A_1939 = arith.mulf %mul3A_1938, %add3A_1936 : vector<16xf32>
        %max3A_1940 = arith.maximumf %add3A_1936, %mul3A_1939 : vector<16xf32>
        %mul3A_1941 = arith.mulf %max3A_1940, %get3A_56 : vector<16xf32>
        %add3A_1942 = arith.addf %add3A_1925, %mul3A_1941 : vector<16xf32>
        %swap3A_1943 = arith.constant 11 : i32
        %swap3A_1944 = arith.index_cast %swap3A_1943 : i32 to index
        %swap3A_1945 = arith.constant 0 : index
        %swap3A_1946 = tpu.vector_load %arg19[%swap3A_1944, %swap3A_1945] {strides = array<i32>} : memref<16x16xf32, #tpu.memory_space<vmem>>, vector<16xf32>,
        tpu.vector_store %arg19[%swap3A_1944, %swap3A_1945], %add3A_1942 {strides = array<i32>} : memref<16x16xf32, #tpu.memory_space<vmem>>, vector<16xf32>,
        %mul3A_1947 = arith.constant 16 : i32
        %mul3A_1948 = arith.muli %add3A_195, %mul3A_1947 : i32
        %add3A_1949 = arith.constant 12 : i32
        %add3A_1950 = arith.addi %mul3A_1948, %add3A_1949 : i32
        %get3A_1951 = arith.index_cast %add3A_1950 : i32 to index
        %get3A_1952 = arith.constant 0 : index
        %get3A_1953 = tpu.vector_load %arg14[%get3A_1951, %get3A_1952] {strides = array<i32>} : memref<80x128xf32, #tpu.memory_space<vmem>>, vector<16xf32>,
        %get3A_1954 = arith.index_cast %add3A_1950 : i32 to index
        %get3A_1955 = arith.constant 0 : index
        %get3A_1956 = tpu.vector_load %arg15[%get3A_1954, %get3A_1955] {strides = array<i32>} : memref<80x128xf32, #tpu.memory_space<vmem>>, vector<16xf32>,
        %add3A_1957 = arith.addf %get3A_1953, %get3A_1956 : vector<16xf32>
        %get3A_1958 = arith.index_cast %add3A_1950 : i32 to index
        %get3A_1959 = arith.constant 0 : index
        %get3A_1960 = tpu.vector_load %arg16[%get3A_1958, %get3A_1959] {strides = array<i32>} : memref<80x128xf32, #tpu.memory_space<vmem>>, vector<16xf32>,
        %add3A_1961 = arith.addf %add3A_1957, %get3A_1960 : vector<16xf32>
        %mul3A_1962 = arith.constant 2.000000e-01 : f32
        %mul3A_1963 = vector.broadcast %mul3A_1962 : f32 to vector<16xf32>
        %mul3A_1964 = arith.mulf %mul3A_1963, %add3A_1961 : vector<16xf32>
        %max3A_1965 = arith.maximumf %add3A_1961, %mul3A_1964 : vector<16xf32>
        %mul3A_1966 = arith.mulf %max3A_1965, %get3A_14 : vector<16xf32>
        %get3A_1967 = arith.index_cast %add3A_1950 : i32 to index
        %get3A_1968 = arith.constant 16 : index
        %get3A_1969 = tpu.vector_load %arg14[%get3A_1967, %get3A_1968] {strides = array<i32>} : memref<80x128xf32, #tpu.memory_space<vmem>>, vector<16xf32>,
        %get3A_1970 = arith.index_cast %add3A_1950 : i32 to index
        %get3A_1971 = arith.constant 16 : index
        %get3A_1972 = tpu.vector_load %arg15[%get3A_1970, %get3A_1971] {strides = array<i32>} : memref<80x128xf32, #tpu.memory_space<vmem>>, vector<16xf32>,
        %add3A_1973 = arith.addf %get3A_1969, %get3A_1972 : vector<16xf32>
        %get3A_1974 = arith.index_cast %add3A_1950 : i32 to index
        %get3A_1975 = arith.constant 16 : index
        %get3A_1976 = tpu.vector_load %arg16[%get3A_1974, %get3A_1975] {strides = array<i32>} : memref<80x128xf32, #tpu.memory_space<vmem>>, vector<16xf32>,
        %add3A_1977 = arith.addf %add3A_1973, %get3A_1976 : vector<16xf32>
        %mul3A_1978 = arith.constant 2.000000e-01 : f32
        %mul3A_1979 = vector.broadcast %mul3A_1978 : f32 to vector<16xf32>
        %mul3A_1980 = arith.mulf %mul3A_1979, %add3A_1977 : vector<16xf32>
        %max3A_1981 = arith.maximumf %add3A_1977, %mul3A_1980 : vector<16xf32>
        %mul3A_1982 = arith.mulf %max3A_1981, %get3A_20 : vector<16xf32>
        %add3A_1983 = arith.addf %mul3A_1966, %mul3A_1982 : vector<16xf32>
        %get3A_1984 = arith.index_cast %add3A_1950 : i32 to index
        %get3A_1985 = arith.constant 32 : index
        %get3A_1986 = tpu.vector_load %arg14[%get3A_1984, %get3A_1985] {strides = array<i32>} : memref<80x128xf32, #tpu.memory_space<vmem>>, vector<16xf32>,
        %get3A_1987 = arith.index_cast %add3A_1950 : i32 to index
        %get3A_1988 = arith.constant 32 : index
        %get3A_1989 = tpu.vector_load %arg15[%get3A_1987, %get3A_1988] {strides = array<i32>} : memref<80x128xf32, #tpu.memory_space<vmem>>, vector<16xf32>,
        %add3A_1990 = arith.addf %get3A_1986, %get3A_1989 : vector<16xf32>
        %get3A_1991 = arith.index_cast %add3A_1950 : i32 to index
        %get3A_1992 = arith.constant 32 : index
        %get3A_1993 = tpu.vector_load %arg16[%get3A_1991, %get3A_1992] {strides = array<i32>} : memref<80x128xf32, #tpu.memory_space<vmem>>, vector<16xf32>,
        %add3A_1994 = arith.addf %add3A_1990, %get3A_1993 : vector<16xf32>
        %mul3A_1995 = arith.constant 2.000000e-01 : f32
        %mul3A_1996 = vector.broadcast %mul3A_1995 : f32 to vector<16xf32>
        %mul3A_1997 = arith.mulf %mul3A_1996, %add3A_1994 : vector<16xf32>
        %max3A_1998 = arith.maximumf %add3A_1994, %mul3A_1997 : vector<16xf32>
        %mul3A_1999 = arith.mulf %max3A_1998, %get3A_26 : vector<16xf32>
        %add3A_2000 = arith.addf %add3A_1983, %mul3A_1999 : vector<16xf32>
        %get3A_2001 = arith.index_cast %add3A_1950 : i32 to index
        %get3A_2002 = arith.constant 48 : index
        %get3A_2003 = tpu.vector_load %arg14[%get3A_2001, %get3A_2002] {strides = array<i32>} : memref<80x128xf32, #tpu.memory_space<vmem>>, vector<16xf32>,
        %get3A_2004 = arith.index_cast %add3A_1950 : i32 to index
        %get3A_2005 = arith.constant 48 : index
        %get3A_2006 = tpu.vector_load %arg15[%get3A_2004, %get3A_2005] {strides = array<i32>} : memref<80x128xf32, #tpu.memory_space<vmem>>, vector<16xf32>,
        %add3A_2007 = arith.addf %get3A_2003, %get3A_2006 : vector<16xf32>
        %get3A_2008 = arith.index_cast %add3A_1950 : i32 to index
        %get3A_2009 = arith.constant 48 : index
        %get3A_2010 = tpu.vector_load %arg16[%get3A_2008, %get3A_2009] {strides = array<i32>} : memref<80x128xf32, #tpu.memory_space<vmem>>, vector<16xf32>,
        %add3A_2011 = arith.addf %add3A_2007, %get3A_2010 : vector<16xf32>
        %mul3A_2012 = arith.constant 2.000000e-01 : f32
        %mul3A_2013 = vector.broadcast %mul3A_2012 : f32 to vector<16xf32>
        %mul3A_2014 = arith.mulf %mul3A_2013, %add3A_2011 : vector<16xf32>
        %max3A_2015 = arith.maximumf %add3A_2011, %mul3A_2014 : vector<16xf32>
        %mul3A_2016 = arith.mulf %max3A_2015, %get3A_32 : vector<16xf32>
        %add3A_2017 = arith.addf %add3A_2000, %mul3A_2016 : vector<16xf32>
        %swap3A_2018 = arith.constant 12 : i32
        %swap3A_2019 = arith.index_cast %swap3A_2018 : i32 to index
        %swap3A_2020 = arith.constant 0 : index
        %swap3A_2021 = tpu.vector_load %arg18[%swap3A_2019, %swap3A_2020] {strides = array<i32>} : memref<16x16xf32, #tpu.memory_space<vmem>>, vector<16xf32>,
        tpu.vector_store %arg18[%swap3A_2019, %swap3A_2020], %add3A_2017 {strides = array<i32>} : memref<16x16xf32, #tpu.memory_space<vmem>>, vector<16xf32>,
        %get3A_2022 = arith.index_cast %add3A_1950 : i32 to index
        %get3A_2023 = arith.constant 64 : index
        %get3A_2024 = tpu.vector_load %arg14[%get3A_2022, %get3A_2023] {strides = array<i32>} : memref<80x128xf32, #tpu.memory_space<vmem>>, vector<16xf32>,
        %get3A_2025 = arith.index_cast %add3A_1950 : i32 to index
        %get3A_2026 = arith.constant 64 : index
        %get3A_2027 = tpu.vector_load %arg15[%get3A_2025, %get3A_2026] {strides = array<i32>} : memref<80x128xf32, #tpu.memory_space<vmem>>, vector<16xf32>,
        %add3A_2028 = arith.addf %get3A_2024, %get3A_2027 : vector<16xf32>
        %get3A_2029 = arith.index_cast %add3A_1950 : i32 to index
        %get3A_2030 = arith.constant 64 : index
        %get3A_2031 = tpu.vector_load %arg16[%get3A_2029, %get3A_2030] {strides = array<i32>} : memref<80x128xf32, #tpu.memory_space<vmem>>, vector<16xf32>,
        %add3A_2032 = arith.addf %add3A_2028, %get3A_2031 : vector<16xf32>
        %mul3A_2033 = arith.constant 2.000000e-01 : f32
        %mul3A_2034 = vector.broadcast %mul3A_2033 : f32 to vector<16xf32>
        %mul3A_2035 = arith.mulf %mul3A_2034, %add3A_2032 : vector<16xf32>
        %max3A_2036 = arith.maximumf %add3A_2032, %mul3A_2035 : vector<16xf32>
        %mul3A_2037 = arith.mulf %max3A_2036, %get3A_38 : vector<16xf32>
        %get3A_2038 = arith.index_cast %add3A_1950 : i32 to index
        %get3A_2039 = arith.constant 80 : index
        %get3A_2040 = tpu.vector_load %arg14[%get3A_2038, %get3A_2039] {strides = array<i32>} : memref<80x128xf32, #tpu.memory_space<vmem>>, vector<16xf32>,
        %get3A_2041 = arith.index_cast %add3A_1950 : i32 to index
        %get3A_2042 = arith.constant 80 : index
        %get3A_2043 = tpu.vector_load %arg15[%get3A_2041, %get3A_2042] {strides = array<i32>} : memref<80x128xf32, #tpu.memory_space<vmem>>, vector<16xf32>,
        %add3A_2044 = arith.addf %get3A_2040, %get3A_2043 : vector<16xf32>
        %get3A_2045 = arith.index_cast %add3A_1950 : i32 to index
        %get3A_2046 = arith.constant 80 : index
        %get3A_2047 = tpu.vector_load %arg16[%get3A_2045, %get3A_2046] {strides = array<i32>} : memref<80x128xf32, #tpu.memory_space<vmem>>, vector<16xf32>,
        %add3A_2048 = arith.addf %add3A_2044, %get3A_2047 : vector<16xf32>
        %mul3A_2049 = arith.constant 2.000000e-01 : f32
        %mul3A_2050 = vector.broadcast %mul3A_2049 : f32 to vector<16xf32>
        %mul3A_2051 = arith.mulf %mul3A_2050, %add3A_2048 : vector<16xf32>
        %max3A_2052 = arith.maximumf %add3A_2048, %mul3A_2051 : vector<16xf32>
        %mul3A_2053 = arith.mulf %max3A_2052, %get3A_44 : vector<16xf32>
        %add3A_2054 = arith.addf %mul3A_2037, %mul3A_2053 : vector<16xf32>
        %get3A_2055 = arith.index_cast %add3A_1950 : i32 to index
        %get3A_2056 = arith.constant 96 : index
        %get3A_2057 = tpu.vector_load %arg14[%get3A_2055, %get3A_2056] {strides = array<i32>} : memref<80x128xf32, #tpu.memory_space<vmem>>, vector<16xf32>,
        %get3A_2058 = arith.index_cast %add3A_1950 : i32 to index
        %get3A_2059 = arith.constant 96 : index
        %get3A_2060 = tpu.vector_load %arg15[%get3A_2058, %get3A_2059] {strides = array<i32>} : memref<80x128xf32, #tpu.memory_space<vmem>>, vector<16xf32>,
        %add3A_2061 = arith.addf %get3A_2057, %get3A_2060 : vector<16xf32>
        %get3A_2062 = arith.index_cast %add3A_1950 : i32 to index
        %get3A_2063 = arith.constant 96 : index
        %get3A_2064 = tpu.vector_load %arg16[%get3A_2062, %get3A_2063] {strides = array<i32>} : memref<80x128xf32, #tpu.memory_space<vmem>>, vector<16xf32>,
        %add3A_2065 = arith.addf %add3A_2061, %get3A_2064 : vector<16xf32>
        %mul3A_2066 = arith.constant 2.000000e-01 : f32
        %mul3A_2067 = vector.broadcast %mul3A_2066 : f32 to vector<16xf32>
        %mul3A_2068 = arith.mulf %mul3A_2067, %add3A_2065 : vector<16xf32>
        %max3A_2069 = arith.maximumf %add3A_2065, %mul3A_2068 : vector<16xf32>
        %mul3A_2070 = arith.mulf %max3A_2069, %get3A_50 : vector<16xf32>
        %add3A_2071 = arith.addf %add3A_2054, %mul3A_2070 : vector<16xf32>
        %get3A_2072 = arith.index_cast %add3A_1950 : i32 to index
        %get3A_2073 = arith.constant 112 : index
        %get3A_2074 = tpu.vector_load %arg14[%get3A_2072, %get3A_2073] {strides = array<i32>} : memref<80x128xf32, #tpu.memory_space<vmem>>, vector<16xf32>,
        %get3A_2075 = arith.index_cast %add3A_1950 : i32 to index
        %get3A_2076 = arith.constant 112 : index
        %get3A_2077 = tpu.vector_load %arg15[%get3A_2075, %get3A_2076] {strides = array<i32>} : memref<80x128xf32, #tpu.memory_space<vmem>>, vector<16xf32>,
        %add3A_2078 = arith.addf %get3A_2074, %get3A_2077 : vector<16xf32>
        %get3A_2079 = arith.index_cast %add3A_1950 : i32 to index
        %get3A_2080 = arith.constant 112 : index
        %get3A_2081 = tpu.vector_load %arg16[%get3A_2079, %get3A_2080] {strides = array<i32>} : memref<80x128xf32, #tpu.memory_space<vmem>>, vector<16xf32>,
        %add3A_2082 = arith.addf %add3A_2078, %get3A_2081 : vector<16xf32>
        %mul3A_2083 = arith.constant 2.000000e-01 : f32
        %mul3A_2084 = vector.broadcast %mul3A_2083 : f32 to vector<16xf32>
        %mul3A_2085 = arith.mulf %mul3A_2084, %add3A_2082 : vector<16xf32>
        %max3A_2086 = arith.maximumf %add3A_2082, %mul3A_2085 : vector<16xf32>
        %mul3A_2087 = arith.mulf %max3A_2086, %get3A_56 : vector<16xf32>
        %add3A_2088 = arith.addf %add3A_2071, %mul3A_2087 : vector<16xf32>
        %swap3A_2089 = arith.constant 12 : i32
        %swap3A_2090 = arith.index_cast %swap3A_2089 : i32 to index
        %swap3A_2091 = arith.constant 0 : index
        %swap3A_2092 = tpu.vector_load %arg19[%swap3A_2090, %swap3A_2091] {strides = array<i32>} : memref<16x16xf32, #tpu.memory_space<vmem>>, vector<16xf32>,
        tpu.vector_store %arg19[%swap3A_2090, %swap3A_2091], %add3A_2088 {strides = array<i32>} : memref<16x16xf32, #tpu.memory_space<vmem>>, vector<16xf32>,
        %mul3A_2093 = arith.constant 16 : i32
        %mul3A_2094 = arith.muli %add3A_195, %mul3A_2093 : i32
        %add3A_2095 = arith.constant 13 : i32
        %add3A_2096 = arith.addi %mul3A_2094, %add3A_2095 : i32
        %get3A_2097 = arith.index_cast %add3A_2096 : i32 to index
        %get3A_2098 = arith.constant 0 : index
        %get3A_2099 = tpu.vector_load %arg14[%get3A_2097, %get3A_2098] {strides = array<i32>} : memref<80x128xf32, #tpu.memory_space<vmem>>, vector<16xf32>,
        %get3A_2100 = arith.index_cast %add3A_2096 : i32 to index
        %get3A_2101 = arith.constant 0 : index
        %get3A_2102 = tpu.vector_load %arg15[%get3A_2100, %get3A_2101] {strides = array<i32>} : memref<80x128xf32, #tpu.memory_space<vmem>>, vector<16xf32>,
        %add3A_2103 = arith.addf %get3A_2099, %get3A_2102 : vector<16xf32>
        %get3A_2104 = arith.index_cast %add3A_2096 : i32 to index
        %get3A_2105 = arith.constant 0 : index
        %get3A_2106 = tpu.vector_load %arg16[%get3A_2104, %get3A_2105] {strides = array<i32>} : memref<80x128xf32, #tpu.memory_space<vmem>>, vector<16xf32>,
        %add3A_2107 = arith.addf %add3A_2103, %get3A_2106 : vector<16xf32>
        %mul3A_2108 = arith.constant 2.000000e-01 : f32
        %mul3A_2109 = vector.broadcast %mul3A_2108 : f32 to vector<16xf32>
        %mul3A_2110 = arith.mulf %mul3A_2109, %add3A_2107 : vector<16xf32>
        %max3A_2111 = arith.maximumf %add3A_2107, %mul3A_2110 : vector<16xf32>
        %mul3A_2112 = arith.mulf %max3A_2111, %get3A_14 : vector<16xf32>
        %get3A_2113 = arith.index_cast %add3A_2096 : i32 to index
        %get3A_2114 = arith.constant 16 : index
        %get3A_2115 = tpu.vector_load %arg14[%get3A_2113, %get3A_2114] {strides = array<i32>} : memref<80x128xf32, #tpu.memory_space<vmem>>, vector<16xf32>,
        %get3A_2116 = arith.index_cast %add3A_2096 : i32 to index
        %get3A_2117 = arith.constant 16 : index
        %get3A_2118 = tpu.vector_load %arg15[%get3A_2116, %get3A_2117] {strides = array<i32>} : memref<80x128xf32, #tpu.memory_space<vmem>>, vector<16xf32>,
        %add3A_2119 = arith.addf %get3A_2115, %get3A_2118 : vector<16xf32>
        %get3A_2120 = arith.index_cast %add3A_2096 : i32 to index
        %get3A_2121 = arith.constant 16 : index
        %get3A_2122 = tpu.vector_load %arg16[%get3A_2120, %get3A_2121] {strides = array<i32>} : memref<80x128xf32, #tpu.memory_space<vmem>>, vector<16xf32>,
        %add3A_2123 = arith.addf %add3A_2119, %get3A_2122 : vector<16xf32>
        %mul3A_2124 = arith.constant 2.000000e-01 : f32
        %mul3A_2125 = vector.broadcast %mul3A_2124 : f32 to vector<16xf32>
        %mul3A_2126 = arith.mulf %mul3A_2125, %add3A_2123 : vector<16xf32>
        %max3A_2127 = arith.maximumf %add3A_2123, %mul3A_2126 : vector<16xf32>
        %mul3A_2128 = arith.mulf %max3A_2127, %get3A_20 : vector<16xf32>
        %add3A_2129 = arith.addf %mul3A_2112, %mul3A_2128 : vector<16xf32>
        %get3A_2130 = arith.index_cast %add3A_2096 : i32 to index
        %get3A_2131 = arith.constant 32 : index
        %get3A_2132 = tpu.vector_load %arg14[%get3A_2130, %get3A_2131] {strides = array<i32>} : memref<80x128xf32, #tpu.memory_space<vmem>>, vector<16xf32>,
        %get3A_2133 = arith.index_cast %add3A_2096 : i32 to index
        %get3A_2134 = arith.constant 32 : index
        %get3A_2135 = tpu.vector_load %arg15[%get3A_2133, %get3A_2134] {strides = array<i32>} : memref<80x128xf32, #tpu.memory_space<vmem>>, vector<16xf32>,
        %add3A_2136 = arith.addf %get3A_2132, %get3A_2135 : vector<16xf32>
        %get3A_2137 = arith.index_cast %add3A_2096 : i32 to index
        %get3A_2138 = arith.constant 32 : index
        %get3A_2139 = tpu.vector_load %arg16[%get3A_2137, %get3A_2138] {strides = array<i32>} : memref<80x128xf32, #tpu.memory_space<vmem>>, vector<16xf32>,
        %add3A_2140 = arith.addf %add3A_2136, %get3A_2139 : vector<16xf32>
        %mul3A_2141 = arith.constant 2.000000e-01 : f32
        %mul3A_2142 = vector.broadcast %mul3A_2141 : f32 to vector<16xf32>
        %mul3A_2143 = arith.mulf %mul3A_2142, %add3A_2140 : vector<16xf32>
        %max3A_2144 = arith.maximumf %add3A_2140, %mul3A_2143 : vector<16xf32>
        %mul3A_2145 = arith.mulf %max3A_2144, %get3A_26 : vector<16xf32>
        %add3A_2146 = arith.addf %add3A_2129, %mul3A_2145 : vector<16xf32>
        %get3A_2147 = arith.index_cast %add3A_2096 : i32 to index
        %get3A_2148 = arith.constant 48 : index
        %get3A_2149 = tpu.vector_load %arg14[%get3A_2147, %get3A_2148] {strides = array<i32>} : memref<80x128xf32, #tpu.memory_space<vmem>>, vector<16xf32>,
        %get3A_2150 = arith.index_cast %add3A_2096 : i32 to index
        %get3A_2151 = arith.constant 48 : index
        %get3A_2152 = tpu.vector_load %arg15[%get3A_2150, %get3A_2151] {strides = array<i32>} : memref<80x128xf32, #tpu.memory_space<vmem>>, vector<16xf32>,
        %add3A_2153 = arith.addf %get3A_2149, %get3A_2152 : vector<16xf32>
        %get3A_2154 = arith.index_cast %add3A_2096 : i32 to index
        %get3A_2155 = arith.constant 48 : index
        %get3A_2156 = tpu.vector_load %arg16[%get3A_2154, %get3A_2155] {strides = array<i32>} : memref<80x128xf32, #tpu.memory_space<vmem>>, vector<16xf32>,
        %add3A_2157 = arith.addf %add3A_2153, %get3A_2156 : vector<16xf32>
        %mul3A_2158 = arith.constant 2.000000e-01 : f32
        %mul3A_2159 = vector.broadcast %mul3A_2158 : f32 to vector<16xf32>
        %mul3A_2160 = arith.mulf %mul3A_2159, %add3A_2157 : vector<16xf32>
        %max3A_2161 = arith.maximumf %add3A_2157, %mul3A_2160 : vector<16xf32>
        %mul3A_2162 = arith.mulf %max3A_2161, %get3A_32 : vector<16xf32>
        %add3A_2163 = arith.addf %add3A_2146, %mul3A_2162 : vector<16xf32>
        %swap3A_2164 = arith.constant 13 : i32
        %swap3A_2165 = arith.index_cast %swap3A_2164 : i32 to index
        %swap3A_2166 = arith.constant 0 : index
        %swap3A_2167 = tpu.vector_load %arg18[%swap3A_2165, %swap3A_2166] {strides = array<i32>} : memref<16x16xf32, #tpu.memory_space<vmem>>, vector<16xf32>,
        tpu.vector_store %arg18[%swap3A_2165, %swap3A_2166], %add3A_2163 {strides = array<i32>} : memref<16x16xf32, #tpu.memory_space<vmem>>, vector<16xf32>,
        %get3A_2168 = arith.index_cast %add3A_2096 : i32 to index
        %get3A_2169 = arith.constant 64 : index
        %get3A_2170 = tpu.vector_load %arg14[%get3A_2168, %get3A_2169] {strides = array<i32>} : memref<80x128xf32, #tpu.memory_space<vmem>>, vector<16xf32>,
        %get3A_2171 = arith.index_cast %add3A_2096 : i32 to index
        %get3A_2172 = arith.constant 64 : index
        %get3A_2173 = tpu.vector_load %arg15[%get3A_2171, %get3A_2172] {strides = array<i32>} : memref<80x128xf32, #tpu.memory_space<vmem>>, vector<16xf32>,
        %add3A_2174 = arith.addf %get3A_2170, %get3A_2173 : vector<16xf32>
        %get3A_2175 = arith.index_cast %add3A_2096 : i32 to index
        %get3A_2176 = arith.constant 64 : index
        %get3A_2177 = tpu.vector_load %arg16[%get3A_2175, %get3A_2176] {strides = array<i32>} : memref<80x128xf32, #tpu.memory_space<vmem>>, vector<16xf32>,
        %add3A_2178 = arith.addf %add3A_2174, %get3A_2177 : vector<16xf32>
        %mul3A_2179 = arith.constant 2.000000e-01 : f32
        %mul3A_2180 = vector.broadcast %mul3A_2179 : f32 to vector<16xf32>
        %mul3A_2181 = arith.mulf %mul3A_2180, %add3A_2178 : vector<16xf32>
        %max3A_2182 = arith.maximumf %add3A_2178, %mul3A_2181 : vector<16xf32>
        %mul3A_2183 = arith.mulf %max3A_2182, %get3A_38 : vector<16xf32>
        %get3A_2184 = arith.index_cast %add3A_2096 : i32 to index
        %get3A_2185 = arith.constant 80 : index
        %get3A_2186 = tpu.vector_load %arg14[%get3A_2184, %get3A_2185] {strides = array<i32>} : memref<80x128xf32, #tpu.memory_space<vmem>>, vector<16xf32>,
        %get3A_2187 = arith.index_cast %add3A_2096 : i32 to index
        %get3A_2188 = arith.constant 80 : index
        %get3A_2189 = tpu.vector_load %arg15[%get3A_2187, %get3A_2188] {strides = array<i32>} : memref<80x128xf32, #tpu.memory_space<vmem>>, vector<16xf32>,
        %add3A_2190 = arith.addf %get3A_2186, %get3A_2189 : vector<16xf32>
        %get3A_2191 = arith.index_cast %add3A_2096 : i32 to index
        %get3A_2192 = arith.constant 80 : index
        %get3A_2193 = tpu.vector_load %arg16[%get3A_2191, %get3A_2192] {strides = array<i32>} : memref<80x128xf32, #tpu.memory_space<vmem>>, vector<16xf32>,
        %add3A_2194 = arith.addf %add3A_2190, %get3A_2193 : vector<16xf32>
        %mul3A_2195 = arith.constant 2.000000e-01 : f32
        %mul3A_2196 = vector.broadcast %mul3A_2195 : f32 to vector<16xf32>
        %mul3A_2197 = arith.mulf %mul3A_2196, %add3A_2194 : vector<16xf32>
        %max3A_2198 = arith.maximumf %add3A_2194, %mul3A_2197 : vector<16xf32>
        %mul3A_2199 = arith.mulf %max3A_2198, %get3A_44 : vector<16xf32>
        %add3A_2200 = arith.addf %mul3A_2183, %mul3A_2199 : vector<16xf32>
        %get3A_2201 = arith.index_cast %add3A_2096 : i32 to index
        %get3A_2202 = arith.constant 96 : index
        %get3A_2203 = tpu.vector_load %arg14[%get3A_2201, %get3A_2202] {strides = array<i32>} : memref<80x128xf32, #tpu.memory_space<vmem>>, vector<16xf32>,
        %get3A_2204 = arith.index_cast %add3A_2096 : i32 to index
        %get3A_2205 = arith.constant 96 : index
        %get3A_2206 = tpu.vector_load %arg15[%get3A_2204, %get3A_2205] {strides = array<i32>} : memref<80x128xf32, #tpu.memory_space<vmem>>, vector<16xf32>,
        %add3A_2207 = arith.addf %get3A_2203, %get3A_2206 : vector<16xf32>
        %get3A_2208 = arith.index_cast %add3A_2096 : i32 to index
        %get3A_2209 = arith.constant 96 : index
        %get3A_2210 = tpu.vector_load %arg16[%get3A_2208, %get3A_2209] {strides = array<i32>} : memref<80x128xf32, #tpu.memory_space<vmem>>, vector<16xf32>,
        %add3A_2211 = arith.addf %add3A_2207, %get3A_2210 : vector<16xf32>
        %mul3A_2212 = arith.constant 2.000000e-01 : f32
        %mul3A_2213 = vector.broadcast %mul3A_2212 : f32 to vector<16xf32>
        %mul3A_2214 = arith.mulf %mul3A_2213, %add3A_2211 : vector<16xf32>
        %max3A_2215 = arith.maximumf %add3A_2211, %mul3A_2214 : vector<16xf32>
        %mul3A_2216 = arith.mulf %max3A_2215, %get3A_50 : vector<16xf32>
        %add3A_2217 = arith.addf %add3A_2200, %mul3A_2216 : vector<16xf32>
        %get3A_2218 = arith.index_cast %add3A_2096 : i32 to index
        %get3A_2219 = arith.constant 112 : index
        %get3A_2220 = tpu.vector_load %arg14[%get3A_2218, %get3A_2219] {strides = array<i32>} : memref<80x128xf32, #tpu.memory_space<vmem>>, vector<16xf32>,
        %get3A_2221 = arith.index_cast %add3A_2096 : i32 to index
        %get3A_2222 = arith.constant 112 : index
        %get3A_2223 = tpu.vector_load %arg15[%get3A_2221, %get3A_2222] {strides = array<i32>} : memref<80x128xf32, #tpu.memory_space<vmem>>, vector<16xf32>,
        %add3A_2224 = arith.addf %get3A_2220, %get3A_2223 : vector<16xf32>
        %get3A_2225 = arith.index_cast %add3A_2096 : i32 to index
        %get3A_2226 = arith.constant 112 : index
        %get3A_2227 = tpu.vector_load %arg16[%get3A_2225, %get3A_2226] {strides = array<i32>} : memref<80x128xf32, #tpu.memory_space<vmem>>, vector<16xf32>,
        %add3A_2228 = arith.addf %add3A_2224, %get3A_2227 : vector<16xf32>
        %mul3A_2229 = arith.constant 2.000000e-01 : f32
        %mul3A_2230 = vector.broadcast %mul3A_2229 : f32 to vector<16xf32>
        %mul3A_2231 = arith.mulf %mul3A_2230, %add3A_2228 : vector<16xf32>
        %max3A_2232 = arith.maximumf %add3A_2228, %mul3A_2231 : vector<16xf32>
        %mul3A_2233 = arith.mulf %max3A_2232, %get3A_56 : vector<16xf32>
        %add3A_2234 = arith.addf %add3A_2217, %mul3A_2233 : vector<16xf32>
        %swap3A_2235 = arith.constant 13 : i32
        %swap3A_2236 = arith.index_cast %swap3A_2235 : i32 to index
        %swap3A_2237 = arith.constant 0 : index
        %swap3A_2238 = tpu.vector_load %arg19[%swap3A_2236, %swap3A_2237] {strides = array<i32>} : memref<16x16xf32, #tpu.memory_space<vmem>>, vector<16xf32>,
        tpu.vector_store %arg19[%swap3A_2236, %swap3A_2237], %add3A_2234 {strides = array<i32>} : memref<16x16xf32, #tpu.memory_space<vmem>>, vector<16xf32>,
        %mul3A_2239 = arith.constant 16 : i32
        %mul3A_2240 = arith.muli %add3A_195, %mul3A_2239 : i32
        %add3A_2241 = arith.constant 14 : i32
        %add3A_2242 = arith.addi %mul3A_2240, %add3A_2241 : i32
        %get3A_2243 = arith.index_cast %add3A_2242 : i32 to index
        %get3A_2244 = arith.constant 0 : index
        %get3A_2245 = tpu.vector_load %arg14[%get3A_2243, %get3A_2244] {strides = array<i32>} : memref<80x128xf32, #tpu.memory_space<vmem>>, vector<16xf32>,
        %get3A_2246 = arith.index_cast %add3A_2242 : i32 to index
        %get3A_2247 = arith.constant 0 : index
        %get3A_2248 = tpu.vector_load %arg15[%get3A_2246, %get3A_2247] {strides = array<i32>} : memref<80x128xf32, #tpu.memory_space<vmem>>, vector<16xf32>,
        %add3A_2249 = arith.addf %get3A_2245, %get3A_2248 : vector<16xf32>
        %get3A_2250 = arith.index_cast %add3A_2242 : i32 to index
        %get3A_2251 = arith.constant 0 : index
        %get3A_2252 = tpu.vector_load %arg16[%get3A_2250, %get3A_2251] {strides = array<i32>} : memref<80x128xf32, #tpu.memory_space<vmem>>, vector<16xf32>,
        %add3A_2253 = arith.addf %add3A_2249, %get3A_2252 : vector<16xf32>
        %mul3A_2254 = arith.constant 2.000000e-01 : f32
        %mul3A_2255 = vector.broadcast %mul3A_2254 : f32 to vector<16xf32>
        %mul3A_2256 = arith.mulf %mul3A_2255, %add3A_2253 : vector<16xf32>
        %max3A_2257 = arith.maximumf %add3A_2253, %mul3A_2256 : vector<16xf32>
        %mul3A_2258 = arith.mulf %max3A_2257, %get3A_14 : vector<16xf32>
        %get3A_2259 = arith.index_cast %add3A_2242 : i32 to index
        %get3A_2260 = arith.constant 16 : index
        %get3A_2261 = tpu.vector_load %arg14[%get3A_2259, %get3A_2260] {strides = array<i32>} : memref<80x128xf32, #tpu.memory_space<vmem>>, vector<16xf32>,
        %get3A_2262 = arith.index_cast %add3A_2242 : i32 to index
        %get3A_2263 = arith.constant 16 : index
        %get3A_2264 = tpu.vector_load %arg15[%get3A_2262, %get3A_2263] {strides = array<i32>} : memref<80x128xf32, #tpu.memory_space<vmem>>, vector<16xf32>,
        %add3A_2265 = arith.addf %get3A_2261, %get3A_2264 : vector<16xf32>
        %get3A_2266 = arith.index_cast %add3A_2242 : i32 to index
        %get3A_2267 = arith.constant 16 : index
        %get3A_2268 = tpu.vector_load %arg16[%get3A_2266, %get3A_2267] {strides = array<i32>} : memref<80x128xf32, #tpu.memory_space<vmem>>, vector<16xf32>,
        %add3A_2269 = arith.addf %add3A_2265, %get3A_2268 : vector<16xf32>
        %mul3A_2270 = arith.constant 2.000000e-01 : f32
        %mul3A_2271 = vector.broadcast %mul3A_2270 : f32 to vector<16xf32>
        %mul3A_2272 = arith.mulf %mul3A_2271, %add3A_2269 : vector<16xf32>
        %max3A_2273 = arith.maximumf %add3A_2269, %mul3A_2272 : vector<16xf32>
        %mul3A_2274 = arith.mulf %max3A_2273, %get3A_20 : vector<16xf32>
        %add3A_2275 = arith.addf %mul3A_2258, %mul3A_2274 : vector<16xf32>
        %get3A_2276 = arith.index_cast %add3A_2242 : i32 to index
        %get3A_2277 = arith.constant 32 : index
        %get3A_2278 = tpu.vector_load %arg14[%get3A_2276, %get3A_2277] {strides = array<i32>} : memref<80x128xf32, #tpu.memory_space<vmem>>, vector<16xf32>,
        %get3A_2279 = arith.index_cast %add3A_2242 : i32 to index
        %get3A_2280 = arith.constant 32 : index
        %get3A_2281 = tpu.vector_load %arg15[%get3A_2279, %get3A_2280] {strides = array<i32>} : memref<80x128xf32, #tpu.memory_space<vmem>>, vector<16xf32>,
        %add3A_2282 = arith.addf %get3A_2278, %get3A_2281 : vector<16xf32>
        %get3A_2283 = arith.index_cast %add3A_2242 : i32 to index
        %get3A_2284 = arith.constant 32 : index
        %get3A_2285 = tpu.vector_load %arg16[%get3A_2283, %get3A_2284] {strides = array<i32>} : memref<80x128xf32, #tpu.memory_space<vmem>>, vector<16xf32>,
        %add3A_2286 = arith.addf %add3A_2282, %get3A_2285 : vector<16xf32>
        %mul3A_2287 = arith.constant 2.000000e-01 : f32
        %mul3A_2288 = vector.broadcast %mul3A_2287 : f32 to vector<16xf32>
        %mul3A_2289 = arith.mulf %mul3A_2288, %add3A_2286 : vector<16xf32>
        %max3A_2290 = arith.maximumf %add3A_2286, %mul3A_2289 : vector<16xf32>
        %mul3A_2291 = arith.mulf %max3A_2290, %get3A_26 : vector<16xf32>
        %add3A_2292 = arith.addf %add3A_2275, %mul3A_2291 : vector<16xf32>
        %get3A_2293 = arith.index_cast %add3A_2242 : i32 to index
        %get3A_2294 = arith.constant 48 : index
        %get3A_2295 = tpu.vector_load %arg14[%get3A_2293, %get3A_2294] {strides = array<i32>} : memref<80x128xf32, #tpu.memory_space<vmem>>, vector<16xf32>,
        %get3A_2296 = arith.index_cast %add3A_2242 : i32 to index
        %get3A_2297 = arith.constant 48 : index
        %get3A_2298 = tpu.vector_load %arg15[%get3A_2296, %get3A_2297] {strides = array<i32>} : memref<80x128xf32, #tpu.memory_space<vmem>>, vector<16xf32>,
        %add3A_2299 = arith.addf %get3A_2295, %get3A_2298 : vector<16xf32>
        %get3A_2300 = arith.index_cast %add3A_2242 : i32 to index
        %get3A_2301 = arith.constant 48 : index
        %get3A_2302 = tpu.vector_load %arg16[%get3A_2300, %get3A_2301] {strides = array<i32>} : memref<80x128xf32, #tpu.memory_space<vmem>>, vector<16xf32>,
        %add3A_2303 = arith.addf %add3A_2299, %get3A_2302 : vector<16xf32>
        %mul3A_2304 = arith.constant 2.000000e-01 : f32
        %mul3A_2305 = vector.broadcast %mul3A_2304 : f32 to vector<16xf32>
        %mul3A_2306 = arith.mulf %mul3A_2305, %add3A_2303 : vector<16xf32>
        %max3A_2307 = arith.maximumf %add3A_2303, %mul3A_2306 : vector<16xf32>
        %mul3A_2308 = arith.mulf %max3A_2307, %get3A_32 : vector<16xf32>
        %add3A_2309 = arith.addf %add3A_2292, %mul3A_2308 : vector<16xf32>
        %swap3A_2310 = arith.constant 14 : i32
        %swap3A_2311 = arith.index_cast %swap3A_2310 : i32 to index
        %swap3A_2312 = arith.constant 0 : index
        %swap3A_2313 = tpu.vector_load %arg18[%swap3A_2311, %swap3A_2312] {strides = array<i32>} : memref<16x16xf32, #tpu.memory_space<vmem>>, vector<16xf32>,
        tpu.vector_store %arg18[%swap3A_2311, %swap3A_2312], %add3A_2309 {strides = array<i32>} : memref<16x16xf32, #tpu.memory_space<vmem>>, vector<16xf32>,
        %get3A_2314 = arith.index_cast %add3A_2242 : i32 to index
        %get3A_2315 = arith.constant 64 : index
        %get3A_2316 = tpu.vector_load %arg14[%get3A_2314, %get3A_2315] {strides = array<i32>} : memref<80x128xf32, #tpu.memory_space<vmem>>, vector<16xf32>,
        %get3A_2317 = arith.index_cast %add3A_2242 : i32 to index
        %get3A_2318 = arith.constant 64 : index
        %get3A_2319 = tpu.vector_load %arg15[%get3A_2317, %get3A_2318] {strides = array<i32>} : memref<80x128xf32, #tpu.memory_space<vmem>>, vector<16xf32>,
        %add3A_2320 = arith.addf %get3A_2316, %get3A_2319 : vector<16xf32>
        %get3A_2321 = arith.index_cast %add3A_2242 : i32 to index
        %get3A_2322 = arith.constant 64 : index
        %get3A_2323 = tpu.vector_load %arg16[%get3A_2321, %get3A_2322] {strides = array<i32>} : memref<80x128xf32, #tpu.memory_space<vmem>>, vector<16xf32>,
        %add3A_2324 = arith.addf %add3A_2320, %get3A_2323 : vector<16xf32>
        %mul3A_2325 = arith.constant 2.000000e-01 : f32
        %mul3A_2326 = vector.broadcast %mul3A_2325 : f32 to vector<16xf32>
        %mul3A_2327 = arith.mulf %mul3A_2326, %add3A_2324 : vector<16xf32>
        %max3A_2328 = arith.maximumf %add3A_2324, %mul3A_2327 : vector<16xf32>
        %mul3A_2329 = arith.mulf %max3A_2328, %get3A_38 : vector<16xf32>
        %get3A_2330 = arith.index_cast %add3A_2242 : i32 to index
        %get3A_2331 = arith.constant 80 : index
        %get3A_2332 = tpu.vector_load %arg14[%get3A_2330, %get3A_2331] {strides = array<i32>} : memref<80x128xf32, #tpu.memory_space<vmem>>, vector<16xf32>,
        %get3A_2333 = arith.index_cast %add3A_2242 : i32 to index
        %get3A_2334 = arith.constant 80 : index
        %get3A_2335 = tpu.vector_load %arg15[%get3A_2333, %get3A_2334] {strides = array<i32>} : memref<80x128xf32, #tpu.memory_space<vmem>>, vector<16xf32>,
        %add3A_2336 = arith.addf %get3A_2332, %get3A_2335 : vector<16xf32>
        %get3A_2337 = arith.index_cast %add3A_2242 : i32 to index
        %get3A_2338 = arith.constant 80 : index
        %get3A_2339 = tpu.vector_load %arg16[%get3A_2337, %get3A_2338] {strides = array<i32>} : memref<80x128xf32, #tpu.memory_space<vmem>>, vector<16xf32>,
        %add3A_2340 = arith.addf %add3A_2336, %get3A_2339 : vector<16xf32>
        %mul3A_2341 = arith.constant 2.000000e-01 : f32
        %mul3A_2342 = vector.broadcast %mul3A_2341 : f32 to vector<16xf32>
        %mul3A_2343 = arith.mulf %mul3A_2342, %add3A_2340 : vector<16xf32>
        %max3A_2344 = arith.maximumf %add3A_2340, %mul3A_2343 : vector<16xf32>
        %mul3A_2345 = arith.mulf %max3A_2344, %get3A_44 : vector<16xf32>
        %add3A_2346 = arith.addf %mul3A_2329, %mul3A_2345 : vector<16xf32>
        %get3A_2347 = arith.index_cast %add3A_2242 : i32 to index
        %get3A_2348 = arith.constant 96 : index
        %get3A_2349 = tpu.vector_load %arg14[%get3A_2347, %get3A_2348] {strides = array<i32>} : memref<80x128xf32, #tpu.memory_space<vmem>>, vector<16xf32>,
        %get3A_2350 = arith.index_cast %add3A_2242 : i32 to index
        %get3A_2351 = arith.constant 96 : index
        %get3A_2352 = tpu.vector_load %arg15[%get3A_2350, %get3A_2351] {strides = array<i32>} : memref<80x128xf32, #tpu.memory_space<vmem>>, vector<16xf32>,
        %add3A_2353 = arith.addf %get3A_2349, %get3A_2352 : vector<16xf32>
        %get3A_2354 = arith.index_cast %add3A_2242 : i32 to index
        %get3A_2355 = arith.constant 96 : index
        %get3A_2356 = tpu.vector_load %arg16[%get3A_2354, %get3A_2355] {strides = array<i32>} : memref<80x128xf32, #tpu.memory_space<vmem>>, vector<16xf32>,
        %add3A_2357 = arith.addf %add3A_2353, %get3A_2356 : vector<16xf32>
        %mul3A_2358 = arith.constant 2.000000e-01 : f32
        %mul3A_2359 = vector.broadcast %mul3A_2358 : f32 to vector<16xf32>
        %mul3A_2360 = arith.mulf %mul3A_2359, %add3A_2357 : vector<16xf32>
        %max3A_2361 = arith.maximumf %add3A_2357, %mul3A_2360 : vector<16xf32>
        %mul3A_2362 = arith.mulf %max3A_2361, %get3A_50 : vector<16xf32>
        %add3A_2363 = arith.addf %add3A_2346, %mul3A_2362 : vector<16xf32>
        %get3A_2364 = arith.index_cast %add3A_2242 : i32 to index
        %get3A_2365 = arith.constant 112 : index
        %get3A_2366 = tpu.vector_load %arg14[%get3A_2364, %get3A_2365] {strides = array<i32>} : memref<80x128xf32, #tpu.memory_space<vmem>>, vector<16xf32>,
        %get3A_2367 = arith.index_cast %add3A_2242 : i32 to index
        %get3A_2368 = arith.constant 112 : index
        %get3A_2369 = tpu.vector_load %arg15[%get3A_2367, %get3A_2368] {strides = array<i32>} : memref<80x128xf32, #tpu.memory_space<vmem>>, vector<16xf32>,
        %add3A_2370 = arith.addf %get3A_2366, %get3A_2369 : vector<16xf32>
        %get3A_2371 = arith.index_cast %add3A_2242 : i32 to index
        %get3A_2372 = arith.constant 112 : index
        %get3A_2373 = tpu.vector_load %arg16[%get3A_2371, %get3A_2372] {strides = array<i32>} : memref<80x128xf32, #tpu.memory_space<vmem>>, vector<16xf32>,
        %add3A_2374 = arith.addf %add3A_2370, %get3A_2373 : vector<16xf32>
        %mul3A_2375 = arith.constant 2.000000e-01 : f32
        %mul3A_2376 = vector.broadcast %mul3A_2375 : f32 to vector<16xf32>
        %mul3A_2377 = arith.mulf %mul3A_2376, %add3A_2374 : vector<16xf32>
        %max3A_2378 = arith.maximumf %add3A_2374, %mul3A_2377 : vector<16xf32>
        %mul3A_2379 = arith.mulf %max3A_2378, %get3A_56 : vector<16xf32>
        %add3A_2380 = arith.addf %add3A_2363, %mul3A_2379 : vector<16xf32>
        %swap3A_2381 = arith.constant 14 : i32
        %swap3A_2382 = arith.index_cast %swap3A_2381 : i32 to index
        %swap3A_2383 = arith.constant 0 : index
        %swap3A_2384 = tpu.vector_load %arg19[%swap3A_2382, %swap3A_2383] {strides = array<i32>} : memref<16x16xf32, #tpu.memory_space<vmem>>, vector<16xf32>,
        tpu.vector_store %arg19[%swap3A_2382, %swap3A_2383], %add3A_2380 {strides = array<i32>} : memref<16x16xf32, #tpu.memory_space<vmem>>, vector<16xf32>,
        %mul3A_2385 = arith.constant 16 : i32
        %mul3A_2386 = arith.muli %add3A_195, %mul3A_2385 : i32
        %add3A_2387 = arith.constant 15 : i32
        %add3A_2388 = arith.addi %mul3A_2386, %add3A_2387 : i32
        %get3A_2389 = arith.index_cast %add3A_2388 : i32 to index
        %get3A_2390 = arith.constant 0 : index
        %get3A_2391 = tpu.vector_load %arg14[%get3A_2389, %get3A_2390] {strides = array<i32>} : memref<80x128xf32, #tpu.memory_space<vmem>>, vector<16xf32>,
        %get3A_2392 = arith.index_cast %add3A_2388 : i32 to index
        %get3A_2393 = arith.constant 0 : index
        %get3A_2394 = tpu.vector_load %arg15[%get3A_2392, %get3A_2393] {strides = array<i32>} : memref<80x128xf32, #tpu.memory_space<vmem>>, vector<16xf32>,
        %add3A_2395 = arith.addf %get3A_2391, %get3A_2394 : vector<16xf32>
        %get3A_2396 = arith.index_cast %add3A_2388 : i32 to index
        %get3A_2397 = arith.constant 0 : index
        %get3A_2398 = tpu.vector_load %arg16[%get3A_2396, %get3A_2397] {strides = array<i32>} : memref<80x128xf32, #tpu.memory_space<vmem>>, vector<16xf32>,
        %add3A_2399 = arith.addf %add3A_2395, %get3A_2398 : vector<16xf32>
        %mul3A_2400 = arith.constant 2.000000e-01 : f32
        %mul3A_2401 = vector.broadcast %mul3A_2400 : f32 to vector<16xf32>
        %mul3A_2402 = arith.mulf %mul3A_2401, %add3A_2399 : vector<16xf32>
        %max3A_2403 = arith.maximumf %add3A_2399, %mul3A_2402 : vector<16xf32>
        %mul3A_2404 = arith.mulf %max3A_2403, %get3A_14 : vector<16xf32>
        %get3A_2405 = arith.index_cast %add3A_2388 : i32 to index
        %get3A_2406 = arith.constant 16 : index
        %get3A_2407 = tpu.vector_load %arg14[%get3A_2405, %get3A_2406] {strides = array<i32>} : memref<80x128xf32, #tpu.memory_space<vmem>>, vector<16xf32>,
        %get3A_2408 = arith.index_cast %add3A_2388 : i32 to index
        %get3A_2409 = arith.constant 16 : index
        %get3A_2410 = tpu.vector_load %arg15[%get3A_2408, %get3A_2409] {strides = array<i32>} : memref<80x128xf32, #tpu.memory_space<vmem>>, vector<16xf32>,
        %add3A_2411 = arith.addf %get3A_2407, %get3A_2410 : vector<16xf32>
        %get3A_2412 = arith.index_cast %add3A_2388 : i32 to index
        %get3A_2413 = arith.constant 16 : index
        %get3A_2414 = tpu.vector_load %arg16[%get3A_2412, %get3A_2413] {strides = array<i32>} : memref<80x128xf32, #tpu.memory_space<vmem>>, vector<16xf32>,
        %add3A_2415 = arith.addf %add3A_2411, %get3A_2414 : vector<16xf32>
        %mul3A_2416 = arith.constant 2.000000e-01 : f32
        %mul3A_2417 = vector.broadcast %mul3A_2416 : f32 to vector<16xf32>
        %mul3A_2418 = arith.mulf %mul3A_2417, %add3A_2415 : vector<16xf32>
        %max3A_2419 = arith.maximumf %add3A_2415, %mul3A_2418 : vector<16xf32>
        %mul3A_2420 = arith.mulf %max3A_2419, %get3A_20 : vector<16xf32>
        %add3A_2421 = arith.addf %mul3A_2404, %mul3A_2420 : vector<16xf32>
        %get3A_2422 = arith.index_cast %add3A_2388 : i32 to index
        %get3A_2423 = arith.constant 32 : index
        %get3A_2424 = tpu.vector_load %arg14[%get3A_2422, %get3A_2423] {strides = array<i32>} : memref<80x128xf32, #tpu.memory_space<vmem>>, vector<16xf32>,
        %get3A_2425 = arith.index_cast %add3A_2388 : i32 to index
        %get3A_2426 = arith.constant 32 : index
        %get3A_2427 = tpu.vector_load %arg15[%get3A_2425, %get3A_2426] {strides = array<i32>} : memref<80x128xf32, #tpu.memory_space<vmem>>, vector<16xf32>,
        %add3A_2428 = arith.addf %get3A_2424, %get3A_2427 : vector<16xf32>
        %get3A_2429 = arith.index_cast %add3A_2388 : i32 to index
        %get3A_2430 = arith.constant 32 : index
        %get3A_2431 = tpu.vector_load %arg16[%get3A_2429, %get3A_2430] {strides = array<i32>} : memref<80x128xf32, #tpu.memory_space<vmem>>, vector<16xf32>,
        %add3A_2432 = arith.addf %add3A_2428, %get3A_2431 : vector<16xf32>
        %mul3A_2433 = arith.constant 2.000000e-01 : f32
        %mul3A_2434 = vector.broadcast %mul3A_2433 : f32 to vector<16xf32>
        %mul3A_2435 = arith.mulf %mul3A_2434, %add3A_2432 : vector<16xf32>
        %max3A_2436 = arith.maximumf %add3A_2432, %mul3A_2435 : vector<16xf32>
        %mul3A_2437 = arith.mulf %max3A_2436, %get3A_26 : vector<16xf32>
        %add3A_2438 = arith.addf %add3A_2421, %mul3A_2437 : vector<16xf32>
        %get3A_2439 = arith.index_cast %add3A_2388 : i32 to index
        %get3A_2440 = arith.constant 48 : index
        %get3A_2441 = tpu.vector_load %arg14[%get3A_2439, %get3A_2440] {strides = array<i32>} : memref<80x128xf32, #tpu.memory_space<vmem>>, vector<16xf32>,
        %get3A_2442 = arith.index_cast %add3A_2388 : i32 to index
        %get3A_2443 = arith.constant 48 : index
        %get3A_2444 = tpu.vector_load %arg15[%get3A_2442, %get3A_2443] {strides = array<i32>} : memref<80x128xf32, #tpu.memory_space<vmem>>, vector<16xf32>,
        %add3A_2445 = arith.addf %get3A_2441, %get3A_2444 : vector<16xf32>
        %get3A_2446 = arith.index_cast %add3A_2388 : i32 to index
        %get3A_2447 = arith.constant 48 : index
        %get3A_2448 = tpu.vector_load %arg16[%get3A_2446, %get3A_2447] {strides = array<i32>} : memref<80x128xf32, #tpu.memory_space<vmem>>, vector<16xf32>,
        %add3A_2449 = arith.addf %add3A_2445, %get3A_2448 : vector<16xf32>
        %mul3A_2450 = arith.constant 2.000000e-01 : f32
        %mul3A_2451 = vector.broadcast %mul3A_2450 : f32 to vector<16xf32>
        %mul3A_2452 = arith.mulf %mul3A_2451, %add3A_2449 : vector<16xf32>
        %max3A_2453 = arith.maximumf %add3A_2449, %mul3A_2452 : vector<16xf32>
        %mul3A_2454 = arith.mulf %max3A_2453, %get3A_32 : vector<16xf32>
        %add3A_2455 = arith.addf %add3A_2438, %mul3A_2454 : vector<16xf32>
        %swap3A_2456 = arith.constant 15 : i32
        %swap3A_2457 = arith.index_cast %swap3A_2456 : i32 to index
        %swap3A_2458 = arith.constant 0 : index
        %swap3A_2459 = tpu.vector_load %arg18[%swap3A_2457, %swap3A_2458] {strides = array<i32>} : memref<16x16xf32, #tpu.memory_space<vmem>>, vector<16xf32>,
        tpu.vector_store %arg18[%swap3A_2457, %swap3A_2458], %add3A_2455 {strides = array<i32>} : memref<16x16xf32, #tpu.memory_space<vmem>>, vector<16xf32>,
        %get3A_2460 = arith.index_cast %add3A_2388 : i32 to index
        %get3A_2461 = arith.constant 64 : index
        %get3A_2462 = tpu.vector_load %arg14[%get3A_2460, %get3A_2461] {strides = array<i32>} : memref<80x128xf32, #tpu.memory_space<vmem>>, vector<16xf32>,
        %get3A_2463 = arith.index_cast %add3A_2388 : i32 to index
        %get3A_2464 = arith.constant 64 : index
        %get3A_2465 = tpu.vector_load %arg15[%get3A_2463, %get3A_2464] {strides = array<i32>} : memref<80x128xf32, #tpu.memory_space<vmem>>, vector<16xf32>,
        %add3A_2466 = arith.addf %get3A_2462, %get3A_2465 : vector<16xf32>
        %get3A_2467 = arith.index_cast %add3A_2388 : i32 to index
        %get3A_2468 = arith.constant 64 : index
        %get3A_2469 = tpu.vector_load %arg16[%get3A_2467, %get3A_2468] {strides = array<i32>} : memref<80x128xf32, #tpu.memory_space<vmem>>, vector<16xf32>,
        %add3A_2470 = arith.addf %add3A_2466, %get3A_2469 : vector<16xf32>
        %mul3A_2471 = arith.constant 2.000000e-01 : f32
        %mul3A_2472 = vector.broadcast %mul3A_2471 : f32 to vector<16xf32>
        %mul3A_2473 = arith.mulf %mul3A_2472, %add3A_2470 : vector<16xf32>
        %max3A_2474 = arith.maximumf %add3A_2470, %mul3A_2473 : vector<16xf32>
        %mul3A_2475 = arith.mulf %max3A_2474, %get3A_38 : vector<16xf32>
        %get3A_2476 = arith.index_cast %add3A_2388 : i32 to index
        %get3A_2477 = arith.constant 80 : index
        %get3A_2478 = tpu.vector_load %arg14[%get3A_2476, %get3A_2477] {strides = array<i32>} : memref<80x128xf32, #tpu.memory_space<vmem>>, vector<16xf32>,
        %get3A_2479 = arith.index_cast %add3A_2388 : i32 to index
        %get3A_2480 = arith.constant 80 : index
        %get3A_2481 = tpu.vector_load %arg15[%get3A_2479, %get3A_2480] {strides = array<i32>} : memref<80x128xf32, #tpu.memory_space<vmem>>, vector<16xf32>,
        %add3A_2482 = arith.addf %get3A_2478, %get3A_2481 : vector<16xf32>
        %get3A_2483 = arith.index_cast %add3A_2388 : i32 to index
        %get3A_2484 = arith.constant 80 : index
        %get3A_2485 = tpu.vector_load %arg16[%get3A_2483, %get3A_2484] {strides = array<i32>} : memref<80x128xf32, #tpu.memory_space<vmem>>, vector<16xf32>,
        %add3A_2486 = arith.addf %add3A_2482, %get3A_2485 : vector<16xf32>
        %mul3A_2487 = arith.constant 2.000000e-01 : f32
        %mul3A_2488 = vector.broadcast %mul3A_2487 : f32 to vector<16xf32>
        %mul3A_2489 = arith.mulf %mul3A_2488, %add3A_2486 : vector<16xf32>
        %max3A_2490 = arith.maximumf %add3A_2486, %mul3A_2489 : vector<16xf32>
        %mul3A_2491 = arith.mulf %max3A_2490, %get3A_44 : vector<16xf32>
        %add3A_2492 = arith.addf %mul3A_2475, %mul3A_2491 : vector<16xf32>
        %get3A_2493 = arith.index_cast %add3A_2388 : i32 to index
        %get3A_2494 = arith.constant 96 : index
        %get3A_2495 = tpu.vector_load %arg14[%get3A_2493, %get3A_2494] {strides = array<i32>} : memref<80x128xf32, #tpu.memory_space<vmem>>, vector<16xf32>,
        %get3A_2496 = arith.index_cast %add3A_2388 : i32 to index
        %get3A_2497 = arith.constant 96 : index
        %get3A_2498 = tpu.vector_load %arg15[%get3A_2496, %get3A_2497] {strides = array<i32>} : memref<80x128xf32, #tpu.memory_space<vmem>>, vector<16xf32>,
        %add3A_2499 = arith.addf %get3A_2495, %get3A_2498 : vector<16xf32>
        %get3A_2500 = arith.index_cast %add3A_2388 : i32 to index
        %get3A_2501 = arith.constant 96 : index
        %get3A_2502 = tpu.vector_load %arg16[%get3A_2500, %get3A_2501] {strides = array<i32>} : memref<80x128xf32, #tpu.memory_space<vmem>>, vector<16xf32>,
        %add3A_2503 = arith.addf %add3A_2499, %get3A_2502 : vector<16xf32>
        %mul3A_2504 = arith.constant 2.000000e-01 : f32
        %mul3A_2505 = vector.broadcast %mul3A_2504 : f32 to vector<16xf32>
        %mul3A_2506 = arith.mulf %mul3A_2505, %add3A_2503 : vector<16xf32>
        %max3A_2507 = arith.maximumf %add3A_2503, %mul3A_2506 : vector<16xf32>
        %mul3A_2508 = arith.mulf %max3A_2507, %get3A_50 : vector<16xf32>
        %add3A_2509 = arith.addf %add3A_2492, %mul3A_2508 : vector<16xf32>
        %get3A_2510 = arith.index_cast %add3A_2388 : i32 to index
        %get3A_2511 = arith.constant 112 : index
        %get3A_2512 = tpu.vector_load %arg14[%get3A_2510, %get3A_2511] {strides = array<i32>} : memref<80x128xf32, #tpu.memory_space<vmem>>, vector<16xf32>,
        %get3A_2513 = arith.index_cast %add3A_2388 : i32 to index
        %get3A_2514 = arith.constant 112 : index
        %get3A_2515 = tpu.vector_load %arg15[%get3A_2513, %get3A_2514] {strides = array<i32>} : memref<80x128xf32, #tpu.memory_space<vmem>>, vector<16xf32>,
        %add3A_2516 = arith.addf %get3A_2512, %get3A_2515 : vector<16xf32>
        %get3A_2517 = arith.index_cast %add3A_2388 : i32 to index
        %get3A_2518 = arith.constant 112 : index
        %get3A_2519 = tpu.vector_load %arg16[%get3A_2517, %get3A_2518] {strides = array<i32>} : memref<80x128xf32, #tpu.memory_space<vmem>>, vector<16xf32>,
        %add3A_2520 = arith.addf %add3A_2516, %get3A_2519 : vector<16xf32>
        %mul3A_2521 = arith.constant 2.000000e-01 : f32
        %mul3A_2522 = vector.broadcast %mul3A_2521 : f32 to vector<16xf32>
        %mul3A_2523 = arith.mulf %mul3A_2522, %add3A_2520 : vector<16xf32>
        %max3A_2524 = arith.maximumf %add3A_2520, %mul3A_2523 : vector<16xf32>
        %mul3A_2525 = arith.mulf %max3A_2524, %get3A_56 : vector<16xf32>
        %add3A_2526 = arith.addf %add3A_2509, %mul3A_2525 : vector<16xf32>
        %swap3A_2527 = arith.constant 15 : i32
        %swap3A_2528 = arith.index_cast %swap3A_2527 : i32 to index
        %swap3A_2529 = arith.constant 0 : index
        %swap3A_2530 = tpu.vector_load %arg19[%swap3A_2528, %swap3A_2529] {strides = array<i32>} : memref<16x16xf32, #tpu.memory_space<vmem>>, vector<16xf32>,
        tpu.vector_store %arg19[%swap3A_2528, %swap3A_2529], %add3A_2526 {strides = array<i32>} : memref<16x16xf32, #tpu.memory_space<vmem>>, vector<16xf32>,
        %get3A_2531 = arith.constant 0 : i32
        %get3A_2532 = arith.index_cast %get3A_2531 : i32 to index
        %get3A_2533 = arith.constant 0 : index
        %get3A_2534 = tpu.vector_load %arg20[%get3A_2532, %get3A_2533] {strides = array<i32>} : memref<16x16xi32, #tpu.memory_space<vmem>>, vector<16xi32>,
        %gather3A = tpu.vector_load_idx %arg18[%iota3A, %get3A_2534] : memref<16x16xf32, #tpu.memory_space<vmem>>[vector<16xi32>, vector<16xi32>], vector<16xf32>,
        %gather3A_2535 = tpu.vector_load_idx %arg19[%iota3A, %get3A_2534] : memref<16x16xf32, #tpu.memory_space<vmem>>[vector<16xi32>, vector<16xi32>], vector<16xf32>,
        %get3A_2536 = arith.constant 1 : i32
        %get3A_2537 = arith.index_cast %get3A_2536 : i32 to index
        %get3A_2538 = arith.constant 0 : index
        %get3A_2539 = tpu.vector_load %arg20[%get3A_2537, %get3A_2538] {strides = array<i32>} : memref<16x16xi32, #tpu.memory_space<vmem>>, vector<16xi32>,
        %gather3A_2540 = tpu.vector_load_idx %arg18[%iota3A, %get3A_2539] : memref<16x16xf32, #tpu.memory_space<vmem>>[vector<16xi32>, vector<16xi32>], vector<16xf32>,
        %gather3A_2541 = tpu.vector_load_idx %arg19[%iota3A, %get3A_2539] : memref<16x16xf32, #tpu.memory_space<vmem>>[vector<16xi32>, vector<16xi32>], vector<16xf32>,
        %add3A_2542 = arith.addf %gather3A, %gather3A_2540 : vector<16xf32>
        %add3A_2543 = arith.addf %gather3A_2535, %gather3A_2541 : vector<16xf32>
        %get3A_2544 = arith.constant 2 : i32
        %get3A_2545 = arith.index_cast %get3A_2544 : i32 to index
        %get3A_2546 = arith.constant 0 : index
        %get3A_2547 = tpu.vector_load %arg20[%get3A_2545, %get3A_2546] {strides = array<i32>} : memref<16x16xi32, #tpu.memory_space<vmem>>, vector<16xi32>,
        %gather3A_2548 = tpu.vector_load_idx %arg18[%iota3A, %get3A_2547] : memref<16x16xf32, #tpu.memory_space<vmem>>[vector<16xi32>, vector<16xi32>], vector<16xf32>,
        %gather3A_2549 = tpu.vector_load_idx %arg19[%iota3A, %get3A_2547] : memref<16x16xf32, #tpu.memory_space<vmem>>[vector<16xi32>, vector<16xi32>], vector<16xf32>,
        %add3A_2550 = arith.addf %add3A_2542, %gather3A_2548 : vector<16xf32>
        %add3A_2551 = arith.addf %add3A_2543, %gather3A_2549 : vector<16xf32>
        %get3A_2552 = arith.constant 3 : i32
        %get3A_2553 = arith.index_cast %get3A_2552 : i32 to index
        %get3A_2554 = arith.constant 0 : index
        %get3A_2555 = tpu.vector_load %arg20[%get3A_2553, %get3A_2554] {strides = array<i32>} : memref<16x16xi32, #tpu.memory_space<vmem>>, vector<16xi32>,
        %gather3A_2556 = tpu.vector_load_idx %arg18[%iota3A, %get3A_2555] : memref<16x16xf32, #tpu.memory_space<vmem>>[vector<16xi32>, vector<16xi32>], vector<16xf32>,
        %gather3A_2557 = tpu.vector_load_idx %arg19[%iota3A, %get3A_2555] : memref<16x16xf32, #tpu.memory_space<vmem>>[vector<16xi32>, vector<16xi32>], vector<16xf32>,
        %add3A_2558 = arith.addf %add3A_2550, %gather3A_2556 : vector<16xf32>
        %add3A_2559 = arith.addf %add3A_2551, %gather3A_2557 : vector<16xf32>
        %get3A_2560 = arith.constant 4 : i32
        %get3A_2561 = arith.index_cast %get3A_2560 : i32 to index
        %get3A_2562 = arith.constant 0 : index
        %get3A_2563 = tpu.vector_load %arg20[%get3A_2561, %get3A_2562] {strides = array<i32>} : memref<16x16xi32, #tpu.memory_space<vmem>>, vector<16xi32>,
        %gather3A_2564 = tpu.vector_load_idx %arg18[%iota3A, %get3A_2563] : memref<16x16xf32, #tpu.memory_space<vmem>>[vector<16xi32>, vector<16xi32>], vector<16xf32>,
        %gather3A_2565 = tpu.vector_load_idx %arg19[%iota3A, %get3A_2563] : memref<16x16xf32, #tpu.memory_space<vmem>>[vector<16xi32>, vector<16xi32>], vector<16xf32>,
        %add3A_2566 = arith.addf %add3A_2558, %gather3A_2564 : vector<16xf32>
        %add3A_2567 = arith.addf %add3A_2559, %gather3A_2565 : vector<16xf32>
        %get3A_2568 = arith.constant 5 : i32
        %get3A_2569 = arith.index_cast %get3A_2568 : i32 to index
        %get3A_2570 = arith.constant 0 : index
        %get3A_2571 = tpu.vector_load %arg20[%get3A_2569, %get3A_2570] {strides = array<i32>} : memref<16x16xi32, #tpu.memory_space<vmem>>, vector<16xi32>,
        %gather3A_2572 = tpu.vector_load_idx %arg18[%iota3A, %get3A_2571] : memref<16x16xf32, #tpu.memory_space<vmem>>[vector<16xi32>, vector<16xi32>], vector<16xf32>,
        %gather3A_2573 = tpu.vector_load_idx %arg19[%iota3A, %get3A_2571] : memref<16x16xf32, #tpu.memory_space<vmem>>[vector<16xi32>, vector<16xi32>], vector<16xf32>,
        %add3A_2574 = arith.addf %add3A_2566, %gather3A_2572 : vector<16xf32>
        %add3A_2575 = arith.addf %add3A_2567, %gather3A_2573 : vector<16xf32>
        %get3A_2576 = arith.constant 6 : i32
        %get3A_2577 = arith.index_cast %get3A_2576 : i32 to index
        %get3A_2578 = arith.constant 0 : index
        %get3A_2579 = tpu.vector_load %arg20[%get3A_2577, %get3A_2578] {strides = array<i32>} : memref<16x16xi32, #tpu.memory_space<vmem>>, vector<16xi32>,
        %gather3A_2580 = tpu.vector_load_idx %arg18[%iota3A, %get3A_2579] : memref<16x16xf32, #tpu.memory_space<vmem>>[vector<16xi32>, vector<16xi32>], vector<16xf32>,
        %gather3A_2581 = tpu.vector_load_idx %arg19[%iota3A, %get3A_2579] : memref<16x16xf32, #tpu.memory_space<vmem>>[vector<16xi32>, vector<16xi32>], vector<16xf32>,
        %add3A_2582 = arith.addf %add3A_2574, %gather3A_2580 : vector<16xf32>
        %add3A_2583 = arith.addf %add3A_2575, %gather3A_2581 : vector<16xf32>
        %get3A_2584 = arith.constant 7 : i32
        %get3A_2585 = arith.index_cast %get3A_2584 : i32 to index
        %get3A_2586 = arith.constant 0 : index
        %get3A_2587 = tpu.vector_load %arg20[%get3A_2585, %get3A_2586] {strides = array<i32>} : memref<16x16xi32, #tpu.memory_space<vmem>>, vector<16xi32>,
        %gather3A_2588 = tpu.vector_load_idx %arg18[%iota3A, %get3A_2587] : memref<16x16xf32, #tpu.memory_space<vmem>>[vector<16xi32>, vector<16xi32>], vector<16xf32>,
        %gather3A_2589 = tpu.vector_load_idx %arg19[%iota3A, %get3A_2587] : memref<16x16xf32, #tpu.memory_space<vmem>>[vector<16xi32>, vector<16xi32>], vector<16xf32>,
        %add3A_2590 = arith.addf %add3A_2582, %gather3A_2588 : vector<16xf32>
        %add3A_2591 = arith.addf %add3A_2583, %gather3A_2589 : vector<16xf32>
        %get3A_2592 = arith.constant 8 : i32
        %get3A_2593 = arith.index_cast %get3A_2592 : i32 to index
        %get3A_2594 = arith.constant 0 : index
        %get3A_2595 = tpu.vector_load %arg20[%get3A_2593, %get3A_2594] {strides = array<i32>} : memref<16x16xi32, #tpu.memory_space<vmem>>, vector<16xi32>,
        %gather3A_2596 = tpu.vector_load_idx %arg18[%iota3A, %get3A_2595] : memref<16x16xf32, #tpu.memory_space<vmem>>[vector<16xi32>, vector<16xi32>], vector<16xf32>,
        %gather3A_2597 = tpu.vector_load_idx %arg19[%iota3A, %get3A_2595] : memref<16x16xf32, #tpu.memory_space<vmem>>[vector<16xi32>, vector<16xi32>], vector<16xf32>,
        %add3A_2598 = arith.addf %add3A_2590, %gather3A_2596 : vector<16xf32>
        %add3A_2599 = arith.addf %add3A_2591, %gather3A_2597 : vector<16xf32>
        %get3A_2600 = arith.constant 9 : i32
        %get3A_2601 = arith.index_cast %get3A_2600 : i32 to index
        %get3A_2602 = arith.constant 0 : index
        %get3A_2603 = tpu.vector_load %arg20[%get3A_2601, %get3A_2602] {strides = array<i32>} : memref<16x16xi32, #tpu.memory_space<vmem>>, vector<16xi32>,
        %gather3A_2604 = tpu.vector_load_idx %arg18[%iota3A, %get3A_2603] : memref<16x16xf32, #tpu.memory_space<vmem>>[vector<16xi32>, vector<16xi32>], vector<16xf32>,
        %gather3A_2605 = tpu.vector_load_idx %arg19[%iota3A, %get3A_2603] : memref<16x16xf32, #tpu.memory_space<vmem>>[vector<16xi32>, vector<16xi32>], vector<16xf32>,
        %add3A_2606 = arith.addf %add3A_2598, %gather3A_2604 : vector<16xf32>
        %add3A_2607 = arith.addf %add3A_2599, %gather3A_2605 : vector<16xf32>
        %get3A_2608 = arith.constant 10 : i32
        %get3A_2609 = arith.index_cast %get3A_2608 : i32 to index
        %get3A_2610 = arith.constant 0 : index
        %get3A_2611 = tpu.vector_load %arg20[%get3A_2609, %get3A_2610] {strides = array<i32>} : memref<16x16xi32, #tpu.memory_space<vmem>>, vector<16xi32>,
        %gather3A_2612 = tpu.vector_load_idx %arg18[%iota3A, %get3A_2611] : memref<16x16xf32, #tpu.memory_space<vmem>>[vector<16xi32>, vector<16xi32>], vector<16xf32>,
        %gather3A_2613 = tpu.vector_load_idx %arg19[%iota3A, %get3A_2611] : memref<16x16xf32, #tpu.memory_space<vmem>>[vector<16xi32>, vector<16xi32>], vector<16xf32>,
        %add3A_2614 = arith.addf %add3A_2606, %gather3A_2612 : vector<16xf32>
        %add3A_2615 = arith.addf %add3A_2607, %gather3A_2613 : vector<16xf32>
        %get3A_2616 = arith.constant 11 : i32
        %get3A_2617 = arith.index_cast %get3A_2616 : i32 to index
        %get3A_2618 = arith.constant 0 : index
        %get3A_2619 = tpu.vector_load %arg20[%get3A_2617, %get3A_2618] {strides = array<i32>} : memref<16x16xi32, #tpu.memory_space<vmem>>, vector<16xi32>,
        %gather3A_2620 = tpu.vector_load_idx %arg18[%iota3A, %get3A_2619] : memref<16x16xf32, #tpu.memory_space<vmem>>[vector<16xi32>, vector<16xi32>], vector<16xf32>,
        %gather3A_2621 = tpu.vector_load_idx %arg19[%iota3A, %get3A_2619] : memref<16x16xf32, #tpu.memory_space<vmem>>[vector<16xi32>, vector<16xi32>], vector<16xf32>,
        %add3A_2622 = arith.addf %add3A_2614, %gather3A_2620 : vector<16xf32>
        %add3A_2623 = arith.addf %add3A_2615, %gather3A_2621 : vector<16xf32>
        %get3A_2624 = arith.constant 12 : i32
        %get3A_2625 = arith.index_cast %get3A_2624 : i32 to index
        %get3A_2626 = arith.constant 0 : index
        %get3A_2627 = tpu.vector_load %arg20[%get3A_2625, %get3A_2626] {strides = array<i32>} : memref<16x16xi32, #tpu.memory_space<vmem>>, vector<16xi32>,
        %gather3A_2628 = tpu.vector_load_idx %arg18[%iota3A, %get3A_2627] : memref<16x16xf32, #tpu.memory_space<vmem>>[vector<16xi32>, vector<16xi32>], vector<16xf32>,
        %gather3A_2629 = tpu.vector_load_idx %arg19[%iota3A, %get3A_2627] : memref<16x16xf32, #tpu.memory_space<vmem>>[vector<16xi32>, vector<16xi32>], vector<16xf32>,
        %add3A_2630 = arith.addf %add3A_2622, %gather3A_2628 : vector<16xf32>
        %add3A_2631 = arith.addf %add3A_2623, %gather3A_2629 : vector<16xf32>
        %get3A_2632 = arith.constant 13 : i32
        %get3A_2633 = arith.index_cast %get3A_2632 : i32 to index
        %get3A_2634 = arith.constant 0 : index
        %get3A_2635 = tpu.vector_load %arg20[%get3A_2633, %get3A_2634] {strides = array<i32>} : memref<16x16xi32, #tpu.memory_space<vmem>>, vector<16xi32>,
        %gather3A_2636 = tpu.vector_load_idx %arg18[%iota3A, %get3A_2635] : memref<16x16xf32, #tpu.memory_space<vmem>>[vector<16xi32>, vector<16xi32>], vector<16xf32>,
        %gather3A_2637 = tpu.vector_load_idx %arg19[%iota3A, %get3A_2635] : memref<16x16xf32, #tpu.memory_space<vmem>>[vector<16xi32>, vector<16xi32>], vector<16xf32>,
        %add3A_2638 = arith.addf %add3A_2630, %gather3A_2636 : vector<16xf32>
        %add3A_2639 = arith.addf %add3A_2631, %gather3A_2637 : vector<16xf32>
        %get3A_2640 = arith.constant 14 : i32
        %get3A_2641 = arith.index_cast %get3A_2640 : i32 to index
        %get3A_2642 = arith.constant 0 : index
        %get3A_2643 = tpu.vector_load %arg20[%get3A_2641, %get3A_2642] {strides = array<i32>} : memref<16x16xi32, #tpu.memory_space<vmem>>, vector<16xi32>,
        %gather3A_2644 = tpu.vector_load_idx %arg18[%iota3A, %get3A_2643] : memref<16x16xf32, #tpu.memory_space<vmem>>[vector<16xi32>, vector<16xi32>], vector<16xf32>,
        %gather3A_2645 = tpu.vector_load_idx %arg19[%iota3A, %get3A_2643] : memref<16x16xf32, #tpu.memory_space<vmem>>[vector<16xi32>, vector<16xi32>], vector<16xf32>,
        %add3A_2646 = arith.addf %add3A_2638, %gather3A_2644 : vector<16xf32>
        %add3A_2647 = arith.addf %add3A_2639, %gather3A_2645 : vector<16xf32>
        %get3A_2648 = arith.constant 15 : i32
        %get3A_2649 = arith.index_cast %get3A_2648 : i32 to index
        %get3A_2650 = arith.constant 0 : index
        %get3A_2651 = tpu.vector_load %arg20[%get3A_2649, %get3A_2650] {strides = array<i32>} : memref<16x16xi32, #tpu.memory_space<vmem>>, vector<16xi32>,
        %gather3A_2652 = tpu.vector_load_idx %arg18[%iota3A, %get3A_2651] : memref<16x16xf32, #tpu.memory_space<vmem>>[vector<16xi32>, vector<16xi32>], vector<16xf32>,
        %gather3A_2653 = tpu.vector_load_idx %arg19[%iota3A, %get3A_2651] : memref<16x16xf32, #tpu.memory_space<vmem>>[vector<16xi32>, vector<16xi32>], vector<16xf32>,
        %add3A_2654 = arith.addf %add3A_2646, %gather3A_2652 : vector<16xf32>
        %add3A_2655 = arith.addf %add3A_2647, %gather3A_2653 : vector<16xf32>
        %exp3A = math.exp %add3A_2654 : vector<16xf32>
        %exp3A_2656 = math.exp %add3A_2655 : vector<16xf32>
        %mul3A_2657 = arith.constant 16 : i32
        %mul3A_2658 = arith.muli %add3A_195, %mul3A_2657 : i32
        %add3A_2659 = vector.broadcast %mul3A_2658 : i32 to vector<16xi32>
        %add3A_2660 = arith.addi %add3A_2659, %iota3A : vector<16xi32>
        %get3A_2661 = arith.constant 0 : i32
        %get3A_2662 = arith.index_cast %get3A_2661 : i32 to index
        %get3A_2663 = arith.constant 0 : index
        %get3A_2664 = tpu.vector_load %arg20[%get3A_2662, %get3A_2663] {strides = array<i32>} : memref<16x16xi32, #tpu.memory_space<vmem>>, vector<16xi32>,
        tpu.vector_store_idx %arg17[%add3A_2660, %get3A_2664], %exp3A : memref<80x16xf32, #tpu.memory_space<vmem>>[vector<16xi32>, vector<16xi32>], vector<16xf32>,
        %get3A_2665 = arith.constant 1 : i32
        %get3A_2666 = arith.index_cast %get3A_2665 : i32 to index
        %get3A_2667 = arith.constant 0 : index
        %get3A_2668 = tpu.vector_load %arg20[%get3A_2666, %get3A_2667] {strides = array<i32>} : memref<16x16xi32, #tpu.memory_space<vmem>>, vector<16xi32>,
        tpu.vector_store_idx %arg17[%add3A_2660, %get3A_2668], %exp3A_2656 : memref<80x16xf32, #tpu.memory_space<vmem>>[vector<16xi32>, vector<16xi32>], vector<16xf32>,
        %mul3A_2669 = arith.constant 16 : i32
        %mul3A_2670 = arith.muli %add3A_195, %mul3A_2669 : i32
        %add3A_2671 = arith.constant 0 : i32
        %add3A_2672 = arith.addi %mul3A_2670, %add3A_2671 : i32
        %get3A_2673 = arith.constant 0 : i32
        %get3A_2674 = arith.index_cast %get3A_2673 : i32 to index
        %get3A_2675 = arith.constant 0 : index
        %get3A_2676 = tpu.vector_load %arg20[%get3A_2674, %get3A_2675] {strides = array<i32>} : memref<16x16xi32, #tpu.memory_space<vmem>>, vector<16xi32>,
        %broadcast_in_dim3A_2677 = vector.shape_cast %get3A_2676 : vector<16xi32> to vector<16x1xi32>
        %gather3A_2678 = vector.shape_cast %broadcast_in_dim3A_2677 : vector<16x1xi32> to vector<16xi32>
        %gather3A_2679 = tpu.dynamic_gather %exp3A[%gather3A_2678] in [0] : vector<16xf32>, vector<16xi32> -> vector<16xf32>
        %get3A_2680 = arith.constant 0 : i32
        %get3A_2681 = arith.index_cast %get3A_2680 : i32 to index
        %get3A_2682 = arith.constant 0 : index
        %get3A_2683 = tpu.vector_load %arg20[%get3A_2681, %get3A_2682] {strides = array<i32>} : memref<16x16xi32, #tpu.memory_space<vmem>>, vector<16xi32>,
        %broadcast_in_dim3A_2684 = vector.shape_cast %get3A_2683 : vector<16xi32> to vector<16x1xi32>
        %gather3A_2685 = vector.shape_cast %broadcast_in_dim3A_2684 : vector<16x1xi32> to vector<16xi32>
        %gather3A_2686 = tpu.dynamic_gather %exp3A_2656[%gather3A_2685] in [0] : vector<16xf32>, vector<16xi32> -> vector<16xf32>
        %get3A_2687 = arith.index_cast %add3A_2672 : i32 to index
        %get3A_2688 = arith.constant 0 : index
        %get3A_2689 = tpu.vector_load %arg14[%get3A_2687, %get3A_2688] {strides = array<i32>} : memref<80x128xf32, #tpu.memory_space<vmem>>, vector<16xf32>,
        %mul3A_2690 = arith.mulf %gather3A_2679, %get3A_2689 : vector<16xf32>
        %swap3A_2691 = arith.index_cast %add3A_2672 : i32 to index
        %swap3A_2692 = arith.constant 0 : index
        %swap3A_2693 = tpu.vector_load %arg15[%swap3A_2691, %swap3A_2692] {strides = array<i32>} : memref<80x128xf32, #tpu.memory_space<vmem>>, vector<16xf32>,
        tpu.vector_store %arg15[%swap3A_2691, %swap3A_2692], %mul3A_2690 {strides = array<i32>} : memref<80x128xf32, #tpu.memory_space<vmem>>, vector<16xf32>,
        %get3A_2694 = arith.index_cast %add3A_2672 : i32 to index
        %get3A_2695 = arith.constant 16 : index
        %get3A_2696 = tpu.vector_load %arg14[%get3A_2694, %get3A_2695] {strides = array<i32>} : memref<80x128xf32, #tpu.memory_space<vmem>>, vector<16xf32>,
        %mul3A_2697 = arith.mulf %gather3A_2679, %get3A_2696 : vector<16xf32>
        %swap3A_2698 = arith.index_cast %add3A_2672 : i32 to index
        %swap3A_2699 = arith.constant 16 : index
        %swap3A_2700 = tpu.vector_load %arg15[%swap3A_2698, %swap3A_2699] {strides = array<i32>} : memref<80x128xf32, #tpu.memory_space<vmem>>, vector<16xf32>,
        tpu.vector_store %arg15[%swap3A_2698, %swap3A_2699], %mul3A_2697 {strides = array<i32>} : memref<80x128xf32, #tpu.memory_space<vmem>>, vector<16xf32>,
        %get3A_2701 = arith.index_cast %add3A_2672 : i32 to index
        %get3A_2702 = arith.constant 32 : index
        %get3A_2703 = tpu.vector_load %arg14[%get3A_2701, %get3A_2702] {strides = array<i32>} : memref<80x128xf32, #tpu.memory_space<vmem>>, vector<16xf32>,
        %mul3A_2704 = arith.mulf %gather3A_2679, %get3A_2703 : vector<16xf32>
        %swap3A_2705 = arith.index_cast %add3A_2672 : i32 to index
        %swap3A_2706 = arith.constant 32 : index
        %swap3A_2707 = tpu.vector_load %arg15[%swap3A_2705, %swap3A_2706] {strides = array<i32>} : memref<80x128xf32, #tpu.memory_space<vmem>>, vector<16xf32>,
        tpu.vector_store %arg15[%swap3A_2705, %swap3A_2706], %mul3A_2704 {strides = array<i32>} : memref<80x128xf32, #tpu.memory_space<vmem>>, vector<16xf32>,
        %get3A_2708 = arith.index_cast %add3A_2672 : i32 to index
        %get3A_2709 = arith.constant 48 : index
        %get3A_2710 = tpu.vector_load %arg14[%get3A_2708, %get3A_2709] {strides = array<i32>} : memref<80x128xf32, #tpu.memory_space<vmem>>, vector<16xf32>,
        %mul3A_2711 = arith.mulf %gather3A_2679, %get3A_2710 : vector<16xf32>
        %swap3A_2712 = arith.index_cast %add3A_2672 : i32 to index
        %swap3A_2713 = arith.constant 48 : index
        %swap3A_2714 = tpu.vector_load %arg15[%swap3A_2712, %swap3A_2713] {strides = array<i32>} : memref<80x128xf32, #tpu.memory_space<vmem>>, vector<16xf32>,
        tpu.vector_store %arg15[%swap3A_2712, %swap3A_2713], %mul3A_2711 {strides = array<i32>} : memref<80x128xf32, #tpu.memory_space<vmem>>, vector<16xf32>,
        %get3A_2715 = arith.index_cast %add3A_2672 : i32 to index
        %get3A_2716 = arith.constant 64 : index
        %get3A_2717 = tpu.vector_load %arg14[%get3A_2715, %get3A_2716] {strides = array<i32>} : memref<80x128xf32, #tpu.memory_space<vmem>>, vector<16xf32>,
        %mul3A_2718 = arith.mulf %gather3A_2686, %get3A_2717 : vector<16xf32>
        %swap3A_2719 = arith.index_cast %add3A_2672 : i32 to index
        %swap3A_2720 = arith.constant 64 : index
        %swap3A_2721 = tpu.vector_load %arg15[%swap3A_2719, %swap3A_2720] {strides = array<i32>} : memref<80x128xf32, #tpu.memory_space<vmem>>, vector<16xf32>,
        tpu.vector_store %arg15[%swap3A_2719, %swap3A_2720], %mul3A_2718 {strides = array<i32>} : memref<80x128xf32, #tpu.memory_space<vmem>>, vector<16xf32>,
        %get3A_2722 = arith.index_cast %add3A_2672 : i32 to index
        %get3A_2723 = arith.constant 80 : index
        %get3A_2724 = tpu.vector_load %arg14[%get3A_2722, %get3A_2723] {strides = array<i32>} : memref<80x128xf32, #tpu.memory_space<vmem>>, vector<16xf32>,
        %mul3A_2725 = arith.mulf %gather3A_2686, %get3A_2724 : vector<16xf32>
        %swap3A_2726 = arith.index_cast %add3A_2672 : i32 to index
        %swap3A_2727 = arith.constant 80 : index
        %swap3A_2728 = tpu.vector_load %arg15[%swap3A_2726, %swap3A_2727] {strides = array<i32>} : memref<80x128xf32, #tpu.memory_space<vmem>>, vector<16xf32>,
        tpu.vector_store %arg15[%swap3A_2726, %swap3A_2727], %mul3A_2725 {strides = array<i32>} : memref<80x128xf32, #tpu.memory_space<vmem>>, vector<16xf32>,
        %get3A_2729 = arith.index_cast %add3A_2672 : i32 to index
        %get3A_2730 = arith.constant 96 : index
        %get3A_2731 = tpu.vector_load %arg14[%get3A_2729, %get3A_2730] {strides = array<i32>} : memref<80x128xf32, #tpu.memory_space<vmem>>, vector<16xf32>,
        %mul3A_2732 = arith.mulf %gather3A_2686, %get3A_2731 : vector<16xf32>
        %swap3A_2733 = arith.index_cast %add3A_2672 : i32 to index
        %swap3A_2734 = arith.constant 96 : index
        %swap3A_2735 = tpu.vector_load %arg15[%swap3A_2733, %swap3A_2734] {strides = array<i32>} : memref<80x128xf32, #tpu.memory_space<vmem>>, vector<16xf32>,
        tpu.vector_store %arg15[%swap3A_2733, %swap3A_2734], %mul3A_2732 {strides = array<i32>} : memref<80x128xf32, #tpu.memory_space<vmem>>, vector<16xf32>,
        %get3A_2736 = arith.index_cast %add3A_2672 : i32 to index
        %get3A_2737 = arith.constant 112 : index
        %get3A_2738 = tpu.vector_load %arg14[%get3A_2736, %get3A_2737] {strides = array<i32>} : memref<80x128xf32, #tpu.memory_space<vmem>>, vector<16xf32>,
        %mul3A_2739 = arith.mulf %gather3A_2686, %get3A_2738 : vector<16xf32>
        %swap3A_2740 = arith.index_cast %add3A_2672 : i32 to index
        %swap3A_2741 = arith.constant 112 : index
        %swap3A_2742 = tpu.vector_load %arg15[%swap3A_2740, %swap3A_2741] {strides = array<i32>} : memref<80x128xf32, #tpu.memory_space<vmem>>, vector<16xf32>,
        tpu.vector_store %arg15[%swap3A_2740, %swap3A_2741], %mul3A_2739 {strides = array<i32>} : memref<80x128xf32, #tpu.memory_space<vmem>>, vector<16xf32>,
        %mul3A_2743 = arith.constant 16 : i32
        %mul3A_2744 = arith.muli %add3A_195, %mul3A_2743 : i32
        %add3A_2745 = arith.constant 1 : i32
        %add3A_2746 = arith.addi %mul3A_2744, %add3A_2745 : i32
        %get3A_2747 = arith.constant 1 : i32
        %get3A_2748 = arith.index_cast %get3A_2747 : i32 to index
        %get3A_2749 = arith.constant 0 : index
        %get3A_2750 = tpu.vector_load %arg20[%get3A_2748, %get3A_2749] {strides = array<i32>} : memref<16x16xi32, #tpu.memory_space<vmem>>, vector<16xi32>,
        %broadcast_in_dim3A_2751 = vector.shape_cast %get3A_2750 : vector<16xi32> to vector<16x1xi32>
        %gather3A_2752 = vector.shape_cast %broadcast_in_dim3A_2751 : vector<16x1xi32> to vector<16xi32>
        %gather3A_2753 = tpu.dynamic_gather %exp3A[%gather3A_2752] in [0] : vector<16xf32>, vector<16xi32> -> vector<16xf32>
        %get3A_2754 = arith.constant 1 : i32
        %get3A_2755 = arith.index_cast %get3A_2754 : i32 to index
        %get3A_2756 = arith.constant 0 : index
        %get3A_2757 = tpu.vector_load %arg20[%get3A_2755, %get3A_2756] {strides = array<i32>} : memref<16x16xi32, #tpu.memory_space<vmem>>, vector<16xi32>,
        %broadcast_in_dim3A_2758 = vector.shape_cast %get3A_2757 : vector<16xi32> to vector<16x1xi32>
        %gather3A_2759 = vector.shape_cast %broadcast_in_dim3A_2758 : vector<16x1xi32> to vector<16xi32>
        %gather3A_2760 = tpu.dynamic_gather %exp3A_2656[%gather3A_2759] in [0] : vector<16xf32>, vector<16xi32> -> vector<16xf32>
        %get3A_2761 = arith.index_cast %add3A_2746 : i32 to index
        %get3A_2762 = arith.constant 0 : index
        %get3A_2763 = tpu.vector_load %arg14[%get3A_2761, %get3A_2762] {strides = array<i32>} : memref<80x128xf32, #tpu.memory_space<vmem>>, vector<16xf32>,
        %mul3A_2764 = arith.mulf %gather3A_2753, %get3A_2763 : vector<16xf32>
        %swap3A_2765 = arith.index_cast %add3A_2746 : i32 to index
        %swap3A_2766 = arith.constant 0 : index
        %swap3A_2767 = tpu.vector_load %arg15[%swap3A_2765, %swap3A_2766] {strides = array<i32>} : memref<80x128xf32, #tpu.memory_space<vmem>>, vector<16xf32>,
        tpu.vector_store %arg15[%swap3A_2765, %swap3A_2766], %mul3A_2764 {strides = array<i32>} : memref<80x128xf32, #tpu.memory_space<vmem>>, vector<16xf32>,
        %get3A_2768 = arith.index_cast %add3A_2746 : i32 to index
        %get3A_2769 = arith.constant 16 : index
        %get3A_2770 = tpu.vector_load %arg14[%get3A_2768, %get3A_2769] {strides = array<i32>} : memref<80x128xf32, #tpu.memory_space<vmem>>, vector<16xf32>,
        %mul3A_2771 = arith.mulf %gather3A_2753, %get3A_2770 : vector<16xf32>
        %swap3A_2772 = arith.index_cast %add3A_2746 : i32 to index
        %swap3A_2773 = arith.constant 16 : index
        %swap3A_2774 = tpu.vector_load %arg15[%swap3A_2772, %swap3A_2773] {strides = array<i32>} : memref<80x128xf32, #tpu.memory_space<vmem>>, vector<16xf32>,
        tpu.vector_store %arg15[%swap3A_2772, %swap3A_2773], %mul3A_2771 {strides = array<i32>} : memref<80x128xf32, #tpu.memory_space<vmem>>, vector<16xf32>,
        %get3A_2775 = arith.index_cast %add3A_2746 : i32 to index
        %get3A_2776 = arith.constant 32 : index
        %get3A_2777 = tpu.vector_load %arg14[%get3A_2775, %get3A_2776] {strides = array<i32>} : memref<80x128xf32, #tpu.memory_space<vmem>>, vector<16xf32>,
        %mul3A_2778 = arith.mulf %gather3A_2753, %get3A_2777 : vector<16xf32>
        %swap3A_2779 = arith.index_cast %add3A_2746 : i32 to index
        %swap3A_2780 = arith.constant 32 : index
        %swap3A_2781 = tpu.vector_load %arg15[%swap3A_2779, %swap3A_2780] {strides = array<i32>} : memref<80x128xf32, #tpu.memory_space<vmem>>, vector<16xf32>,
        tpu.vector_store %arg15[%swap3A_2779, %swap3A_2780], %mul3A_2778 {strides = array<i32>} : memref<80x128xf32, #tpu.memory_space<vmem>>, vector<16xf32>,
        %get3A_2782 = arith.index_cast %add3A_2746 : i32 to index
        %get3A_2783 = arith.constant 48 : index
        %get3A_2784 = tpu.vector_load %arg14[%get3A_2782, %get3A_2783] {strides = array<i32>} : memref<80x128xf32, #tpu.memory_space<vmem>>, vector<16xf32>,
        %mul3A_2785 = arith.mulf %gather3A_2753, %get3A_2784 : vector<16xf32>
        %swap3A_2786 = arith.index_cast %add3A_2746 : i32 to index
        %swap3A_2787 = arith.constant 48 : index
        %swap3A_2788 = tpu.vector_load %arg15[%swap3A_2786, %swap3A_2787] {strides = array<i32>} : memref<80x128xf32, #tpu.memory_space<vmem>>, vector<16xf32>,
        tpu.vector_store %arg15[%swap3A_2786, %swap3A_2787], %mul3A_2785 {strides = array<i32>} : memref<80x128xf32, #tpu.memory_space<vmem>>, vector<16xf32>,
        %get3A_2789 = arith.index_cast %add3A_2746 : i32 to index
        %get3A_2790 = arith.constant 64 : index
        %get3A_2791 = tpu.vector_load %arg14[%get3A_2789, %get3A_2790] {strides = array<i32>} : memref<80x128xf32, #tpu.memory_space<vmem>>, vector<16xf32>,
        %mul3A_2792 = arith.mulf %gather3A_2760, %get3A_2791 : vector<16xf32>
        %swap3A_2793 = arith.index_cast %add3A_2746 : i32 to index
        %swap3A_2794 = arith.constant 64 : index
        %swap3A_2795 = tpu.vector_load %arg15[%swap3A_2793, %swap3A_2794] {strides = array<i32>} : memref<80x128xf32, #tpu.memory_space<vmem>>, vector<16xf32>,
        tpu.vector_store %arg15[%swap3A_2793, %swap3A_2794], %mul3A_2792 {strides = array<i32>} : memref<80x128xf32, #tpu.memory_space<vmem>>, vector<16xf32>,
        %get3A_2796 = arith.index_cast %add3A_2746 : i32 to index
        %get3A_2797 = arith.constant 80 : index
        %get3A_2798 = tpu.vector_load %arg14[%get3A_2796, %get3A_2797] {strides = array<i32>} : memref<80x128xf32, #tpu.memory_space<vmem>>, vector<16xf32>,
        %mul3A_2799 = arith.mulf %gather3A_2760, %get3A_2798 : vector<16xf32>
        %swap3A_2800 = arith.index_cast %add3A_2746 : i32 to index
        %swap3A_2801 = arith.constant 80 : index
        %swap3A_2802 = tpu.vector_load %arg15[%swap3A_2800, %swap3A_2801] {strides = array<i32>} : memref<80x128xf32, #tpu.memory_space<vmem>>, vector<16xf32>,
        tpu.vector_store %arg15[%swap3A_2800, %swap3A_2801], %mul3A_2799 {strides = array<i32>} : memref<80x128xf32, #tpu.memory_space<vmem>>, vector<16xf32>,
        %get3A_2803 = arith.index_cast %add3A_2746 : i32 to index
        %get3A_2804 = arith.constant 96 : index
        %get3A_2805 = tpu.vector_load %arg14[%get3A_2803, %get3A_2804] {strides = array<i32>} : memref<80x128xf32, #tpu.memory_space<vmem>>, vector<16xf32>,
        %mul3A_2806 = arith.mulf %gather3A_2760, %get3A_2805 : vector<16xf32>
        %swap3A_2807 = arith.index_cast %add3A_2746 : i32 to index
        %swap3A_2808 = arith.constant 96 : index
        %swap3A_2809 = tpu.vector_load %arg15[%swap3A_2807, %swap3A_2808] {strides = array<i32>} : memref<80x128xf32, #tpu.memory_space<vmem>>, vector<16xf32>,
        tpu.vector_store %arg15[%swap3A_2807, %swap3A_2808], %mul3A_2806 {strides = array<i32>} : memref<80x128xf32, #tpu.memory_space<vmem>>, vector<16xf32>,
        %get3A_2810 = arith.index_cast %add3A_2746 : i32 to index
        %get3A_2811 = arith.constant 112 : index
        %get3A_2812 = tpu.vector_load %arg14[%get3A_2810, %get3A_2811] {strides = array<i32>} : memref<80x128xf32, #tpu.memory_space<vmem>>, vector<16xf32>,
        %mul3A_2813 = arith.mulf %gather3A_2760, %get3A_2812 : vector<16xf32>
        %swap3A_2814 = arith.index_cast %add3A_2746 : i32 to index
        %swap3A_2815 = arith.constant 112 : index
        %swap3A_2816 = tpu.vector_load %arg15[%swap3A_2814, %swap3A_2815] {strides = array<i32>} : memref<80x128xf32, #tpu.memory_space<vmem>>, vector<16xf32>,
        tpu.vector_store %arg15[%swap3A_2814, %swap3A_2815], %mul3A_2813 {strides = array<i32>} : memref<80x128xf32, #tpu.memory_space<vmem>>, vector<16xf32>,
        %mul3A_2817 = arith.constant 16 : i32
        %mul3A_2818 = arith.muli %add3A_195, %mul3A_2817 : i32
        %add3A_2819 = arith.constant 2 : i32
        %add3A_2820 = arith.addi %mul3A_2818, %add3A_2819 : i32
        %get3A_2821 = arith.constant 2 : i32
        %get3A_2822 = arith.index_cast %get3A_2821 : i32 to index
        %get3A_2823 = arith.constant 0 : index
        %get3A_2824 = tpu.vector_load %arg20[%get3A_2822, %get3A_2823] {strides = array<i32>} : memref<16x16xi32, #tpu.memory_space<vmem>>, vector<16xi32>,
        %broadcast_in_dim3A_2825 = vector.shape_cast %get3A_2824 : vector<16xi32> to vector<16x1xi32>
        %gather3A_2826 = vector.shape_cast %broadcast_in_dim3A_2825 : vector<16x1xi32> to vector<16xi32>
        %gather3A_2827 = tpu.dynamic_gather %exp3A[%gather3A_2826] in [0] : vector<16xf32>, vector<16xi32> -> vector<16xf32>
        %get3A_2828 = arith.constant 2 : i32
        %get3A_2829 = arith.index_cast %get3A_2828 : i32 to index
        %get3A_2830 = arith.constant 0 : index
        %get3A_2831 = tpu.vector_load %arg20[%get3A_2829, %get3A_2830] {strides = array<i32>} : memref<16x16xi32, #tpu.memory_space<vmem>>, vector<16xi32>,
        %broadcast_in_dim3A_2832 = vector.shape_cast %get3A_2831 : vector<16xi32> to vector<16x1xi32>
        %gather3A_2833 = vector.shape_cast %broadcast_in_dim3A_2832 : vector<16x1xi32> to vector<16xi32>
        %gather3A_2834 = tpu.dynamic_gather %exp3A_2656[%gather3A_2833] in [0] : vector<16xf32>, vector<16xi32> -> vector<16xf32>
        %get3A_2835 = arith.index_cast %add3A_2820 : i32 to index
        %get3A_2836 = arith.constant 0 : index
        %get3A_2837 = tpu.vector_load %arg14[%get3A_2835, %get3A_2836] {strides = array<i32>} : memref<80x128xf32, #tpu.memory_space<vmem>>, vector<16xf32>,
        %mul3A_2838 = arith.mulf %gather3A_2827, %get3A_2837 : vector<16xf32>
        %swap3A_2839 = arith.index_cast %add3A_2820 : i32 to index
        %swap3A_2840 = arith.constant 0 : index
        %swap3A_2841 = tpu.vector_load %arg15[%swap3A_2839, %swap3A_2840] {strides = array<i32>} : memref<80x128xf32, #tpu.memory_space<vmem>>, vector<16xf32>,
        tpu.vector_store %arg15[%swap3A_2839, %swap3A_2840], %mul3A_2838 {strides = array<i32>} : memref<80x128xf32, #tpu.memory_space<vmem>>, vector<16xf32>,
        %get3A_2842 = arith.index_cast %add3A_2820 : i32 to index
        %get3A_2843 = arith.constant 16 : index
        %get3A_2844 = tpu.vector_load %arg14[%get3A_2842, %get3A_2843] {strides = array<i32>} : memref<80x128xf32, #tpu.memory_space<vmem>>, vector<16xf32>,
        %mul3A_2845 = arith.mulf %gather3A_2827, %get3A_2844 : vector<16xf32>
        %swap3A_2846 = arith.index_cast %add3A_2820 : i32 to index
        %swap3A_2847 = arith.constant 16 : index
        %swap3A_2848 = tpu.vector_load %arg15[%swap3A_2846, %swap3A_2847] {strides = array<i32>} : memref<80x128xf32, #tpu.memory_space<vmem>>, vector<16xf32>,
        tpu.vector_store %arg15[%swap3A_2846, %swap3A_2847], %mul3A_2845 {strides = array<i32>} : memref<80x128xf32, #tpu.memory_space<vmem>>, vector<16xf32>,
        %get3A_2849 = arith.index_cast %add3A_2820 : i32 to index
        %get3A_2850 = arith.constant 32 : index
        %get3A_2851 = tpu.vector_load %arg14[%get3A_2849, %get3A_2850] {strides = array<i32>} : memref<80x128xf32, #tpu.memory_space<vmem>>, vector<16xf32>,
        %mul3A_2852 = arith.mulf %gather3A_2827, %get3A_2851 : vector<16xf32>
        %swap3A_2853 = arith.index_cast %add3A_2820 : i32 to index
        %swap3A_2854 = arith.constant 32 : index
        %swap3A_2855 = tpu.vector_load %arg15[%swap3A_2853, %swap3A_2854] {strides = array<i32>} : memref<80x128xf32, #tpu.memory_space<vmem>>, vector<16xf32>,
        tpu.vector_store %arg15[%swap3A_2853, %swap3A_2854], %mul3A_2852 {strides = array<i32>} : memref<80x128xf32, #tpu.memory_space<vmem>>, vector<16xf32>,
        %get3A_2856 = arith.index_cast %add3A_2820 : i32 to index
        %get3A_2857 = arith.constant 48 : index
        %get3A_2858 = tpu.vector_load %arg14[%get3A_2856, %get3A_2857] {strides = array<i32>} : memref<80x128xf32, #tpu.memory_space<vmem>>, vector<16xf32>,
        %mul3A_2859 = arith.mulf %gather3A_2827, %get3A_2858 : vector<16xf32>
        %swap3A_2860 = arith.index_cast %add3A_2820 : i32 to index
        %swap3A_2861 = arith.constant 48 : index
        %swap3A_2862 = tpu.vector_load %arg15[%swap3A_2860, %swap3A_2861] {strides = array<i32>} : memref<80x128xf32, #tpu.memory_space<vmem>>, vector<16xf32>,
        tpu.vector_store %arg15[%swap3A_2860, %swap3A_2861], %mul3A_2859 {strides = array<i32>} : memref<80x128xf32, #tpu.memory_space<vmem>>, vector<16xf32>,
        %get3A_2863 = arith.index_cast %add3A_2820 : i32 to index
        %get3A_2864 = arith.constant 64 : index
        %get3A_2865 = tpu.vector_load %arg14[%get3A_2863, %get3A_2864] {strides = array<i32>} : memref<80x128xf32, #tpu.memory_space<vmem>>, vector<16xf32>,
        %mul3A_2866 = arith.mulf %gather3A_2834, %get3A_2865 : vector<16xf32>
        %swap3A_2867 = arith.index_cast %add3A_2820 : i32 to index
        %swap3A_2868 = arith.constant 64 : index
        %swap3A_2869 = tpu.vector_load %arg15[%swap3A_2867, %swap3A_2868] {strides = array<i32>} : memref<80x128xf32, #tpu.memory_space<vmem>>, vector<16xf32>,
        tpu.vector_store %arg15[%swap3A_2867, %swap3A_2868], %mul3A_2866 {strides = array<i32>} : memref<80x128xf32, #tpu.memory_space<vmem>>, vector<16xf32>,
        %get3A_2870 = arith.index_cast %add3A_2820 : i32 to index
        %get3A_2871 = arith.constant 80 : index
        %get3A_2872 = tpu.vector_load %arg14[%get3A_2870, %get3A_2871] {strides = array<i32>} : memref<80x128xf32, #tpu.memory_space<vmem>>, vector<16xf32>,
        %mul3A_2873 = arith.mulf %gather3A_2834, %get3A_2872 : vector<16xf32>
        %swap3A_2874 = arith.index_cast %add3A_2820 : i32 to index
        %swap3A_2875 = arith.constant 80 : index
        %swap3A_2876 = tpu.vector_load %arg15[%swap3A_2874, %swap3A_2875] {strides = array<i32>} : memref<80x128xf32, #tpu.memory_space<vmem>>, vector<16xf32>,
        tpu.vector_store %arg15[%swap3A_2874, %swap3A_2875], %mul3A_2873 {strides = array<i32>} : memref<80x128xf32, #tpu.memory_space<vmem>>, vector<16xf32>,
        %get3A_2877 = arith.index_cast %add3A_2820 : i32 to index
        %get3A_2878 = arith.constant 96 : index
        %get3A_2879 = tpu.vector_load %arg14[%get3A_2877, %get3A_2878] {strides = array<i32>} : memref<80x128xf32, #tpu.memory_space<vmem>>, vector<16xf32>,
        %mul3A_2880 = arith.mulf %gather3A_2834, %get3A_2879 : vector<16xf32>
        %swap3A_2881 = arith.index_cast %add3A_2820 : i32 to index
        %swap3A_2882 = arith.constant 96 : index
        %swap3A_2883 = tpu.vector_load %arg15[%swap3A_2881, %swap3A_2882] {strides = array<i32>} : memref<80x128xf32, #tpu.memory_space<vmem>>, vector<16xf32>,
        tpu.vector_store %arg15[%swap3A_2881, %swap3A_2882], %mul3A_2880 {strides = array<i32>} : memref<80x128xf32, #tpu.memory_space<vmem>>, vector<16xf32>,
        %get3A_2884 = arith.index_cast %add3A_2820 : i32 to index
        %get3A_2885 = arith.constant 112 : index
        %get3A_2886 = tpu.vector_load %arg14[%get3A_2884, %get3A_2885] {strides = array<i32>} : memref<80x128xf32, #tpu.memory_space<vmem>>, vector<16xf32>,
        %mul3A_2887 = arith.mulf %gather3A_2834, %get3A_2886 : vector<16xf32>
        %swap3A_2888 = arith.index_cast %add3A_2820 : i32 to index
        %swap3A_2889 = arith.constant 112 : index
        %swap3A_2890 = tpu.vector_load %arg15[%swap3A_2888, %swap3A_2889] {strides = array<i32>} : memref<80x128xf32, #tpu.memory_space<vmem>>, vector<16xf32>,
        tpu.vector_store %arg15[%swap3A_2888, %swap3A_2889], %mul3A_2887 {strides = array<i32>} : memref<80x128xf32, #tpu.memory_space<vmem>>, vector<16xf32>,
        %mul3A_2891 = arith.constant 16 : i32
        %mul3A_2892 = arith.muli %add3A_195, %mul3A_2891 : i32
        %add3A_2893 = arith.constant 3 : i32
        %add3A_2894 = arith.addi %mul3A_2892, %add3A_2893 : i32
        %get3A_2895 = arith.constant 3 : i32
        %get3A_2896 = arith.index_cast %get3A_2895 : i32 to index
        %get3A_2897 = arith.constant 0 : index
        %get3A_2898 = tpu.vector_load %arg20[%get3A_2896, %get3A_2897] {strides = array<i32>} : memref<16x16xi32, #tpu.memory_space<vmem>>, vector<16xi32>,
        %broadcast_in_dim3A_2899 = vector.shape_cast %get3A_2898 : vector<16xi32> to vector<16x1xi32>
        %gather3A_2900 = vector.shape_cast %broadcast_in_dim3A_2899 : vector<16x1xi32> to vector<16xi32>
        %gather3A_2901 = tpu.dynamic_gather %exp3A[%gather3A_2900] in [0] : vector<16xf32>, vector<16xi32> -> vector<16xf32>
        %get3A_2902 = arith.constant 3 : i32
        %get3A_2903 = arith.index_cast %get3A_2902 : i32 to index
        %get3A_2904 = arith.constant 0 : index
        %get3A_2905 = tpu.vector_load %arg20[%get3A_2903, %get3A_2904] {strides = array<i32>} : memref<16x16xi32, #tpu.memory_space<vmem>>, vector<16xi32>,
        %broadcast_in_dim3A_2906 = vector.shape_cast %get3A_2905 : vector<16xi32> to vector<16x1xi32>
        %gather3A_2907 = vector.shape_cast %broadcast_in_dim3A_2906 : vector<16x1xi32> to vector<16xi32>
        %gather3A_2908 = tpu.dynamic_gather %exp3A_2656[%gather3A_2907] in [0] : vector<16xf32>, vector<16xi32> -> vector<16xf32>
        %get3A_2909 = arith.index_cast %add3A_2894 : i32 to index
        %get3A_2910 = arith.constant 0 : index
        %get3A_2911 = tpu.vector_load %arg14[%get3A_2909, %get3A_2910] {strides = array<i32>} : memref<80x128xf32, #tpu.memory_space<vmem>>, vector<16xf32>,
        %mul3A_2912 = arith.mulf %gather3A_2901, %get3A_2911 : vector<16xf32>
        %swap3A_2913 = arith.index_cast %add3A_2894 : i32 to index
        %swap3A_2914 = arith.constant 0 : index
        %swap3A_2915 = tpu.vector_load %arg15[%swap3A_2913, %swap3A_2914] {strides = array<i32>} : memref<80x128xf32, #tpu.memory_space<vmem>>, vector<16xf32>,
        tpu.vector_store %arg15[%swap3A_2913, %swap3A_2914], %mul3A_2912 {strides = array<i32>} : memref<80x128xf32, #tpu.memory_space<vmem>>, vector<16xf32>,
        %get3A_2916 = arith.index_cast %add3A_2894 : i32 to index
        %get3A_2917 = arith.constant 16 : index
        %get3A_2918 = tpu.vector_load %arg14[%get3A_2916, %get3A_2917] {strides = array<i32>} : memref<80x128xf32, #tpu.memory_space<vmem>>, vector<16xf32>,
        %mul3A_2919 = arith.mulf %gather3A_2901, %get3A_2918 : vector<16xf32>
        %swap3A_2920 = arith.index_cast %add3A_2894 : i32 to index
        %swap3A_2921 = arith.constant 16 : index
        %swap3A_2922 = tpu.vector_load %arg15[%swap3A_2920, %swap3A_2921] {strides = array<i32>} : memref<80x128xf32, #tpu.memory_space<vmem>>, vector<16xf32>,
        tpu.vector_store %arg15[%swap3A_2920, %swap3A_2921], %mul3A_2919 {strides = array<i32>} : memref<80x128xf32, #tpu.memory_space<vmem>>, vector<16xf32>,
        %get3A_2923 = arith.index_cast %add3A_2894 : i32 to index
        %get3A_2924 = arith.constant 32 : index
        %get3A_2925 = tpu.vector_load %arg14[%get3A_2923, %get3A_2924] {strides = array<i32>} : memref<80x128xf32, #tpu.memory_space<vmem>>, vector<16xf32>,
        %mul3A_2926 = arith.mulf %gather3A_2901, %get3A_2925 : vector<16xf32>
        %swap3A_2927 = arith.index_cast %add3A_2894 : i32 to index
        %swap3A_2928 = arith.constant 32 : index
        %swap3A_2929 = tpu.vector_load %arg15[%swap3A_2927, %swap3A_2928] {strides = array<i32>} : memref<80x128xf32, #tpu.memory_space<vmem>>, vector<16xf32>,
        tpu.vector_store %arg15[%swap3A_2927, %swap3A_2928], %mul3A_2926 {strides = array<i32>} : memref<80x128xf32, #tpu.memory_space<vmem>>, vector<16xf32>,
        %get3A_2930 = arith.index_cast %add3A_2894 : i32 to index
        %get3A_2931 = arith.constant 48 : index
        %get3A_2932 = tpu.vector_load %arg14[%get3A_2930, %get3A_2931] {strides = array<i32>} : memref<80x128xf32, #tpu.memory_space<vmem>>, vector<16xf32>,
        %mul3A_2933 = arith.mulf %gather3A_2901, %get3A_2932 : vector<16xf32>
        %swap3A_2934 = arith.index_cast %add3A_2894 : i32 to index
        %swap3A_2935 = arith.constant 48 : index
        %swap3A_2936 = tpu.vector_load %arg15[%swap3A_2934, %swap3A_2935] {strides = array<i32>} : memref<80x128xf32, #tpu.memory_space<vmem>>, vector<16xf32>,
        tpu.vector_store %arg15[%swap3A_2934, %swap3A_2935], %mul3A_2933 {strides = array<i32>} : memref<80x128xf32, #tpu.memory_space<vmem>>, vector<16xf32>,
        %get3A_2937 = arith.index_cast %add3A_2894 : i32 to index
        %get3A_2938 = arith.constant 64 : index
        %get3A_2939 = tpu.vector_load %arg14[%get3A_2937, %get3A_2938] {strides = array<i32>} : memref<80x128xf32, #tpu.memory_space<vmem>>, vector<16xf32>,
        %mul3A_2940 = arith.mulf %gather3A_2908, %get3A_2939 : vector<16xf32>
        %swap3A_2941 = arith.index_cast %add3A_2894 : i32 to index
        %swap3A_2942 = arith.constant 64 : index
        %swap3A_2943 = tpu.vector_load %arg15[%swap3A_2941, %swap3A_2942] {strides = array<i32>} : memref<80x128xf32, #tpu.memory_space<vmem>>, vector<16xf32>,
        tpu.vector_store %arg15[%swap3A_2941, %swap3A_2942], %mul3A_2940 {strides = array<i32>} : memref<80x128xf32, #tpu.memory_space<vmem>>, vector<16xf32>,
        %get3A_2944 = arith.index_cast %add3A_2894 : i32 to index
        %get3A_2945 = arith.constant 80 : index
        %get3A_2946 = tpu.vector_load %arg14[%get3A_2944, %get3A_2945] {strides = array<i32>} : memref<80x128xf32, #tpu.memory_space<vmem>>, vector<16xf32>,
        %mul3A_2947 = arith.mulf %gather3A_2908, %get3A_2946 : vector<16xf32>
        %swap3A_2948 = arith.index_cast %add3A_2894 : i32 to index
        %swap3A_2949 = arith.constant 80 : index
        %swap3A_2950 = tpu.vector_load %arg15[%swap3A_2948, %swap3A_2949] {strides = array<i32>} : memref<80x128xf32, #tpu.memory_space<vmem>>, vector<16xf32>,
        tpu.vector_store %arg15[%swap3A_2948, %swap3A_2949], %mul3A_2947 {strides = array<i32>} : memref<80x128xf32, #tpu.memory_space<vmem>>, vector<16xf32>,
        %get3A_2951 = arith.index_cast %add3A_2894 : i32 to index
        %get3A_2952 = arith.constant 96 : index
        %get3A_2953 = tpu.vector_load %arg14[%get3A_2951, %get3A_2952] {strides = array<i32>} : memref<80x128xf32, #tpu.memory_space<vmem>>, vector<16xf32>,
        %mul3A_2954 = arith.mulf %gather3A_2908, %get3A_2953 : vector<16xf32>
        %swap3A_2955 = arith.index_cast %add3A_2894 : i32 to index
        %swap3A_2956 = arith.constant 96 : index
        %swap3A_2957 = tpu.vector_load %arg15[%swap3A_2955, %swap3A_2956] {strides = array<i32>} : memref<80x128xf32, #tpu.memory_space<vmem>>, vector<16xf32>,
        tpu.vector_store %arg15[%swap3A_2955, %swap3A_2956], %mul3A_2954 {strides = array<i32>} : memref<80x128xf32, #tpu.memory_space<vmem>>, vector<16xf32>,
        %get3A_2958 = arith.index_cast %add3A_2894 : i32 to index
        %get3A_2959 = arith.constant 112 : index
        %get3A_2960 = tpu.vector_load %arg14[%get3A_2958, %get3A_2959] {strides = array<i32>} : memref<80x128xf32, #tpu.memory_space<vmem>>, vector<16xf32>,
        %mul3A_2961 = arith.mulf %gather3A_2908, %get3A_2960 : vector<16xf32>
        %swap3A_2962 = arith.index_cast %add3A_2894 : i32 to index
        %swap3A_2963 = arith.constant 112 : index
        %swap3A_2964 = tpu.vector_load %arg15[%swap3A_2962, %swap3A_2963] {strides = array<i32>} : memref<80x128xf32, #tpu.memory_space<vmem>>, vector<16xf32>,
        tpu.vector_store %arg15[%swap3A_2962, %swap3A_2963], %mul3A_2961 {strides = array<i32>} : memref<80x128xf32, #tpu.memory_space<vmem>>, vector<16xf32>,
        %mul3A_2965 = arith.constant 16 : i32
        %mul3A_2966 = arith.muli %add3A_195, %mul3A_2965 : i32
        %add3A_2967 = arith.constant 4 : i32
        %add3A_2968 = arith.addi %mul3A_2966, %add3A_2967 : i32
        %get3A_2969 = arith.constant 4 : i32
        %get3A_2970 = arith.index_cast %get3A_2969 : i32 to index
        %get3A_2971 = arith.constant 0 : index
        %get3A_2972 = tpu.vector_load %arg20[%get3A_2970, %get3A_2971] {strides = array<i32>} : memref<16x16xi32, #tpu.memory_space<vmem>>, vector<16xi32>,
        %broadcast_in_dim3A_2973 = vector.shape_cast %get3A_2972 : vector<16xi32> to vector<16x1xi32>
        %gather3A_2974 = vector.shape_cast %broadcast_in_dim3A_2973 : vector<16x1xi32> to vector<16xi32>
        %gather3A_2975 = tpu.dynamic_gather %exp3A[%gather3A_2974] in [0] : vector<16xf32>, vector<16xi32> -> vector<16xf32>
        %get3A_2976 = arith.constant 4 : i32
        %get3A_2977 = arith.index_cast %get3A_2976 : i32 to index
        %get3A_2978 = arith.constant 0 : index
        %get3A_2979 = tpu.vector_load %arg20[%get3A_2977, %get3A_2978] {strides = array<i32>} : memref<16x16xi32, #tpu.memory_space<vmem>>, vector<16xi32>,
        %broadcast_in_dim3A_2980 = vector.shape_cast %get3A_2979 : vector<16xi32> to vector<16x1xi32>
        %gather3A_2981 = vector.shape_cast %broadcast_in_dim3A_2980 : vector<16x1xi32> to vector<16xi32>
        %gather3A_2982 = tpu.dynamic_gather %exp3A_2656[%gather3A_2981] in [0] : vector<16xf32>, vector<16xi32> -> vector<16xf32>
        %get3A_2983 = arith.index_cast %add3A_2968 : i32 to index
        %get3A_2984 = arith.constant 0 : index
        %get3A_2985 = tpu.vector_load %arg14[%get3A_2983, %get3A_2984] {strides = array<i32>} : memref<80x128xf32, #tpu.memory_space<vmem>>, vector<16xf32>,
        %mul3A_2986 = arith.mulf %gather3A_2975, %get3A_2985 : vector<16xf32>
        %swap3A_2987 = arith.index_cast %add3A_2968 : i32 to index
        %swap3A_2988 = arith.constant 0 : index
        %swap3A_2989 = tpu.vector_load %arg15[%swap3A_2987, %swap3A_2988] {strides = array<i32>} : memref<80x128xf32, #tpu.memory_space<vmem>>, vector<16xf32>,
        tpu.vector_store %arg15[%swap3A_2987, %swap3A_2988], %mul3A_2986 {strides = array<i32>} : memref<80x128xf32, #tpu.memory_space<vmem>>, vector<16xf32>,
        %get3A_2990 = arith.index_cast %add3A_2968 : i32 to index
        %get3A_2991 = arith.constant 16 : index
        %get3A_2992 = tpu.vector_load %arg14[%get3A_2990, %get3A_2991] {strides = array<i32>} : memref<80x128xf32, #tpu.memory_space<vmem>>, vector<16xf32>,
        %mul3A_2993 = arith.mulf %gather3A_2975, %get3A_2992 : vector<16xf32>
        %swap3A_2994 = arith.index_cast %add3A_2968 : i32 to index
        %swap3A_2995 = arith.constant 16 : index
        %swap3A_2996 = tpu.vector_load %arg15[%swap3A_2994, %swap3A_2995] {strides = array<i32>} : memref<80x128xf32, #tpu.memory_space<vmem>>, vector<16xf32>,
        tpu.vector_store %arg15[%swap3A_2994, %swap3A_2995], %mul3A_2993 {strides = array<i32>} : memref<80x128xf32, #tpu.memory_space<vmem>>, vector<16xf32>,
        %get3A_2997 = arith.index_cast %add3A_2968 : i32 to index
        %get3A_2998 = arith.constant 32 : index
        %get3A_2999 = tpu.vector_load %arg14[%get3A_2997, %get3A_2998] {strides = array<i32>} : memref<80x128xf32, #tpu.memory_space<vmem>>, vector<16xf32>,
        %mul3A_3000 = arith.mulf %gather3A_2975, %get3A_2999 : vector<16xf32>
        %swap3A_3001 = arith.index_cast %add3A_2968 : i32 to index
        %swap3A_3002 = arith.constant 32 : index
        %swap3A_3003 = tpu.vector_load %arg15[%swap3A_3001, %swap3A_3002] {strides = array<i32>} : memref<80x128xf32, #tpu.memory_space<vmem>>, vector<16xf32>,
        tpu.vector_store %arg15[%swap3A_3001, %swap3A_3002], %mul3A_3000 {strides = array<i32>} : memref<80x128xf32, #tpu.memory_space<vmem>>, vector<16xf32>,
        %get3A_3004 = arith.index_cast %add3A_2968 : i32 to index
        %get3A_3005 = arith.constant 48 : index
        %get3A_3006 = tpu.vector_load %arg14[%get3A_3004, %get3A_3005] {strides = array<i32>} : memref<80x128xf32, #tpu.memory_space<vmem>>, vector<16xf32>,
        %mul3A_3007 = arith.mulf %gather3A_2975, %get3A_3006 : vector<16xf32>
        %swap3A_3008 = arith.index_cast %add3A_2968 : i32 to index
        %swap3A_3009 = arith.constant 48 : index
        %swap3A_3010 = tpu.vector_load %arg15[%swap3A_3008, %swap3A_3009] {strides = array<i32>} : memref<80x128xf32, #tpu.memory_space<vmem>>, vector<16xf32>,
        tpu.vector_store %arg15[%swap3A_3008, %swap3A_3009], %mul3A_3007 {strides = array<i32>} : memref<80x128xf32, #tpu.memory_space<vmem>>, vector<16xf32>,
        %get3A_3011 = arith.index_cast %add3A_2968 : i32 to index
        %get3A_3012 = arith.constant 64 : index
        %get3A_3013 = tpu.vector_load %arg14[%get3A_3011, %get3A_3012] {strides = array<i32>} : memref<80x128xf32, #tpu.memory_space<vmem>>, vector<16xf32>,
        %mul3A_3014 = arith.mulf %gather3A_2982, %get3A_3013 : vector<16xf32>
        %swap3A_3015 = arith.index_cast %add3A_2968 : i32 to index
        %swap3A_3016 = arith.constant 64 : index
        %swap3A_3017 = tpu.vector_load %arg15[%swap3A_3015, %swap3A_3016] {strides = array<i32>} : memref<80x128xf32, #tpu.memory_space<vmem>>, vector<16xf32>,
        tpu.vector_store %arg15[%swap3A_3015, %swap3A_3016], %mul3A_3014 {strides = array<i32>} : memref<80x128xf32, #tpu.memory_space<vmem>>, vector<16xf32>,
        %get3A_3018 = arith.index_cast %add3A_2968 : i32 to index
        %get3A_3019 = arith.constant 80 : index
        %get3A_3020 = tpu.vector_load %arg14[%get3A_3018, %get3A_3019] {strides = array<i32>} : memref<80x128xf32, #tpu.memory_space<vmem>>, vector<16xf32>,
        %mul3A_3021 = arith.mulf %gather3A_2982, %get3A_3020 : vector<16xf32>
        %swap3A_3022 = arith.index_cast %add3A_2968 : i32 to index
        %swap3A_3023 = arith.constant 80 : index
        %swap3A_3024 = tpu.vector_load %arg15[%swap3A_3022, %swap3A_3023] {strides = array<i32>} : memref<80x128xf32, #tpu.memory_space<vmem>>, vector<16xf32>,
        tpu.vector_store %arg15[%swap3A_3022, %swap3A_3023], %mul3A_3021 {strides = array<i32>} : memref<80x128xf32, #tpu.memory_space<vmem>>, vector<16xf32>,
        %get3A_3025 = arith.index_cast %add3A_2968 : i32 to index
        %get3A_3026 = arith.constant 96 : index
        %get3A_3027 = tpu.vector_load %arg14[%get3A_3025, %get3A_3026] {strides = array<i32>} : memref<80x128xf32, #tpu.memory_space<vmem>>, vector<16xf32>,
        %mul3A_3028 = arith.mulf %gather3A_2982, %get3A_3027 : vector<16xf32>
        %swap3A_3029 = arith.index_cast %add3A_2968 : i32 to index
        %swap3A_3030 = arith.constant 96 : index
        %swap3A_3031 = tpu.vector_load %arg15[%swap3A_3029, %swap3A_3030] {strides = array<i32>} : memref<80x128xf32, #tpu.memory_space<vmem>>, vector<16xf32>,
        tpu.vector_store %arg15[%swap3A_3029, %swap3A_3030], %mul3A_3028 {strides = array<i32>} : memref<80x128xf32, #tpu.memory_space<vmem>>, vector<16xf32>,
        %get3A_3032 = arith.index_cast %add3A_2968 : i32 to index
        %get3A_3033 = arith.constant 112 : index
        %get3A_3034 = tpu.vector_load %arg14[%get3A_3032, %get3A_3033] {strides = array<i32>} : memref<80x128xf32, #tpu.memory_space<vmem>>, vector<16xf32>,
        %mul3A_3035 = arith.mulf %gather3A_2982, %get3A_3034 : vector<16xf32>
        %swap3A_3036 = arith.index_cast %add3A_2968 : i32 to index
        %swap3A_3037 = arith.constant 112 : index
        %swap3A_3038 = tpu.vector_load %arg15[%swap3A_3036, %swap3A_3037] {strides = array<i32>} : memref<80x128xf32, #tpu.memory_space<vmem>>, vector<16xf32>,
        tpu.vector_store %arg15[%swap3A_3036, %swap3A_3037], %mul3A_3035 {strides = array<i32>} : memref<80x128xf32, #tpu.memory_space<vmem>>, vector<16xf32>,
        %mul3A_3039 = arith.constant 16 : i32
        %mul3A_3040 = arith.muli %add3A_195, %mul3A_3039 : i32
        %add3A_3041 = arith.constant 5 : i32
        %add3A_3042 = arith.addi %mul3A_3040, %add3A_3041 : i32
        %get3A_3043 = arith.constant 5 : i32
        %get3A_3044 = arith.index_cast %get3A_3043 : i32 to index
        %get3A_3045 = arith.constant 0 : index
        %get3A_3046 = tpu.vector_load %arg20[%get3A_3044, %get3A_3045] {strides = array<i32>} : memref<16x16xi32, #tpu.memory_space<vmem>>, vector<16xi32>,
        %broadcast_in_dim3A_3047 = vector.shape_cast %get3A_3046 : vector<16xi32> to vector<16x1xi32>
        %gather3A_3048 = vector.shape_cast %broadcast_in_dim3A_3047 : vector<16x1xi32> to vector<16xi32>
        %gather3A_3049 = tpu.dynamic_gather %exp3A[%gather3A_3048] in [0] : vector<16xf32>, vector<16xi32> -> vector<16xf32>
        %get3A_3050 = arith.constant 5 : i32
        %get3A_3051 = arith.index_cast %get3A_3050 : i32 to index
        %get3A_3052 = arith.constant 0 : index
        %get3A_3053 = tpu.vector_load %arg20[%get3A_3051, %get3A_3052] {strides = array<i32>} : memref<16x16xi32, #tpu.memory_space<vmem>>, vector<16xi32>,
        %broadcast_in_dim3A_3054 = vector.shape_cast %get3A_3053 : vector<16xi32> to vector<16x1xi32>
        %gather3A_3055 = vector.shape_cast %broadcast_in_dim3A_3054 : vector<16x1xi32> to vector<16xi32>
        %gather3A_3056 = tpu.dynamic_gather %exp3A_2656[%gather3A_3055] in [0] : vector<16xf32>, vector<16xi32> -> vector<16xf32>
        %get3A_3057 = arith.index_cast %add3A_3042 : i32 to index
        %get3A_3058 = arith.constant 0 : index
        %get3A_3059 = tpu.vector_load %arg14[%get3A_3057, %get3A_3058] {strides = array<i32>} : memref<80x128xf32, #tpu.memory_space<vmem>>, vector<16xf32>,
        %mul3A_3060 = arith.mulf %gather3A_3049, %get3A_3059 : vector<16xf32>
        %swap3A_3061 = arith.index_cast %add3A_3042 : i32 to index
        %swap3A_3062 = arith.constant 0 : index
        %swap3A_3063 = tpu.vector_load %arg15[%swap3A_3061, %swap3A_3062] {strides = array<i32>} : memref<80x128xf32, #tpu.memory_space<vmem>>, vector<16xf32>,
        tpu.vector_store %arg15[%swap3A_3061, %swap3A_3062], %mul3A_3060 {strides = array<i32>} : memref<80x128xf32, #tpu.memory_space<vmem>>, vector<16xf32>,
        %get3A_3064 = arith.index_cast %add3A_3042 : i32 to index
        %get3A_3065 = arith.constant 16 : index
        %get3A_3066 = tpu.vector_load %arg14[%get3A_3064, %get3A_3065] {strides = array<i32>} : memref<80x128xf32, #tpu.memory_space<vmem>>, vector<16xf32>,
        %mul3A_3067 = arith.mulf %gather3A_3049, %get3A_3066 : vector<16xf32>
        %swap3A_3068 = arith.index_cast %add3A_3042 : i32 to index
        %swap3A_3069 = arith.constant 16 : index
        %swap3A_3070 = tpu.vector_load %arg15[%swap3A_3068, %swap3A_3069] {strides = array<i32>} : memref<80x128xf32, #tpu.memory_space<vmem>>, vector<16xf32>,
        tpu.vector_store %arg15[%swap3A_3068, %swap3A_3069], %mul3A_3067 {strides = array<i32>} : memref<80x128xf32, #tpu.memory_space<vmem>>, vector<16xf32>,
        %get3A_3071 = arith.index_cast %add3A_3042 : i32 to index
        %get3A_3072 = arith.constant 32 : index
        %get3A_3073 = tpu.vector_load %arg14[%get3A_3071, %get3A_3072] {strides = array<i32>} : memref<80x128xf32, #tpu.memory_space<vmem>>, vector<16xf32>,
        %mul3A_3074 = arith.mulf %gather3A_3049, %get3A_3073 : vector<16xf32>
        %swap3A_3075 = arith.index_cast %add3A_3042 : i32 to index
        %swap3A_3076 = arith.constant 32 : index
        %swap3A_3077 = tpu.vector_load %arg15[%swap3A_3075, %swap3A_3076] {strides = array<i32>} : memref<80x128xf32, #tpu.memory_space<vmem>>, vector<16xf32>,
        tpu.vector_store %arg15[%swap3A_3075, %swap3A_3076], %mul3A_3074 {strides = array<i32>} : memref<80x128xf32, #tpu.memory_space<vmem>>, vector<16xf32>,
        %get3A_3078 = arith.index_cast %add3A_3042 : i32 to index
        %get3A_3079 = arith.constant 48 : index
        %get3A_3080 = tpu.vector_load %arg14[%get3A_3078, %get3A_3079] {strides = array<i32>} : memref<80x128xf32, #tpu.memory_space<vmem>>, vector<16xf32>,
        %mul3A_3081 = arith.mulf %gather3A_3049, %get3A_3080 : vector<16xf32>
        %swap3A_3082 = arith.index_cast %add3A_3042 : i32 to index
        %swap3A_3083 = arith.constant 48 : index
        %swap3A_3084 = tpu.vector_load %arg15[%swap3A_3082, %swap3A_3083] {strides = array<i32>} : memref<80x128xf32, #tpu.memory_space<vmem>>, vector<16xf32>,
        tpu.vector_store %arg15[%swap3A_3082, %swap3A_3083], %mul3A_3081 {strides = array<i32>} : memref<80x128xf32, #tpu.memory_space<vmem>>, vector<16xf32>,
        %get3A_3085 = arith.index_cast %add3A_3042 : i32 to index
        %get3A_3086 = arith.constant 64 : index
        %get3A_3087 = tpu.vector_load %arg14[%get3A_3085, %get3A_3086] {strides = array<i32>} : memref<80x128xf32, #tpu.memory_space<vmem>>, vector<16xf32>,
        %mul3A_3088 = arith.mulf %gather3A_3056, %get3A_3087 : vector<16xf32>
        %swap3A_3089 = arith.index_cast %add3A_3042 : i32 to index
        %swap3A_3090 = arith.constant 64 : index
        %swap3A_3091 = tpu.vector_load %arg15[%swap3A_3089, %swap3A_3090] {strides = array<i32>} : memref<80x128xf32, #tpu.memory_space<vmem>>, vector<16xf32>,
        tpu.vector_store %arg15[%swap3A_3089, %swap3A_3090], %mul3A_3088 {strides = array<i32>} : memref<80x128xf32, #tpu.memory_space<vmem>>, vector<16xf32>,
        %get3A_3092 = arith.index_cast %add3A_3042 : i32 to index
        %get3A_3093 = arith.constant 80 : index
        %get3A_3094 = tpu.vector_load %arg14[%get3A_3092, %get3A_3093] {strides = array<i32>} : memref<80x128xf32, #tpu.memory_space<vmem>>, vector<16xf32>,
        %mul3A_3095 = arith.mulf %gather3A_3056, %get3A_3094 : vector<16xf32>
        %swap3A_3096 = arith.index_cast %add3A_3042 : i32 to index
        %swap3A_3097 = arith.constant 80 : index
        %swap3A_3098 = tpu.vector_load %arg15[%swap3A_3096, %swap3A_3097] {strides = array<i32>} : memref<80x128xf32, #tpu.memory_space<vmem>>, vector<16xf32>,
        tpu.vector_store %arg15[%swap3A_3096, %swap3A_3097], %mul3A_3095 {strides = array<i32>} : memref<80x128xf32, #tpu.memory_space<vmem>>, vector<16xf32>,
        %get3A_3099 = arith.index_cast %add3A_3042 : i32 to index
        %get3A_3100 = arith.constant 96 : index
        %get3A_3101 = tpu.vector_load %arg14[%get3A_3099, %get3A_3100] {strides = array<i32>} : memref<80x128xf32, #tpu.memory_space<vmem>>, vector<16xf32>,
        %mul3A_3102 = arith.mulf %gather3A_3056, %get3A_3101 : vector<16xf32>
        %swap3A_3103 = arith.index_cast %add3A_3042 : i32 to index
        %swap3A_3104 = arith.constant 96 : index
        %swap3A_3105 = tpu.vector_load %arg15[%swap3A_3103, %swap3A_3104] {strides = array<i32>} : memref<80x128xf32, #tpu.memory_space<vmem>>, vector<16xf32>,
        tpu.vector_store %arg15[%swap3A_3103, %swap3A_3104], %mul3A_3102 {strides = array<i32>} : memref<80x128xf32, #tpu.memory_space<vmem>>, vector<16xf32>,
        %get3A_3106 = arith.index_cast %add3A_3042 : i32 to index
        %get3A_3107 = arith.constant 112 : index
        %get3A_3108 = tpu.vector_load %arg14[%get3A_3106, %get3A_3107] {strides = array<i32>} : memref<80x128xf32, #tpu.memory_space<vmem>>, vector<16xf32>,
        %mul3A_3109 = arith.mulf %gather3A_3056, %get3A_3108 : vector<16xf32>
        %swap3A_3110 = arith.index_cast %add3A_3042 : i32 to index
        %swap3A_3111 = arith.constant 112 : index
        %swap3A_3112 = tpu.vector_load %arg15[%swap3A_3110, %swap3A_3111] {strides = array<i32>} : memref<80x128xf32, #tpu.memory_space<vmem>>, vector<16xf32>,
        tpu.vector_store %arg15[%swap3A_3110, %swap3A_3111], %mul3A_3109 {strides = array<i32>} : memref<80x128xf32, #tpu.memory_space<vmem>>, vector<16xf32>,
        %mul3A_3113 = arith.constant 16 : i32
        %mul3A_3114 = arith.muli %add3A_195, %mul3A_3113 : i32
        %add3A_3115 = arith.constant 6 : i32
        %add3A_3116 = arith.addi %mul3A_3114, %add3A_3115 : i32
        %get3A_3117 = arith.constant 6 : i32
        %get3A_3118 = arith.index_cast %get3A_3117 : i32 to index
        %get3A_3119 = arith.constant 0 : index
        %get3A_3120 = tpu.vector_load %arg20[%get3A_3118, %get3A_3119] {strides = array<i32>} : memref<16x16xi32, #tpu.memory_space<vmem>>, vector<16xi32>,
        %broadcast_in_dim3A_3121 = vector.shape_cast %get3A_3120 : vector<16xi32> to vector<16x1xi32>
        %gather3A_3122 = vector.shape_cast %broadcast_in_dim3A_3121 : vector<16x1xi32> to vector<16xi32>
        %gather3A_3123 = tpu.dynamic_gather %exp3A[%gather3A_3122] in [0] : vector<16xf32>, vector<16xi32> -> vector<16xf32>
        %get3A_3124 = arith.constant 6 : i32
        %get3A_3125 = arith.index_cast %get3A_3124 : i32 to index
        %get3A_3126 = arith.constant 0 : index
        %get3A_3127 = tpu.vector_load %arg20[%get3A_3125, %get3A_3126] {strides = array<i32>} : memref<16x16xi32, #tpu.memory_space<vmem>>, vector<16xi32>,
        %broadcast_in_dim3A_3128 = vector.shape_cast %get3A_3127 : vector<16xi32> to vector<16x1xi32>
        %gather3A_3129 = vector.shape_cast %broadcast_in_dim3A_3128 : vector<16x1xi32> to vector<16xi32>
        %gather3A_3130 = tpu.dynamic_gather %exp3A_2656[%gather3A_3129] in [0] : vector<16xf32>, vector<16xi32> -> vector<16xf32>
        %get3A_3131 = arith.index_cast %add3A_3116 : i32 to index
        %get3A_3132 = arith.constant 0 : index
        %get3A_3133 = tpu.vector_load %arg14[%get3A_3131, %get3A_3132] {strides = array<i32>} : memref<80x128xf32, #tpu.memory_space<vmem>>, vector<16xf32>,
        %mul3A_3134 = arith.mulf %gather3A_3123, %get3A_3133 : vector<16xf32>
        %swap3A_3135 = arith.index_cast %add3A_3116 : i32 to index
        %swap3A_3136 = arith.constant 0 : index
        %swap3A_3137 = tpu.vector_load %arg15[%swap3A_3135, %swap3A_3136] {strides = array<i32>} : memref<80x128xf32, #tpu.memory_space<vmem>>, vector<16xf32>,
        tpu.vector_store %arg15[%swap3A_3135, %swap3A_3136], %mul3A_3134 {strides = array<i32>} : memref<80x128xf32, #tpu.memory_space<vmem>>, vector<16xf32>,
        %get3A_3138 = arith.index_cast %add3A_3116 : i32 to index
        %get3A_3139 = arith.constant 16 : index
        %get3A_3140 = tpu.vector_load %arg14[%get3A_3138, %get3A_3139] {strides = array<i32>} : memref<80x128xf32, #tpu.memory_space<vmem>>, vector<16xf32>,
        %mul3A_3141 = arith.mulf %gather3A_3123, %get3A_3140 : vector<16xf32>
        %swap3A_3142 = arith.index_cast %add3A_3116 : i32 to index
        %swap3A_3143 = arith.constant 16 : index
        %swap3A_3144 = tpu.vector_load %arg15[%swap3A_3142, %swap3A_3143] {strides = array<i32>} : memref<80x128xf32, #tpu.memory_space<vmem>>, vector<16xf32>,
        tpu.vector_store %arg15[%swap3A_3142, %swap3A_3143], %mul3A_3141 {strides = array<i32>} : memref<80x128xf32, #tpu.memory_space<vmem>>, vector<16xf32>,
        %get3A_3145 = arith.index_cast %add3A_3116 : i32 to index
        %get3A_3146 = arith.constant 32 : index
        %get3A_3147 = tpu.vector_load %arg14[%get3A_3145, %get3A_3146] {strides = array<i32>} : memref<80x128xf32, #tpu.memory_space<vmem>>, vector<16xf32>,
        %mul3A_3148 = arith.mulf %gather3A_3123, %get3A_3147 : vector<16xf32>
        %swap3A_3149 = arith.index_cast %add3A_3116 : i32 to index
        %swap3A_3150 = arith.constant 32 : index
        %swap3A_3151 = tpu.vector_load %arg15[%swap3A_3149, %swap3A_3150] {strides = array<i32>} : memref<80x128xf32, #tpu.memory_space<vmem>>, vector<16xf32>,
        tpu.vector_store %arg15[%swap3A_3149, %swap3A_3150], %mul3A_3148 {strides = array<i32>} : memref<80x128xf32, #tpu.memory_space<vmem>>, vector<16xf32>,
        %get3A_3152 = arith.index_cast %add3A_3116 : i32 to index
        %get3A_3153 = arith.constant 48 : index
        %get3A_3154 = tpu.vector_load %arg14[%get3A_3152, %get3A_3153] {strides = array<i32>} : memref<80x128xf32, #tpu.memory_space<vmem>>, vector<16xf32>,
        %mul3A_3155 = arith.mulf %gather3A_3123, %get3A_3154 : vector<16xf32>
        %swap3A_3156 = arith.index_cast %add3A_3116 : i32 to index
        %swap3A_3157 = arith.constant 48 : index
        %swap3A_3158 = tpu.vector_load %arg15[%swap3A_3156, %swap3A_3157] {strides = array<i32>} : memref<80x128xf32, #tpu.memory_space<vmem>>, vector<16xf32>,
        tpu.vector_store %arg15[%swap3A_3156, %swap3A_3157], %mul3A_3155 {strides = array<i32>} : memref<80x128xf32, #tpu.memory_space<vmem>>, vector<16xf32>,
        %get3A_3159 = arith.index_cast %add3A_3116 : i32 to index
        %get3A_3160 = arith.constant 64 : index
        %get3A_3161 = tpu.vector_load %arg14[%get3A_3159, %get3A_3160] {strides = array<i32>} : memref<80x128xf32, #tpu.memory_space<vmem>>, vector<16xf32>,
        %mul3A_3162 = arith.mulf %gather3A_3130, %get3A_3161 : vector<16xf32>
        %swap3A_3163 = arith.index_cast %add3A_3116 : i32 to index
        %swap3A_3164 = arith.constant 64 : index
        %swap3A_3165 = tpu.vector_load %arg15[%swap3A_3163, %swap3A_3164] {strides = array<i32>} : memref<80x128xf32, #tpu.memory_space<vmem>>, vector<16xf32>,
        tpu.vector_store %arg15[%swap3A_3163, %swap3A_3164], %mul3A_3162 {strides = array<i32>} : memref<80x128xf32, #tpu.memory_space<vmem>>, vector<16xf32>,
        %get3A_3166 = arith.index_cast %add3A_3116 : i32 to index
        %get3A_3167 = arith.constant 80 : index
        %get3A_3168 = tpu.vector_load %arg14[%get3A_3166, %get3A_3167] {strides = array<i32>} : memref<80x128xf32, #tpu.memory_space<vmem>>, vector<16xf32>,
        %mul3A_3169 = arith.mulf %gather3A_3130, %get3A_3168 : vector<16xf32>
        %swap3A_3170 = arith.index_cast %add3A_3116 : i32 to index
        %swap3A_3171 = arith.constant 80 : index
        %swap3A_3172 = tpu.vector_load %arg15[%swap3A_3170, %swap3A_3171] {strides = array<i32>} : memref<80x128xf32, #tpu.memory_space<vmem>>, vector<16xf32>,
        tpu.vector_store %arg15[%swap3A_3170, %swap3A_3171], %mul3A_3169 {strides = array<i32>} : memref<80x128xf32, #tpu.memory_space<vmem>>, vector<16xf32>,
        %get3A_3173 = arith.index_cast %add3A_3116 : i32 to index
        %get3A_3174 = arith.constant 96 : index
        %get3A_3175 = tpu.vector_load %arg14[%get3A_3173, %get3A_3174] {strides = array<i32>} : memref<80x128xf32, #tpu.memory_space<vmem>>, vector<16xf32>,
        %mul3A_3176 = arith.mulf %gather3A_3130, %get3A_3175 : vector<16xf32>
        %swap3A_3177 = arith.index_cast %add3A_3116 : i32 to index
        %swap3A_3178 = arith.constant 96 : index
        %swap3A_3179 = tpu.vector_load %arg15[%swap3A_3177, %swap3A_3178] {strides = array<i32>} : memref<80x128xf32, #tpu.memory_space<vmem>>, vector<16xf32>,
        tpu.vector_store %arg15[%swap3A_3177, %swap3A_3178], %mul3A_3176 {strides = array<i32>} : memref<80x128xf32, #tpu.memory_space<vmem>>, vector<16xf32>,
        %get3A_3180 = arith.index_cast %add3A_3116 : i32 to index
        %get3A_3181 = arith.constant 112 : index
        %get3A_3182 = tpu.vector_load %arg14[%get3A_3180, %get3A_3181] {strides = array<i32>} : memref<80x128xf32, #tpu.memory_space<vmem>>, vector<16xf32>,
        %mul3A_3183 = arith.mulf %gather3A_3130, %get3A_3182 : vector<16xf32>
        %swap3A_3184 = arith.index_cast %add3A_3116 : i32 to index
        %swap3A_3185 = arith.constant 112 : index
        %swap3A_3186 = tpu.vector_load %arg15[%swap3A_3184, %swap3A_3185] {strides = array<i32>} : memref<80x128xf32, #tpu.memory_space<vmem>>, vector<16xf32>,
        tpu.vector_store %arg15[%swap3A_3184, %swap3A_3185], %mul3A_3183 {strides = array<i32>} : memref<80x128xf32, #tpu.memory_space<vmem>>, vector<16xf32>,
        %mul3A_3187 = arith.constant 16 : i32
        %mul3A_3188 = arith.muli %add3A_195, %mul3A_3187 : i32
        %add3A_3189 = arith.constant 7 : i32
        %add3A_3190 = arith.addi %mul3A_3188, %add3A_3189 : i32
        %get3A_3191 = arith.constant 7 : i32
        %get3A_3192 = arith.index_cast %get3A_3191 : i32 to index
        %get3A_3193 = arith.constant 0 : index
        %get3A_3194 = tpu.vector_load %arg20[%get3A_3192, %get3A_3193] {strides = array<i32>} : memref<16x16xi32, #tpu.memory_space<vmem>>, vector<16xi32>,
        %broadcast_in_dim3A_3195 = vector.shape_cast %get3A_3194 : vector<16xi32> to vector<16x1xi32>
        %gather3A_3196 = vector.shape_cast %broadcast_in_dim3A_3195 : vector<16x1xi32> to vector<16xi32>
        %gather3A_3197 = tpu.dynamic_gather %exp3A[%gather3A_3196] in [0] : vector<16xf32>, vector<16xi32> -> vector<16xf32>
        %get3A_3198 = arith.constant 7 : i32
        %get3A_3199 = arith.index_cast %get3A_3198 : i32 to index
        %get3A_3200 = arith.constant 0 : index
        %get3A_3201 = tpu.vector_load %arg20[%get3A_3199, %get3A_3200] {strides = array<i32>} : memref<16x16xi32, #tpu.memory_space<vmem>>, vector<16xi32>,
        %broadcast_in_dim3A_3202 = vector.shape_cast %get3A_3201 : vector<16xi32> to vector<16x1xi32>
        %gather3A_3203 = vector.shape_cast %broadcast_in_dim3A_3202 : vector<16x1xi32> to vector<16xi32>
        %gather3A_3204 = tpu.dynamic_gather %exp3A_2656[%gather3A_3203] in [0] : vector<16xf32>, vector<16xi32> -> vector<16xf32>
        %get3A_3205 = arith.index_cast %add3A_3190 : i32 to index
        %get3A_3206 = arith.constant 0 : index
        %get3A_3207 = tpu.vector_load %arg14[%get3A_3205, %get3A_3206] {strides = array<i32>} : memref<80x128xf32, #tpu.memory_space<vmem>>, vector<16xf32>,
        %mul3A_3208 = arith.mulf %gather3A_3197, %get3A_3207 : vector<16xf32>
        %swap3A_3209 = arith.index_cast %add3A_3190 : i32 to index
        %swap3A_3210 = arith.constant 0 : index
        %swap3A_3211 = tpu.vector_load %arg15[%swap3A_3209, %swap3A_3210] {strides = array<i32>} : memref<80x128xf32, #tpu.memory_space<vmem>>, vector<16xf32>,
        tpu.vector_store %arg15[%swap3A_3209, %swap3A_3210], %mul3A_3208 {strides = array<i32>} : memref<80x128xf32, #tpu.memory_space<vmem>>, vector<16xf32>,
        %get3A_3212 = arith.index_cast %add3A_3190 : i32 to index
        %get3A_3213 = arith.constant 16 : index
        %get3A_3214 = tpu.vector_load %arg14[%get3A_3212, %get3A_3213] {strides = array<i32>} : memref<80x128xf32, #tpu.memory_space<vmem>>, vector<16xf32>,
        %mul3A_3215 = arith.mulf %gather3A_3197, %get3A_3214 : vector<16xf32>
        %swap3A_3216 = arith.index_cast %add3A_3190 : i32 to index
        %swap3A_3217 = arith.constant 16 : index
        %swap3A_3218 = tpu.vector_load %arg15[%swap3A_3216, %swap3A_3217] {strides = array<i32>} : memref<80x128xf32, #tpu.memory_space<vmem>>, vector<16xf32>,
        tpu.vector_store %arg15[%swap3A_3216, %swap3A_3217], %mul3A_3215 {strides = array<i32>} : memref<80x128xf32, #tpu.memory_space<vmem>>, vector<16xf32>,
        %get3A_3219 = arith.index_cast %add3A_3190 : i32 to index
        %get3A_3220 = arith.constant 32 : index
        %get3A_3221 = tpu.vector_load %arg14[%get3A_3219, %get3A_3220] {strides = array<i32>} : memref<80x128xf32, #tpu.memory_space<vmem>>, vector<16xf32>,
        %mul3A_3222 = arith.mulf %gather3A_3197, %get3A_3221 : vector<16xf32>
        %swap3A_3223 = arith.index_cast %add3A_3190 : i32 to index
        %swap3A_3224 = arith.constant 32 : index
        %swap3A_3225 = tpu.vector_load %arg15[%swap3A_3223, %swap3A_3224] {strides = array<i32>} : memref<80x128xf32, #tpu.memory_space<vmem>>, vector<16xf32>,
        tpu.vector_store %arg15[%swap3A_3223, %swap3A_3224], %mul3A_3222 {strides = array<i32>} : memref<80x128xf32, #tpu.memory_space<vmem>>, vector<16xf32>,
        %get3A_3226 = arith.index_cast %add3A_3190 : i32 to index
        %get3A_3227 = arith.constant 48 : index
        %get3A_3228 = tpu.vector_load %arg14[%get3A_3226, %get3A_3227] {strides = array<i32>} : memref<80x128xf32, #tpu.memory_space<vmem>>, vector<16xf32>,
        %mul3A_3229 = arith.mulf %gather3A_3197, %get3A_3228 : vector<16xf32>
        %swap3A_3230 = arith.index_cast %add3A_3190 : i32 to index
        %swap3A_3231 = arith.constant 48 : index
        %swap3A_3232 = tpu.vector_load %arg15[%swap3A_3230, %swap3A_3231] {strides = array<i32>} : memref<80x128xf32, #tpu.memory_space<vmem>>, vector<16xf32>,
        tpu.vector_store %arg15[%swap3A_3230, %swap3A_3231], %mul3A_3229 {strides = array<i32>} : memref<80x128xf32, #tpu.memory_space<vmem>>, vector<16xf32>,
        %get3A_3233 = arith.index_cast %add3A_3190 : i32 to index
        %get3A_3234 = arith.constant 64 : index
        %get3A_3235 = tpu.vector_load %arg14[%get3A_3233, %get3A_3234] {strides = array<i32>} : memref<80x128xf32, #tpu.memory_space<vmem>>, vector<16xf32>,
        %mul3A_3236 = arith.mulf %gather3A_3204, %get3A_3235 : vector<16xf32>
        %swap3A_3237 = arith.index_cast %add3A_3190 : i32 to index
        %swap3A_3238 = arith.constant 64 : index
        %swap3A_3239 = tpu.vector_load %arg15[%swap3A_3237, %swap3A_3238] {strides = array<i32>} : memref<80x128xf32, #tpu.memory_space<vmem>>, vector<16xf32>,
        tpu.vector_store %arg15[%swap3A_3237, %swap3A_3238], %mul3A_3236 {strides = array<i32>} : memref<80x128xf32, #tpu.memory_space<vmem>>, vector<16xf32>,
        %get3A_3240 = arith.index_cast %add3A_3190 : i32 to index
        %get3A_3241 = arith.constant 80 : index
        %get3A_3242 = tpu.vector_load %arg14[%get3A_3240, %get3A_3241] {strides = array<i32>} : memref<80x128xf32, #tpu.memory_space<vmem>>, vector<16xf32>,
        %mul3A_3243 = arith.mulf %gather3A_3204, %get3A_3242 : vector<16xf32>
        %swap3A_3244 = arith.index_cast %add3A_3190 : i32 to index
        %swap3A_3245 = arith.constant 80 : index
        %swap3A_3246 = tpu.vector_load %arg15[%swap3A_3244, %swap3A_3245] {strides = array<i32>} : memref<80x128xf32, #tpu.memory_space<vmem>>, vector<16xf32>,
        tpu.vector_store %arg15[%swap3A_3244, %swap3A_3245], %mul3A_3243 {strides = array<i32>} : memref<80x128xf32, #tpu.memory_space<vmem>>, vector<16xf32>,
        %get3A_3247 = arith.index_cast %add3A_3190 : i32 to index
        %get3A_3248 = arith.constant 96 : index
        %get3A_3249 = tpu.vector_load %arg14[%get3A_3247, %get3A_3248] {strides = array<i32>} : memref<80x128xf32, #tpu.memory_space<vmem>>, vector<16xf32>,
        %mul3A_3250 = arith.mulf %gather3A_3204, %get3A_3249 : vector<16xf32>
        %swap3A_3251 = arith.index_cast %add3A_3190 : i32 to index
        %swap3A_3252 = arith.constant 96 : index
        %swap3A_3253 = tpu.vector_load %arg15[%swap3A_3251, %swap3A_3252] {strides = array<i32>} : memref<80x128xf32, #tpu.memory_space<vmem>>, vector<16xf32>,
        tpu.vector_store %arg15[%swap3A_3251, %swap3A_3252], %mul3A_3250 {strides = array<i32>} : memref<80x128xf32, #tpu.memory_space<vmem>>, vector<16xf32>,
        %get3A_3254 = arith.index_cast %add3A_3190 : i32 to index
        %get3A_3255 = arith.constant 112 : index
        %get3A_3256 = tpu.vector_load %arg14[%get3A_3254, %get3A_3255] {strides = array<i32>} : memref<80x128xf32, #tpu.memory_space<vmem>>, vector<16xf32>,
        %mul3A_3257 = arith.mulf %gather3A_3204, %get3A_3256 : vector<16xf32>
        %swap3A_3258 = arith.index_cast %add3A_3190 : i32 to index
        %swap3A_3259 = arith.constant 112 : index
        %swap3A_3260 = tpu.vector_load %arg15[%swap3A_3258, %swap3A_3259] {strides = array<i32>} : memref<80x128xf32, #tpu.memory_space<vmem>>, vector<16xf32>,
        tpu.vector_store %arg15[%swap3A_3258, %swap3A_3259], %mul3A_3257 {strides = array<i32>} : memref<80x128xf32, #tpu.memory_space<vmem>>, vector<16xf32>,
        %mul3A_3261 = arith.constant 16 : i32
        %mul3A_3262 = arith.muli %add3A_195, %mul3A_3261 : i32
        %add3A_3263 = arith.constant 8 : i32
        %add3A_3264 = arith.addi %mul3A_3262, %add3A_3263 : i32
        %get3A_3265 = arith.constant 8 : i32
        %get3A_3266 = arith.index_cast %get3A_3265 : i32 to index
        %get3A_3267 = arith.constant 0 : index
        %get3A_3268 = tpu.vector_load %arg20[%get3A_3266, %get3A_3267] {strides = array<i32>} : memref<16x16xi32, #tpu.memory_space<vmem>>, vector<16xi32>,
        %broadcast_in_dim3A_3269 = vector.shape_cast %get3A_3268 : vector<16xi32> to vector<16x1xi32>
        %gather3A_3270 = vector.shape_cast %broadcast_in_dim3A_3269 : vector<16x1xi32> to vector<16xi32>
        %gather3A_3271 = tpu.dynamic_gather %exp3A[%gather3A_3270] in [0] : vector<16xf32>, vector<16xi32> -> vector<16xf32>
        %get3A_3272 = arith.constant 8 : i32
        %get3A_3273 = arith.index_cast %get3A_3272 : i32 to index
        %get3A_3274 = arith.constant 0 : index
        %get3A_3275 = tpu.vector_load %arg20[%get3A_3273, %get3A_3274] {strides = array<i32>} : memref<16x16xi32, #tpu.memory_space<vmem>>, vector<16xi32>,
        %broadcast_in_dim3A_3276 = vector.shape_cast %get3A_3275 : vector<16xi32> to vector<16x1xi32>
        %gather3A_3277 = vector.shape_cast %broadcast_in_dim3A_3276 : vector<16x1xi32> to vector<16xi32>
        %gather3A_3278 = tpu.dynamic_gather %exp3A_2656[%gather3A_3277] in [0] : vector<16xf32>, vector<16xi32> -> vector<16xf32>
        %get3A_3279 = arith.index_cast %add3A_3264 : i32 to index
        %get3A_3280 = arith.constant 0 : index
        %get3A_3281 = tpu.vector_load %arg14[%get3A_3279, %get3A_3280] {strides = array<i32>} : memref<80x128xf32, #tpu.memory_space<vmem>>, vector<16xf32>,
        %mul3A_3282 = arith.mulf %gather3A_3271, %get3A_3281 : vector<16xf32>
        %swap3A_3283 = arith.index_cast %add3A_3264 : i32 to index
        %swap3A_3284 = arith.constant 0 : index
        %swap3A_3285 = tpu.vector_load %arg15[%swap3A_3283, %swap3A_3284] {strides = array<i32>} : memref<80x128xf32, #tpu.memory_space<vmem>>, vector<16xf32>,
        tpu.vector_store %arg15[%swap3A_3283, %swap3A_3284], %mul3A_3282 {strides = array<i32>} : memref<80x128xf32, #tpu.memory_space<vmem>>, vector<16xf32>,
        %get3A_3286 = arith.index_cast %add3A_3264 : i32 to index
        %get3A_3287 = arith.constant 16 : index
        %get3A_3288 = tpu.vector_load %arg14[%get3A_3286, %get3A_3287] {strides = array<i32>} : memref<80x128xf32, #tpu.memory_space<vmem>>, vector<16xf32>,
        %mul3A_3289 = arith.mulf %gather3A_3271, %get3A_3288 : vector<16xf32>
        %swap3A_3290 = arith.index_cast %add3A_3264 : i32 to index
        %swap3A_3291 = arith.constant 16 : index
        %swap3A_3292 = tpu.vector_load %arg15[%swap3A_3290, %swap3A_3291] {strides = array<i32>} : memref<80x128xf32, #tpu.memory_space<vmem>>, vector<16xf32>,
        tpu.vector_store %arg15[%swap3A_3290, %swap3A_3291], %mul3A_3289 {strides = array<i32>} : memref<80x128xf32, #tpu.memory_space<vmem>>, vector<16xf32>,
        %get3A_3293 = arith.index_cast %add3A_3264 : i32 to index
        %get3A_3294 = arith.constant 32 : index
        %get3A_3295 = tpu.vector_load %arg14[%get3A_3293, %get3A_3294] {strides = array<i32>} : memref<80x128xf32, #tpu.memory_space<vmem>>, vector<16xf32>,
        %mul3A_3296 = arith.mulf %gather3A_3271, %get3A_3295 : vector<16xf32>
        %swap3A_3297 = arith.index_cast %add3A_3264 : i32 to index
        %swap3A_3298 = arith.constant 32 : index
        %swap3A_3299 = tpu.vector_load %arg15[%swap3A_3297, %swap3A_3298] {strides = array<i32>} : memref<80x128xf32, #tpu.memory_space<vmem>>, vector<16xf32>,
        tpu.vector_store %arg15[%swap3A_3297, %swap3A_3298], %mul3A_3296 {strides = array<i32>} : memref<80x128xf32, #tpu.memory_space<vmem>>, vector<16xf32>,
        %get3A_3300 = arith.index_cast %add3A_3264 : i32 to index
        %get3A_3301 = arith.constant 48 : index
        %get3A_3302 = tpu.vector_load %arg14[%get3A_3300, %get3A_3301] {strides = array<i32>} : memref<80x128xf32, #tpu.memory_space<vmem>>, vector<16xf32>,
        %mul3A_3303 = arith.mulf %gather3A_3271, %get3A_3302 : vector<16xf32>
        %swap3A_3304 = arith.index_cast %add3A_3264 : i32 to index
        %swap3A_3305 = arith.constant 48 : index
        %swap3A_3306 = tpu.vector_load %arg15[%swap3A_3304, %swap3A_3305] {strides = array<i32>} : memref<80x128xf32, #tpu.memory_space<vmem>>, vector<16xf32>,
        tpu.vector_store %arg15[%swap3A_3304, %swap3A_3305], %mul3A_3303 {strides = array<i32>} : memref<80x128xf32, #tpu.memory_space<vmem>>, vector<16xf32>,
        %get3A_3307 = arith.index_cast %add3A_3264 : i32 to index
        %get3A_3308 = arith.constant 64 : index
        %get3A_3309 = tpu.vector_load %arg14[%get3A_3307, %get3A_3308] {strides = array<i32>} : memref<80x128xf32, #tpu.memory_space<vmem>>, vector<16xf32>,
        %mul3A_3310 = arith.mulf %gather3A_3278, %get3A_3309 : vector<16xf32>
        %swap3A_3311 = arith.index_cast %add3A_3264 : i32 to index
        %swap3A_3312 = arith.constant 64 : index
        %swap3A_3313 = tpu.vector_load %arg15[%swap3A_3311, %swap3A_3312] {strides = array<i32>} : memref<80x128xf32, #tpu.memory_space<vmem>>, vector<16xf32>,
        tpu.vector_store %arg15[%swap3A_3311, %swap3A_3312], %mul3A_3310 {strides = array<i32>} : memref<80x128xf32, #tpu.memory_space<vmem>>, vector<16xf32>,
        %get3A_3314 = arith.index_cast %add3A_3264 : i32 to index
        %get3A_3315 = arith.constant 80 : index
        %get3A_3316 = tpu.vector_load %arg14[%get3A_3314, %get3A_3315] {strides = array<i32>} : memref<80x128xf32, #tpu.memory_space<vmem>>, vector<16xf32>,
        %mul3A_3317 = arith.mulf %gather3A_3278, %get3A_3316 : vector<16xf32>
        %swap3A_3318 = arith.index_cast %add3A_3264 : i32 to index
        %swap3A_3319 = arith.constant 80 : index
        %swap3A_3320 = tpu.vector_load %arg15[%swap3A_3318, %swap3A_3319] {strides = array<i32>} : memref<80x128xf32, #tpu.memory_space<vmem>>, vector<16xf32>,
        tpu.vector_store %arg15[%swap3A_3318, %swap3A_3319], %mul3A_3317 {strides = array<i32>} : memref<80x128xf32, #tpu.memory_space<vmem>>, vector<16xf32>,
        %get3A_3321 = arith.index_cast %add3A_3264 : i32 to index
        %get3A_3322 = arith.constant 96 : index
        %get3A_3323 = tpu.vector_load %arg14[%get3A_3321, %get3A_3322] {strides = array<i32>} : memref<80x128xf32, #tpu.memory_space<vmem>>, vector<16xf32>,
        %mul3A_3324 = arith.mulf %gather3A_3278, %get3A_3323 : vector<16xf32>
        %swap3A_3325 = arith.index_cast %add3A_3264 : i32 to index
        %swap3A_3326 = arith.constant 96 : index
        %swap3A_3327 = tpu.vector_load %arg15[%swap3A_3325, %swap3A_3326] {strides = array<i32>} : memref<80x128xf32, #tpu.memory_space<vmem>>, vector<16xf32>,
        tpu.vector_store %arg15[%swap3A_3325, %swap3A_3326], %mul3A_3324 {strides = array<i32>} : memref<80x128xf32, #tpu.memory_space<vmem>>, vector<16xf32>,
        %get3A_3328 = arith.index_cast %add3A_3264 : i32 to index
        %get3A_3329 = arith.constant 112 : index
        %get3A_3330 = tpu.vector_load %arg14[%get3A_3328, %get3A_3329] {strides = array<i32>} : memref<80x128xf32, #tpu.memory_space<vmem>>, vector<16xf32>,
        %mul3A_3331 = arith.mulf %gather3A_3278, %get3A_3330 : vector<16xf32>
        %swap3A_3332 = arith.index_cast %add3A_3264 : i32 to index
        %swap3A_3333 = arith.constant 112 : index
        %swap3A_3334 = tpu.vector_load %arg15[%swap3A_3332, %swap3A_3333] {strides = array<i32>} : memref<80x128xf32, #tpu.memory_space<vmem>>, vector<16xf32>,
        tpu.vector_store %arg15[%swap3A_3332, %swap3A_3333], %mul3A_3331 {strides = array<i32>} : memref<80x128xf32, #tpu.memory_space<vmem>>, vector<16xf32>,
        %mul3A_3335 = arith.constant 16 : i32
        %mul3A_3336 = arith.muli %add3A_195, %mul3A_3335 : i32
        %add3A_3337 = arith.constant 9 : i32
        %add3A_3338 = arith.addi %mul3A_3336, %add3A_3337 : i32
        %get3A_3339 = arith.constant 9 : i32
        %get3A_3340 = arith.index_cast %get3A_3339 : i32 to index
        %get3A_3341 = arith.constant 0 : index
        %get3A_3342 = tpu.vector_load %arg20[%get3A_3340, %get3A_3341] {strides = array<i32>} : memref<16x16xi32, #tpu.memory_space<vmem>>, vector<16xi32>,
        %broadcast_in_dim3A_3343 = vector.shape_cast %get3A_3342 : vector<16xi32> to vector<16x1xi32>
        %gather3A_3344 = vector.shape_cast %broadcast_in_dim3A_3343 : vector<16x1xi32> to vector<16xi32>
        %gather3A_3345 = tpu.dynamic_gather %exp3A[%gather3A_3344] in [0] : vector<16xf32>, vector<16xi32> -> vector<16xf32>
        %get3A_3346 = arith.constant 9 : i32
        %get3A_3347 = arith.index_cast %get3A_3346 : i32 to index
        %get3A_3348 = arith.constant 0 : index
        %get3A_3349 = tpu.vector_load %arg20[%get3A_3347, %get3A_3348] {strides = array<i32>} : memref<16x16xi32, #tpu.memory_space<vmem>>, vector<16xi32>,
        %broadcast_in_dim3A_3350 = vector.shape_cast %get3A_3349 : vector<16xi32> to vector<16x1xi32>
        %gather3A_3351 = vector.shape_cast %broadcast_in_dim3A_3350 : vector<16x1xi32> to vector<16xi32>
        %gather3A_3352 = tpu.dynamic_gather %exp3A_2656[%gather3A_3351] in [0] : vector<16xf32>, vector<16xi32> -> vector<16xf32>
        %get3A_3353 = arith.index_cast %add3A_3338 : i32 to index
        %get3A_3354 = arith.constant 0 : index
        %get3A_3355 = tpu.vector_load %arg14[%get3A_3353, %get3A_3354] {strides = array<i32>} : memref<80x128xf32, #tpu.memory_space<vmem>>, vector<16xf32>,
        %mul3A_3356 = arith.mulf %gather3A_3345, %get3A_3355 : vector<16xf32>
        %swap3A_3357 = arith.index_cast %add3A_3338 : i32 to index
        %swap3A_3358 = arith.constant 0 : index
        %swap3A_3359 = tpu.vector_load %arg15[%swap3A_3357, %swap3A_3358] {strides = array<i32>} : memref<80x128xf32, #tpu.memory_space<vmem>>, vector<16xf32>,
        tpu.vector_store %arg15[%swap3A_3357, %swap3A_3358], %mul3A_3356 {strides = array<i32>} : memref<80x128xf32, #tpu.memory_space<vmem>>, vector<16xf32>,
        %get3A_3360 = arith.index_cast %add3A_3338 : i32 to index
        %get3A_3361 = arith.constant 16 : index
        %get3A_3362 = tpu.vector_load %arg14[%get3A_3360, %get3A_3361] {strides = array<i32>} : memref<80x128xf32, #tpu.memory_space<vmem>>, vector<16xf32>,
        %mul3A_3363 = arith.mulf %gather3A_3345, %get3A_3362 : vector<16xf32>
        %swap3A_3364 = arith.index_cast %add3A_3338 : i32 to index
        %swap3A_3365 = arith.constant 16 : index
        %swap3A_3366 = tpu.vector_load %arg15[%swap3A_3364, %swap3A_3365] {strides = array<i32>} : memref<80x128xf32, #tpu.memory_space<vmem>>, vector<16xf32>,
        tpu.vector_store %arg15[%swap3A_3364, %swap3A_3365], %mul3A_3363 {strides = array<i32>} : memref<80x128xf32, #tpu.memory_space<vmem>>, vector<16xf32>,
        %get3A_3367 = arith.index_cast %add3A_3338 : i32 to index
        %get3A_3368 = arith.constant 32 : index
        %get3A_3369 = tpu.vector_load %arg14[%get3A_3367, %get3A_3368] {strides = array<i32>} : memref<80x128xf32, #tpu.memory_space<vmem>>, vector<16xf32>,
        %mul3A_3370 = arith.mulf %gather3A_3345, %get3A_3369 : vector<16xf32>
        %swap3A_3371 = arith.index_cast %add3A_3338 : i32 to index
        %swap3A_3372 = arith.constant 32 : index
        %swap3A_3373 = tpu.vector_load %arg15[%swap3A_3371, %swap3A_3372] {strides = array<i32>} : memref<80x128xf32, #tpu.memory_space<vmem>>, vector<16xf32>,
        tpu.vector_store %arg15[%swap3A_3371, %swap3A_3372], %mul3A_3370 {strides = array<i32>} : memref<80x128xf32, #tpu.memory_space<vmem>>, vector<16xf32>,
        %get3A_3374 = arith.index_cast %add3A_3338 : i32 to index
        %get3A_3375 = arith.constant 48 : index
        %get3A_3376 = tpu.vector_load %arg14[%get3A_3374, %get3A_3375] {strides = array<i32>} : memref<80x128xf32, #tpu.memory_space<vmem>>, vector<16xf32>,
        %mul3A_3377 = arith.mulf %gather3A_3345, %get3A_3376 : vector<16xf32>
        %swap3A_3378 = arith.index_cast %add3A_3338 : i32 to index
        %swap3A_3379 = arith.constant 48 : index
        %swap3A_3380 = tpu.vector_load %arg15[%swap3A_3378, %swap3A_3379] {strides = array<i32>} : memref<80x128xf32, #tpu.memory_space<vmem>>, vector<16xf32>,
        tpu.vector_store %arg15[%swap3A_3378, %swap3A_3379], %mul3A_3377 {strides = array<i32>} : memref<80x128xf32, #tpu.memory_space<vmem>>, vector<16xf32>,
        %get3A_3381 = arith.index_cast %add3A_3338 : i32 to index
        %get3A_3382 = arith.constant 64 : index
        %get3A_3383 = tpu.vector_load %arg14[%get3A_3381, %get3A_3382] {strides = array<i32>} : memref<80x128xf32, #tpu.memory_space<vmem>>, vector<16xf32>,
        %mul3A_3384 = arith.mulf %gather3A_3352, %get3A_3383 : vector<16xf32>
        %swap3A_3385 = arith.index_cast %add3A_3338 : i32 to index
        %swap3A_3386 = arith.constant 64 : index
        %swap3A_3387 = tpu.vector_load %arg15[%swap3A_3385, %swap3A_3386] {strides = array<i32>} : memref<80x128xf32, #tpu.memory_space<vmem>>, vector<16xf32>,
        tpu.vector_store %arg15[%swap3A_3385, %swap3A_3386], %mul3A_3384 {strides = array<i32>} : memref<80x128xf32, #tpu.memory_space<vmem>>, vector<16xf32>,
        %get3A_3388 = arith.index_cast %add3A_3338 : i32 to index
        %get3A_3389 = arith.constant 80 : index
        %get3A_3390 = tpu.vector_load %arg14[%get3A_3388, %get3A_3389] {strides = array<i32>} : memref<80x128xf32, #tpu.memory_space<vmem>>, vector<16xf32>,
        %mul3A_3391 = arith.mulf %gather3A_3352, %get3A_3390 : vector<16xf32>
        %swap3A_3392 = arith.index_cast %add3A_3338 : i32 to index
        %swap3A_3393 = arith.constant 80 : index
        %swap3A_3394 = tpu.vector_load %arg15[%swap3A_3392, %swap3A_3393] {strides = array<i32>} : memref<80x128xf32, #tpu.memory_space<vmem>>, vector<16xf32>,
        tpu.vector_store %arg15[%swap3A_3392, %swap3A_3393], %mul3A_3391 {strides = array<i32>} : memref<80x128xf32, #tpu.memory_space<vmem>>, vector<16xf32>,
        %get3A_3395 = arith.index_cast %add3A_3338 : i32 to index
        %get3A_3396 = arith.constant 96 : index
        %get3A_3397 = tpu.vector_load %arg14[%get3A_3395, %get3A_3396] {strides = array<i32>} : memref<80x128xf32, #tpu.memory_space<vmem>>, vector<16xf32>,
        %mul3A_3398 = arith.mulf %gather3A_3352, %get3A_3397 : vector<16xf32>
        %swap3A_3399 = arith.index_cast %add3A_3338 : i32 to index
        %swap3A_3400 = arith.constant 96 : index
        %swap3A_3401 = tpu.vector_load %arg15[%swap3A_3399, %swap3A_3400] {strides = array<i32>} : memref<80x128xf32, #tpu.memory_space<vmem>>, vector<16xf32>,
        tpu.vector_store %arg15[%swap3A_3399, %swap3A_3400], %mul3A_3398 {strides = array<i32>} : memref<80x128xf32, #tpu.memory_space<vmem>>, vector<16xf32>,
        %get3A_3402 = arith.index_cast %add3A_3338 : i32 to index
        %get3A_3403 = arith.constant 112 : index
        %get3A_3404 = tpu.vector_load %arg14[%get3A_3402, %get3A_3403] {strides = array<i32>} : memref<80x128xf32, #tpu.memory_space<vmem>>, vector<16xf32>,
        %mul3A_3405 = arith.mulf %gather3A_3352, %get3A_3404 : vector<16xf32>
        %swap3A_3406 = arith.index_cast %add3A_3338 : i32 to index
        %swap3A_3407 = arith.constant 112 : index
        %swap3A_3408 = tpu.vector_load %arg15[%swap3A_3406, %swap3A_3407] {strides = array<i32>} : memref<80x128xf32, #tpu.memory_space<vmem>>, vector<16xf32>,
        tpu.vector_store %arg15[%swap3A_3406, %swap3A_3407], %mul3A_3405 {strides = array<i32>} : memref<80x128xf32, #tpu.memory_space<vmem>>, vector<16xf32>,
        %mul3A_3409 = arith.constant 16 : i32
        %mul3A_3410 = arith.muli %add3A_195, %mul3A_3409 : i32
        %add3A_3411 = arith.constant 10 : i32
        %add3A_3412 = arith.addi %mul3A_3410, %add3A_3411 : i32
        %get3A_3413 = arith.constant 10 : i32
        %get3A_3414 = arith.index_cast %get3A_3413 : i32 to index
        %get3A_3415 = arith.constant 0 : index
        %get3A_3416 = tpu.vector_load %arg20[%get3A_3414, %get3A_3415] {strides = array<i32>} : memref<16x16xi32, #tpu.memory_space<vmem>>, vector<16xi32>,
        %broadcast_in_dim3A_3417 = vector.shape_cast %get3A_3416 : vector<16xi32> to vector<16x1xi32>
        %gather3A_3418 = vector.shape_cast %broadcast_in_dim3A_3417 : vector<16x1xi32> to vector<16xi32>
        %gather3A_3419 = tpu.dynamic_gather %exp3A[%gather3A_3418] in [0] : vector<16xf32>, vector<16xi32> -> vector<16xf32>
        %get3A_3420 = arith.constant 10 : i32
        %get3A_3421 = arith.index_cast %get3A_3420 : i32 to index
        %get3A_3422 = arith.constant 0 : index
        %get3A_3423 = tpu.vector_load %arg20[%get3A_3421, %get3A_3422] {strides = array<i32>} : memref<16x16xi32, #tpu.memory_space<vmem>>, vector<16xi32>,
        %broadcast_in_dim3A_3424 = vector.shape_cast %get3A_3423 : vector<16xi32> to vector<16x1xi32>
        %gather3A_3425 = vector.shape_cast %broadcast_in_dim3A_3424 : vector<16x1xi32> to vector<16xi32>
        %gather3A_3426 = tpu.dynamic_gather %exp3A_2656[%gather3A_3425] in [0] : vector<16xf32>, vector<16xi32> -> vector<16xf32>
        %get3A_3427 = arith.index_cast %add3A_3412 : i32 to index
        %get3A_3428 = arith.constant 0 : index
        %get3A_3429 = tpu.vector_load %arg14[%get3A_3427, %get3A_3428] {strides = array<i32>} : memref<80x128xf32, #tpu.memory_space<vmem>>, vector<16xf32>,
        %mul3A_3430 = arith.mulf %gather3A_3419, %get3A_3429 : vector<16xf32>
        %swap3A_3431 = arith.index_cast %add3A_3412 : i32 to index
        %swap3A_3432 = arith.constant 0 : index
        %swap3A_3433 = tpu.vector_load %arg15[%swap3A_3431, %swap3A_3432] {strides = array<i32>} : memref<80x128xf32, #tpu.memory_space<vmem>>, vector<16xf32>,
        tpu.vector_store %arg15[%swap3A_3431, %swap3A_3432], %mul3A_3430 {strides = array<i32>} : memref<80x128xf32, #tpu.memory_space<vmem>>, vector<16xf32>,
        %get3A_3434 = arith.index_cast %add3A_3412 : i32 to index
        %get3A_3435 = arith.constant 16 : index
        %get3A_3436 = tpu.vector_load %arg14[%get3A_3434, %get3A_3435] {strides = array<i32>} : memref<80x128xf32, #tpu.memory_space<vmem>>, vector<16xf32>,
        %mul3A_3437 = arith.mulf %gather3A_3419, %get3A_3436 : vector<16xf32>
        %swap3A_3438 = arith.index_cast %add3A_3412 : i32 to index
        %swap3A_3439 = arith.constant 16 : index
        %swap3A_3440 = tpu.vector_load %arg15[%swap3A_3438, %swap3A_3439] {strides = array<i32>} : memref<80x128xf32, #tpu.memory_space<vmem>>, vector<16xf32>,
        tpu.vector_store %arg15[%swap3A_3438, %swap3A_3439], %mul3A_3437 {strides = array<i32>} : memref<80x128xf32, #tpu.memory_space<vmem>>, vector<16xf32>,
        %get3A_3441 = arith.index_cast %add3A_3412 : i32 to index
        %get3A_3442 = arith.constant 32 : index
        %get3A_3443 = tpu.vector_load %arg14[%get3A_3441, %get3A_3442] {strides = array<i32>} : memref<80x128xf32, #tpu.memory_space<vmem>>, vector<16xf32>,
        %mul3A_3444 = arith.mulf %gather3A_3419, %get3A_3443 : vector<16xf32>
        %swap3A_3445 = arith.index_cast %add3A_3412 : i32 to index
        %swap3A_3446 = arith.constant 32 : index
        %swap3A_3447 = tpu.vector_load %arg15[%swap3A_3445, %swap3A_3446] {strides = array<i32>} : memref<80x128xf32, #tpu.memory_space<vmem>>, vector<16xf32>,
        tpu.vector_store %arg15[%swap3A_3445, %swap3A_3446], %mul3A_3444 {strides = array<i32>} : memref<80x128xf32, #tpu.memory_space<vmem>>, vector<16xf32>,
        %get3A_3448 = arith.index_cast %add3A_3412 : i32 to index
        %get3A_3449 = arith.constant 48 : index
        %get3A_3450 = tpu.vector_load %arg14[%get3A_3448, %get3A_3449] {strides = array<i32>} : memref<80x128xf32, #tpu.memory_space<vmem>>, vector<16xf32>,
        %mul3A_3451 = arith.mulf %gather3A_3419, %get3A_3450 : vector<16xf32>
        %swap3A_3452 = arith.index_cast %add3A_3412 : i32 to index
        %swap3A_3453 = arith.constant 48 : index
        %swap3A_3454 = tpu.vector_load %arg15[%swap3A_3452, %swap3A_3453] {strides = array<i32>} : memref<80x128xf32, #tpu.memory_space<vmem>>, vector<16xf32>,
        tpu.vector_store %arg15[%swap3A_3452, %swap3A_3453], %mul3A_3451 {strides = array<i32>} : memref<80x128xf32, #tpu.memory_space<vmem>>, vector<16xf32>,
        %get3A_3455 = arith.index_cast %add3A_3412 : i32 to index
        %get3A_3456 = arith.constant 64 : index
        %get3A_3457 = tpu.vector_load %arg14[%get3A_3455, %get3A_3456] {strides = array<i32>} : memref<80x128xf32, #tpu.memory_space<vmem>>, vector<16xf32>,
        %mul3A_3458 = arith.mulf %gather3A_3426, %get3A_3457 : vector<16xf32>
        %swap3A_3459 = arith.index_cast %add3A_3412 : i32 to index
        %swap3A_3460 = arith.constant 64 : index
        %swap3A_3461 = tpu.vector_load %arg15[%swap3A_3459, %swap3A_3460] {strides = array<i32>} : memref<80x128xf32, #tpu.memory_space<vmem>>, vector<16xf32>,
        tpu.vector_store %arg15[%swap3A_3459, %swap3A_3460], %mul3A_3458 {strides = array<i32>} : memref<80x128xf32, #tpu.memory_space<vmem>>, vector<16xf32>,
        %get3A_3462 = arith.index_cast %add3A_3412 : i32 to index
        %get3A_3463 = arith.constant 80 : index
        %get3A_3464 = tpu.vector_load %arg14[%get3A_3462, %get3A_3463] {strides = array<i32>} : memref<80x128xf32, #tpu.memory_space<vmem>>, vector<16xf32>,
        %mul3A_3465 = arith.mulf %gather3A_3426, %get3A_3464 : vector<16xf32>
        %swap3A_3466 = arith.index_cast %add3A_3412 : i32 to index
        %swap3A_3467 = arith.constant 80 : index
        %swap3A_3468 = tpu.vector_load %arg15[%swap3A_3466, %swap3A_3467] {strides = array<i32>} : memref<80x128xf32, #tpu.memory_space<vmem>>, vector<16xf32>,
        tpu.vector_store %arg15[%swap3A_3466, %swap3A_3467], %mul3A_3465 {strides = array<i32>} : memref<80x128xf32, #tpu.memory_space<vmem>>, vector<16xf32>,
        %get3A_3469 = arith.index_cast %add3A_3412 : i32 to index
        %get3A_3470 = arith.constant 96 : index
        %get3A_3471 = tpu.vector_load %arg14[%get3A_3469, %get3A_3470] {strides = array<i32>} : memref<80x128xf32, #tpu.memory_space<vmem>>, vector<16xf32>,
        %mul3A_3472 = arith.mulf %gather3A_3426, %get3A_3471 : vector<16xf32>
        %swap3A_3473 = arith.index_cast %add3A_3412 : i32 to index
        %swap3A_3474 = arith.constant 96 : index
        %swap3A_3475 = tpu.vector_load %arg15[%swap3A_3473, %swap3A_3474] {strides = array<i32>} : memref<80x128xf32, #tpu.memory_space<vmem>>, vector<16xf32>,
        tpu.vector_store %arg15[%swap3A_3473, %swap3A_3474], %mul3A_3472 {strides = array<i32>} : memref<80x128xf32, #tpu.memory_space<vmem>>, vector<16xf32>,
        %get3A_3476 = arith.index_cast %add3A_3412 : i32 to index
        %get3A_3477 = arith.constant 112 : index
        %get3A_3478 = tpu.vector_load %arg14[%get3A_3476, %get3A_3477] {strides = array<i32>} : memref<80x128xf32, #tpu.memory_space<vmem>>, vector<16xf32>,
        %mul3A_3479 = arith.mulf %gather3A_3426, %get3A_3478 : vector<16xf32>
        %swap3A_3480 = arith.index_cast %add3A_3412 : i32 to index
        %swap3A_3481 = arith.constant 112 : index
        %swap3A_3482 = tpu.vector_load %arg15[%swap3A_3480, %swap3A_3481] {strides = array<i32>} : memref<80x128xf32, #tpu.memory_space<vmem>>, vector<16xf32>,
        tpu.vector_store %arg15[%swap3A_3480, %swap3A_3481], %mul3A_3479 {strides = array<i32>} : memref<80x128xf32, #tpu.memory_space<vmem>>, vector<16xf32>,
        %mul3A_3483 = arith.constant 16 : i32
        %mul3A_3484 = arith.muli %add3A_195, %mul3A_3483 : i32
        %add3A_3485 = arith.constant 11 : i32
        %add3A_3486 = arith.addi %mul3A_3484, %add3A_3485 : i32
        %get3A_3487 = arith.constant 11 : i32
        %get3A_3488 = arith.index_cast %get3A_3487 : i32 to index
        %get3A_3489 = arith.constant 0 : index
        %get3A_3490 = tpu.vector_load %arg20[%get3A_3488, %get3A_3489] {strides = array<i32>} : memref<16x16xi32, #tpu.memory_space<vmem>>, vector<16xi32>,
        %broadcast_in_dim3A_3491 = vector.shape_cast %get3A_3490 : vector<16xi32> to vector<16x1xi32>
        %gather3A_3492 = vector.shape_cast %broadcast_in_dim3A_3491 : vector<16x1xi32> to vector<16xi32>
        %gather3A_3493 = tpu.dynamic_gather %exp3A[%gather3A_3492] in [0] : vector<16xf32>, vector<16xi32> -> vector<16xf32>
        %get3A_3494 = arith.constant 11 : i32
        %get3A_3495 = arith.index_cast %get3A_3494 : i32 to index
        %get3A_3496 = arith.constant 0 : index
        %get3A_3497 = tpu.vector_load %arg20[%get3A_3495, %get3A_3496] {strides = array<i32>} : memref<16x16xi32, #tpu.memory_space<vmem>>, vector<16xi32>,
        %broadcast_in_dim3A_3498 = vector.shape_cast %get3A_3497 : vector<16xi32> to vector<16x1xi32>
        %gather3A_3499 = vector.shape_cast %broadcast_in_dim3A_3498 : vector<16x1xi32> to vector<16xi32>
        %gather3A_3500 = tpu.dynamic_gather %exp3A_2656[%gather3A_3499] in [0] : vector<16xf32>, vector<16xi32> -> vector<16xf32>
        %get3A_3501 = arith.index_cast %add3A_3486 : i32 to index
        %get3A_3502 = arith.constant 0 : index
        %get3A_3503 = tpu.vector_load %arg14[%get3A_3501, %get3A_3502] {strides = array<i32>} : memref<80x128xf32, #tpu.memory_space<vmem>>, vector<16xf32>,
        %mul3A_3504 = arith.mulf %gather3A_3493, %get3A_3503 : vector<16xf32>
        %swap3A_3505 = arith.index_cast %add3A_3486 : i32 to index
        %swap3A_3506 = arith.constant 0 : index
        %swap3A_3507 = tpu.vector_load %arg15[%swap3A_3505, %swap3A_3506] {strides = array<i32>} : memref<80x128xf32, #tpu.memory_space<vmem>>, vector<16xf32>,
        tpu.vector_store %arg15[%swap3A_3505, %swap3A_3506], %mul3A_3504 {strides = array<i32>} : memref<80x128xf32, #tpu.memory_space<vmem>>, vector<16xf32>,
        %get3A_3508 = arith.index_cast %add3A_3486 : i32 to index
        %get3A_3509 = arith.constant 16 : index
        %get3A_3510 = tpu.vector_load %arg14[%get3A_3508, %get3A_3509] {strides = array<i32>} : memref<80x128xf32, #tpu.memory_space<vmem>>, vector<16xf32>,
        %mul3A_3511 = arith.mulf %gather3A_3493, %get3A_3510 : vector<16xf32>
        %swap3A_3512 = arith.index_cast %add3A_3486 : i32 to index
        %swap3A_3513 = arith.constant 16 : index
        %swap3A_3514 = tpu.vector_load %arg15[%swap3A_3512, %swap3A_3513] {strides = array<i32>} : memref<80x128xf32, #tpu.memory_space<vmem>>, vector<16xf32>,
        tpu.vector_store %arg15[%swap3A_3512, %swap3A_3513], %mul3A_3511 {strides = array<i32>} : memref<80x128xf32, #tpu.memory_space<vmem>>, vector<16xf32>,
        %get3A_3515 = arith.index_cast %add3A_3486 : i32 to index
        %get3A_3516 = arith.constant 32 : index
        %get3A_3517 = tpu.vector_load %arg14[%get3A_3515, %get3A_3516] {strides = array<i32>} : memref<80x128xf32, #tpu.memory_space<vmem>>, vector<16xf32>,
        %mul3A_3518 = arith.mulf %gather3A_3493, %get3A_3517 : vector<16xf32>
        %swap3A_3519 = arith.index_cast %add3A_3486 : i32 to index
        %swap3A_3520 = arith.constant 32 : index
        %swap3A_3521 = tpu.vector_load %arg15[%swap3A_3519, %swap3A_3520] {strides = array<i32>} : memref<80x128xf32, #tpu.memory_space<vmem>>, vector<16xf32>,
        tpu.vector_store %arg15[%swap3A_3519, %swap3A_3520], %mul3A_3518 {strides = array<i32>} : memref<80x128xf32, #tpu.memory_space<vmem>>, vector<16xf32>,
        %get3A_3522 = arith.index_cast %add3A_3486 : i32 to index
        %get3A_3523 = arith.constant 48 : index
        %get3A_3524 = tpu.vector_load %arg14[%get3A_3522, %get3A_3523] {strides = array<i32>} : memref<80x128xf32, #tpu.memory_space<vmem>>, vector<16xf32>,
        %mul3A_3525 = arith.mulf %gather3A_3493, %get3A_3524 : vector<16xf32>
        %swap3A_3526 = arith.index_cast %add3A_3486 : i32 to index
        %swap3A_3527 = arith.constant 48 : index
        %swap3A_3528 = tpu.vector_load %arg15[%swap3A_3526, %swap3A_3527] {strides = array<i32>} : memref<80x128xf32, #tpu.memory_space<vmem>>, vector<16xf32>,
        tpu.vector_store %arg15[%swap3A_3526, %swap3A_3527], %mul3A_3525 {strides = array<i32>} : memref<80x128xf32, #tpu.memory_space<vmem>>, vector<16xf32>,
        %get3A_3529 = arith.index_cast %add3A_3486 : i32 to index
        %get3A_3530 = arith.constant 64 : index
        %get3A_3531 = tpu.vector_load %arg14[%get3A_3529, %get3A_3530] {strides = array<i32>} : memref<80x128xf32, #tpu.memory_space<vmem>>, vector<16xf32>,
        %mul3A_3532 = arith.mulf %gather3A_3500, %get3A_3531 : vector<16xf32>
        %swap3A_3533 = arith.index_cast %add3A_3486 : i32 to index
        %swap3A_3534 = arith.constant 64 : index
        %swap3A_3535 = tpu.vector_load %arg15[%swap3A_3533, %swap3A_3534] {strides = array<i32>} : memref<80x128xf32, #tpu.memory_space<vmem>>, vector<16xf32>,
        tpu.vector_store %arg15[%swap3A_3533, %swap3A_3534], %mul3A_3532 {strides = array<i32>} : memref<80x128xf32, #tpu.memory_space<vmem>>, vector<16xf32>,
        %get3A_3536 = arith.index_cast %add3A_3486 : i32 to index
        %get3A_3537 = arith.constant 80 : index
        %get3A_3538 = tpu.vector_load %arg14[%get3A_3536, %get3A_3537] {strides = array<i32>} : memref<80x128xf32, #tpu.memory_space<vmem>>, vector<16xf32>,
        %mul3A_3539 = arith.mulf %gather3A_3500, %get3A_3538 : vector<16xf32>
        %swap3A_3540 = arith.index_cast %add3A_3486 : i32 to index
        %swap3A_3541 = arith.constant 80 : index
        %swap3A_3542 = tpu.vector_load %arg15[%swap3A_3540, %swap3A_3541] {strides = array<i32>} : memref<80x128xf32, #tpu.memory_space<vmem>>, vector<16xf32>,
        tpu.vector_store %arg15[%swap3A_3540, %swap3A_3541], %mul3A_3539 {strides = array<i32>} : memref<80x128xf32, #tpu.memory_space<vmem>>, vector<16xf32>,
        %get3A_3543 = arith.index_cast %add3A_3486 : i32 to index
        %get3A_3544 = arith.constant 96 : index
        %get3A_3545 = tpu.vector_load %arg14[%get3A_3543, %get3A_3544] {strides = array<i32>} : memref<80x128xf32, #tpu.memory_space<vmem>>, vector<16xf32>,
        %mul3A_3546 = arith.mulf %gather3A_3500, %get3A_3545 : vector<16xf32>
        %swap3A_3547 = arith.index_cast %add3A_3486 : i32 to index
        %swap3A_3548 = arith.constant 96 : index
        %swap3A_3549 = tpu.vector_load %arg15[%swap3A_3547, %swap3A_3548] {strides = array<i32>} : memref<80x128xf32, #tpu.memory_space<vmem>>, vector<16xf32>,
        tpu.vector_store %arg15[%swap3A_3547, %swap3A_3548], %mul3A_3546 {strides = array<i32>} : memref<80x128xf32, #tpu.memory_space<vmem>>, vector<16xf32>,
        %get3A_3550 = arith.index_cast %add3A_3486 : i32 to index
        %get3A_3551 = arith.constant 112 : index
        %get3A_3552 = tpu.vector_load %arg14[%get3A_3550, %get3A_3551] {strides = array<i32>} : memref<80x128xf32, #tpu.memory_space<vmem>>, vector<16xf32>,
        %mul3A_3553 = arith.mulf %gather3A_3500, %get3A_3552 : vector<16xf32>
        %swap3A_3554 = arith.index_cast %add3A_3486 : i32 to index
        %swap3A_3555 = arith.constant 112 : index
        %swap3A_3556 = tpu.vector_load %arg15[%swap3A_3554, %swap3A_3555] {strides = array<i32>} : memref<80x128xf32, #tpu.memory_space<vmem>>, vector<16xf32>,
        tpu.vector_store %arg15[%swap3A_3554, %swap3A_3555], %mul3A_3553 {strides = array<i32>} : memref<80x128xf32, #tpu.memory_space<vmem>>, vector<16xf32>,
        %mul3A_3557 = arith.constant 16 : i32
        %mul3A_3558 = arith.muli %add3A_195, %mul3A_3557 : i32
        %add3A_3559 = arith.constant 12 : i32
        %add3A_3560 = arith.addi %mul3A_3558, %add3A_3559 : i32
        %get3A_3561 = arith.constant 12 : i32
        %get3A_3562 = arith.index_cast %get3A_3561 : i32 to index
        %get3A_3563 = arith.constant 0 : index
        %get3A_3564 = tpu.vector_load %arg20[%get3A_3562, %get3A_3563] {strides = array<i32>} : memref<16x16xi32, #tpu.memory_space<vmem>>, vector<16xi32>,
        %broadcast_in_dim3A_3565 = vector.shape_cast %get3A_3564 : vector<16xi32> to vector<16x1xi32>
        %gather3A_3566 = vector.shape_cast %broadcast_in_dim3A_3565 : vector<16x1xi32> to vector<16xi32>
        %gather3A_3567 = tpu.dynamic_gather %exp3A[%gather3A_3566] in [0] : vector<16xf32>, vector<16xi32> -> vector<16xf32>
        %get3A_3568 = arith.constant 12 : i32
        %get3A_3569 = arith.index_cast %get3A_3568 : i32 to index
        %get3A_3570 = arith.constant 0 : index
        %get3A_3571 = tpu.vector_load %arg20[%get3A_3569, %get3A_3570] {strides = array<i32>} : memref<16x16xi32, #tpu.memory_space<vmem>>, vector<16xi32>,
        %broadcast_in_dim3A_3572 = vector.shape_cast %get3A_3571 : vector<16xi32> to vector<16x1xi32>
        %gather3A_3573 = vector.shape_cast %broadcast_in_dim3A_3572 : vector<16x1xi32> to vector<16xi32>
        %gather3A_3574 = tpu.dynamic_gather %exp3A_2656[%gather3A_3573] in [0] : vector<16xf32>, vector<16xi32> -> vector<16xf32>
        %get3A_3575 = arith.index_cast %add3A_3560 : i32 to index
        %get3A_3576 = arith.constant 0 : index
        %get3A_3577 = tpu.vector_load %arg14[%get3A_3575, %get3A_3576] {strides = array<i32>} : memref<80x128xf32, #tpu.memory_space<vmem>>, vector<16xf32>,
        %mul3A_3578 = arith.mulf %gather3A_3567, %get3A_3577 : vector<16xf32>
        %swap3A_3579 = arith.index_cast %add3A_3560 : i32 to index
        %swap3A_3580 = arith.constant 0 : index
        %swap3A_3581 = tpu.vector_load %arg15[%swap3A_3579, %swap3A_3580] {strides = array<i32>} : memref<80x128xf32, #tpu.memory_space<vmem>>, vector<16xf32>,
        tpu.vector_store %arg15[%swap3A_3579, %swap3A_3580], %mul3A_3578 {strides = array<i32>} : memref<80x128xf32, #tpu.memory_space<vmem>>, vector<16xf32>,
        %get3A_3582 = arith.index_cast %add3A_3560 : i32 to index
        %get3A_3583 = arith.constant 16 : index
        %get3A_3584 = tpu.vector_load %arg14[%get3A_3582, %get3A_3583] {strides = array<i32>} : memref<80x128xf32, #tpu.memory_space<vmem>>, vector<16xf32>,
        %mul3A_3585 = arith.mulf %gather3A_3567, %get3A_3584 : vector<16xf32>
        %swap3A_3586 = arith.index_cast %add3A_3560 : i32 to index
        %swap3A_3587 = arith.constant 16 : index
        %swap3A_3588 = tpu.vector_load %arg15[%swap3A_3586, %swap3A_3587] {strides = array<i32>} : memref<80x128xf32, #tpu.memory_space<vmem>>, vector<16xf32>,
        tpu.vector_store %arg15[%swap3A_3586, %swap3A_3587], %mul3A_3585 {strides = array<i32>} : memref<80x128xf32, #tpu.memory_space<vmem>>, vector<16xf32>,
        %get3A_3589 = arith.index_cast %add3A_3560 : i32 to index
        %get3A_3590 = arith.constant 32 : index
        %get3A_3591 = tpu.vector_load %arg14[%get3A_3589, %get3A_3590] {strides = array<i32>} : memref<80x128xf32, #tpu.memory_space<vmem>>, vector<16xf32>,
        %mul3A_3592 = arith.mulf %gather3A_3567, %get3A_3591 : vector<16xf32>
        %swap3A_3593 = arith.index_cast %add3A_3560 : i32 to index
        %swap3A_3594 = arith.constant 32 : index
        %swap3A_3595 = tpu.vector_load %arg15[%swap3A_3593, %swap3A_3594] {strides = array<i32>} : memref<80x128xf32, #tpu.memory_space<vmem>>, vector<16xf32>,
        tpu.vector_store %arg15[%swap3A_3593, %swap3A_3594], %mul3A_3592 {strides = array<i32>} : memref<80x128xf32, #tpu.memory_space<vmem>>, vector<16xf32>,
        %get3A_3596 = arith.index_cast %add3A_3560 : i32 to index
        %get3A_3597 = arith.constant 48 : index
        %get3A_3598 = tpu.vector_load %arg14[%get3A_3596, %get3A_3597] {strides = array<i32>} : memref<80x128xf32, #tpu.memory_space<vmem>>, vector<16xf32>,
        %mul3A_3599 = arith.mulf %gather3A_3567, %get3A_3598 : vector<16xf32>
        %swap3A_3600 = arith.index_cast %add3A_3560 : i32 to index
        %swap3A_3601 = arith.constant 48 : index
        %swap3A_3602 = tpu.vector_load %arg15[%swap3A_3600, %swap3A_3601] {strides = array<i32>} : memref<80x128xf32, #tpu.memory_space<vmem>>, vector<16xf32>,
        tpu.vector_store %arg15[%swap3A_3600, %swap3A_3601], %mul3A_3599 {strides = array<i32>} : memref<80x128xf32, #tpu.memory_space<vmem>>, vector<16xf32>,
        %get3A_3603 = arith.index_cast %add3A_3560 : i32 to index
        %get3A_3604 = arith.constant 64 : index
        %get3A_3605 = tpu.vector_load %arg14[%get3A_3603, %get3A_3604] {strides = array<i32>} : memref<80x128xf32, #tpu.memory_space<vmem>>, vector<16xf32>,
        %mul3A_3606 = arith.mulf %gather3A_3574, %get3A_3605 : vector<16xf32>
        %swap3A_3607 = arith.index_cast %add3A_3560 : i32 to index
        %swap3A_3608 = arith.constant 64 : index
        %swap3A_3609 = tpu.vector_load %arg15[%swap3A_3607, %swap3A_3608] {strides = array<i32>} : memref<80x128xf32, #tpu.memory_space<vmem>>, vector<16xf32>,
        tpu.vector_store %arg15[%swap3A_3607, %swap3A_3608], %mul3A_3606 {strides = array<i32>} : memref<80x128xf32, #tpu.memory_space<vmem>>, vector<16xf32>,
        %get3A_3610 = arith.index_cast %add3A_3560 : i32 to index
        %get3A_3611 = arith.constant 80 : index
        %get3A_3612 = tpu.vector_load %arg14[%get3A_3610, %get3A_3611] {strides = array<i32>} : memref<80x128xf32, #tpu.memory_space<vmem>>, vector<16xf32>,
        %mul3A_3613 = arith.mulf %gather3A_3574, %get3A_3612 : vector<16xf32>
        %swap3A_3614 = arith.index_cast %add3A_3560 : i32 to index
        %swap3A_3615 = arith.constant 80 : index
        %swap3A_3616 = tpu.vector_load %arg15[%swap3A_3614, %swap3A_3615] {strides = array<i32>} : memref<80x128xf32, #tpu.memory_space<vmem>>, vector<16xf32>,
        tpu.vector_store %arg15[%swap3A_3614, %swap3A_3615], %mul3A_3613 {strides = array<i32>} : memref<80x128xf32, #tpu.memory_space<vmem>>, vector<16xf32>,
        %get3A_3617 = arith.index_cast %add3A_3560 : i32 to index
        %get3A_3618 = arith.constant 96 : index
        %get3A_3619 = tpu.vector_load %arg14[%get3A_3617, %get3A_3618] {strides = array<i32>} : memref<80x128xf32, #tpu.memory_space<vmem>>, vector<16xf32>,
        %mul3A_3620 = arith.mulf %gather3A_3574, %get3A_3619 : vector<16xf32>
        %swap3A_3621 = arith.index_cast %add3A_3560 : i32 to index
        %swap3A_3622 = arith.constant 96 : index
        %swap3A_3623 = tpu.vector_load %arg15[%swap3A_3621, %swap3A_3622] {strides = array<i32>} : memref<80x128xf32, #tpu.memory_space<vmem>>, vector<16xf32>,
        tpu.vector_store %arg15[%swap3A_3621, %swap3A_3622], %mul3A_3620 {strides = array<i32>} : memref<80x128xf32, #tpu.memory_space<vmem>>, vector<16xf32>,
        %get3A_3624 = arith.index_cast %add3A_3560 : i32 to index
        %get3A_3625 = arith.constant 112 : index
        %get3A_3626 = tpu.vector_load %arg14[%get3A_3624, %get3A_3625] {strides = array<i32>} : memref<80x128xf32, #tpu.memory_space<vmem>>, vector<16xf32>,
        %mul3A_3627 = arith.mulf %gather3A_3574, %get3A_3626 : vector<16xf32>
        %swap3A_3628 = arith.index_cast %add3A_3560 : i32 to index
        %swap3A_3629 = arith.constant 112 : index
        %swap3A_3630 = tpu.vector_load %arg15[%swap3A_3628, %swap3A_3629] {strides = array<i32>} : memref<80x128xf32, #tpu.memory_space<vmem>>, vector<16xf32>,
        tpu.vector_store %arg15[%swap3A_3628, %swap3A_3629], %mul3A_3627 {strides = array<i32>} : memref<80x128xf32, #tpu.memory_space<vmem>>, vector<16xf32>,
        %mul3A_3631 = arith.constant 16 : i32
        %mul3A_3632 = arith.muli %add3A_195, %mul3A_3631 : i32
        %add3A_3633 = arith.constant 13 : i32
        %add3A_3634 = arith.addi %mul3A_3632, %add3A_3633 : i32
        %get3A_3635 = arith.constant 13 : i32
        %get3A_3636 = arith.index_cast %get3A_3635 : i32 to index
        %get3A_3637 = arith.constant 0 : index
        %get3A_3638 = tpu.vector_load %arg20[%get3A_3636, %get3A_3637] {strides = array<i32>} : memref<16x16xi32, #tpu.memory_space<vmem>>, vector<16xi32>,
        %broadcast_in_dim3A_3639 = vector.shape_cast %get3A_3638 : vector<16xi32> to vector<16x1xi32>
        %gather3A_3640 = vector.shape_cast %broadcast_in_dim3A_3639 : vector<16x1xi32> to vector<16xi32>
        %gather3A_3641 = tpu.dynamic_gather %exp3A[%gather3A_3640] in [0] : vector<16xf32>, vector<16xi32> -> vector<16xf32>
        %get3A_3642 = arith.constant 13 : i32
        %get3A_3643 = arith.index_cast %get3A_3642 : i32 to index
        %get3A_3644 = arith.constant 0 : index
        %get3A_3645 = tpu.vector_load %arg20[%get3A_3643, %get3A_3644] {strides = array<i32>} : memref<16x16xi32, #tpu.memory_space<vmem>>, vector<16xi32>,
        %broadcast_in_dim3A_3646 = vector.shape_cast %get3A_3645 : vector<16xi32> to vector<16x1xi32>
        %gather3A_3647 = vector.shape_cast %broadcast_in_dim3A_3646 : vector<16x1xi32> to vector<16xi32>
        %gather3A_3648 = tpu.dynamic_gather %exp3A_2656[%gather3A_3647] in [0] : vector<16xf32>, vector<16xi32> -> vector<16xf32>
        %get3A_3649 = arith.index_cast %add3A_3634 : i32 to index
        %get3A_3650 = arith.constant 0 : index
        %get3A_3651 = tpu.vector_load %arg14[%get3A_3649, %get3A_3650] {strides = array<i32>} : memref<80x128xf32, #tpu.memory_space<vmem>>, vector<16xf32>,
        %mul3A_3652 = arith.mulf %gather3A_3641, %get3A_3651 : vector<16xf32>
        %swap3A_3653 = arith.index_cast %add3A_3634 : i32 to index
        %swap3A_3654 = arith.constant 0 : index
        %swap3A_3655 = tpu.vector_load %arg15[%swap3A_3653, %swap3A_3654] {strides = array<i32>} : memref<80x128xf32, #tpu.memory_space<vmem>>, vector<16xf32>,
        tpu.vector_store %arg15[%swap3A_3653, %swap3A_3654], %mul3A_3652 {strides = array<i32>} : memref<80x128xf32, #tpu.memory_space<vmem>>, vector<16xf32>,
        %get3A_3656 = arith.index_cast %add3A_3634 : i32 to index
        %get3A_3657 = arith.constant 16 : index
        %get3A_3658 = tpu.vector_load %arg14[%get3A_3656, %get3A_3657] {strides = array<i32>} : memref<80x128xf32, #tpu.memory_space<vmem>>, vector<16xf32>,
        %mul3A_3659 = arith.mulf %gather3A_3641, %get3A_3658 : vector<16xf32>
        %swap3A_3660 = arith.index_cast %add3A_3634 : i32 to index
        %swap3A_3661 = arith.constant 16 : index
        %swap3A_3662 = tpu.vector_load %arg15[%swap3A_3660, %swap3A_3661] {strides = array<i32>} : memref<80x128xf32, #tpu.memory_space<vmem>>, vector<16xf32>,
        tpu.vector_store %arg15[%swap3A_3660, %swap3A_3661], %mul3A_3659 {strides = array<i32>} : memref<80x128xf32, #tpu.memory_space<vmem>>, vector<16xf32>,
        %get3A_3663 = arith.index_cast %add3A_3634 : i32 to index
        %get3A_3664 = arith.constant 32 : index
        %get3A_3665 = tpu.vector_load %arg14[%get3A_3663, %get3A_3664] {strides = array<i32>} : memref<80x128xf32, #tpu.memory_space<vmem>>, vector<16xf32>,
        %mul3A_3666 = arith.mulf %gather3A_3641, %get3A_3665 : vector<16xf32>
        %swap3A_3667 = arith.index_cast %add3A_3634 : i32 to index
        %swap3A_3668 = arith.constant 32 : index
        %swap3A_3669 = tpu.vector_load %arg15[%swap3A_3667, %swap3A_3668] {strides = array<i32>} : memref<80x128xf32, #tpu.memory_space<vmem>>, vector<16xf32>,
        tpu.vector_store %arg15[%swap3A_3667, %swap3A_3668], %mul3A_3666 {strides = array<i32>} : memref<80x128xf32, #tpu.memory_space<vmem>>, vector<16xf32>,
        %get3A_3670 = arith.index_cast %add3A_3634 : i32 to index
        %get3A_3671 = arith.constant 48 : index
        %get3A_3672 = tpu.vector_load %arg14[%get3A_3670, %get3A_3671] {strides = array<i32>} : memref<80x128xf32, #tpu.memory_space<vmem>>, vector<16xf32>,
        %mul3A_3673 = arith.mulf %gather3A_3641, %get3A_3672 : vector<16xf32>
        %swap3A_3674 = arith.index_cast %add3A_3634 : i32 to index
        %swap3A_3675 = arith.constant 48 : index
        %swap3A_3676 = tpu.vector_load %arg15[%swap3A_3674, %swap3A_3675] {strides = array<i32>} : memref<80x128xf32, #tpu.memory_space<vmem>>, vector<16xf32>,
        tpu.vector_store %arg15[%swap3A_3674, %swap3A_3675], %mul3A_3673 {strides = array<i32>} : memref<80x128xf32, #tpu.memory_space<vmem>>, vector<16xf32>,
        %get3A_3677 = arith.index_cast %add3A_3634 : i32 to index
        %get3A_3678 = arith.constant 64 : index
        %get3A_3679 = tpu.vector_load %arg14[%get3A_3677, %get3A_3678] {strides = array<i32>} : memref<80x128xf32, #tpu.memory_space<vmem>>, vector<16xf32>,
        %mul3A_3680 = arith.mulf %gather3A_3648, %get3A_3679 : vector<16xf32>
        %swap3A_3681 = arith.index_cast %add3A_3634 : i32 to index
        %swap3A_3682 = arith.constant 64 : index
        %swap3A_3683 = tpu.vector_load %arg15[%swap3A_3681, %swap3A_3682] {strides = array<i32>} : memref<80x128xf32, #tpu.memory_space<vmem>>, vector<16xf32>,
        tpu.vector_store %arg15[%swap3A_3681, %swap3A_3682], %mul3A_3680 {strides = array<i32>} : memref<80x128xf32, #tpu.memory_space<vmem>>, vector<16xf32>,
        %get3A_3684 = arith.index_cast %add3A_3634 : i32 to index
        %get3A_3685 = arith.constant 80 : index
        %get3A_3686 = tpu.vector_load %arg14[%get3A_3684, %get3A_3685] {strides = array<i32>} : memref<80x128xf32, #tpu.memory_space<vmem>>, vector<16xf32>,
        %mul3A_3687 = arith.mulf %gather3A_3648, %get3A_3686 : vector<16xf32>
        %swap3A_3688 = arith.index_cast %add3A_3634 : i32 to index
        %swap3A_3689 = arith.constant 80 : index
        %swap3A_3690 = tpu.vector_load %arg15[%swap3A_3688, %swap3A_3689] {strides = array<i32>} : memref<80x128xf32, #tpu.memory_space<vmem>>, vector<16xf32>,
        tpu.vector_store %arg15[%swap3A_3688, %swap3A_3689], %mul3A_3687 {strides = array<i32>} : memref<80x128xf32, #tpu.memory_space<vmem>>, vector<16xf32>,
        %get3A_3691 = arith.index_cast %add3A_3634 : i32 to index
        %get3A_3692 = arith.constant 96 : index
        %get3A_3693 = tpu.vector_load %arg14[%get3A_3691, %get3A_3692] {strides = array<i32>} : memref<80x128xf32, #tpu.memory_space<vmem>>, vector<16xf32>,
        %mul3A_3694 = arith.mulf %gather3A_3648, %get3A_3693 : vector<16xf32>
        %swap3A_3695 = arith.index_cast %add3A_3634 : i32 to index
        %swap3A_3696 = arith.constant 96 : index
        %swap3A_3697 = tpu.vector_load %arg15[%swap3A_3695, %swap3A_3696] {strides = array<i32>} : memref<80x128xf32, #tpu.memory_space<vmem>>, vector<16xf32>,
        tpu.vector_store %arg15[%swap3A_3695, %swap3A_3696], %mul3A_3694 {strides = array<i32>} : memref<80x128xf32, #tpu.memory_space<vmem>>, vector<16xf32>,
        %get3A_3698 = arith.index_cast %add3A_3634 : i32 to index
        %get3A_3699 = arith.constant 112 : index
        %get3A_3700 = tpu.vector_load %arg14[%get3A_3698, %get3A_3699] {strides = array<i32>} : memref<80x128xf32, #tpu.memory_space<vmem>>, vector<16xf32>,
        %mul3A_3701 = arith.mulf %gather3A_3648, %get3A_3700 : vector<16xf32>
        %swap3A_3702 = arith.index_cast %add3A_3634 : i32 to index
        %swap3A_3703 = arith.constant 112 : index
        %swap3A_3704 = tpu.vector_load %arg15[%swap3A_3702, %swap3A_3703] {strides = array<i32>} : memref<80x128xf32, #tpu.memory_space<vmem>>, vector<16xf32>,
        tpu.vector_store %arg15[%swap3A_3702, %swap3A_3703], %mul3A_3701 {strides = array<i32>} : memref<80x128xf32, #tpu.memory_space<vmem>>, vector<16xf32>,
        %mul3A_3705 = arith.constant 16 : i32
        %mul3A_3706 = arith.muli %add3A_195, %mul3A_3705 : i32
        %add3A_3707 = arith.constant 14 : i32
        %add3A_3708 = arith.addi %mul3A_3706, %add3A_3707 : i32
        %get3A_3709 = arith.constant 14 : i32
        %get3A_3710 = arith.index_cast %get3A_3709 : i32 to index
        %get3A_3711 = arith.constant 0 : index
        %get3A_3712 = tpu.vector_load %arg20[%get3A_3710, %get3A_3711] {strides = array<i32>} : memref<16x16xi32, #tpu.memory_space<vmem>>, vector<16xi32>,
        %broadcast_in_dim3A_3713 = vector.shape_cast %get3A_3712 : vector<16xi32> to vector<16x1xi32>
        %gather3A_3714 = vector.shape_cast %broadcast_in_dim3A_3713 : vector<16x1xi32> to vector<16xi32>
        %gather3A_3715 = tpu.dynamic_gather %exp3A[%gather3A_3714] in [0] : vector<16xf32>, vector<16xi32> -> vector<16xf32>
        %get3A_3716 = arith.constant 14 : i32
        %get3A_3717 = arith.index_cast %get3A_3716 : i32 to index
        %get3A_3718 = arith.constant 0 : index
        %get3A_3719 = tpu.vector_load %arg20[%get3A_3717, %get3A_3718] {strides = array<i32>} : memref<16x16xi32, #tpu.memory_space<vmem>>, vector<16xi32>,
        %broadcast_in_dim3A_3720 = vector.shape_cast %get3A_3719 : vector<16xi32> to vector<16x1xi32>
        %gather3A_3721 = vector.shape_cast %broadcast_in_dim3A_3720 : vector<16x1xi32> to vector<16xi32>
        %gather3A_3722 = tpu.dynamic_gather %exp3A_2656[%gather3A_3721] in [0] : vector<16xf32>, vector<16xi32> -> vector<16xf32>
        %get3A_3723 = arith.index_cast %add3A_3708 : i32 to index
        %get3A_3724 = arith.constant 0 : index
        %get3A_3725 = tpu.vector_load %arg14[%get3A_3723, %get3A_3724] {strides = array<i32>} : memref<80x128xf32, #tpu.memory_space<vmem>>, vector<16xf32>,
        %mul3A_3726 = arith.mulf %gather3A_3715, %get3A_3725 : vector<16xf32>
        %swap3A_3727 = arith.index_cast %add3A_3708 : i32 to index
        %swap3A_3728 = arith.constant 0 : index
        %swap3A_3729 = tpu.vector_load %arg15[%swap3A_3727, %swap3A_3728] {strides = array<i32>} : memref<80x128xf32, #tpu.memory_space<vmem>>, vector<16xf32>,
        tpu.vector_store %arg15[%swap3A_3727, %swap3A_3728], %mul3A_3726 {strides = array<i32>} : memref<80x128xf32, #tpu.memory_space<vmem>>, vector<16xf32>,
        %get3A_3730 = arith.index_cast %add3A_3708 : i32 to index
        %get3A_3731 = arith.constant 16 : index
        %get3A_3732 = tpu.vector_load %arg14[%get3A_3730, %get3A_3731] {strides = array<i32>} : memref<80x128xf32, #tpu.memory_space<vmem>>, vector<16xf32>,
        %mul3A_3733 = arith.mulf %gather3A_3715, %get3A_3732 : vector<16xf32>
        %swap3A_3734 = arith.index_cast %add3A_3708 : i32 to index
        %swap3A_3735 = arith.constant 16 : index
        %swap3A_3736 = tpu.vector_load %arg15[%swap3A_3734, %swap3A_3735] {strides = array<i32>} : memref<80x128xf32, #tpu.memory_space<vmem>>, vector<16xf32>,
        tpu.vector_store %arg15[%swap3A_3734, %swap3A_3735], %mul3A_3733 {strides = array<i32>} : memref<80x128xf32, #tpu.memory_space<vmem>>, vector<16xf32>,
        %get3A_3737 = arith.index_cast %add3A_3708 : i32 to index
        %get3A_3738 = arith.constant 32 : index
        %get3A_3739 = tpu.vector_load %arg14[%get3A_3737, %get3A_3738] {strides = array<i32>} : memref<80x128xf32, #tpu.memory_space<vmem>>, vector<16xf32>,
        %mul3A_3740 = arith.mulf %gather3A_3715, %get3A_3739 : vector<16xf32>
        %swap3A_3741 = arith.index_cast %add3A_3708 : i32 to index
        %swap3A_3742 = arith.constant 32 : index
        %swap3A_3743 = tpu.vector_load %arg15[%swap3A_3741, %swap3A_3742] {strides = array<i32>} : memref<80x128xf32, #tpu.memory_space<vmem>>, vector<16xf32>,
        tpu.vector_store %arg15[%swap3A_3741, %swap3A_3742], %mul3A_3740 {strides = array<i32>} : memref<80x128xf32, #tpu.memory_space<vmem>>, vector<16xf32>,
        %get3A_3744 = arith.index_cast %add3A_3708 : i32 to index
        %get3A_3745 = arith.constant 48 : index
        %get3A_3746 = tpu.vector_load %arg14[%get3A_3744, %get3A_3745] {strides = array<i32>} : memref<80x128xf32, #tpu.memory_space<vmem>>, vector<16xf32>,
        %mul3A_3747 = arith.mulf %gather3A_3715, %get3A_3746 : vector<16xf32>
        %swap3A_3748 = arith.index_cast %add3A_3708 : i32 to index
        %swap3A_3749 = arith.constant 48 : index
        %swap3A_3750 = tpu.vector_load %arg15[%swap3A_3748, %swap3A_3749] {strides = array<i32>} : memref<80x128xf32, #tpu.memory_space<vmem>>, vector<16xf32>,
        tpu.vector_store %arg15[%swap3A_3748, %swap3A_3749], %mul3A_3747 {strides = array<i32>} : memref<80x128xf32, #tpu.memory_space<vmem>>, vector<16xf32>,
        %get3A_3751 = arith.index_cast %add3A_3708 : i32 to index
        %get3A_3752 = arith.constant 64 : index
        %get3A_3753 = tpu.vector_load %arg14[%get3A_3751, %get3A_3752] {strides = array<i32>} : memref<80x128xf32, #tpu.memory_space<vmem>>, vector<16xf32>,
        %mul3A_3754 = arith.mulf %gather3A_3722, %get3A_3753 : vector<16xf32>
        %swap3A_3755 = arith.index_cast %add3A_3708 : i32 to index
        %swap3A_3756 = arith.constant 64 : index
        %swap3A_3757 = tpu.vector_load %arg15[%swap3A_3755, %swap3A_3756] {strides = array<i32>} : memref<80x128xf32, #tpu.memory_space<vmem>>, vector<16xf32>,
        tpu.vector_store %arg15[%swap3A_3755, %swap3A_3756], %mul3A_3754 {strides = array<i32>} : memref<80x128xf32, #tpu.memory_space<vmem>>, vector<16xf32>,
        %get3A_3758 = arith.index_cast %add3A_3708 : i32 to index
        %get3A_3759 = arith.constant 80 : index
        %get3A_3760 = tpu.vector_load %arg14[%get3A_3758, %get3A_3759] {strides = array<i32>} : memref<80x128xf32, #tpu.memory_space<vmem>>, vector<16xf32>,
        %mul3A_3761 = arith.mulf %gather3A_3722, %get3A_3760 : vector<16xf32>
        %swap3A_3762 = arith.index_cast %add3A_3708 : i32 to index
        %swap3A_3763 = arith.constant 80 : index
        %swap3A_3764 = tpu.vector_load %arg15[%swap3A_3762, %swap3A_3763] {strides = array<i32>} : memref<80x128xf32, #tpu.memory_space<vmem>>, vector<16xf32>,
        tpu.vector_store %arg15[%swap3A_3762, %swap3A_3763], %mul3A_3761 {strides = array<i32>} : memref<80x128xf32, #tpu.memory_space<vmem>>, vector<16xf32>,
        %get3A_3765 = arith.index_cast %add3A_3708 : i32 to index
        %get3A_3766 = arith.constant 96 : index
        %get3A_3767 = tpu.vector_load %arg14[%get3A_3765, %get3A_3766] {strides = array<i32>} : memref<80x128xf32, #tpu.memory_space<vmem>>, vector<16xf32>,
        %mul3A_3768 = arith.mulf %gather3A_3722, %get3A_3767 : vector<16xf32>
        %swap3A_3769 = arith.index_cast %add3A_3708 : i32 to index
        %swap3A_3770 = arith.constant 96 : index
        %swap3A_3771 = tpu.vector_load %arg15[%swap3A_3769, %swap3A_3770] {strides = array<i32>} : memref<80x128xf32, #tpu.memory_space<vmem>>, vector<16xf32>,
        tpu.vector_store %arg15[%swap3A_3769, %swap3A_3770], %mul3A_3768 {strides = array<i32>} : memref<80x128xf32, #tpu.memory_space<vmem>>, vector<16xf32>,
        %get3A_3772 = arith.index_cast %add3A_3708 : i32 to index
        %get3A_3773 = arith.constant 112 : index
        %get3A_3774 = tpu.vector_load %arg14[%get3A_3772, %get3A_3773] {strides = array<i32>} : memref<80x128xf32, #tpu.memory_space<vmem>>, vector<16xf32>,
        %mul3A_3775 = arith.mulf %gather3A_3722, %get3A_3774 : vector<16xf32>
        %swap3A_3776 = arith.index_cast %add3A_3708 : i32 to index
        %swap3A_3777 = arith.constant 112 : index
        %swap3A_3778 = tpu.vector_load %arg15[%swap3A_3776, %swap3A_3777] {strides = array<i32>} : memref<80x128xf32, #tpu.memory_space<vmem>>, vector<16xf32>,
        tpu.vector_store %arg15[%swap3A_3776, %swap3A_3777], %mul3A_3775 {strides = array<i32>} : memref<80x128xf32, #tpu.memory_space<vmem>>, vector<16xf32>,
        %mul3A_3779 = arith.constant 16 : i32
        %mul3A_3780 = arith.muli %add3A_195, %mul3A_3779 : i32
        %add3A_3781 = arith.constant 15 : i32
        %add3A_3782 = arith.addi %mul3A_3780, %add3A_3781 : i32
        %get3A_3783 = arith.constant 15 : i32
        %get3A_3784 = arith.index_cast %get3A_3783 : i32 to index
        %get3A_3785 = arith.constant 0 : index
        %get3A_3786 = tpu.vector_load %arg20[%get3A_3784, %get3A_3785] {strides = array<i32>} : memref<16x16xi32, #tpu.memory_space<vmem>>, vector<16xi32>,
        %broadcast_in_dim3A_3787 = vector.shape_cast %get3A_3786 : vector<16xi32> to vector<16x1xi32>
        %gather3A_3788 = vector.shape_cast %broadcast_in_dim3A_3787 : vector<16x1xi32> to vector<16xi32>
        %gather3A_3789 = tpu.dynamic_gather %exp3A[%gather3A_3788] in [0] : vector<16xf32>, vector<16xi32> -> vector<16xf32>
        %get3A_3790 = arith.constant 15 : i32
        %get3A_3791 = arith.index_cast %get3A_3790 : i32 to index
        %get3A_3792 = arith.constant 0 : index
        %get3A_3793 = tpu.vector_load %arg20[%get3A_3791, %get3A_3792] {strides = array<i32>} : memref<16x16xi32, #tpu.memory_space<vmem>>, vector<16xi32>,
        %broadcast_in_dim3A_3794 = vector.shape_cast %get3A_3793 : vector<16xi32> to vector<16x1xi32>
        %gather3A_3795 = vector.shape_cast %broadcast_in_dim3A_3794 : vector<16x1xi32> to vector<16xi32>
        %gather3A_3796 = tpu.dynamic_gather %exp3A_2656[%gather3A_3795] in [0] : vector<16xf32>, vector<16xi32> -> vector<16xf32>
        %get3A_3797 = arith.index_cast %add3A_3782 : i32 to index
        %get3A_3798 = arith.constant 0 : index
        %get3A_3799 = tpu.vector_load %arg14[%get3A_3797, %get3A_3798] {strides = array<i32>} : memref<80x128xf32, #tpu.memory_space<vmem>>, vector<16xf32>,
        %mul3A_3800 = arith.mulf %gather3A_3789, %get3A_3799 : vector<16xf32>
        %swap3A_3801 = arith.index_cast %add3A_3782 : i32 to index
        %swap3A_3802 = arith.constant 0 : index
        %swap3A_3803 = tpu.vector_load %arg15[%swap3A_3801, %swap3A_3802] {strides = array<i32>} : memref<80x128xf32, #tpu.memory_space<vmem>>, vector<16xf32>,
        tpu.vector_store %arg15[%swap3A_3801, %swap3A_3802], %mul3A_3800 {strides = array<i32>} : memref<80x128xf32, #tpu.memory_space<vmem>>, vector<16xf32>,
        %get3A_3804 = arith.index_cast %add3A_3782 : i32 to index
        %get3A_3805 = arith.constant 16 : index
        %get3A_3806 = tpu.vector_load %arg14[%get3A_3804, %get3A_3805] {strides = array<i32>} : memref<80x128xf32, #tpu.memory_space<vmem>>, vector<16xf32>,
        %mul3A_3807 = arith.mulf %gather3A_3789, %get3A_3806 : vector<16xf32>
        %swap3A_3808 = arith.index_cast %add3A_3782 : i32 to index
        %swap3A_3809 = arith.constant 16 : index
        %swap3A_3810 = tpu.vector_load %arg15[%swap3A_3808, %swap3A_3809] {strides = array<i32>} : memref<80x128xf32, #tpu.memory_space<vmem>>, vector<16xf32>,
        tpu.vector_store %arg15[%swap3A_3808, %swap3A_3809], %mul3A_3807 {strides = array<i32>} : memref<80x128xf32, #tpu.memory_space<vmem>>, vector<16xf32>,
        %get3A_3811 = arith.index_cast %add3A_3782 : i32 to index
        %get3A_3812 = arith.constant 32 : index
        %get3A_3813 = tpu.vector_load %arg14[%get3A_3811, %get3A_3812] {strides = array<i32>} : memref<80x128xf32, #tpu.memory_space<vmem>>, vector<16xf32>,
        %mul3A_3814 = arith.mulf %gather3A_3789, %get3A_3813 : vector<16xf32>
        %swap3A_3815 = arith.index_cast %add3A_3782 : i32 to index
        %swap3A_3816 = arith.constant 32 : index
        %swap3A_3817 = tpu.vector_load %arg15[%swap3A_3815, %swap3A_3816] {strides = array<i32>} : memref<80x128xf32, #tpu.memory_space<vmem>>, vector<16xf32>,
        tpu.vector_store %arg15[%swap3A_3815, %swap3A_3816], %mul3A_3814 {strides = array<i32>} : memref<80x128xf32, #tpu.memory_space<vmem>>, vector<16xf32>,
        %get3A_3818 = arith.index_cast %add3A_3782 : i32 to index
        %get3A_3819 = arith.constant 48 : index
        %get3A_3820 = tpu.vector_load %arg14[%get3A_3818, %get3A_3819] {strides = array<i32>} : memref<80x128xf32, #tpu.memory_space<vmem>>, vector<16xf32>,
        %mul3A_3821 = arith.mulf %gather3A_3789, %get3A_3820 : vector<16xf32>
        %swap3A_3822 = arith.index_cast %add3A_3782 : i32 to index
        %swap3A_3823 = arith.constant 48 : index
        %swap3A_3824 = tpu.vector_load %arg15[%swap3A_3822, %swap3A_3823] {strides = array<i32>} : memref<80x128xf32, #tpu.memory_space<vmem>>, vector<16xf32>,
        tpu.vector_store %arg15[%swap3A_3822, %swap3A_3823], %mul3A_3821 {strides = array<i32>} : memref<80x128xf32, #tpu.memory_space<vmem>>, vector<16xf32>,
        %get3A_3825 = arith.index_cast %add3A_3782 : i32 to index
        %get3A_3826 = arith.constant 64 : index
        %get3A_3827 = tpu.vector_load %arg14[%get3A_3825, %get3A_3826] {strides = array<i32>} : memref<80x128xf32, #tpu.memory_space<vmem>>, vector<16xf32>,
        %mul3A_3828 = arith.mulf %gather3A_3796, %get3A_3827 : vector<16xf32>
        %swap3A_3829 = arith.index_cast %add3A_3782 : i32 to index
        %swap3A_3830 = arith.constant 64 : index
        %swap3A_3831 = tpu.vector_load %arg15[%swap3A_3829, %swap3A_3830] {strides = array<i32>} : memref<80x128xf32, #tpu.memory_space<vmem>>, vector<16xf32>,
        tpu.vector_store %arg15[%swap3A_3829, %swap3A_3830], %mul3A_3828 {strides = array<i32>} : memref<80x128xf32, #tpu.memory_space<vmem>>, vector<16xf32>,
        %get3A_3832 = arith.index_cast %add3A_3782 : i32 to index
        %get3A_3833 = arith.constant 80 : index
        %get3A_3834 = tpu.vector_load %arg14[%get3A_3832, %get3A_3833] {strides = array<i32>} : memref<80x128xf32, #tpu.memory_space<vmem>>, vector<16xf32>,
        %mul3A_3835 = arith.mulf %gather3A_3796, %get3A_3834 : vector<16xf32>
        %swap3A_3836 = arith.index_cast %add3A_3782 : i32 to index
        %swap3A_3837 = arith.constant 80 : index
        %swap3A_3838 = tpu.vector_load %arg15[%swap3A_3836, %swap3A_3837] {strides = array<i32>} : memref<80x128xf32, #tpu.memory_space<vmem>>, vector<16xf32>,
        tpu.vector_store %arg15[%swap3A_3836, %swap3A_3837], %mul3A_3835 {strides = array<i32>} : memref<80x128xf32, #tpu.memory_space<vmem>>, vector<16xf32>,
        %get3A_3839 = arith.index_cast %add3A_3782 : i32 to index
        %get3A_3840 = arith.constant 96 : index
        %get3A_3841 = tpu.vector_load %arg14[%get3A_3839, %get3A_3840] {strides = array<i32>} : memref<80x128xf32, #tpu.memory_space<vmem>>, vector<16xf32>,
        %mul3A_3842 = arith.mulf %gather3A_3796, %get3A_3841 : vector<16xf32>
        %swap3A_3843 = arith.index_cast %add3A_3782 : i32 to index
        %swap3A_3844 = arith.constant 96 : index
        %swap3A_3845 = tpu.vector_load %arg15[%swap3A_3843, %swap3A_3844] {strides = array<i32>} : memref<80x128xf32, #tpu.memory_space<vmem>>, vector<16xf32>,
        tpu.vector_store %arg15[%swap3A_3843, %swap3A_3844], %mul3A_3842 {strides = array<i32>} : memref<80x128xf32, #tpu.memory_space<vmem>>, vector<16xf32>,
        %get3A_3846 = arith.index_cast %add3A_3782 : i32 to index
        %get3A_3847 = arith.constant 112 : index
        %get3A_3848 = tpu.vector_load %arg14[%get3A_3846, %get3A_3847] {strides = array<i32>} : memref<80x128xf32, #tpu.memory_space<vmem>>, vector<16xf32>,
        %mul3A_3849 = arith.mulf %gather3A_3796, %get3A_3848 : vector<16xf32>
        %swap3A_3850 = arith.index_cast %add3A_3782 : i32 to index
        %swap3A_3851 = arith.constant 112 : index
        %swap3A_3852 = tpu.vector_load %arg15[%swap3A_3850, %swap3A_3851] {strides = array<i32>} : memref<80x128xf32, #tpu.memory_space<vmem>>, vector<16xf32>,
        tpu.vector_store %arg15[%swap3A_3850, %swap3A_3851], %mul3A_3849 {strides = array<i32>} : memref<80x128xf32, #tpu.memory_space<vmem>>, vector<16xf32>,
      }
      %scan3A_187 = arith.constant 5 : i32
      "tpu.region"() ({
        %run_scoped3A = tpu.sem_alloc : memref<!tpu.dma_semaphore, #tpu.memory_space<semaphore_mem>>
        %dma_start3A = arith.constant 0 : i32
        %dma_start3A_191 = arith.constant 0 : i32
        %dma_start3A_192 = tpu.memref_slice %arg22[%dma_start3A, %dma_start3A_191] : memref<10112x128xf32, #tpu.memory_space<vmem_shared>> -> memref<10112x128xf32, #tpu.memory_space<vmem_shared>>
        tpu.enqueue_indirect_dma source(%arg15 : memref<80x128xf32, #tpu.memory_space<vmem>>) target(%dma_start3A_192 : memref<10112x128xf32, #tpu.memory_space<vmem_shared>>) offsets(%arg12 : memref<80xi32, #tpu.memory_space<vmem>>) semaphore(%run_scoped3A : memref<!tpu.dma_semaphore, #tpu.memory_space<semaphore_mem>>) {add = true}
        %dma_wait3A = arith.constant 0 : i32
        %dma_wait3A_193 = arith.constant 0 : i32
        %dma_wait3A_194 = tpu.memref_slice %arg22[%dma_wait3A, %dma_wait3A_193] : memref<10112x128xf32, #tpu.memory_space<vmem_shared>> -> memref<10112x128xf32, #tpu.memory_space<vmem_shared>>
        tpu.wait_indirect_dma semaphore(%run_scoped3A : memref<!tpu.dma_semaphore, #tpu.memory_space<semaphore_mem>>) src(%arg15 : memref<80x128xf32, #tpu.memory_space<vmem>>) dst(%dma_wait3A_194 : memref<10112x128xf32, #tpu.memory_space<vmem_shared>>)
        tpu.yield
      }) : () -> ()
      %mul3A_188 = arith.constant 163840 : i32
      %mul3A_189 = arith.muli %arg0, %mul3A_188 : i32
      %add3A_190 = arith.addi %mul3A_189, %add3A_174 : i32
      "tpu.region"() ({
        %run_scoped3A = tpu.sem_alloc : memref<!tpu.dma_semaphore, #tpu.memory_space<semaphore_mem>>
        %dma_start3A = arith.constant 0 : i32
        %dma_start3A_191 = tpu.memref_slice %arg10[%add3A_190, %dma_start3A] : memref<327680x16xf32, #tpu.memory_space<hbm>> -> memref<80x16xf32, #tpu.memory_space<hbm>>
        %dma_start3A_192 = arith.constant 0 : i32
        %dma_start3A_193 = tpu.memref_slice %arg10[%add3A_190, %dma_start3A_192] : memref<327680x16xf32, #tpu.memory_space<hbm>> -> memref<80x16xf32, #tpu.memory_space<hbm>>
        tpu.enqueue_dma source(%arg17 : memref<80x16xf32, #tpu.memory_space<vmem>>) target(%dma_start3A_193 : memref<80x16xf32, #tpu.memory_space<hbm>>) target_semaphore(%run_scoped3A : memref<!tpu.dma_semaphore, #tpu.memory_space<semaphore_mem>>)
        %dma_wait3A = arith.constant 0 : i32
        %dma_wait3A_194 = tpu.memref_slice %arg10[%add3A_190, %dma_wait3A] : memref<327680x16xf32, #tpu.memory_space<hbm>> -> memref<80x16xf32, #tpu.memory_space<hbm>>
        %dma_wait3A_195 = arith.constant 0 : i32
        %dma_wait3A_196 = tpu.memref_slice %arg10[%add3A_190, %dma_wait3A_195] : memref<327680x16xf32, #tpu.memory_space<hbm>> -> memref<80x16xf32, #tpu.memory_space<hbm>>
        tpu.wait_dma2 semaphore(%run_scoped3A : memref<!tpu.dma_semaphore, #tpu.memory_space<semaphore_mem>>) src(%arg17 : memref<80x16xf32, #tpu.memory_space<vmem>>) dst(%dma_wait3A_196 : memref<80x16xf32, #tpu.memory_space<hbm>>)
        tpu.yield
      }) : () -> ()
    }
    %scan3A_158 = arith.constant 128 : i32
    %barrier3A_159 = arith.constant 0 : index
    tpu.barrier barrier_id(%barrier3A_159)
    %mul3A_160 = arith.constant 632 : i32
    %mul3A_161 = arith.muli %arg1, %mul3A_160 : i32
    %mul3A_162 = arith.constant 10112 : i32
    %mul3A_163 = arith.muli %arg0, %mul3A_162 : i32
    %mul3A_164 = arith.constant 632 : i32
    %mul3A_165 = arith.muli %arg1, %mul3A_164 : i32
    %add3A_166 = arith.addi %mul3A_163, %mul3A_165 : i32
    "tpu.region"() ({
      %run_scoped3A = tpu.sem_alloc : memref<!tpu.dma_semaphore, #tpu.memory_space<semaphore_mem>>
      %dma_start3A = arith.constant 0 : i32
      %dma_start3A_167 = tpu.memref_slice %arg9[%add3A_166, %dma_start3A] : memref<20224x128xf32, #tpu.memory_space<hbm>> -> memref<632x128xf32, #tpu.memory_space<hbm>>
      %dma_start3A_168 = arith.constant 0 : i32
      %dma_start3A_169 = tpu.memref_slice %arg22[%mul3A_161, %dma_start3A_168] : memref<10112x128xf32, #tpu.memory_space<vmem_shared>> -> memref<632x128xf32, #tpu.memory_space<vmem_shared>>
      tpu.enqueue_dma source(%dma_start3A_169 : memref<632x128xf32, #tpu.memory_space<vmem_shared>>) target(%dma_start3A_167 : memref<632x128xf32, #tpu.memory_space<hbm>>) target_semaphore(%run_scoped3A : memref<!tpu.dma_semaphore, #tpu.memory_space<semaphore_mem>>)
      %dma_wait3A = arith.constant 0 : i32
      %dma_wait3A_170 = tpu.memref_slice %arg9[%add3A_166, %dma_wait3A] : memref<20224x128xf32, #tpu.memory_space<hbm>> -> memref<632x128xf32, #tpu.memory_space<hbm>>
      %dma_wait3A_171 = arith.constant 0 : i32
      %dma_wait3A_172 = tpu.memref_slice %arg22[%mul3A_161, %dma_wait3A_171] : memref<10112x128xf32, #tpu.memory_space<vmem_shared>> -> memref<632x128xf32, #tpu.memory_space<vmem_shared>>
      tpu.wait_dma2 semaphore(%run_scoped3A : memref<!tpu.dma_semaphore, #tpu.memory_space<semaphore_mem>>) src(%dma_wait3A_172 : memref<632x128xf32, #tpu.memory_space<vmem_shared>>) dst(%dma_wait3A_170 : memref<632x128xf32, #tpu.memory_space<hbm>>)
      tpu.yield
    }) : () -> ()
    return
  }
}

#map = affine_map<(d0, d1) -> (0)>
#map1 = affine_map<(d0, d1) -> (0, 0)>
module attributes {stable_mosaic.version = 14 : i64} {
  func.func @k(%arg0: i32, %arg1: i32, %arg2: memref<163840xi32, #tpu.memory_space<hbm>>, %arg3: memref<327680x16xf32, #tpu.memory_space<hbm>>, %arg4: memref<163840x16xf32, #tpu.memory_space<hbm>>, %arg5: memref<640x128xf32, #tpu.memory_space<hbm>>, %arg6: memref<20480x128xf32, #tpu.memory_space<hbm>>, %arg7: memref<64xi32, #tpu.memory_space<vmem>>, %arg8: memref<64x16xf32, #tpu.memory_space<vmem>>, %arg9: memref<64x16xf32, #tpu.memory_space<vmem>>, %arg10: memref<64x128xf32, #tpu.memory_space<vmem>>, %arg11: memref<10240x128xf32, #tpu.memory_space<vmem_shared>>) attributes {dimension_semantics = [#tpu.dimension_semantics<core_parallel>, #tpu.dimension_semantics<subcore_parallel>], iteration_bounds = array<i64: 2, 16>, scalar_prefetch = 0 : i64, scratch_operands = 5 : i64, tpu.core_type = #tpu.core_type<sc_vector_subcore>, window_params = [{transform_indices = #map}, {transform_indices = #map1}, {transform_indices = #map1}, {transform_indices = #map1}, {transform_indices = #map1}]} {
    %mul3A = arith.constant 640 : i32
    %mul3A_0 = arith.muli %arg1, %mul3A : i32
    "tpu.region"() ({
      %run_scoped3A = tpu.sem_alloc : memref<!tpu.dma_semaphore, #tpu.memory_space<semaphore_mem>>
      %dma_start3A = arith.constant 0 : i32
      %dma_start3A_25 = tpu.memref_slice %arg11[%mul3A_0, %dma_start3A] : memref<10240x128xf32, #tpu.memory_space<vmem_shared>> -> memref<640x128xf32, #tpu.memory_space<vmem_shared>>
      tpu.enqueue_dma source(%arg5 : memref<640x128xf32, #tpu.memory_space<hbm>>) target(%dma_start3A_25 : memref<640x128xf32, #tpu.memory_space<vmem_shared>>) target_semaphore(%run_scoped3A : memref<!tpu.dma_semaphore, #tpu.memory_space<semaphore_mem>>)
      %dma_wait3A = arith.constant 0 : i32
      %dma_wait3A_26 = tpu.memref_slice %arg11[%mul3A_0, %dma_wait3A] : memref<10240x128xf32, #tpu.memory_space<vmem_shared>> -> memref<640x128xf32, #tpu.memory_space<vmem_shared>>
      tpu.wait_dma2 semaphore(%run_scoped3A : memref<!tpu.dma_semaphore, #tpu.memory_space<semaphore_mem>>) src(%arg5 : memref<640x128xf32, #tpu.memory_space<hbm>>) dst(%dma_wait3A_26 : memref<640x128xf32, #tpu.memory_space<vmem_shared>>)
      tpu.yield
    }) : () -> ()
    %broadcast_in_dim3A = arith.constant 0.000000e+00 : f32
    %broadcast_in_dim3A_1 = vector.broadcast %broadcast_in_dim3A : f32 to vector<16xf32>
    %iota3A = tpu.iota {dimensions = array<i32: 0>} : vector<16xi32>
    %eq3A = arith.constant 0 : i32
    %eq3A_2 = vector.broadcast %eq3A : i32 to vector<16xi32>
    %eq3A_3 = arith.cmpi eq, %iota3A, %eq3A_2 : vector<16xi32>
    %jit3A = arith.constant 1.000000e+00 : f32
    %jit3A_4 = arith.constant 0.000000e+00 : f32
    %broadcast_in_dim3A_5 = vector.broadcast %jit3A : f32 to vector<16xf32>
    %broadcast_in_dim3A_6 = vector.broadcast %jit3A_4 : f32 to vector<16xf32>
    %select_n3A = arith.select %eq3A_3, %broadcast_in_dim3A_5, %broadcast_in_dim3A_6 : vector<16xi1>, vector<16xf32>
    %scan3A = arith.constant 0 : i32
    %scan3A_7 = arith.constant 64 : i32
    %scan3A_8 = arith.addi %scan3A, %scan3A_7 : i32
    %scan3A_9 = arith.constant 1 : i32
    scf.for %scan3A_25 = %scan3A to %scan3A_8 step %scan3A_9  : i32 {
      %mul3A_26 = arith.constant 1 : i32
      %mul3A_27 = arith.muli %scan3A_25, %mul3A_26 : i32
      %add3A_28 = arith.constant 0 : i32
      %add3A_29 = arith.addi %add3A_28, %mul3A_27 : i32
      %swap3A = arith.index_cast %add3A_29 : i32 to index
      %swap3A_30 = arith.constant 32 : index
      %swap3A_31 = tpu.vector_load %arg10[%swap3A, %swap3A_30] {strides = array<i32>} : memref<64x128xf32, #tpu.memory_space<vmem>>, vector<16xf32>,
      tpu.vector_store %arg10[%swap3A, %swap3A_30], %select_n3A {strides = array<i32>} : memref<64x128xf32, #tpu.memory_space<vmem>>, vector<16xf32>,
      %swap3A_32 = arith.index_cast %add3A_29 : i32 to index
      %swap3A_33 = arith.constant 48 : index
      %swap3A_34 = tpu.vector_load %arg10[%swap3A_32, %swap3A_33] {strides = array<i32>} : memref<64x128xf32, #tpu.memory_space<vmem>>, vector<16xf32>,
      tpu.vector_store %arg10[%swap3A_32, %swap3A_33], %broadcast_in_dim3A_1 {strides = array<i32>} : memref<64x128xf32, #tpu.memory_space<vmem>>, vector<16xf32>,
      %swap3A_35 = arith.index_cast %add3A_29 : i32 to index
      %swap3A_36 = arith.constant 64 : index
      %swap3A_37 = tpu.vector_load %arg10[%swap3A_35, %swap3A_36] {strides = array<i32>} : memref<64x128xf32, #tpu.memory_space<vmem>>, vector<16xf32>,
      tpu.vector_store %arg10[%swap3A_35, %swap3A_36], %broadcast_in_dim3A_1 {strides = array<i32>} : memref<64x128xf32, #tpu.memory_space<vmem>>, vector<16xf32>,
      %swap3A_38 = arith.index_cast %add3A_29 : i32 to index
      %swap3A_39 = arith.constant 80 : index
      %swap3A_40 = tpu.vector_load %arg10[%swap3A_38, %swap3A_39] {strides = array<i32>} : memref<64x128xf32, #tpu.memory_space<vmem>>, vector<16xf32>,
      tpu.vector_store %arg10[%swap3A_38, %swap3A_39], %broadcast_in_dim3A_1 {strides = array<i32>} : memref<64x128xf32, #tpu.memory_space<vmem>>, vector<16xf32>,
      %swap3A_41 = arith.index_cast %add3A_29 : i32 to index
      %swap3A_42 = arith.constant 96 : index
      %swap3A_43 = tpu.vector_load %arg10[%swap3A_41, %swap3A_42] {strides = array<i32>} : memref<64x128xf32, #tpu.memory_space<vmem>>, vector<16xf32>,
      tpu.vector_store %arg10[%swap3A_41, %swap3A_42], %broadcast_in_dim3A_1 {strides = array<i32>} : memref<64x128xf32, #tpu.memory_space<vmem>>, vector<16xf32>,
      %swap3A_44 = arith.index_cast %add3A_29 : i32 to index
      %swap3A_45 = arith.constant 112 : index
      %swap3A_46 = tpu.vector_load %arg10[%swap3A_44, %swap3A_45] {strides = array<i32>} : memref<64x128xf32, #tpu.memory_space<vmem>>, vector<16xf32>,
      tpu.vector_store %arg10[%swap3A_44, %swap3A_45], %broadcast_in_dim3A_1 {strides = array<i32>} : memref<64x128xf32, #tpu.memory_space<vmem>>, vector<16xf32>,
    }
    %scan3A_10 = arith.constant 64 : i32
    %barrier3A = arith.constant 0 : index
    tpu.barrier barrier_id(%barrier3A)
    %mul3A_11 = arith.constant 10240 : i32
    %mul3A_12 = arith.muli %arg1, %mul3A_11 : i32
    %scan3A_13 = arith.constant 0 : i32
    %scan3A_14 = arith.constant 160 : i32
    %scan3A_15 = arith.addi %scan3A_13, %scan3A_14 : i32
    %scan3A_16 = arith.constant 1 : i32
    scf.for %scan3A_25 = %scan3A_13 to %scan3A_15 step %scan3A_16  : i32 {
      %mul3A_26 = arith.constant 1 : i32
      %mul3A_27 = arith.muli %scan3A_25, %mul3A_26 : i32
      %add3A_28 = arith.constant 0 : i32
      %add3A_29 = arith.addi %add3A_28, %mul3A_27 : i32
      %mul3A_30 = arith.constant 64 : i32
      %mul3A_31 = arith.muli %add3A_29, %mul3A_30 : i32
      %add3A_32 = arith.addi %mul3A_12, %mul3A_31 : i32
      "tpu.region"() ({
        %run_scoped3A = tpu.sem_alloc : memref<!tpu.dma_semaphore, #tpu.memory_space<semaphore_mem>>
        %dma_start3A = tpu.memref_slice %arg2[%add3A_32] : memref<163840xi32, #tpu.memory_space<hbm>> -> memref<64xi32, #tpu.memory_space<hbm>>
        %dma_start3A_41 = tpu.memref_slice %arg2[%add3A_32] : memref<163840xi32, #tpu.memory_space<hbm>> -> memref<64xi32, #tpu.memory_space<hbm>>
        tpu.enqueue_dma source(%dma_start3A_41 : memref<64xi32, #tpu.memory_space<hbm>>) target(%arg7 : memref<64xi32, #tpu.memory_space<vmem>>) target_semaphore(%run_scoped3A : memref<!tpu.dma_semaphore, #tpu.memory_space<semaphore_mem>>)
        %dma_wait3A = tpu.memref_slice %arg2[%add3A_32] : memref<163840xi32, #tpu.memory_space<hbm>> -> memref<64xi32, #tpu.memory_space<hbm>>
        %dma_wait3A_42 = tpu.memref_slice %arg2[%add3A_32] : memref<163840xi32, #tpu.memory_space<hbm>> -> memref<64xi32, #tpu.memory_space<hbm>>
        tpu.wait_dma2 semaphore(%run_scoped3A : memref<!tpu.dma_semaphore, #tpu.memory_space<semaphore_mem>>) src(%dma_wait3A_42 : memref<64xi32, #tpu.memory_space<hbm>>) dst(%arg7 : memref<64xi32, #tpu.memory_space<vmem>>)
        tpu.yield
      }) : () -> ()
      %mul3A_33 = arith.constant 163840 : i32
      %mul3A_34 = arith.muli %arg0, %mul3A_33 : i32
      %add3A_35 = arith.addi %mul3A_34, %add3A_32 : i32
      "tpu.region"() ({
        %run_scoped3A = tpu.sem_alloc : memref<!tpu.dma_semaphore, #tpu.memory_space<semaphore_mem>>
        %dma_start3A = arith.constant 0 : i32
        %dma_start3A_41 = tpu.memref_slice %arg3[%add3A_35, %dma_start3A] : memref<327680x16xf32, #tpu.memory_space<hbm>> -> memref<64x16xf32, #tpu.memory_space<hbm>>
        %dma_start3A_42 = arith.constant 0 : i32
        %dma_start3A_43 = tpu.memref_slice %arg3[%add3A_35, %dma_start3A_42] : memref<327680x16xf32, #tpu.memory_space<hbm>> -> memref<64x16xf32, #tpu.memory_space<hbm>>
        tpu.enqueue_dma source(%dma_start3A_43 : memref<64x16xf32, #tpu.memory_space<hbm>>) target(%arg8 : memref<64x16xf32, #tpu.memory_space<vmem>>) target_semaphore(%run_scoped3A : memref<!tpu.dma_semaphore, #tpu.memory_space<semaphore_mem>>)
        %dma_wait3A = arith.constant 0 : i32
        %dma_wait3A_44 = tpu.memref_slice %arg3[%add3A_35, %dma_wait3A] : memref<327680x16xf32, #tpu.memory_space<hbm>> -> memref<64x16xf32, #tpu.memory_space<hbm>>
        %dma_wait3A_45 = arith.constant 0 : i32
        %dma_wait3A_46 = tpu.memref_slice %arg3[%add3A_35, %dma_wait3A_45] : memref<327680x16xf32, #tpu.memory_space<hbm>> -> memref<64x16xf32, #tpu.memory_space<hbm>>
        tpu.wait_dma2 semaphore(%run_scoped3A : memref<!tpu.dma_semaphore, #tpu.memory_space<semaphore_mem>>) src(%dma_wait3A_46 : memref<64x16xf32, #tpu.memory_space<hbm>>) dst(%arg8 : memref<64x16xf32, #tpu.memory_space<vmem>>)
        tpu.yield
      }) : () -> ()
      "tpu.region"() ({
        %run_scoped3A = tpu.sem_alloc : memref<!tpu.dma_semaphore, #tpu.memory_space<semaphore_mem>>
        %dma_start3A = arith.constant 0 : i32
        %dma_start3A_41 = tpu.memref_slice %arg4[%add3A_32, %dma_start3A] : memref<163840x16xf32, #tpu.memory_space<hbm>> -> memref<64x16xf32, #tpu.memory_space<hbm>>
        %dma_start3A_42 = arith.constant 0 : i32
        %dma_start3A_43 = tpu.memref_slice %arg4[%add3A_32, %dma_start3A_42] : memref<163840x16xf32, #tpu.memory_space<hbm>> -> memref<64x16xf32, #tpu.memory_space<hbm>>
        tpu.enqueue_dma source(%dma_start3A_43 : memref<64x16xf32, #tpu.memory_space<hbm>>) target(%arg9 : memref<64x16xf32, #tpu.memory_space<vmem>>) target_semaphore(%run_scoped3A : memref<!tpu.dma_semaphore, #tpu.memory_space<semaphore_mem>>)
        %dma_wait3A = arith.constant 0 : i32
        %dma_wait3A_44 = tpu.memref_slice %arg4[%add3A_32, %dma_wait3A] : memref<163840x16xf32, #tpu.memory_space<hbm>> -> memref<64x16xf32, #tpu.memory_space<hbm>>
        %dma_wait3A_45 = arith.constant 0 : i32
        %dma_wait3A_46 = tpu.memref_slice %arg4[%add3A_32, %dma_wait3A_45] : memref<163840x16xf32, #tpu.memory_space<hbm>> -> memref<64x16xf32, #tpu.memory_space<hbm>>
        tpu.wait_dma2 semaphore(%run_scoped3A : memref<!tpu.dma_semaphore, #tpu.memory_space<semaphore_mem>>) src(%dma_wait3A_46 : memref<64x16xf32, #tpu.memory_space<hbm>>) dst(%arg9 : memref<64x16xf32, #tpu.memory_space<vmem>>)
        tpu.yield
      }) : () -> ()
      %scan3A_36 = arith.constant 0 : i32
      %scan3A_37 = arith.constant 64 : i32
      %scan3A_38 = arith.addi %scan3A_36, %scan3A_37 : i32
      %scan3A_39 = arith.constant 1 : i32
      scf.for %scan3A_41 = %scan3A_36 to %scan3A_38 step %scan3A_39  : i32 {
        %mul3A_42 = arith.constant 1 : i32
        %mul3A_43 = arith.muli %scan3A_41, %mul3A_42 : i32
        %add3A_44 = arith.constant 0 : i32
        %add3A_45 = arith.addi %add3A_44, %mul3A_43 : i32
        %get3A = arith.index_cast %add3A_45 : i32 to index
        %get3A_46 = arith.constant 0 : index
        %get3A_47 = tpu.vector_load %arg8[%get3A, %get3A_46] {strides = array<i32>} : memref<64x16xf32, #tpu.memory_space<vmem>>, vector<16xf32>,
        %swap3A = arith.index_cast %add3A_45 : i32 to index
        %swap3A_48 = arith.constant 0 : index
        %swap3A_49 = tpu.vector_load %arg10[%swap3A, %swap3A_48] {strides = array<i32>} : memref<64x128xf32, #tpu.memory_space<vmem>>, vector<16xf32>,
        tpu.vector_store %arg10[%swap3A, %swap3A_48], %get3A_47 {strides = array<i32>} : memref<64x128xf32, #tpu.memory_space<vmem>>, vector<16xf32>,
        %get3A_50 = arith.index_cast %add3A_45 : i32 to index
        %get3A_51 = arith.constant 0 : index
        %get3A_52 = tpu.vector_load %arg9[%get3A_50, %get3A_51] {strides = array<i32>} : memref<64x16xf32, #tpu.memory_space<vmem>>, vector<16xf32>,
        %swap3A_53 = arith.index_cast %add3A_45 : i32 to index
        %swap3A_54 = arith.constant 16 : index
        %swap3A_55 = tpu.vector_load %arg10[%swap3A_53, %swap3A_54] {strides = array<i32>} : memref<64x128xf32, #tpu.memory_space<vmem>>, vector<16xf32>,
        tpu.vector_store %arg10[%swap3A_53, %swap3A_54], %get3A_52 {strides = array<i32>} : memref<64x128xf32, #tpu.memory_space<vmem>>, vector<16xf32>,
      }
      %scan3A_40 = arith.constant 64 : i32
      "tpu.region"() ({
        %run_scoped3A = tpu.sem_alloc : memref<!tpu.dma_semaphore, #tpu.memory_space<semaphore_mem>>
        %dma_start3A = arith.constant 0 : i32
        %dma_start3A_41 = arith.constant 0 : i32
        %dma_start3A_42 = tpu.memref_slice %arg11[%dma_start3A, %dma_start3A_41] : memref<10240x128xf32, #tpu.memory_space<vmem_shared>> -> memref<10240x128xf32, #tpu.memory_space<vmem_shared>>
        tpu.enqueue_indirect_dma source(%arg10 : memref<64x128xf32, #tpu.memory_space<vmem>>) target(%dma_start3A_42 : memref<10240x128xf32, #tpu.memory_space<vmem_shared>>) offsets(%arg7 : memref<64xi32, #tpu.memory_space<vmem>>) semaphore(%run_scoped3A : memref<!tpu.dma_semaphore, #tpu.memory_space<semaphore_mem>>) {add = true}
        %dma_wait3A = arith.constant 0 : i32
        %dma_wait3A_43 = arith.constant 0 : i32
        %dma_wait3A_44 = tpu.memref_slice %arg11[%dma_wait3A, %dma_wait3A_43] : memref<10240x128xf32, #tpu.memory_space<vmem_shared>> -> memref<10240x128xf32, #tpu.memory_space<vmem_shared>>
        tpu.wait_indirect_dma semaphore(%run_scoped3A : memref<!tpu.dma_semaphore, #tpu.memory_space<semaphore_mem>>) src(%arg10 : memref<64x128xf32, #tpu.memory_space<vmem>>) dst(%dma_wait3A_44 : memref<10240x128xf32, #tpu.memory_space<vmem_shared>>)
        tpu.yield
      }) : () -> ()
    }
    %scan3A_17 = arith.constant 160 : i32
    %barrier3A_18 = arith.constant 0 : index
    tpu.barrier barrier_id(%barrier3A_18)
    %mul3A_19 = arith.constant 640 : i32
    %mul3A_20 = arith.muli %arg1, %mul3A_19 : i32
    %mul3A_21 = arith.constant 10240 : i32
    %mul3A_22 = arith.muli %arg0, %mul3A_21 : i32
    %mul3A_23 = arith.constant 640 : i32
    %mul3A_24 = arith.muli %arg1, %mul3A_23 : i32
    %add3A = arith.addi %mul3A_22, %mul3A_24 : i32
    "tpu.region"() ({
      %run_scoped3A = tpu.sem_alloc : memref<!tpu.dma_semaphore, #tpu.memory_space<semaphore_mem>>
      %dma_start3A = arith.constant 0 : i32
      %dma_start3A_25 = tpu.memref_slice %arg6[%add3A, %dma_start3A] : memref<20480x128xf32, #tpu.memory_space<hbm>> -> memref<640x128xf32, #tpu.memory_space<hbm>>
      %dma_start3A_26 = arith.constant 0 : i32
      %dma_start3A_27 = tpu.memref_slice %arg11[%mul3A_20, %dma_start3A_26] : memref<10240x128xf32, #tpu.memory_space<vmem_shared>> -> memref<640x128xf32, #tpu.memory_space<vmem_shared>>
      tpu.enqueue_dma source(%dma_start3A_27 : memref<640x128xf32, #tpu.memory_space<vmem_shared>>) target(%dma_start3A_25 : memref<640x128xf32, #tpu.memory_space<hbm>>) target_semaphore(%run_scoped3A : memref<!tpu.dma_semaphore, #tpu.memory_space<semaphore_mem>>)
      %dma_wait3A = arith.constant 0 : i32
      %dma_wait3A_28 = tpu.memref_slice %arg6[%add3A, %dma_wait3A] : memref<20480x128xf32, #tpu.memory_space<hbm>> -> memref<640x128xf32, #tpu.memory_space<hbm>>
      %dma_wait3A_29 = arith.constant 0 : i32
      %dma_wait3A_30 = tpu.memref_slice %arg11[%mul3A_20, %dma_wait3A_29] : memref<10240x128xf32, #tpu.memory_space<vmem_shared>> -> memref<640x128xf32, #tpu.memory_space<vmem_shared>>
      tpu.wait_dma2 semaphore(%run_scoped3A : memref<!tpu.dma_semaphore, #tpu.memory_space<semaphore_mem>>) src(%dma_wait3A_30 : memref<640x128xf32, #tpu.memory_space<vmem_shared>>) dst(%dma_wait3A_28 : memref<640x128xf32, #tpu.memory_space<hbm>>)
      tpu.yield
    }) : () -> ()
    return
  }
}

module attributes {stable_mosaic.version = 14 : i64} {
  func.func @_proj_body(%arg0: i32, %arg1: i32, %arg2: memref<2048x16xf32, #tpu.memory_space<vmem>>, %arg3: memref<128x16xf32, #tpu.memory_space<vmem>>, %arg4: memref<1x128xf32, #tpu.memory_space<vmem>>, %arg5: memref<2048x128xf32, #tpu.memory_space<vmem>>) attributes {dimension_semantics = [#tpu.dimension_semantics<arbitrary>, #tpu.dimension_semantics<arbitrary>], iteration_bounds = array<i64: 2, 80>, scalar_prefetch = 0 : i64, scratch_operands = 0 : i64, tpu.core_type = #tpu.core_type<tc>, window_params = [{transform_indices = @transform_0, window_bounds = array<i64: 2048, 16>}, {transform_indices = @transform_1, window_bounds = array<i64: 128, 16>}, {transform_indices = @transform_2, window_bounds = array<i64: 1, 128>}, {transform_indices = @transform_3, window_bounds = array<i64: 2048, 128>}]} {
    %get3A = arith.constant 0 : index
    %get3A_0 = arith.constant 0 : index
    %get3A_1 = vector.load %arg2[%get3A, %get3A_0] : memref<2048x16xf32, #tpu.memory_space<vmem>>, vector<2048x16xf32>
    %get3A_2 = arith.constant 0 : index
    %get3A_3 = arith.constant 0 : index
    %get3A_4 = vector.load %arg3[%get3A_2, %get3A_3] : memref<128x16xf32, #tpu.memory_space<vmem>>, vector<128x16xf32>
    %dot_general3A = arith.constant dense<0.000000e+00> : vector<2048x128xf32>
    %dot_general3A_5 = tpu.matmul %get3A_1, %get3A_4, %dot_general3A {dimension_numbers = #tpu.dot_dimension_numbers<[1], [1], [0], [0], [0, 0, 1, 0], [], []>, precision = #tpu.contract_precision<fp32>, transpose_lhs_hint = false} : vector<2048x16xf32>, vector<128x16xf32>, vector<2048x128xf32> -> vector<2048x128xf32>
    %get3A_6 = arith.constant 0 : index
    %get3A_7 = arith.constant 0 : index
    %get3A_8 = vector.load %arg4[%get3A_6, %get3A_7] : memref<1x128xf32, #tpu.memory_space<vmem>>, vector<1x128xf32>
    %add3A = vector.broadcast %get3A_8 : vector<1x128xf32> to vector<2048x128xf32>
    %add3A_9 = arith.addf %dot_general3A_5, %add3A : vector<2048x128xf32>
    %swap3A = arith.constant 0 : index
    %swap3A_10 = arith.constant 0 : index
    %swap3A_11 = vector.load %arg5[%swap3A, %swap3A_10] : memref<2048x128xf32, #tpu.memory_space<vmem>>, vector<2048x128xf32>
    tpu.vector_store %arg5[%swap3A, %swap3A_10], %add3A_9 {strides = array<i32>} : memref<2048x128xf32, #tpu.memory_space<vmem>>, vector<2048x128xf32>,
    return
  }
  func.func @transform_0(%arg0: i32, %arg1: i32) -> (i32, i32) {
    %c0_i32 = arith.constant 0 : i32
    %c0_i32_0 = arith.constant 0 : i32
    return %arg1, %c0_i32 : i32, i32
  }
  func.func @transform_1(%arg0: i32, %arg1: i32) -> (i32, i32) {
    %c0_i32 = arith.constant 0 : i32
    %c0_i32_0 = arith.constant 0 : i32
    return %arg0, %c0_i32 : i32, i32
  }
  func.func @transform_2(%arg0: i32, %arg1: i32) -> (i32, i32) {
    %c0_i32 = arith.constant 0 : i32
    %c0_i32_0 = arith.constant 0 : i32
    return %c0_i32, %arg0 : i32, i32
  }
  func.func @transform_3(%arg0: i32, %arg1: i32) -> (i32, i32) {
    %mul3A = arith.constant 80 : i32
    %mul3A_0 = arith.muli %arg0, %mul3A : i32
    %add3A = arith.addi %mul3A_0, %arg1 : i32
    %c0_i32 = arith.constant 0 : i32
    %c0_i32_1 = arith.constant 0 : i32
    return %add3A, %c0_i32 : i32, i32
  }
}

module attributes {stable_mosaic.version = 14 : i64} {
  func.func @_proj_body(%arg0: i32, %arg1: i32, %arg2: memref<1000x256xf32, #tpu.memory_space<vmem>>, %arg3: memref<128x256xf32, #tpu.memory_space<vmem>>, %arg4: memref<1x128xf32, #tpu.memory_space<vmem>>, %arg5: memref<1000x128xf32, #tpu.memory_space<vmem>>) attributes {dimension_semantics = [#tpu.dimension_semantics<arbitrary>, #tpu.dimension_semantics<arbitrary>], iteration_bounds = array<i64: 2, 10>, scalar_prefetch = 0 : i64, scratch_operands = 0 : i64, tpu.core_type = #tpu.core_type<tc>, window_params = [{transform_indices = @transform_0, window_bounds = array<i64: 1000, 256>}, {transform_indices = @transform_1, window_bounds = array<i64: 128, 256>}, {transform_indices = @transform_2, window_bounds = array<i64: 1, 128>}, {transform_indices = @transform_3, window_bounds = array<i64: 1000, 128>}]} {
    %get3A = arith.constant 0 : index
    %get3A_0 = arith.constant 0 : index
    %get3A_1 = vector.load %arg2[%get3A, %get3A_0] : memref<1000x256xf32, #tpu.memory_space<vmem>>, vector<1000x256xf32>
    %get3A_2 = arith.constant 0 : index
    %get3A_3 = arith.constant 0 : index
    %get3A_4 = vector.load %arg3[%get3A_2, %get3A_3] : memref<128x256xf32, #tpu.memory_space<vmem>>, vector<128x256xf32>
    %dot_general3A = arith.constant dense<0.000000e+00> : vector<1000x128xf32>
    %dot_general3A_5 = tpu.matmul %get3A_1, %get3A_4, %dot_general3A {dimension_numbers = #tpu.dot_dimension_numbers<[1], [1], [0], [0], [0, 0, 1, 0], [], []>, precision = #tpu.contract_precision<fp32>, transpose_lhs_hint = false} : vector<1000x256xf32>, vector<128x256xf32>, vector<1000x128xf32> -> vector<1000x128xf32>
    %get3A_6 = arith.constant 0 : index
    %get3A_7 = arith.constant 0 : index
    %get3A_8 = vector.load %arg4[%get3A_6, %get3A_7] : memref<1x128xf32, #tpu.memory_space<vmem>>, vector<1x128xf32>
    %add3A = vector.broadcast %get3A_8 : vector<1x128xf32> to vector<1000x128xf32>
    %add3A_9 = arith.addf %dot_general3A_5, %add3A : vector<1000x128xf32>
    %swap3A = arith.constant 0 : index
    %swap3A_10 = arith.constant 0 : index
    %swap3A_11 = vector.load %arg5[%swap3A, %swap3A_10] : memref<1000x128xf32, #tpu.memory_space<vmem>>, vector<1000x128xf32>
    tpu.vector_store %arg5[%swap3A, %swap3A_10], %add3A_9 {strides = array<i32>} : memref<1000x128xf32, #tpu.memory_space<vmem>>, vector<1000x128xf32>,
    return
  }
  func.func @transform_0(%arg0: i32, %arg1: i32) -> (i32, i32) {
    %c0_i32 = arith.constant 0 : i32
    %c0_i32_0 = arith.constant 0 : i32
    return %arg1, %c0_i32 : i32, i32
  }
  func.func @transform_1(%arg0: i32, %arg1: i32) -> (i32, i32) {
    %c0_i32 = arith.constant 0 : i32
    %c0_i32_0 = arith.constant 0 : i32
    return %arg0, %c0_i32 : i32, i32
  }
  func.func @transform_2(%arg0: i32, %arg1: i32) -> (i32, i32) {
    %c0_i32 = arith.constant 0 : i32
    %c0_i32_0 = arith.constant 0 : i32
    return %c0_i32, %arg0 : i32, i32
  }
  func.func @transform_3(%arg0: i32, %arg1: i32) -> (i32, i32) {
    %mul3A = arith.constant 10 : i32
    %mul3A_0 = arith.muli %arg0, %mul3A : i32
    %add3A = arith.addi %mul3A_0, %arg1 : i32
    %c0_i32 = arith.constant 0 : i32
    %c0_i32_1 = arith.constant 0 : i32
    return %add3A, %c0_i32 : i32, i32
  }
}

module attributes {stable_mosaic.version = 14 : i64} {
  func.func @_self_body(%arg0: i32, %arg1: memref<80x128xf32, #tpu.memory_space<vmem>>, %arg2: memref<80x128xf32, #tpu.memory_space<vmem>>, %arg3: memref<80x128xf32, #tpu.memory_space<vmem>>, %arg4: memref<80x128xf32, #tpu.memory_space<vmem>>, %arg5: memref<80x128xf32, #tpu.memory_space<vmem>>, %arg6: memref<256x16xf32, #tpu.memory_space<vmem>>, %arg7: memref<1x256xf32, #tpu.memory_space<vmem>>, %arg8: memref<80x4xf32, #tpu.memory_space<vmem>>) attributes {dimension_semantics = [#tpu.dimension_semantics<arbitrary>], iteration_bounds = array<i64: 125>, scalar_prefetch = 0 : i64, scratch_operands = 0 : i64, tpu.core_type = #tpu.core_type<tc>, window_params = [{transform_indices = @transform_0, window_bounds = array<i64: 80, 128>}, {transform_indices = @transform_1, window_bounds = array<i64: 80, 128>}, {transform_indices = @transform_2, window_bounds = array<i64: 80, 128>}, {transform_indices = @transform_3, window_bounds = array<i64: 80, 128>}, {transform_indices = @transform_4, window_bounds = array<i64: 80, 128>}, {pipeline_mode = #tpu.pipeline_mode<synchronous>, transform_indices = @transform_5, window_bounds = array<i64: 256, 16>}, {pipeline_mode = #tpu.pipeline_mode<synchronous>, transform_indices = @transform_6, window_bounds = array<i64: 1, 256>}, {transform_indices = @transform_7, window_bounds = array<i64: 80, 4>}]} {
    %get3A = arith.constant 0 : index
    %get3A_0 = arith.constant 0 : index
    %get3A_1 = vector.load %arg1[%get3A, %get3A_0] : memref<80x128xf32, #tpu.memory_space<vmem>>, vector<80x128xf32>
    %slice3A = vector.extract_strided_slice %get3A_1 {offsets = [0, 16], sizes = [80, 16], strides = [1, 1]} : vector<80x128xf32> to vector<80x16xf32>
    %slice3A_2 = vector.extract_strided_slice %get3A_1 {offsets = [0, 32], sizes = [80, 1], strides = [1, 1]} : vector<80x128xf32> to vector<80x1xf32>
    %jit3A = arith.constant 1.000000e+00 : f32
    %max3A = vector.broadcast %jit3A : f32 to vector<80x1xf32>
    %max3A_3 = arith.maximumf %max3A, %slice3A_2 : vector<80x1xf32>
    %div3A = vector.broadcast %max3A_3 : vector<80x1xf32> to vector<80x16xf32>
    %div3A_4 = arith.divf %slice3A, %div3A : vector<80x16xf32>
    %get3A_5 = arith.constant 0 : index
    %get3A_6 = arith.constant 0 : index
    %get3A_7 = vector.load %arg6[%get3A_5, %get3A_6] : memref<256x16xf32, #tpu.memory_space<vmem>>, vector<256x16xf32>
    %dot_general3A = arith.constant dense<0.000000e+00> : vector<80x256xf32>
    %dot_general3A_8 = tpu.matmul %div3A_4, %get3A_7, %dot_general3A {dimension_numbers = #tpu.dot_dimension_numbers<[1], [1], [0], [0], [0, 0, 1, 0], [], []>, precision = #tpu.contract_precision<fp32>, transpose_lhs_hint = false} : vector<80x16xf32>, vector<256x16xf32>, vector<80x256xf32> -> vector<80x256xf32>
    %get3A_9 = arith.constant 0 : index
    %get3A_10 = arith.constant 0 : index
    %get3A_11 = vector.load %arg2[%get3A_9, %get3A_10] : memref<80x128xf32, #tpu.memory_space<vmem>>, vector<80x128xf32>
    %get3A_12 = arith.constant 0 : index
    %get3A_13 = arith.constant 0 : index
    %get3A_14 = vector.load %arg3[%get3A_12, %get3A_13] : memref<80x128xf32, #tpu.memory_space<vmem>>, vector<80x128xf32>
    %concatenate3A = tpu.concatenate %get3A_11, %get3A_14 in 1 : vector<80x128xf32>, vector<80x128xf32> -> vector<80x256xf32>
    %get3A_15 = arith.constant 0 : index
    %get3A_16 = arith.constant 0 : index
    %get3A_17 = vector.load %arg4[%get3A_15, %get3A_16] : memref<80x128xf32, #tpu.memory_space<vmem>>, vector<80x128xf32>
    %get3A_18 = arith.constant 0 : index
    %get3A_19 = arith.constant 0 : index
    %get3A_20 = vector.load %arg5[%get3A_18, %get3A_19] : memref<80x128xf32, #tpu.memory_space<vmem>>, vector<80x128xf32>
    %concatenate3A_21 = tpu.concatenate %get3A_17, %get3A_20 in 1 : vector<80x128xf32>, vector<80x128xf32> -> vector<80x256xf32>
    %add3A = arith.addf %concatenate3A, %concatenate3A_21 : vector<80x256xf32>
    %add3A_22 = arith.addf %add3A, %dot_general3A_8 : vector<80x256xf32>
    %mul3A = arith.constant 2.000000e-01 : f32
    %mul3A_23 = vector.broadcast %mul3A : f32 to vector<80x256xf32>
    %mul3A_24 = arith.mulf %mul3A_23, %add3A_22 : vector<80x256xf32>
    %max3A_25 = arith.maximumf %add3A_22, %mul3A_24 : vector<80x256xf32>
    %get3A_26 = arith.constant 0 : index
    %get3A_27 = arith.constant 0 : index
    %get3A_28 = vector.load %arg7[%get3A_26, %get3A_27] : memref<1x256xf32, #tpu.memory_space<vmem>>, vector<1x256xf32>
    %mul3A_29 = vector.broadcast %get3A_28 : vector<1x256xf32> to vector<80x256xf32>
    %mul3A_30 = arith.mulf %max3A_25, %mul3A_29 : vector<80x256xf32>
    %iota3A = tpu.iota {dimensions = array<i32: 0>} : vector<256x4xi32>
    %iota3A_31 = tpu.iota {dimensions = array<i32: 1>} : vector<256x4xi32>
    %jit3A_32 = arith.constant 64 : i32
    %div3A_33 = vector.broadcast %jit3A_32 : i32 to vector<256x4xi32>
    %div3A_34 = arith.divsi %iota3A, %div3A_33 : vector<256x4xi32>
    %sign3A = arith.constant 0 : i32
    %sign3A_35 = vector.broadcast %sign3A : i32 to vector<256x4xi32>
    %sign3A_36 = arith.cmpi sgt, %iota3A, %sign3A_35 : vector<256x4xi32>
    %sign3A_37 = arith.extui %sign3A_36 : vector<256x4xi1> to vector<256x4xi32>
    %sign3A_38 = arith.constant 0 : i32
    %sign3A_39 = vector.broadcast %sign3A_38 : i32 to vector<256x4xi32>
    %sign3A_40 = arith.cmpi slt, %iota3A, %sign3A_39 : vector<256x4xi32>
    %sign3A_41 = arith.extui %sign3A_40 : vector<256x4xi1> to vector<256x4xi32>
    %sign3A_42 = arith.subi %sign3A_37, %sign3A_41 : vector<256x4xi32>
    %sign3A_43 = arith.constant 0 : i32
    %sign3A_44 = arith.cmpi sgt, %jit3A_32, %sign3A_43 : i32
    %sign3A_45 = arith.extui %sign3A_44 : i1 to i32
    %sign3A_46 = arith.constant 0 : i32
    %sign3A_47 = arith.cmpi slt, %jit3A_32, %sign3A_46 : i32
    %sign3A_48 = arith.extui %sign3A_47 : i1 to i32
    %sign3A_49 = arith.subi %sign3A_45, %sign3A_48 : i32
    %ne3A = vector.broadcast %sign3A_49 : i32 to vector<256x4xi32>
    %ne3A_50 = arith.cmpi ne, %sign3A_42, %ne3A : vector<256x4xi32>
    %rem3A = vector.broadcast %jit3A_32 : i32 to vector<256x4xi32>
    %rem3A_51 = arith.remsi %iota3A, %rem3A : vector<256x4xi32>
    %ne3A_52 = arith.constant 0 : i32
    %ne3A_53 = vector.broadcast %ne3A_52 : i32 to vector<256x4xi32>
    %ne3A_54 = arith.cmpi ne, %rem3A_51, %ne3A_53 : vector<256x4xi32>
    %and3A = arith.andi %ne3A_50, %ne3A_54 : vector<256x4xi1>
    %sub3A = arith.constant 1 : i32
    %sub3A_55 = vector.broadcast %sub3A : i32 to vector<256x4xi32>
    %sub3A_56 = arith.subi %div3A_34, %sub3A_55 : vector<256x4xi32>
    %select_n3A = arith.select %and3A, %sub3A_56, %div3A_34 : vector<256x4xi1>, vector<256x4xi32>
    %eq3A = arith.cmpi eq, %select_n3A, %iota3A_31 : vector<256x4xi32>
    %convert_element_type3A = arith.extui %eq3A : vector<256x4xi1> to vector<256x4xi32>
    %convert_element_type3A_57 = arith.sitofp %convert_element_type3A : vector<256x4xi32> to vector<256x4xf32>
    %dot_general3A_58 = arith.constant dense<0.000000e+00> : vector<80x4xf32>
    %dot_general3A_59 = tpu.matmul %mul3A_30, %convert_element_type3A_57, %dot_general3A_58 {dimension_numbers = #tpu.dot_dimension_numbers<[1], [0], [0], [1], [0, 0, 1, 1], [], []>, precision = #tpu.contract_precision<fp32>, transpose_lhs_hint = false} : vector<80x256xf32>, vector<256x4xf32>, vector<80x4xf32> -> vector<80x4xf32>
    %exp3A = math.exp %dot_general3A_59 : vector<80x4xf32>
    %swap3A = arith.constant 0 : index
    %swap3A_60 = arith.constant 0 : index
    %swap3A_61 = vector.load %arg8[%swap3A, %swap3A_60] : memref<80x4xf32, #tpu.memory_space<vmem>>, vector<80x4xf32>
    tpu.vector_store %arg8[%swap3A, %swap3A_60], %exp3A {strides = array<i32>} : memref<80x4xf32, #tpu.memory_space<vmem>>, vector<80x4xf32>,
    return
  }
  func.func @transform_0(%arg0: i32) -> (i32, i32) {
    %c0_i32 = arith.constant 0 : i32
    %c0_i32_0 = arith.constant 0 : i32
    return %arg0, %c0_i32 : i32, i32
  }
  func.func @transform_1(%arg0: i32) -> (i32, i32) {
    %c0_i32 = arith.constant 0 : i32
    %c0_i32_0 = arith.constant 0 : i32
    return %arg0, %c0_i32 : i32, i32
  }
  func.func @transform_2(%arg0: i32) -> (i32, i32) {
    %add3A = arith.constant 125 : i32
    %add3A_0 = arith.addi %add3A, %arg0 : i32
    %c0_i32 = arith.constant 0 : i32
    %c0_i32_1 = arith.constant 0 : i32
    return %add3A_0, %c0_i32 : i32, i32
  }
  func.func @transform_3(%arg0: i32) -> (i32, i32) {
    %c0_i32 = arith.constant 0 : i32
    %c0_i32_0 = arith.constant 0 : i32
    return %arg0, %c0_i32 : i32, i32
  }
  func.func @transform_4(%arg0: i32) -> (i32, i32) {
    %add3A = arith.constant 125 : i32
    %add3A_0 = arith.addi %add3A, %arg0 : i32
    %c0_i32 = arith.constant 0 : i32
    %c0_i32_1 = arith.constant 0 : i32
    return %add3A_0, %c0_i32 : i32, i32
  }
  func.func @transform_5(%arg0: i32) -> (i32, i32) {
    %c0_i32 = arith.constant 0 : i32
    %c0_i32_0 = arith.constant 0 : i32
    %c0_i32_1 = arith.constant 0 : i32
    return %c0_i32, %c0_i32_0 : i32, i32
  }
  func.func @transform_6(%arg0: i32) -> (i32, i32) {
    %c0_i32 = arith.constant 0 : i32
    %c0_i32_0 = arith.constant 0 : i32
    %c0_i32_1 = arith.constant 0 : i32
    return %c0_i32, %c0_i32_0 : i32, i32
  }
  func.func @transform_7(%arg0: i32) -> (i32, i32) {
    %c0_i32 = arith.constant 0 : i32
    %c0_i32_0 = arith.constant 0 : i32
    return %arg0, %c0_i32 : i32, i32
  }
}

module attributes {stable_mosaic.version = 14 : i64} {
  func.func @_merge_body(%arg0: i32, %arg1: memref<16x128xf32, #tpu.memory_space<vmem>>, %arg2: memref<16x128xf32, #tpu.memory_space<vmem>>, %arg3: memref<16x128xf32, #tpu.memory_space<vmem>>, %arg4: memref<16x128xf32, #tpu.memory_space<vmem>>, %arg5: memref<16x128xf32, #tpu.memory_space<vmem>>, %arg6: memref<16x128xf32, #tpu.memory_space<vmem>>, %arg7: memref<16x4xf32, #tpu.memory_space<vmem>>, %arg8: memref<1x256xf32, #tpu.memory_space<vmem>>, %arg9: memref<16x256xf32, #tpu.memory_space<vmem>>) attributes {dimension_semantics = [#tpu.dimension_semantics<arbitrary>], iteration_bounds = array<i64: 625>, scalar_prefetch = 0 : i64, scratch_operands = 0 : i64, tpu.core_type = #tpu.core_type<tc>, window_params = [{transform_indices = @transform_0, window_bounds = array<i64: 16, 128>}, {transform_indices = @transform_1, window_bounds = array<i64: 16, 128>}, {transform_indices = @transform_2, window_bounds = array<i64: 16, 128>}, {transform_indices = @transform_3, window_bounds = array<i64: 16, 128>}, {transform_indices = @transform_4, window_bounds = array<i64: 16, 128>}, {transform_indices = @transform_5, window_bounds = array<i64: 16, 128>}, {transform_indices = @transform_6, window_bounds = array<i64: 16, 4>}, {pipeline_mode = #tpu.pipeline_mode<synchronous>, transform_indices = @transform_7, window_bounds = array<i64: 1, 256>}, {transform_indices = @transform_8, window_bounds = array<i64: 16, 256>}]} {
    %get3A = arith.constant 0 : index
    %get3A_0 = arith.constant 0 : index
    %get3A_1 = vector.load %arg7[%get3A, %get3A_0] : memref<16x4xf32, #tpu.memory_space<vmem>>, vector<16x4xf32>
    %get3A_2 = arith.constant 0 : index
    %get3A_3 = arith.constant 0 : index
    %get3A_4 = vector.load %arg1[%get3A_2, %get3A_3] : memref<16x128xf32, #tpu.memory_space<vmem>>, vector<16x128xf32>
    %get3A_5 = arith.constant 0 : index
    %get3A_6 = arith.constant 0 : index
    %get3A_7 = vector.load %arg3[%get3A_5, %get3A_6] : memref<16x128xf32, #tpu.memory_space<vmem>>, vector<16x128xf32>
    %get3A_8 = arith.constant 0 : index
    %get3A_9 = arith.constant 0 : index
    %get3A_10 = vector.load %arg5[%get3A_8, %get3A_9] : memref<16x128xf32, #tpu.memory_space<vmem>>, vector<16x128xf32>
    %slice3A = vector.extract_strided_slice %get3A_1 {offsets = [0, 0], sizes = [16, 1], strides = [1, 1]} : vector<16x4xf32> to vector<16x1xf32>
    %broadcast_in_dim3A = vector.shape_cast %slice3A : vector<16x1xf32> to vector<16x1xf32>
    %broadcast_in_dim3A_11 = vector.broadcast %broadcast_in_dim3A : vector<16x1xf32> to vector<16x64xf32>
    %slice3A_12 = vector.extract_strided_slice %get3A_1 {offsets = [0, 1], sizes = [16, 1], strides = [1, 1]} : vector<16x4xf32> to vector<16x1xf32>
    %broadcast_in_dim3A_13 = vector.shape_cast %slice3A_12 : vector<16x1xf32> to vector<16x1xf32>
    %broadcast_in_dim3A_14 = vector.broadcast %broadcast_in_dim3A_13 : vector<16x1xf32> to vector<16x64xf32>
    %concatenate3A = tpu.concatenate %broadcast_in_dim3A_11, %broadcast_in_dim3A_14 in 1 : vector<16x64xf32>, vector<16x64xf32> -> vector<16x128xf32>
    %slice3A_15 = vector.extract_strided_slice %get3A_10 {offsets = [0, 0], sizes = [16, 1], strides = [1, 1]} : vector<16x128xf32> to vector<16x1xf32>
    %broadcast_in_dim3A_16 = vector.shape_cast %slice3A_15 : vector<16x1xf32> to vector<16x1xf32>
    %broadcast_in_dim3A_17 = vector.broadcast %broadcast_in_dim3A_16 : vector<16x1xf32> to vector<16x64xf32>
    %slice3A_18 = vector.extract_strided_slice %get3A_10 {offsets = [0, 1], sizes = [16, 1], strides = [1, 1]} : vector<16x128xf32> to vector<16x1xf32>
    %broadcast_in_dim3A_19 = vector.shape_cast %slice3A_18 : vector<16x1xf32> to vector<16x1xf32>
    %broadcast_in_dim3A_20 = vector.broadcast %broadcast_in_dim3A_19 : vector<16x1xf32> to vector<16x64xf32>
    %concatenate3A_21 = tpu.concatenate %broadcast_in_dim3A_17, %broadcast_in_dim3A_20 in 1 : vector<16x64xf32>, vector<16x64xf32> -> vector<16x128xf32>
    %mul3A = arith.mulf %concatenate3A, %get3A_7 : vector<16x128xf32>
    %add3A = arith.addf %get3A_4, %mul3A : vector<16x128xf32>
    %add3A_22 = arith.addf %concatenate3A_21, %concatenate3A : vector<16x128xf32>
    %add3A_23 = arith.constant 1.000000e-16 : f32
    %add3A_24 = vector.broadcast %add3A_23 : f32 to vector<16x128xf32>
    %add3A_25 = arith.addf %add3A_22, %add3A_24 : vector<16x128xf32>
    %div3A = arith.divf %add3A, %add3A_25 : vector<16x128xf32>
    %get3A_26 = arith.constant 0 : index
    %get3A_27 = arith.constant 0 : index
    %get3A_28 = vector.load %arg2[%get3A_26, %get3A_27] : memref<16x128xf32, #tpu.memory_space<vmem>>, vector<16x128xf32>
    %get3A_29 = arith.constant 0 : index
    %get3A_30 = arith.constant 0 : index
    %get3A_31 = vector.load %arg4[%get3A_29, %get3A_30] : memref<16x128xf32, #tpu.memory_space<vmem>>, vector<16x128xf32>
    %get3A_32 = arith.constant 0 : index
    %get3A_33 = arith.constant 0 : index
    %get3A_34 = vector.load %arg6[%get3A_32, %get3A_33] : memref<16x128xf32, #tpu.memory_space<vmem>>, vector<16x128xf32>
    %slice3A_35 = vector.extract_strided_slice %get3A_1 {offsets = [0, 2], sizes = [16, 1], strides = [1, 1]} : vector<16x4xf32> to vector<16x1xf32>
    %broadcast_in_dim3A_36 = vector.shape_cast %slice3A_35 : vector<16x1xf32> to vector<16x1xf32>
    %broadcast_in_dim3A_37 = vector.broadcast %broadcast_in_dim3A_36 : vector<16x1xf32> to vector<16x64xf32>
    %slice3A_38 = vector.extract_strided_slice %get3A_1 {offsets = [0, 3], sizes = [16, 1], strides = [1, 1]} : vector<16x4xf32> to vector<16x1xf32>
    %broadcast_in_dim3A_39 = vector.shape_cast %slice3A_38 : vector<16x1xf32> to vector<16x1xf32>
    %broadcast_in_dim3A_40 = vector.broadcast %broadcast_in_dim3A_39 : vector<16x1xf32> to vector<16x64xf32>
    %concatenate3A_41 = tpu.concatenate %broadcast_in_dim3A_37, %broadcast_in_dim3A_40 in 1 : vector<16x64xf32>, vector<16x64xf32> -> vector<16x128xf32>
    %slice3A_42 = vector.extract_strided_slice %get3A_34 {offsets = [0, 0], sizes = [16, 1], strides = [1, 1]} : vector<16x128xf32> to vector<16x1xf32>
    %broadcast_in_dim3A_43 = vector.shape_cast %slice3A_42 : vector<16x1xf32> to vector<16x1xf32>
    %broadcast_in_dim3A_44 = vector.broadcast %broadcast_in_dim3A_43 : vector<16x1xf32> to vector<16x64xf32>
    %slice3A_45 = vector.extract_strided_slice %get3A_34 {offsets = [0, 1], sizes = [16, 1], strides = [1, 1]} : vector<16x128xf32> to vector<16x1xf32>
    %broadcast_in_dim3A_46 = vector.shape_cast %slice3A_45 : vector<16x1xf32> to vector<16x1xf32>
    %broadcast_in_dim3A_47 = vector.broadcast %broadcast_in_dim3A_46 : vector<16x1xf32> to vector<16x64xf32>
    %concatenate3A_48 = tpu.concatenate %broadcast_in_dim3A_44, %broadcast_in_dim3A_47 in 1 : vector<16x64xf32>, vector<16x64xf32> -> vector<16x128xf32>
    %mul3A_49 = arith.mulf %concatenate3A_41, %get3A_31 : vector<16x128xf32>
    %add3A_50 = arith.addf %get3A_28, %mul3A_49 : vector<16x128xf32>
    %add3A_51 = arith.addf %concatenate3A_48, %concatenate3A_41 : vector<16x128xf32>
    %add3A_52 = arith.constant 1.000000e-16 : f32
    %add3A_53 = vector.broadcast %add3A_52 : f32 to vector<16x128xf32>
    %add3A_54 = arith.addf %add3A_51, %add3A_53 : vector<16x128xf32>
    %div3A_55 = arith.divf %add3A_50, %add3A_54 : vector<16x128xf32>
    %concatenate3A_56 = tpu.concatenate %div3A, %div3A_55 in 1 : vector<16x128xf32>, vector<16x128xf32> -> vector<16x256xf32>
    %get3A_57 = arith.constant 0 : index
    %get3A_58 = arith.constant 0 : index
    %get3A_59 = vector.load %arg8[%get3A_57, %get3A_58] : memref<1x256xf32, #tpu.memory_space<vmem>>, vector<1x256xf32>
    %add3A_60 = vector.broadcast %get3A_59 : vector<1x256xf32> to vector<16x256xf32>
    %add3A_61 = arith.addf %concatenate3A_56, %add3A_60 : vector<16x256xf32>
    %swap3A = arith.constant 0 : index
    %swap3A_62 = arith.constant 0 : index
    %swap3A_63 = vector.load %arg9[%swap3A, %swap3A_62] : memref<16x256xf32, #tpu.memory_space<vmem>>, vector<16x256xf32>
    tpu.vector_store %arg9[%swap3A, %swap3A_62], %add3A_61 {strides = array<i32>} : memref<16x256xf32, #tpu.memory_space<vmem>>, vector<16x256xf32>,
    return
  }
  func.func @transform_0(%arg0: i32) -> (i32, i32) {
    %c0_i32 = arith.constant 0 : i32
    %c0_i32_0 = arith.constant 0 : i32
    return %arg0, %c0_i32 : i32, i32
  }
  func.func @transform_1(%arg0: i32) -> (i32, i32) {
    %add3A = arith.constant 632 : i32
    %add3A_0 = arith.addi %add3A, %arg0 : i32
    %c0_i32 = arith.constant 0 : i32
    %c0_i32_1 = arith.constant 0 : i32
    return %add3A_0, %c0_i32 : i32, i32
  }
  func.func @transform_2(%arg0: i32) -> (i32, i32) {
    %c0_i32 = arith.constant 0 : i32
    %c0_i32_0 = arith.constant 0 : i32
    return %arg0, %c0_i32 : i32, i32
  }
  func.func @transform_3(%arg0: i32) -> (i32, i32) {
    %add3A = arith.constant 625 : i32
    %add3A_0 = arith.addi %add3A, %arg0 : i32
    %c0_i32 = arith.constant 0 : i32
    %c0_i32_1 = arith.constant 0 : i32
    return %add3A_0, %c0_i32 : i32, i32
  }
  func.func @transform_4(%arg0: i32) -> (i32, i32) {
    %c0_i32 = arith.constant 0 : i32
    %c0_i32_0 = arith.constant 0 : i32
    return %arg0, %c0_i32 : i32, i32
  }
  func.func @transform_5(%arg0: i32) -> (i32, i32) {
    %add3A = arith.constant 640 : i32
    %add3A_0 = arith.addi %add3A, %arg0 : i32
    %c0_i32 = arith.constant 0 : i32
    %c0_i32_1 = arith.constant 0 : i32
    return %add3A_0, %c0_i32 : i32, i32
  }
  func.func @transform_6(%arg0: i32) -> (i32, i32) {
    %c0_i32 = arith.constant 0 : i32
    %c0_i32_0 = arith.constant 0 : i32
    return %arg0, %c0_i32 : i32, i32
  }
  func.func @transform_7(%arg0: i32) -> (i32, i32) {
    %c0_i32 = arith.constant 0 : i32
    %c0_i32_0 = arith.constant 0 : i32
    %c0_i32_1 = arith.constant 0 : i32
    return %c0_i32, %c0_i32_0 : i32, i32
  }
  func.func @transform_8(%arg0: i32) -> (i32, i32) {
    %c0_i32 = arith.constant 0 : i32
    %c0_i32_0 = arith.constant 0 : i32
    return %arg0, %c0_i32 : i32, i32
  }
}

</mosaic_0001>

<sc_bundles>
// kernel: kernel.12.cloned.1.call-start
scs
__scs_entry_jumppad:
0x0: {  	(pc) =	sbr.rel $0x88, $3  }
0x1: {  	(tag) =	ssettag $0x0;
	lr =	simm.s32 $0x1  }
0x2: {  	[smem:$0x3F97] =	sst lr;
	_ =	strace $0xD0000000  }
0x3: {  	_ = 	snop  }
0x4: {  	_ = 	snop  }
0x5: {  	_ = 	snop  }
0x6: {  	_ = 	snop  }
0x7: {  	_ = 	snop  }
__scs_overlays_trampoline_lowered:
0x8: {  	[smem:$0x3FA6] =	sst s0  }
0x9: {  	[smem:$0x3FA7] =	sst s1  }
0xa: {  	[smem:$0x3FA8] =	sst s2  }
0xb: {  	[smem:$0x3FA9] =	sst s3  }
0xc: {  	[smem:$0x3FAA] =	sst s4  }
0xd: {  	[smem:$0x3FAB] =	sst s5  }
0xe: {  	[smem:$0x3FAC] =	sst s6  }
0xf: {  	[smem:$0x3FAD] =	sst s7  }
0x10: {  	[smem:$0x3FAE] =	sst s8  }
0x11: {  	[smem:$0x3FAF] =	sst s9;
	s0 =	simm.s32 @!p0 $0x0  }
0x12: {  	s1 =	sld [smem:$0x3F95];
	s0 =	simm.s32 @p0 $0x1  }
0x13: {  	[smem:$0x3FB0] =	sst s0;
	s0 =	simm.s32 @!p1 $0x0  }
0x14: {  	s2 =	sld [smem:$0x3F94];
	s0 =	simm.s32 @p1 $0x1  }
0x15: {  	[smem:$0x3FB1] =	sst s0;
	s0 =	simm.s32 @!p2 $0x0  }
0x16: {  	s3 =	sld [smem:$0x3FDB];
	s0 =	simm.s32 @p2 $0x1  }
0x17: {  	s4 =	simm.s32 $0x1BF5;
	[smem:$0x3FB3] =	sst s0  }
0x18: {  	s0 =	sld [smem:$0x3F96];
	_ =	swait.ge [sflag:s4], $0x0  }
0x19: {  	s7 =	sld [smem:$0x3F97]  }
0x1a: {  	s8 =	sadd.s32 $0xFFFFE003, lr  }
0x1b: {  	s9 =	sadd.s32 $0xFFFFFEF7, lr;
	s5 =	simm.s32 $0xFFFFFFFF;
	p2 =	slt.u32 s8, $0xFFFFF086  }
0x1c: {  	p1 =	slt.u32 s9, $0xF7A;
	s5 =	simm.s32 @!p2 $0x0  }
0x1d: {  	s5 =	simm.s32 @p1 $0x1;
	p0 =	seq.s32 s7, s2  }
0x1e: {  	s7 =	smul.u32 @!p0 $0xF7A, s2;
	p2 =	seq.s32 @!p0 s5, $0x0  }
0x1f: {  	s9 =	smul.u32 $0xF7A, s1;
	s8 =	simm.s32 @!p0 $0x1BF5;
	p2 =	por !p2, p0  }
0x20: {  	[sflag:s8] =	ssyncset.s32 @!p0 $0xFFFFF086;
	s6 =	sadd.s32 @!p0 s3, s7;
	s7 =	simm.s32 @!p0 $0x108  }
0x21: {  	s3 =	sadd.s32 s3, s9;
	s6 =	sadd.s32 @!p0 $0x88, s6;
	s7 =	simm.s32 @p2 $0x1082  }
0x22: {  	[simem:s7], [sflag:s8] =	dma.local @!p0 [hbm:s6], $0xF7A  }
0x23: {  	s9 =	sor.u32 $0xD0000000, s2;
	s6 =	simm.s32 $0x108;
	_ =	swait.ge @!p0 [sflag:s8], $0x0  }
0x24: {  	s3 =	sadd.s32 $0x88, s3;
	s6 =	simm.s32 @!p1 $0x1082;
	[sflag:s4] =	ssyncset.s32 $0xFFFFF086  }
0x25: {  	[simem:s6], [sflag:s4] =	dma.local [hbm:s3], $0xF7A  }
0x26: {  	[smem:$0x3F97] =	sst s1;
	(tag) =	ssettag s2;
	_ =	strace s9  }
0x27: {  	s1 =	sld [smem:$0x3FA7]  }
0x28: {  	s2 =	sld [smem:$0x3FA8]  }
0x29: {  	s4 =	sld [smem:$0x3FAA]  }
0x2a: {  	p0 =	seq.s32 s5, $0x0;
	s5 =	sld [smem:$0x3FAB]  }
0x2b: {  	s6 =	sld [smem:$0x3FAC]  }
0x2c: {  	s7 =	sld [smem:$0x3FAD]  }
0x2d: {  	s3 =	simm.s32 $0x108;
	s8 =	sld [smem:$0x3FAE]  }
0x2e: {  	s3 =	simm.s32 @!p0 $0x1082;
	s9 =	sld [smem:$0x3FAF]  }
0x2f: {  	lr =	sadd.s32 s0, s3;
	s0 =	sld [smem:$0x3FA6]  }
0x30: {  	s3 =	sld [smem:$0x3FA9]  }
0x31: {  	[smem:$0x3FB2] =	sst s10  }
0x32: {  	s10 =	sld [smem:$0x3FB0];
	_ =	sdelay $0x3  }
0x33: {  	p0 =	seq.s32 s10, $0x1;
	s10 =	sld [smem:$0x3FB2];
	_ =	sdelay $0x3  }
0x34: {  	[smem:$0x3FB2] =	sst s10  }
0x35: {  	s10 =	sld [smem:$0x3FB1];
	_ =	sdelay $0x3  }
0x36: {  	p1 =	seq.s32 s10, $0x1;
	s10 =	sld [smem:$0x3FB2];
	_ =	sdelay $0x3  }
0x37: {  	[smem:$0x3FB2] =	sst s10  }
0x38: {  	s10 =	sld [smem:$0x3FB3]  }
0x39: {  	_ = 	snop;
	(pc) =	sbr.ind lr, $3  }
0x3a: {  	_ = 	snop  }
0x3b: {  	_ = 	snop  }
0x3c: {  	p2 =	seq.s32 s10, $0x1;
	s10 =	sld [smem:$0x3FB2]  }
0x3d: {  	_ =	shalt  }
0x3e: {  	_ =	shalt  }
0x3f: {  	_ =	shalt  }
0x40: {  	_ =	shalt  }
0x41: {  	_ =	shalt  }
0x42: {  	_ =	shalt  }
0x43: {  	_ =	shalt  }
0x44: {  	_ =	shalt  }
0x45: {  	_ =	shalt  }
0x46: {  	_ =	shalt  }
0x47: {  	_ =	shalt  }
0x48: {  	_ =	shalt  }
0x49: {  	_ =	shalt  }
0x4a: {  	_ =	shalt  }
0x4b: {  	_ =	shalt  }
0x4c: {  	_ =	shalt  }
0x4d: {  	_ =	shalt  }
0x4e: {  	_ =	shalt  }
0x4f: {  	_ =	shalt  }
0x50: {  	_ =	shalt  }
0x51: {  	_ =	shalt  }
0x52: {  	_ =	shalt  }
0x53: {  	_ =	shalt  }
0x54: {  	_ =	shalt  }
0x55: {  	_ =	shalt  }
0x56: {  	_ =	shalt  }
0x57: {  	_ =	shalt  }
0x58: {  	_ =	shalt  }
0x59: {  	_ =	shalt  }
0x5a: {  	_ =	shalt  }
0x5b: {  	_ =	shalt  }
0x5c: {  	_ =	shalt  }
0x5d: {  	_ =	shalt  }
0x5e: {  	_ =	shalt  }
0x5f: {  	_ =	shalt  }
0x60: {  	_ =	shalt  }
0x61: {  	_ =	shalt  }
0x62: {  	_ =	shalt  }
0x63: {  	_ =	shalt  }
0x64: {  	_ =	shalt  }
0x65: {  	_ =	shalt  }
0x66: {  	_ =	shalt  }
0x67: {  	_ =	shalt  }
0x68: {  	_ =	shalt  }
0x69: {  	_ =	shalt  }
0x6a: {  	_ =	shalt  }
0x6b: {  	_ =	shalt  }
0x6c: {  	_ =	shalt  }
0x6d: {  	_ =	shalt  }
0x6e: {  	_ =	shalt  }
0x6f: {  	_ =	shalt  }
0x70: {  	_ =	shalt  }
0x71: {  	_ =	shalt  }
0x72: {  	_ =	shalt  }
0x73: {  	_ =	shalt  }
0x74: {  	_ =	shalt  }
0x75: {  	_ =	shalt  }
0x76: {  	_ =	shalt  }
0x77: {  	_ =	shalt  }
0x78: {  	_ =	shalt  }
0x79: {  	_ =	shalt  }
0x7a: {  	_ =	shalt  }
0x7b: {  	_ =	shalt  }
0x7c: {  	_ =	shalt  }
0x7d: {  	_ =	shalt  }
0x7e: {  	_ =	shalt  }
0x7f: {  	_ =	shalt  }
0x80: {  	_ =	shalt  }
0x81: {  	_ =	shalt  }
0x82: {  	_ =	shalt  }
0x83: {  	_ =	shalt  }
0x84: {  	_ =	shalt  }
0x85: {  	_ =	shalt  }
0x86: {  	_ =	shalt  }
0x87: {  	_ =	shalt  }
.Lfunc_end0:
.L_simem_size_0:
called_computation.1_lowered:
.L_overlay_start_0:
0x88: {  	s2 =	sld [smem:$0x3FD9]  }
0x89: {  	s3 =	sld [smem:$0x3FFE];
	_ =	sdelay $0x1  }
0x8a: {  	s1 =	srdreg.scid  }
0x8b: {  	s0 =	sand.u32 $0x1, s1  }
0x8c: {  	s16 =	sshll.u32 s0, $0xA;
	s2 =	sadd.s32 s3, s2  }
0x8d: {  	s2 =	sadd.s32 s2, s16  }
0x8e: {  	[smem:$0x3FBE] =	sst s2  }
0x8f: {  	_ = 	snop  }
0x90: {  	(tm) =	ssettm $0x1  }
0x91: {  	s17 =	sld [smem:$0x3FFB];
	_ =	sdelay $0x3  }
0x92: {  	_ =	strace s17  }
0x93: {  	s2 =	sld [smem:$0x3FFC];
	_ =	sdelay $0x3  }
0x94: {  	_ =	strace s2  }
0x95: {  	s2 =	sld [smem:$0x3FFD];
	_ =	sdelay $0x3  }
0x96: {  	_ =	strace s2  }
0x97: {  	_ =	strace $0x8FFFFFFF  }
0x98: {  	s18 =	sld [smem:$0x3FDB];
	_ =	sdelay $0x1  }
0x99: {  	s19 =	simm.s32 $_scs_section_size  }
0x9a: {  	s4 =	simm.s32 $_size__tile_overlayer_lowered;
	s5 =	simm.s32 $_tile_overlayer_lowered  }
0x9b: {  	s22 =	simm.s32 $0x1BFF;
	s21 =	sshll.u32 s5, $0x1;
	s2 =	sadd.s32 s19, s18  }
0x9c: {  	s6 =	simm.s32 $0x0;
	s20 =	sshll.u32 s4, $0x1;
	s4 =	sadd.s32 s21, s2  }
0x9d: {  	[timem:s6], [sflag:s22] =	dma.local [hbm:s4], s20  }
0x9e: {  	_ =	swait.ge [sflag:s22], s20  }
0x9f: {  	s3 =	ssub.s32 $0x0, s20;
	[sflag:s22] =	ssyncset.done $0x0  }
0xa0: {  	[sflag:s22] =	ssyncadd.s32 s3;
	_ =	sdelay $0x1  }
0xa1: {  	s23 =	simm.s32 $0x1B8B  }
0xa2: {  	_ =	swait.ge [sflag:s23], $0x1  }
0xa3: {  	[sflag:s23] =	ssyncset.done $0x0  }
0xa4: {  	s25 =	simm.s32 $0x1B8E;
	s24 =	sld [smem:$0x3FFE];
	[sflag:s23] =	ssyncadd.s32 $0xFFFFFFFF  }
0xa5: {  	s26 =	simm.s32 $execute0_lowered;
	[smem:$0x3FD2] =	sst s25  }
0xa6: {  	s4 =	sshll.u32 s26, $0x1;
	_ =	strace $0x80000049;
	[dreg:$0x1] =	wrdreg $0xFFFFFFFF  }
0xa7: {  	s28 =	simm.s32 $_size_execute0_lowered;
	s2 =	sadd.s32 s2, s4;
	[dreg:$0x0] =	wrdreg $0x0  }
0xa8: {  	s4 =	sshll.u32 s28, $0x1;
	[dreg:$0x2] =	wrdreg s2  }
0xa9: {  	[dreg:$0x3] =	wrdreg s4  }
0xaa: {  	[dreg:$0x4] =	wrdreg $0xC0  }
0xab: {  	_ =	task [dreg:s6], $0x5FFFF  }
0xac: {  	[dreg:$0x1] =	wrdreg $0xFFFFFFFF  }
0xad: {  	[dreg:$0x0] =	wrdreg $0x60  }
0xae: {  	[dreg:$0x2] =	wrdreg s24  }
0xaf: {  	[dreg:$0x3] =	wrdreg $0x60800  }
0xb0: {  	[dreg:$0x4] =	wrdreg $0x9  }
0xb1: {  	_ =	task.clear_ibuf [dreg:s6], $0x5FFFF;
	_ =	strace $0x90000049  }
0xb2: {  	s29 =	simm.s32 $0x9;
	_ =	strace $0x8000004B  }
0xb3: {  	_ =	swait.ge [sflag:s29], $0x1  }
0xb4: {  	[sflag:s29] =	ssyncadd.s32 $0xFFFFFFFF  }
0xb5: {  	_ =	strace $0x9000004B  }
0xb6: {  	_ =	sfence  }
0xb7: {  	s30 =	sld [smem:$0x0];
	_ =	sdelay $0x2  }
0xb8: {  	s31 =	sshll.u32 s1, $0xD;
	s1 =	sshrl.u32 s1, $0x2  }
0xb9: {  	s3 =	sand.u32 $0x4000, s31;
	s1 =	sadd.s32 s1, s30  }
0xba: {  	s0 =	sor.u32 s3, s0;
	s1 =	sshll.u32 s1, $0x11  }
0xbb: {  	s0 =	sor.u32 s1, s0  }
0xbc: {  	s0 =	sadd.s32 $0x8F2B, s0  }
0xbd: {  	[sflag:s0] =	ssyncadd.remote.s32 $0x1  }
0xbe: {  	_ =	sfence.sel $0xFFFF  }
0xbf: {  	[dreg:$0x0] =	wrdreg $0xFFFFFFFF;
	(pc) =	sbr.abs _section_cstart, $3  }
0xc0: {  	[dreg:$0x1] =	wrdreg $0xFFFFFFFF  }
0xc1: {  	_ =	task.clear_ibuf [dreg:s6], $0x2FFFF;
	_ =	strace $0x9FFFFFFF  }
0xc2: {  	(tm) =	ssettm $0x7FFFFFFF  }
0xc3: {  	_ =	shalt  }
tec
execute0_lowered:
.L_overlay_start_1:
0x0: {  	(tag) =	ssettag $0x1  }
0x1: {  	s10 =	rddreg [dreg:$0x0]  }
0x2: {  	s2 =	rddreg [dreg:$0x1]  }
0x3: {  	s0 =	rddreg [dreg:$0x2];
	s3 =	simm.s32 $0x0  }
0x4: {  	s4 =	srdreg.scid;
	s1 =	stileid.u32;
	s16 =	simm.s32 $0x2080  }
0x5: {  	s17 =	simm.s32 $0x40;
	s18 =	simm.s32 $0x4080;
	s19 =	simm.s32 $0x0  }
0x6: {  	[smem:$0x7FF] =	sst s3;
	s11 =	sand.u32 $0x1, s4;
	s4 =	smul.u32 $0x2800, s1  }
0x7: {  	s6 =	sadd.s32 $0x2C00, s10;
	s7 =	sadd.s32 $0x9F4E00, s10;
	s13 =	smul.u32 $0x50000, s1  }
0x8: {  	s8 =	sadd.s32 $0x274E00, s10;
	s9 =	sadd.s32 $0x55E00, s10;
	s5 =	smul.u32 $0x28000, s11  }
0x9: {  	s14 =	sshll.u32 s1, $0x6;
	_ =	strace $0x8000004A;
	s31 =	ssub.s32 $0x2, s11  }
0xa: {  	s11 =	sshrl.u32 s31, $0x1;
	s13 =	sshrl.u32 s13, $0x2;
	s12 =	sadd.s32 s4, s5  }
0xb: {  	s15 =	ssub.s32 s31, s11;
	s13 =	sadd.s32 s13, s2;
	s12 =	sadd.s32 s12, s10  }
0xc: {  	vm0 =	vcmask $0x300;
	v0 =	vimm.f32 $0.0e+00;
	s10 =	sor.u32 $0x1C01, s14;
	s13 =	sshrl.u32 s13, $0x3;
	s14 =	simm.s32 $0x1  }
0xd: {  	v1 =	vsel vm0, $0x3F800000, v0;
	s11 =	sadd.s32 $0xAC600, s12;
	s12 =	smax.u32 s15, $0x1;
	s15 =	simm.s32 $0x80  }
.LBB2_1:
0xe: {  	[spmem:s13], [sflag:s10] =	dma.local [hbm:s9], $0x2800  }
0xf: {  	_ =	swait.ge [sflag:s14], $0x2800  }
0x10: {  	[sflag:s14] =	ssyncset.done $0x0  }
0x11: {  	s20 =	simm.s32 $0x0;
	[sflag:s14] =	ssyncadd.s32 $0xFFFFD800  }
0x12: {  	[tilespmem:s20+$0x40F0] =	vst v0  }
0x13: {  	[tilespmem:s20+$0x40A0] =	vst v1  }
0x14: {  	[tilespmem:s20+$0x40B0] =	vst v0  }
0x15: {  	[tilespmem:s20+$0x40C0] =	vst v0  }
0x16: {  	s21 =	simm.s32 $0x200;
	[tilespmem:s20+$0x40D0] =	vst v0  }
.LBB2_2:
0x17: {  	p0 =	sne.s32 s21, $0x7E00;
	[tilespmem:s20+$0x40E0] =	vst v0;
	s20 =	sshra.s32 s21, $0x2;
	s21 =	sadd.s32 $0x200, s21  }
.Ltmp0:
0x18: {  	[tilespmem:s20+$0x40F0] =	vst v0;
	(pc) =	sbr.rel @p0 .LBB2_2-.Ltmp0, $4  }
0x19: {  	[tilespmem:s20+$0x40A0] =	vst v1  }
0x1a: {  	[tilespmem:s20+$0x40B0] =	vst v0  }
0x1b: {  	[tilespmem:s20+$0x40C0] =	vst v0  }
0x1c: {  	[tilespmem:s20+$0x40D0] =	vst v0  }
0x1d: {  	[tilespmem:s20+$0x40E0] =	vst v0  }
0x1e: {  	s20 =	simm.s32 $0x0;
	s21 =	simm.s32 $0x0;
	[bflag:$0x0] =	sbarrier.arrive $0xFFFF  }
.LBB2_4:
0x1f: {  	s22 =	sshll.u32 s21, $0x6  }
0x20: {  	s22 =	sadd.s32 s4, s22  }
0x21: {  	s23 =	sshrl.u32 s22, $0x3  }
0x22: {  	s23 =	sadd.s32 s6, s23  }
0x23: {  	[tilespmem:s20], [sflag:$0x1] =	stream.linear.gather [hbm4b:s23+s20], $0x40, $0x38;
	[tilespmem:$0x1A080] =	vst v63  }
0x24: {  	s31 =	sadd.s32 s5, s22;
	_ =	swait.ge [sflag:s14], $0x40  }
0x25: {  	s23 =	sshll.u32 s31, $0x4;
	[sflag:s14] =	ssyncset.done $0x0  }
0x26: {  	s23 =	sadd.s32 s7, s23;
	[sflag:s14] =	ssyncadd.s32 $0xFFFFFFC0  }
0x27: {  	[tilespmem:s15], [sflag:$0x1] =	stream.linear.gather [hbm4b:s23+s20], $0x2000, $0x38;
	[tilespmem:$0x1A080] =	vst v63  }
0x28: {  	_ =	swait.ge [sflag:s14], $0x2000  }
0x29: {  	s22 =	sshll.u32 s22, $0x4;
	[sflag:s14] =	ssyncset.done $0x0  }
0x2a: {  	s22 =	sadd.s32 s8, s22;
	[sflag:s14] =	ssyncadd.s32 $0xFFFFE000  }
0x2b: {  	[tilespmem:s16], [sflag:$0x1] =	stream.linear.gather [hbm4b:s22+s20], $0x2000, $0x38;
	[tilespmem:$0x1A080] =	vst v63  }
0x2c: {  	_ =	swait.ge [sflag:s14], $0x2000  }
0x2d: {  	[sflag:s14] =	ssyncset.done $0x0  }
0x2e: {  	s22 =	simm.s32 $0x0;
	[sflag:s14] =	ssyncadd.s32 $0xFFFFE000  }
0x2f: {  	v2 =	vld [tilespmem:s22+$0x2080]  }
0x30: {  	s23 =	simm.s32 $0x200;
	v3 =	vld [tilespmem:s22+$0x80]  }
.LBB2_5:
0x31: {  	p0 =	sne.s32 s23, $0x7E00  }
.Ltmp1:
0x32: {  	_ = 	snop;
	(pc) =	sbr.rel @p0 .LBB2_5-.Ltmp1, $4  }
0x33: {  	_ = 	snop  }
0x34: {  	s24 =	sshra.s32 s23, $0x2;
	s23 =	sadd.s32 $0x200, s23;
	[tilespmem:s22+$0x4090] =	vst v2  }
0x35: {  	v2 =	vld [tilespmem:s24+$0x2080];
	[tilespmem:s22+$0x4080] =	vst v3;
	s22 =	smov.u32 s24  }
0x36: {  	v3 =	vld [tilespmem:s22+$0x80]  }
0x37: {  	_ =	sdelay $0x1  }
0x38: {  	s21 =	sadd.s32 $0x1, s21  }
0x39: {  	p0 =	sne.s32 s21, $0xA0;
	[tilespmem:s22+$0x4090] =	vst v2  }
.Ltmp2:
0x3a: {  	[tilespmem:s22+$0x4080] =	vst v3;
	(pc) =	sbr.rel @p0 .LBB2_4-.Ltmp2, $4  }
0x3b: {  	[spmem:s2] =	stream.indirect.scatter.add.f32 [tilespmem:s18], [sflag:$0x1], $0x80, s3, s17, $0xb8;
	[tilespmem:$0x1A080] =	vst v63  }
0x3c: {  	_ =	swait.ge [sflag:s14], $0x2000  }
0x3d: {  	[sflag:s14] =	ssyncset.done $0x0  }
0x3e: {  	[sflag:s14] =	ssyncadd.s32 $0xFFFFE000  }
0x3f: {  	s19 =	sadd.s32 $0x1, s19  }
0x40: {  	p0 =	sne.s32 s19, s12  }
.Ltmp3:
0x41: {  	[bflag:$0x0] =	sbarrier.arrive $0xFFFF;
	(pc) =	sbr.rel @p0 .LBB2_1-.Ltmp3, $4  }
0x42: {  	[hbm:s11], [sflag:s10] =	dma.local [spmem:s13], $0x2800  }
0x43: {  	_ =	swait.ge [sflag:s14], $0x2800  }
0x44: {  	[sflag:s14] =	ssyncset.done $0x0  }
0x45: {  	[sflag:s14] =	ssyncadd.s32 $0xFFFFD800  }
0x46: {  	_ =	sfence.sel $0x180000  }
0x47: {  	[bflag:$0x0] =	sbarrier.arrive $0xFFFF  }
0x48: {  	p0 =	sne.s32 s1, $0x0;
	_ =	strace $0x9000004A  }
0x49: {  	s0 =	sadd.s32 @!p0 $0x100000, s0;
	[bflag:$0x2] =	sbarrier.arrive $0xFFFF  }
0x4a: {  	[sflag:s0] =	ssyncadd.tile.s32 @!p0 $0x1;
	_ =	shalt  }
.Lfunc_end2:
_tile_overlayer_lowered:
.L_overlay_start_2:
0x4b: {  	(tag) =	ssettag $0x2  }
0x4c: {  	s0 =	rddreg [dreg:$0x0];
	s2 =	stileid.u32  }
0x4d: {  	s1 =	rddreg [dreg:$0x1];
	p0 =	sne.s32 s2, $0x0  }
0x4e: {  	s3 =	rddreg [dreg:$0x2];
	[bflag:$0x3] =	sbarrier.arrive $0xFFFF;
	s2 =	simm.s32 @!p0 $0x1C01  }
0x4f: {  	[timem:s3], [sflag:s2] =	dma.local @!p0 [hbm:s0], s1  }
0x50: {  	s0 =	simm.s32 @!p0 $0x1  }
0x51: {  	_ =	swait.ge @!p0 [sflag:s0], s1  }
0x52: {  	s1 =	ssub.s32 @!p0 $0x0, s1;
	[sflag:s0] =	ssyncset.done @!p0 $0x0  }
0x53: {  	[sflag:s0] =	ssyncadd.s32 @!p0 s1  }
0x54: {  	[bflag:$0x3] =	sbarrier.arrive $0xFFFF  }
0x55: {  	_ =	shalt  }

// kernel: kernel.9.cloned.1.call-start
scs
__scs_entry_jumppad:
0x0: {  	(pc) =	sbr.rel $0x88, $3  }
0x1: {  	(tag) =	ssettag $0x0;
	lr =	simm.s32 $0x1  }
0x2: {  	[smem:$0x3F97] =	sst lr;
	_ =	strace $0xD0000000  }
0x3: {  	_ = 	snop  }
0x4: {  	_ = 	snop  }
0x5: {  	_ = 	snop  }
0x6: {  	_ = 	snop  }
0x7: {  	_ = 	snop  }
__scs_overlays_trampoline_lowered:
0x8: {  	[smem:$0x3FA6] =	sst s0  }
0x9: {  	[smem:$0x3FA7] =	sst s1  }
0xa: {  	[smem:$0x3FA8] =	sst s2  }
0xb: {  	[smem:$0x3FA9] =	sst s3  }
0xc: {  	[smem:$0x3FAA] =	sst s4  }
0xd: {  	[smem:$0x3FAB] =	sst s5  }
0xe: {  	[smem:$0x3FAC] =	sst s6  }
0xf: {  	[smem:$0x3FAD] =	sst s7  }
0x10: {  	[smem:$0x3FAE] =	sst s8  }
0x11: {  	[smem:$0x3FAF] =	sst s9;
	s0 =	simm.s32 @!p0 $0x0  }
0x12: {  	s1 =	sld [smem:$0x3F95];
	s0 =	simm.s32 @p0 $0x1  }
0x13: {  	[smem:$0x3FB0] =	sst s0;
	s0 =	simm.s32 @!p1 $0x0  }
0x14: {  	s2 =	sld [smem:$0x3F94];
	s0 =	simm.s32 @p1 $0x1  }
0x15: {  	[smem:$0x3FB1] =	sst s0;
	s0 =	simm.s32 @!p2 $0x0  }
0x16: {  	s3 =	sld [smem:$0x3FDB];
	s0 =	simm.s32 @p2 $0x1  }
0x17: {  	s4 =	simm.s32 $0x1BF5;
	[smem:$0x3FB3] =	sst s0  }
0x18: {  	s0 =	sld [smem:$0x3F96];
	_ =	swait.ge [sflag:s4], $0x0  }
0x19: {  	s7 =	sld [smem:$0x3F97]  }
0x1a: {  	s8 =	sadd.s32 $0xFFFFE003, lr  }
0x1b: {  	s9 =	sadd.s32 $0xFFFFFEF7, lr;
	s5 =	simm.s32 $0xFFFFFFFF;
	p2 =	slt.u32 s8, $0xFFFFF086  }
0x1c: {  	p1 =	slt.u32 s9, $0xF7A;
	s5 =	simm.s32 @!p2 $0x0  }
0x1d: {  	s5 =	simm.s32 @p1 $0x1;
	p0 =	seq.s32 s7, s2  }
0x1e: {  	s7 =	smul.u32 @!p0 $0xF7A, s2;
	p2 =	seq.s32 @!p0 s5, $0x0  }
0x1f: {  	s9 =	smul.u32 $0xF7A, s1;
	s8 =	simm.s32 @!p0 $0x1BF5;
	p2 =	por !p2, p0  }
0x20: {  	[sflag:s8] =	ssyncset.s32 @!p0 $0xFFFFF086;
	s6 =	sadd.s32 @!p0 s3, s7;
	s7 =	simm.s32 @!p0 $0x108  }
0x21: {  	s3 =	sadd.s32 s3, s9;
	s6 =	sadd.s32 @!p0 $0x88, s6;
	s7 =	simm.s32 @p2 $0x1082  }
0x22: {  	[simem:s7], [sflag:s8] =	dma.local @!p0 [hbm:s6], $0xF7A  }
0x23: {  	s9 =	sor.u32 $0xD0000000, s2;
	s6 =	simm.s32 $0x108;
	_ =	swait.ge @!p0 [sflag:s8], $0x0  }
0x24: {  	s3 =	sadd.s32 $0x88, s3;
	s6 =	simm.s32 @!p1 $0x1082;
	[sflag:s4] =	ssyncset.s32 $0xFFFFF086  }
0x25: {  	[simem:s6], [sflag:s4] =	dma.local [hbm:s3], $0xF7A  }
0x26: {  	[smem:$0x3F97] =	sst s1;
	(tag) =	ssettag s2;
	_ =	strace s9  }
0x27: {  	s1 =	sld [smem:$0x3FA7]  }
0x28: {  	s2 =	sld [smem:$0x3FA8]  }
0x29: {  	s4 =	sld [smem:$0x3FAA]  }
0x2a: {  	p0 =	seq.s32 s5, $0x0;
	s5 =	sld [smem:$0x3FAB]  }
0x2b: {  	s6 =	sld [smem:$0x3FAC]  }
0x2c: {  	s7 =	sld [smem:$0x3FAD]  }
0x2d: {  	s3 =	simm.s32 $0x108;
	s8 =	sld [smem:$0x3FAE]  }
0x2e: {  	s3 =	simm.s32 @!p0 $0x1082;
	s9 =	sld [smem:$0x3FAF]  }
0x2f: {  	lr =	sadd.s32 s0, s3;
	s0 =	sld [smem:$0x3FA6]  }
0x30: {  	s3 =	sld [smem:$0x3FA9]  }
0x31: {  	[smem:$0x3FB2] =	sst s10  }
0x32: {  	s10 =	sld [smem:$0x3FB0];
	_ =	sdelay $0x3  }
0x33: {  	p0 =	seq.s32 s10, $0x1;
	s10 =	sld [smem:$0x3FB2];
	_ =	sdelay $0x3  }
0x34: {  	[smem:$0x3FB2] =	sst s10  }
0x35: {  	s10 =	sld [smem:$0x3FB1];
	_ =	sdelay $0x3  }
0x36: {  	p1 =	seq.s32 s10, $0x1;
	s10 =	sld [smem:$0x3FB2];
	_ =	sdelay $0x3  }
0x37: {  	[smem:$0x3FB2] =	sst s10  }
0x38: {  	s10 =	sld [smem:$0x3FB3]  }
0x39: {  	_ = 	snop;
	(pc) =	sbr.ind lr, $3  }
0x3a: {  	_ = 	snop  }
0x3b: {  	_ = 	snop  }
0x3c: {  	p2 =	seq.s32 s10, $0x1;
	s10 =	sld [smem:$0x3FB2]  }
0x3d: {  	_ =	shalt  }
0x3e: {  	_ =	shalt  }
0x3f: {  	_ =	shalt  }
0x40: {  	_ =	shalt  }
0x41: {  	_ =	shalt  }
0x42: {  	_ =	shalt  }
0x43: {  	_ =	shalt  }
0x44: {  	_ =	shalt  }
0x45: {  	_ =	shalt  }
0x46: {  	_ =	shalt  }
0x47: {  	_ =	shalt  }
0x48: {  	_ =	shalt  }
0x49: {  	_ =	shalt  }
0x4a: {  	_ =	shalt  }
0x4b: {  	_ =	shalt  }
0x4c: {  	_ =	shalt  }
0x4d: {  	_ =	shalt  }
0x4e: {  	_ =	shalt  }
0x4f: {  	_ =	shalt  }
0x50: {  	_ =	shalt  }
0x51: {  	_ =	shalt  }
0x52: {  	_ =	shalt  }
0x53: {  	_ =	shalt  }
0x54: {  	_ =	shalt  }
0x55: {  	_ =	shalt  }
0x56: {  	_ =	shalt  }
0x57: {  	_ =	shalt  }
0x58: {  	_ =	shalt  }
0x59: {  	_ =	shalt  }
0x5a: {  	_ =	shalt  }
0x5b: {  	_ =	shalt  }
0x5c: {  	_ =	shalt  }
0x5d: {  	_ =	shalt  }
0x5e: {  	_ =	shalt  }
0x5f: {  	_ =	shalt  }
0x60: {  	_ =	shalt  }
0x61: {  	_ =	shalt  }
0x62: {  	_ =	shalt  }
0x63: {  	_ =	shalt  }
0x64: {  	_ =	shalt  }
0x65: {  	_ =	shalt  }
0x66: {  	_ =	shalt  }
0x67: {  	_ =	shalt  }
0x68: {  	_ =	shalt  }
0x69: {  	_ =	shalt  }
0x6a: {  	_ =	shalt  }
0x6b: {  	_ =	shalt  }
0x6c: {  	_ =	shalt  }
0x6d: {  	_ =	shalt  }
0x6e: {  	_ =	shalt  }
0x6f: {  	_ =	shalt  }
0x70: {  	_ =	shalt  }
0x71: {  	_ =	shalt  }
0x72: {  	_ =	shalt  }
0x73: {  	_ =	shalt  }
0x74: {  	_ =	shalt  }
0x75: {  	_ =	shalt  }
0x76: {  	_ =	shalt  }
0x77: {  	_ =	shalt  }
0x78: {  	_ =	shalt  }
0x79: {  	_ =	shalt  }
0x7a: {  	_ =	shalt  }
0x7b: {  	_ =	shalt  }
0x7c: {  	_ =	shalt  }
0x7d: {  	_ =	shalt  }
0x7e: {  	_ =	shalt  }
0x7f: {  	_ =	shalt  }
0x80: {  	_ =	shalt  }
0x81: {  	_ =	shalt  }
0x82: {  	_ =	shalt  }
0x83: {  	_ =	shalt  }
0x84: {  	_ =	shalt  }
0x85: {  	_ =	shalt  }
0x86: {  	_ =	shalt  }
0x87: {  	_ =	shalt  }
.Lfunc_end0:
.L_simem_size_0:
called_computation_lowered:
.L_overlay_start_0:
0x88: {  	s2 =	sld [smem:$0x3FD9]  }
0x89: {  	s3 =	sld [smem:$0x3FFE];
	_ =	sdelay $0x1  }
0x8a: {  	s1 =	srdreg.scid  }
0x8b: {  	s0 =	sand.u32 $0x1, s1  }
0x8c: {  	s17 =	sshll.u32 s0, $0xA;
	s2 =	sadd.s32 s3, s2  }
0x8d: {  	s2 =	sadd.s32 s2, s17  }
0x8e: {  	[smem:$0x3FBE] =	sst s2  }
0x8f: {  	_ = 	snop  }
0x90: {  	s2 =	sld [smem:$0x3FD0];
	(tm) =	ssettm $0x1  }
0x91: {  	s18 =	sld [smem:$0x3FFB];
	_ =	sdelay $0x3  }
0x92: {  	_ =	strace s18  }
0x93: {  	s3 =	sld [smem:$0x3FFC];
	_ =	sdelay $0x3  }
0x94: {  	_ =	strace s3  }
0x95: {  	s3 =	sld [smem:$0x3FFD];
	_ =	sdelay $0x3  }
0x96: {  	_ =	strace s3  }
0x97: {  	_ =	strace $0x8FFFFFFF  }
0x98: {  	s19 =	sld [smem:$0x3FDB];
	_ =	sdelay $0x1  }
0x99: {  	s4 =	simm.s32 $_scs_section_size  }
0x9a: {  	s5 =	simm.s32 $_size__tile_overlayer_lowered;
	s6 =	simm.s32 $_tile_overlayer_lowered  }
0x9b: {  	s22 =	simm.s32 $0x1BFF;
	s21 =	sshll.u32 s6, $0x1;
	s3 =	sadd.s32 s4, s19  }
0x9c: {  	s7 =	simm.s32 $0x0;
	s20 =	sshll.u32 s5, $0x1;
	s5 =	sadd.s32 s21, s3  }
0x9d: {  	[timem:s7], [sflag:s22] =	dma.local [hbm:s5], s20  }
0x9e: {  	_ =	swait.ge [sflag:s22], s20  }
0x9f: {  	s4 =	ssub.s32 $0x0, s20;
	[sflag:s22] =	ssyncset.done $0x0  }
0xa0: {  	[sflag:s22] =	ssyncadd.s32 s4;
	_ =	sdelay $0x1  }
0xa1: {  	s23 =	simm.s32 $0x1B8B  }
0xa2: {  	_ =	swait.ge [sflag:s23], $0x1  }
0xa3: {  	[sflag:s23] =	ssyncset.done $0x0  }
0xa4: {  	s25 =	simm.s32 $0x1B8E;
	s24 =	sld [smem:$0x3FFE];
	[sflag:s23] =	ssyncadd.s32 $0xFFFFFFFF  }
0xa5: {  	s26 =	simm.s32 $execute0_lowered;
	[smem:$0x3FD2] =	sst s25  }
0xa6: {  	s5 =	sshll.u32 s26, $0x1;
	_ =	strace $0x80000046;
	[dreg:$0x1] =	wrdreg $0xFFFFFFFF  }
0xa7: {  	s28 =	simm.s32 $_size_execute0_lowered;
	s3 =	sadd.s32 s3, s5;
	[dreg:$0x0] =	wrdreg $0x0  }
0xa8: {  	s5 =	sshll.u32 s28, $0x1;
	[dreg:$0x2] =	wrdreg s3  }
0xa9: {  	[dreg:$0x3] =	wrdreg s5  }
0xaa: {  	[dreg:$0x4] =	wrdreg $0xC0  }
0xab: {  	_ =	task [dreg:s7], $0x5FFFF  }
0xac: {  	[dreg:$0x1] =	wrdreg $0xFFFFFFFF  }
0xad: {  	[dreg:$0x0] =	wrdreg $0x60  }
0xae: {  	[dreg:$0x2] =	wrdreg s24  }
0xaf: {  	[dreg:$0x3] =	wrdreg s2  }
0xb0: {  	[dreg:$0x4] =	wrdreg $0xBA800  }
0xb1: {  	[dreg:$0x5] =	wrdreg $0x9  }
0xb2: {  	_ =	task.clear_ibuf [dreg:s7], $0x6FFFF;
	_ =	strace $0x90000046  }
0xb3: {  	s29 =	simm.s32 $0x9;
	_ =	strace $0x80000048  }
0xb4: {  	_ =	swait.ge [sflag:s29], $0x1  }
0xb5: {  	[sflag:s29] =	ssyncadd.s32 $0xFFFFFFFF  }
0xb6: {  	_ =	strace $0x90000048  }
0xb7: {  	_ =	sfence  }
0xb8: {  	s30 =	sld [smem:$0x0];
	_ =	sdelay $0x2  }
0xb9: {  	s31 =	sshll.u32 s1, $0xD;
	s1 =	sshrl.u32 s1, $0x2  }
0xba: {  	s3 =	sand.u32 $0x4000, s31;
	s1 =	sadd.s32 s1, s30  }
0xbb: {  	s0 =	sor.u32 s3, s0;
	s1 =	sshll.u32 s1, $0x11  }
0xbc: {  	s0 =	sor.u32 s1, s0  }
0xbd: {  	s0 =	sadd.s32 $0x8F2B, s0  }
0xbe: {  	[sflag:s0] =	ssyncadd.remote.s32 $0x1  }
0xbf: {  	_ =	sfence.sel $0xFFFF  }
0xc0: {  	[dreg:$0x0] =	wrdreg $0xFFFFFFFF;
	(pc) =	sbr.abs _section_cstart, $3  }
0xc1: {  	[dreg:$0x1] =	wrdreg $0xFFFFFFFF  }
0xc2: {  	_ =	task.clear_ibuf [dreg:s7], $0x2FFFF;
	_ =	strace $0x9FFFFFFF  }
0xc3: {  	(tm) =	ssettm $0x7FFFFFFF  }
tec
execute0_lowered:
.L_overlay_start_1:
0x0: {  	(tag) =	ssettag $0x1  }
0x1: {  	s0 =	rddreg [dreg:$0x0]  }
0x2: {  	s1 =	rddreg [dreg:$0x1]  }
0x3: {  	s2 =	rddreg [dreg:$0x2];
	s4 =	simm.s32 $0x0  }
0x4: {  	s3 =	srdreg.scid;
	s15 =	stileid.u32;
	s19 =	simm.s32 $0x1  }
0x5: {  	s28 =	simm.s32 $0xA180;
	s29 =	simm.s32 $0xA980;
	s30 =	simm.s32 $0x7980  }
0x6: {  	s31 =	simm.s32 $0x0;
	[smem:$0x7FF] =	sst s4;
	s5 =	sadd.s32 $0x55E00, s0  }
0x7: {  	s3 =	sand.u32 $0x1, s3;
	s9 =	smul.u32 $0x2780, s15;
	s7 =	sadd.s32 $0x4F4E00, s0  }
0x8: {  	s6 =	sadd.s32 $0x2C00, s0;
	s8 =	sadd.s32 $0x7C00, s0;
	s11 =	sadd.s32 $0x274C00, s0  }
0x9: {  	s21 =	sadd.s32 $0x5AE00, s0;
	s12 =	smul.u32 $0x4F000, s15;
	s25 =	sshll.u32 s15, $0x6  }
0xa: {  	_ =	strace $0x80000047;
	s10 =	smul.u32 $0x27800, s3;
	[dreg:$0x4] =	wrdreg s11  }
0xb: {  	[dreg:$0x5] =	wrdreg s21;
	s22 =	ssub.s32 $0x2, s3;
	s14 =	smul.u32 $0x2710, s3  }
0xc: {  	v1 =	vimm.f32 $0.0e+00;
	v2 =	vimm.s32 $0x0;
	s11 =	sadd.s32 $0x9F4E00, s0;
	s24 =	sshrl.u32 s12, $0x2;
	s12 =	smul.u32 $0x2800, s15  }
0xd: {  	v3 =	vimm.s32 $0x1;
	v4 =	vimm.s32 $0x2;
	v5 =	vimm.s32 $0x3;
	s21 =	simm.s32 $0x80;
	s13 =	sshrl.u32 s22, $0x1;
	s15 =	smul.u32 $0x28000, s3  }
0xe: {  	v6 =	vimm.s32 $0x4;
	v7 =	vimm.s32 $0x5;
	v8 =	vimm.s32 $0x6;
	s9 =	sadd.s32 s9, s10;
	s23 =	ssub.s32 s22, s13;
	s10 =	sadd.s32 s24, s2  }
0xf: {  	v9 =	vimm.s32 $0x7;
	v10 =	vimm.s32 $0x8;
	v0 =	vmov s14;
	s13 =	sor.u32 $0x1C01, s25;
	s14 =	sshll.u32 s3, $0x7;
	s22 =	simm.s32 $0x50  }
0x10: {  	v11 =	vimm.s32 $0x9;
	v12 =	vimm.s32 $0xA;
	v13 =	vimm.s32 $0xB;
	s24 =	simm.s32 $0x100;
	s25 =	simm.s32 $0x2980;
	s9 =	sadd.s32 s9, s0  }
0x11: {  	v14 =	vimm.s32 $0xC;
	v15 =	vimm.s32 $0xD;
	v18 =	vlaneseq.u32;
	s17 =	smax.u32 s23, $0x1;
	s18 =	sshrl.u32 s10, $0x3;
	s26 =	sadd.s32 $0x5D600, s9  }
0x12: {  	v16 =	vimm.s32 $0xE;
	v17 =	vimm.s32 $0xF;
	v18 =	vmul.u32 $0x80, v18;
	s23 =	simm.s32 $0x180;
	[dreg:$0x6] =	wrdreg s26;
	s26 =	simm.s32 $0x5180  }
.LBB2_1:
0x13: {  	s0 =	rddreg [dreg:$0x5]  }
0x14: {  	[spmem:s18], [sflag:s13] =	dma.local [hbm:s0], $0x2780  }
0x15: {  	_ =	swait.ge [sflag:s19], $0x2780  }
0x16: {  	[sflag:s19] =	ssyncset.done $0x0  }
0x17: {  	s3 =	simm.s32 $0xB980;
	s20 =	rddreg [dreg:$0x4];
	[sflag:s19] =	ssyncadd.s32 $0xFFFFD880  }
0x18: {  	[tilespmem:s3], [sflag:$0x1] =	stream.linear.gather [hbm4b:s20+s4], $0x100, $0x38;
	[tilespmem:$0x1F680] =	vst v63  }
0x19: {  	_ =	swait.ge [sflag:s19], $0x100  }
0x1a: {  	[sflag:s19] =	ssyncset.done $0x0  }
0x1b: {  	s0 =	simm.s32 $0x200;
	s3 =	simm.s32 $0x0;
	[sflag:s19] =	ssyncadd.s32 $0xFFFFFF00  }
.LBB2_2:
0x1c: {  	p0 =	sne.s32 s0, $0x9E00;
	[tilespmem:s3+$0x7980] =	vst v1;
	s3 =	smov.u32 s0;
	s0 =	sadd.s32 $0x200, s0  }
.Ltmp0:
0x1d: {  	(pc) =	sbr.rel @p0 .LBB2_2-.Ltmp0, $2  }
0x1e: {  	_ =	sdelay $0x2  }
0x1f: {  	s3 =	sshra.s32 s3, $0x2  }
0x20: {  	[tilespmem:s3+$0x7980] =	vst v1  }
0x21: {  	[bflag:$0x0] =	sbarrier.arrive $0xFFFF  }
0x22: {  	v19 =	vld [tilespmem:s14+$0xB980]  }
0x23: {  	v20 =	vld [tilespmem:s14+$0xB990]  }
0x24: {  	v21 =	vld [tilespmem:s14+$0xB9A0]  }
0x25: {  	v22 =	vld [tilespmem:s14+$0xB9B0]  }
0x26: {  	v23 =	vld [tilespmem:s14+$0xB9C0]  }
0x27: {  	v24 =	vld [tilespmem:s14+$0xB9D0]  }
0x28: {  	v25 =	vld [tilespmem:s14+$0xB9E0]  }
0x29: {  	v26 =	vld [tilespmem:s14+$0xB9F0];
	[tilespmem:$0xB180] =	vst v2  }
0x2a: {  	[tilespmem:$0xB200] =	vst v3  }
0x2b: {  	[tilespmem:$0xB280] =	vst v4  }
0x2c: {  	[tilespmem:$0xB300] =	vst v5  }
0x2d: {  	[tilespmem:$0xB380] =	vst v6  }
0x2e: {  	[tilespmem:$0xB400] =	vst v7  }
0x2f: {  	[tilespmem:$0xB480] =	vst v8  }
0x30: {  	[tilespmem:$0xB500] =	vst v9  }
0x31: {  	[tilespmem:$0xB580] =	vst v10  }
0x32: {  	[tilespmem:$0xB600] =	vst v11  }
0x33: {  	[tilespmem:$0xB680] =	vst v12  }
0x34: {  	[tilespmem:$0xB700] =	vst v13  }
0x35: {  	[tilespmem:$0xB780] =	vst v14  }
0x36: {  	[tilespmem:$0xB800] =	vst v15  }
0x37: {  	[tilespmem:$0xB880] =	vst v16  }
0x38: {  	s0 =	simm.s32 $0x0;
	s3 =	simm.s32 $0x0;
	[tilespmem:$0xB900] =	vst v17  }
.LBB2_4:
0x39: {  	s9 =	smul.u32 $0x50, s3;
	_ =	sdelay $0x1  }
0x3a: {  	s9 =	sadd.s32 s12, s9  }
0x3b: {  	s10 =	sshrl.u32 s9, $0x3  }
0x3c: {  	s20 =	sadd.s32 s5, s10  }
0x3d: {  	[tilespmem:s0], [sflag:$0x1] =	stream.linear.gather [hbm4b:s20+s0], $0x50, $0x38;
	[tilespmem:$0x1F680] =	vst v63  }
0x3e: {  	_ =	swait.ge [sflag:s19], $0x50  }
0x3f: {  	[sflag:s19] =	ssyncset.done $0x0  }
0x40: {  	s10 =	sadd.s32 s6, s10;
	[sflag:s19] =	ssyncadd.s32 $0xFFFFFFB0  }
0x41: {  	[tilespmem:s21], [sflag:$0x1] =	stream.linear.gather [hbm4b:s10+s0], $0x50, $0x38;
	[tilespmem:$0x1F680] =	vst v63  }
0x42: {  	_ =	swait.ge [sflag:s19], $0x50  }
0x43: {  	[sflag:s19] =	ssyncset.done $0x0  }
0x44: {  	[sflag:s19] =	ssyncadd.s32 $0xFFFFFFB0  }
0x45: {  	v27 =	vld [tilespmem:$0x80]  }
0x46: {  	v28 =	vld [tilespmem:$0x0]  }
0x47: {  	v29 =	vld [tilespmem:$0x90]  }
0x48: {  	v30 =	vld [tilespmem:$0x10]  }
0x49: {  	v31 =	vld [tilespmem:$0xA0]  }
0x4a: {  	v32 =	vld [tilespmem:$0x20];
	vm0 =	vlt.s32 v27, $0x270F  }
0x4b: {  	v33 =	vld [tilespmem:$0xB0];
	v28 =	vadd.s32 v0, v28;
	v27 =	vnsel vm0, $0x270F, v27  }
0x4c: {  	v61 =	vld [tilespmem:$0x40];
	vm12 =	vlt.s32 v29, $0x270F;
	[tilespmem:$0x0] =	vst v28;
	v27 =	vadd.s32 v0, v27  }
0x4d: {  	v60 =	vld [tilespmem:$0xC0];
	v29 =	vnsel vm12, $0x270F, v29;
	[tilespmem:$0x100] =	vst v27;
	v27 =	vadd.s32 v0, v30  }
0x4e: {  	v59 =	vld [tilespmem:$0x30];
	vm13 =	vlt.s32 v31, $0x270F;
	[tilespmem:$0x10] =	vst v27;
	v27 =	vadd.s32 v0, v29  }
0x4f: {  	v62 =	vadd.s32 v0, v32;
	[tilespmem:$0x110] =	vst v27;
	v27 =	vnsel vm13, $0x270F, v31  }
0x50: {  	vm14 =	vlt.s32 v33, $0x270F;
	[tilespmem:$0x20] =	vst v62;
	v27 =	vadd.s32 v0, v27  }
0x51: {  	v63 =	vadd.s32 v0, v61;
	[tilespmem:$0x120] =	vst v27;
	v27 =	vnsel vm14, $0x270F, v33  }
0x52: {  	vm15 =	vlt.s32 v60, $0x270F;
	[tilespmem:$0x40] =	vst v63;
	v27 =	vadd.s32 v0, v27  }
0x53: {  	v28 =	vadd.s32 v0, v59;
	[tilespmem:$0x130] =	vst v27;
	v27 =	vnsel vm15, $0x270F, v60  }
0x54: {  	[tilespmem:$0x30] =	vst v28;
	v27 =	vadd.s32 v0, v27  }
0x55: {  	[tilespmem:$0x140] =	vst v27  }
0x56: {  	[tilespmem:s23], [sflag:$0x1] =	stream.indirect.gather [hbm4b:s1+s22], $0x80, s0, s22, $0xb8;
	[tilespmem:$0x1F680] =	vst v63  }
0x57: {  	_ =	swait.ge [sflag:s19], $0x2800  }
0x58: {  	[sflag:s19] =	ssyncset.done $0x0  }
0x59: {  	[sflag:s19] =	ssyncadd.s32 $0xFFFFD800  }
0x5a: {  	[tilespmem:s25], [sflag:$0x1] =	stream.indirect.gather [hbm4b:s8+s22], $0x80, s24, s22, $0xb8;
	[tilespmem:$0x1F680] =	vst v63  }
0x5b: {  	s9 =	sadd.s32 s15, s9;
	_ =	swait.ge [sflag:s19], $0x2800  }
0x5c: {  	s20 =	sshll.u32 s9, $0x4;
	[sflag:s19] =	ssyncset.done $0x0  }
0x5d: {  	s9 =	sadd.s32 s7, s20;
	[sflag:s19] =	ssyncadd.s32 $0xFFFFD800  }
0x5e: {  	[tilespmem:s26], [sflag:$0x1] =	stream.linear.gather [hbm4b:s9+s0], $0x2800, $0x38;
	[tilespmem:$0x1F680] =	vst v63  }
0x5f: {  	_ =	swait.ge [sflag:s19], $0x2800  }
0x60: {  	[sflag:s19] =	ssyncset.done $0x0  }
0x61: {  	s9 =	simm.s32 $0x0;
	[sflag:s19] =	ssyncadd.s32 $0xFFFFD800  }
.LBB2_5:
0x62: {  	s10 =	sshll.u32 s9, $0xB  }
0x63: {  	v27 =	vld [tilespmem:s10+$0x180]  }
0x64: {  	v28 =	vld [tilespmem:s10+$0x2980]  }
0x65: {  	v29 =	vld [tilespmem:s10+$0x5180]  }
0x66: {  	v30 =	vld [tilespmem:s10+$0x190]  }
0x67: {  	v31 =	vld [tilespmem:s10+$0x2990]  }
0x68: {  	v32 =	vld [tilespmem:s10+$0x5190]  }
0x69: {  	v33 =	vld [tilespmem:s10+$0x1A0]  }
0x6a: {  	v34 =	vld [tilespmem:s10+$0x29A0]  }
0x6b: {  	v36 =	vld [tilespmem:s10+$0x1B0]  }
0x6c: {  	v40 =	vld [tilespmem:s10+$0x29B0]  }
0x6d: {  	v35 =	vld [tilespmem:s10+$0x51A0]  }
0x6e: {  	v41 =	vld [tilespmem:s10+$0x51B0];
	v27 =	vadd.f32 v28, v27;
	v30 =	vadd.f32 v31, v30  }
0x6f: {  	v42 =	vadd.f32 v34, v33  }
0x70: {  	v27 =	vadd.f32 v29, v27;
	v30 =	vadd.f32 v32, v30  }
0x71: {  	v28 =	vadd.f32 v40, v36  }
0x72: {  	v31 =	vadd.f32 v35, v42;
	v43 =	vmul.f32 $2.000000030e-01, v27;
	v44 =	vmul.f32 $2.000000030e-01, v30  }
0x73: {  	v28 =	vadd.f32 v41, v28  }
0x74: {  	v45 =	vmul.f32 $2.000000030e-01, v31;
	v27 =	vmax.f32 v27, v43;
	v30 =	vmax.f32 v30, v44  }
0x75: {  	v27 =	vmul.f32 v27, v19;
	v46 =	vmul.f32 v30, v20  }
0x76: {  	v48 =	vmul.f32 $2.000000030e-01, v28;
	v47 =	vmax.f32 v31, v45  }
0x77: {  	v49 =	vmul.f32 v47, v21;
	v27 =	vadd.f32 v46, v27  }
0x78: {  	v28 =	vmax.f32 v28, v48  }
0x79: {  	v28 =	vmul.f32 v28, v22;
	v27 =	vadd.f32 v49, v27;
	_ =	sdelay $0x1  }
0x7a: {  	v27 =	vadd.f32 v28, v27;
	_ =	sdelay $0x1  }
0x7b: {  	[tilespmem:$0xA180] =	vst v27  }
0x7c: {  	v27 =	vld [tilespmem:s10+$0x1C0]  }
0x7d: {  	v50 =	vld [tilespmem:s10+$0x29C0]  }
0x7e: {  	v51 =	vld [tilespmem:s10+$0x51C0]  }
0x7f: {  	v52 =	vld [tilespmem:s10+$0x1D0]  }
0x80: {  	v53 =	vld [tilespmem:s10+$0x29D0]  }
0x81: {  	v54 =	vld [tilespmem:s10+$0x51D0]  }
0x82: {  	v55 =	vld [tilespmem:s10+$0x1E0]  }
0x83: {  	v56 =	vld [tilespmem:s10+$0x29E0]  }
0x84: {  	v58 =	vld [tilespmem:s10+$0x1F0]  }
0x85: {  	v59 =	vld [tilespmem:s10+$0x29F0]  }
0x86: {  	v57 =	vld [tilespmem:s10+$0x51E0]  }
0x87: {  	v60 =	vld [tilespmem:s10+$0x51F0];
	v27 =	vadd.f32 v50, v27;
	v30 =	vadd.f32 v53, v52  }
0x88: {  	v61 =	vadd.f32 v56, v55  }
0x89: {  	v27 =	vadd.f32 v51, v27;
	v30 =	vadd.f32 v54, v30  }
0x8a: {  	v28 =	vadd.f32 v59, v58  }
0x8b: {  	v31 =	vadd.f32 v57, v61;
	v62 =	vmul.f32 $2.000000030e-01, v27;
	v63 =	vmul.f32 $2.000000030e-01, v30  }
0x8c: {  	v28 =	vadd.f32 v60, v28  }
0x8d: {  	v36 =	vmul.f32 $2.000000030e-01, v31;
	v27 =	vmax.f32 v27, v62;
	v30 =	vmax.f32 v30, v63  }
0x8e: {  	v27 =	vmul.f32 v27, v23;
	v37 =	vmul.f32 v30, v24  }
0x8f: {  	v39 =	vmul.f32 $2.000000030e-01, v28;
	v38 =	vmax.f32 v31, v36  }
0x90: {  	v40 =	vmul.f32 v38, v25;
	v27 =	vadd.f32 v37, v27  }
0x91: {  	v28 =	vmax.f32 v28, v39  }
0x92: {  	v28 =	vmul.f32 v28, v26;
	v27 =	vadd.f32 v40, v27;
	_ =	sdelay $0x1  }
0x93: {  	v27 =	vadd.f32 v28, v27;
	_ =	sdelay $0x1  }
0x94: {  	[tilespmem:$0xA980] =	vst v27  }
0x95: {  	v27 =	vld [tilespmem:s10+$0x200]  }
0x96: {  	v41 =	vld [tilespmem:s10+$0x2A00]  }
0x97: {  	v42 =	vld [tilespmem:s10+$0x5200]  }
0x98: {  	v43 =	vld [tilespmem:s10+$0x210]  }
0x99: {  	v44 =	vld [tilespmem:s10+$0x2A10]  }
0x9a: {  	v45 =	vld [tilespmem:s10+$0x5210]  }
0x9b: {  	v46 =	vld [tilespmem:s10+$0x220]  }
0x9c: {  	v47 =	vld [tilespmem:s10+$0x2A20]  }
0x9d: {  	v49 =	vld [tilespmem:s10+$0x230]  }
0x9e: {  	v50 =	vld [tilespmem:s10+$0x2A30]  }
0x9f: {  	v48 =	vld [tilespmem:s10+$0x5220]  }
0xa0: {  	v51 =	vld [tilespmem:s10+$0x5230];
	v27 =	vadd.f32 v41, v27;
	v30 =	vadd.f32 v44, v43  }
0xa1: {  	v52 =	vadd.f32 v47, v46  }
0xa2: {  	v27 =	vadd.f32 v42, v27;
	v30 =	vadd.f32 v45, v30  }
0xa3: {  	v28 =	vadd.f32 v50, v49  }
0xa4: {  	v31 =	vadd.f32 v48, v52;
	v53 =	vmul.f32 $2.000000030e-01, v27;
	v54 =	vmul.f32 $2.000000030e-01, v30  }
0xa5: {  	v28 =	vadd.f32 v51, v28  }
0xa6: {  	v55 =	vmul.f32 $2.000000030e-01, v31;
	v27 =	vmax.f32 v27, v53;
	v30 =	vmax.f32 v30, v54  }
0xa7: {  	v27 =	vmul.f32 v27, v19;
	v56 =	vmul.f32 v30, v20  }
0xa8: {  	v58 =	vmul.f32 $2.000000030e-01, v28;
	v57 =	vmax.f32 v31, v55  }
0xa9: {  	v59 =	vmul.f32 v57, v21;
	v27 =	vadd.f32 v56, v27  }
0xaa: {  	v28 =	vmax.f32 v28, v58  }
0xab: {  	v28 =	vmul.f32 v28, v22;
	v27 =	vadd.f32 v59, v27;
	_ =	sdelay $0x1  }
0xac: {  	v27 =	vadd.f32 v28, v27;
	_ =	sdelay $0x1  }
0xad: {  	[tilespmem:$0xA200] =	vst v27  }
0xae: {  	v27 =	vld [tilespmem:s10+$0x240]  }
0xaf: {  	v60 =	vld [tilespmem:s10+$0x2A40]  }
0xb0: {  	v61 =	vld [tilespmem:s10+$0x5240]  }
0xb1: {  	v62 =	vld [tilespmem:s10+$0x250]  }
0xb2: {  	v63 =	vld [tilespmem:s10+$0x2A50]  }
0xb3: {  	v40 =	vld [tilespmem:s10+$0x5250]  }
0xb4: {  	v41 =	vld [tilespmem:s10+$0x260]  }
0xb5: {  	v42 =	vld [tilespmem:s10+$0x2A60]  }
0xb6: {  	v44 =	vld [tilespmem:s10+$0x270]  }
0xb7: {  	v45 =	vld [tilespmem:s10+$0x2A70]  }
0xb8: {  	v43 =	vld [tilespmem:s10+$0x5260]  }
0xb9: {  	v46 =	vld [tilespmem:s10+$0x5270];
	v27 =	vadd.f32 v60, v27;
	v30 =	vadd.f32 v63, v62  }
0xba: {  	v47 =	vadd.f32 v42, v41  }
0xbb: {  	v27 =	vadd.f32 v61, v27;
	v30 =	vadd.f32 v40, v30  }
0xbc: {  	v28 =	vadd.f32 v45, v44  }
0xbd: {  	v31 =	vadd.f32 v43, v47;
	v48 =	vmul.f32 $2.000000030e-01, v27;
	v49 =	vmul.f32 $2.000000030e-01, v30  }
0xbe: {  	v28 =	vadd.f32 v46, v28  }
0xbf: {  	v50 =	vmul.f32 $2.000000030e-01, v31;
	v27 =	vmax.f32 v27, v48;
	v30 =	vmax.f32 v30, v49  }
0xc0: {  	v27 =	vmul.f32 v27, v23;
	v51 =	vmul.f32 v30, v24  }
0xc1: {  	v53 =	vmul.f32 $2.000000030e-01, v28;
	v52 =	vmax.f32 v31, v50  }
0xc2: {  	v54 =	vmul.f32 v52, v25;
	v27 =	vadd.f32 v51, v27  }
0xc3: {  	v28 =	vmax.f32 v28, v53  }
0xc4: {  	v28 =	vmul.f32 v28, v26;
	v27 =	vadd.f32 v54, v27;
	_ =	sdelay $0x1  }
0xc5: {  	v27 =	vadd.f32 v28, v27;
	_ =	sdelay $0x1  }
0xc6: {  	[tilespmem:$0xAA00] =	vst v27  }
0xc7: {  	v27 =	vld [tilespmem:s10+$0x280]  }
0xc8: {  	v55 =	vld [tilespmem:s10+$0x2A80]  }
0xc9: {  	v56 =	vld [tilespmem:s10+$0x5280]  }
0xca: {  	v57 =	vld [tilespmem:s10+$0x290]  }
0xcb: {  	v58 =	vld [tilespmem:s10+$0x2A90]  }
0xcc: {  	v59 =	vld [tilespmem:s10+$0x5290]  }
0xcd: {  	v60 =	vld [tilespmem:s10+$0x2A0]  }
0xce: {  	v61 =	vld [tilespmem:s10+$0x2AA0]  }
0xcf: {  	v63 =	vld [tilespmem:s10+$0x2B0]  }
0xd0: {  	v40 =	vld [tilespmem:s10+$0x2AB0]  }
0xd1: {  	v62 =	vld [tilespmem:s10+$0x52A0]  }
0xd2: {  	v41 =	vld [tilespmem:s10+$0x52B0];
	v27 =	vadd.f32 v55, v27;
	v30 =	vadd.f32 v58, v57  }
0xd3: {  	v42 =	vadd.f32 v61, v60  }
0xd4: {  	v27 =	vadd.f32 v56, v27;
	v30 =	vadd.f32 v59, v30  }
0xd5: {  	v28 =	vadd.f32 v40, v63  }
0xd6: {  	v31 =	vadd.f32 v62, v42;
	v43 =	vmul.f32 $2.000000030e-01, v27;
	v44 =	vmul.f32 $2.000000030e-01, v30  }
0xd7: {  	v28 =	vadd.f32 v41, v28  }
0xd8: {  	v45 =	vmul.f32 $2.000000030e-01, v31;
	v27 =	vmax.f32 v27, v43;
	v30 =	vmax.f32 v30, v44  }
0xd9: {  	v27 =	vmul.f32 v27, v19;
	v46 =	vmul.f32 v30, v20  }
0xda: {  	v48 =	vmul.f32 $2.000000030e-01, v28;
	v47 =	vmax.f32 v31, v45  }
0xdb: {  	v49 =	vmul.f32 v47, v21;
	v27 =	vadd.f32 v46, v27  }
0xdc: {  	v28 =	vmax.f32 v28, v48  }
0xdd: {  	v28 =	vmul.f32 v28, v22;
	v27 =	vadd.f32 v49, v27;
	_ =	sdelay $0x1  }
0xde: {  	v27 =	vadd.f32 v28, v27;
	_ =	sdelay $0x1  }
0xdf: {  	[tilespmem:$0xA280] =	vst v27  }
0xe0: {  	v27 =	vld [tilespmem:s10+$0x2C0]  }
0xe1: {  	v50 =	vld [tilespmem:s10+$0x2AC0]  }
0xe2: {  	v51 =	vld [tilespmem:s10+$0x52C0]  }
0xe3: {  	v52 =	vld [tilespmem:s10+$0x2D0]  }
0xe4: {  	v53 =	vld [tilespmem:s10+$0x2AD0]  }
0xe5: {  	v54 =	vld [tilespmem:s10+$0x52D0]  }
0xe6: {  	v55 =	vld [tilespmem:s10+$0x2E0]  }
0xe7: {  	v56 =	vld [tilespmem:s10+$0x2AE0]  }
0xe8: {  	v58 =	vld [tilespmem:s10+$0x2F0]  }
0xe9: {  	v59 =	vld [tilespmem:s10+$0x2AF0]  }
0xea: {  	v57 =	vld [tilespmem:s10+$0x52E0]  }
0xeb: {  	v60 =	vld [tilespmem:s10+$0x52F0];
	v27 =	vadd.f32 v50, v27;
	v30 =	vadd.f32 v53, v52  }
0xec: {  	v61 =	vadd.f32 v56, v55  }
0xed: {  	v27 =	vadd.f32 v51, v27;
	v30 =	vadd.f32 v54, v30  }
0xee: {  	v28 =	vadd.f32 v59, v58  }
0xef: {  	v31 =	vadd.f32 v57, v61;
	v62 =	vmul.f32 $2.000000030e-01, v27;
	v63 =	vmul.f32 $2.000000030e-01, v30  }
0xf0: {  	v28 =	vadd.f32 v60, v28  }
0xf1: {  	v36 =	vmul.f32 $2.000000030e-01, v31;
	v27 =	vmax.f32 v27, v62;
	v30 =	vmax.f32 v30, v63  }
0xf2: {  	v27 =	vmul.f32 v27, v23;
	v37 =	vmul.f32 v30, v24  }
0xf3: {  	v39 =	vmul.f32 $2.000000030e-01, v28;
	v38 =	vmax.f32 v31, v36  }
0xf4: {  	v40 =	vmul.f32 v38, v25;
	v27 =	vadd.f32 v37, v27  }
0xf5: {  	v28 =	vmax.f32 v28, v39  }
0xf6: {  	v28 =	vmul.f32 v28, v26;
	v27 =	vadd.f32 v40, v27;
	_ =	sdelay $0x1  }
0xf7: {  	v27 =	vadd.f32 v28, v27;
	_ =	sdelay $0x1  }
0xf8: {  	[tilespmem:$0xAA80] =	vst v27  }
0xf9: {  	v27 =	vld [tilespmem:s10+$0x300]  }
0xfa: {  	v41 =	vld [tilespmem:s10+$0x2B00]  }
0xfb: {  	v42 =	vld [tilespmem:s10+$0x5300]  }
0xfc: {  	v43 =	vld [tilespmem:s10+$0x310]  }
0xfd: {  	v44 =	vld [tilespmem:s10+$0x2B10]  }
0xfe: {  	v45 =	vld [tilespmem:s10+$0x5310]  }
0xff: {  	v46 =	vld [tilespmem:s10+$0x320]  }
0x100: {  	v47 =	vld [tilespmem:s10+$0x2B20]  }
0x101: {  	v49 =	vld [tilespmem:s10+$0x330]  }
0x102: {  	v50 =	vld [tilespmem:s10+$0x2B30]  }
0x103: {  	v48 =	vld [tilespmem:s10+$0x5320]  }
0x104: {  	v51 =	vld [tilespmem:s10+$0x5330];
	v27 =	vadd.f32 v41, v27;
	v30 =	vadd.f32 v44, v43  }
0x105: {  	v52 =	vadd.f32 v47, v46  }
0x106: {  	v27 =	vadd.f32 v42, v27;
	v30 =	vadd.f32 v45, v30  }
0x107: {  	v28 =	vadd.f32 v50, v49  }
0x108: {  	v31 =	vadd.f32 v48, v52;
	v53 =	vmul.f32 $2.000000030e-01, v27;
	v54 =	vmul.f32 $2.000000030e-01, v30  }
0x109: {  	v28 =	vadd.f32 v51, v28  }
0x10a: {  	v55 =	vmul.f32 $2.000000030e-01, v31;
	v27 =	vmax.f32 v27, v53;
	v30 =	vmax.f32 v30, v54  }
0x10b: {  	v27 =	vmul.f32 v27, v19;
	v56 =	vmul.f32 v30, v20  }
0x10c: {  	v58 =	vmul.f32 $2.000000030e-01, v28;
	v57 =	vmax.f32 v31, v55  }
0x10d: {  	v59 =	vmul.f32 v57, v21;
	v27 =	vadd.f32 v56, v27  }
0x10e: {  	v28 =	vmax.f32 v28, v58  }
0x10f: {  	v28 =	vmul.f32 v28, v22;
	v27 =	vadd.f32 v59, v27;
	_ =	sdelay $0x1  }
0x110: {  	v27 =	vadd.f32 v28, v27;
	_ =	sdelay $0x1  }
0x111: {  	[tilespmem:$0xA300] =	vst v27  }
0x112: {  	v27 =	vld [tilespmem:s10+$0x340]  }
0x113: {  	v60 =	vld [tilespmem:s10+$0x2B40]  }
0x114: {  	v61 =	vld [tilespmem:s10+$0x5340]  }
0x115: {  	v62 =	vld [tilespmem:s10+$0x350]  }
0x116: {  	v63 =	vld [tilespmem:s10+$0x2B50]  }
0x117: {  	v40 =	vld [tilespmem:s10+$0x5350]  }
0x118: {  	v41 =	vld [tilespmem:s10+$0x360]  }
0x119: {  	v42 =	vld [tilespmem:s10+$0x2B60]  }
0x11a: {  	v44 =	vld [tilespmem:s10+$0x370]  }
0x11b: {  	v45 =	vld [tilespmem:s10+$0x2B70]  }
0x11c: {  	v43 =	vld [tilespmem:s10+$0x5360]  }
0x11d: {  	v46 =	vld [tilespmem:s10+$0x5370];
	v27 =	vadd.f32 v60, v27;
	v30 =	vadd.f32 v63, v62  }
0x11e: {  	v47 =	vadd.f32 v42, v41  }
0x11f: {  	v27 =	vadd.f32 v61, v27;
	v30 =	vadd.f32 v40, v30  }
0x120: {  	v28 =	vadd.f32 v45, v44  }
0x121: {  	v31 =	vadd.f32 v43, v47;
	v48 =	vmul.f32 $2.000000030e-01, v27;
	v49 =	vmul.f32 $2.000000030e-01, v30  }
0x122: {  	v28 =	vadd.f32 v46, v28  }
0x123: {  	v50 =	vmul.f32 $2.000000030e-01, v31;
	v27 =	vmax.f32 v27, v48;
	v30 =	vmax.f32 v30, v49  }
0x124: {  	v27 =	vmul.f32 v27, v23;
	v51 =	vmul.f32 v30, v24  }
0x125: {  	v53 =	vmul.f32 $2.000000030e-01, v28;
	v52 =	vmax.f32 v31, v50  }
0x126: {  	v54 =	vmul.f32 v52, v25;
	v27 =	vadd.f32 v51, v27  }
0x127: {  	v28 =	vmax.f32 v28, v53  }
0x128: {  	v28 =	vmul.f32 v28, v26;
	v27 =	vadd.f32 v54, v27;
	_ =	sdelay $0x1  }
0x129: {  	v27 =	vadd.f32 v28, v27;
	_ =	sdelay $0x1  }
0x12a: {  	[tilespmem:$0xAB00] =	vst v27  }
0x12b: {  	v27 =	vld [tilespmem:s10+$0x380]  }
0x12c: {  	v55 =	vld [tilespmem:s10+$0x2B80]  }
0x12d: {  	v56 =	vld [tilespmem:s10+$0x5380]  }
0x12e: {  	v57 =	vld [tilespmem:s10+$0x390]  }
0x12f: {  	v58 =	vld [tilespmem:s10+$0x2B90]  }
0x130: {  	v59 =	vld [tilespmem:s10+$0x5390]  }
0x131: {  	v60 =	vld [tilespmem:s10+$0x3A0]  }
0x132: {  	v61 =	vld [tilespmem:s10+$0x2BA0]  }
0x133: {  	v63 =	vld [tilespmem:s10+$0x3B0]  }
0x134: {  	v40 =	vld [tilespmem:s10+$0x2BB0]  }
0x135: {  	v62 =	vld [tilespmem:s10+$0x53A0]  }
0x136: {  	v41 =	vld [tilespmem:s10+$0x53B0];
	v27 =	vadd.f32 v55, v27;
	v30 =	vadd.f32 v58, v57  }
0x137: {  	v42 =	vadd.f32 v61, v60  }
0x138: {  	v27 =	vadd.f32 v56, v27;
	v30 =	vadd.f32 v59, v30  }
0x139: {  	v28 =	vadd.f32 v40, v63  }
0x13a: {  	v31 =	vadd.f32 v62, v42;
	v43 =	vmul.f32 $2.000000030e-01, v27;
	v44 =	vmul.f32 $2.000000030e-01, v30  }
0x13b: {  	v28 =	vadd.f32 v41, v28  }
0x13c: {  	v45 =	vmul.f32 $2.000000030e-01, v31;
	v27 =	vmax.f32 v27, v43;
	v30 =	vmax.f32 v30, v44  }
0x13d: {  	v27 =	vmul.f32 v27, v19;
	v46 =	vmul.f32 v30, v20  }
0x13e: {  	v48 =	vmul.f32 $2.000000030e-01, v28;
	v47 =	vmax.f32 v31, v45  }
0x13f: {  	v49 =	vmul.f32 v47, v21;
	v27 =	vadd.f32 v46, v27  }
0x140: {  	v28 =	vmax.f32 v28, v48  }
0x141: {  	v28 =	vmul.f32 v28, v22;
	v27 =	vadd.f32 v49, v27;
	_ =	sdelay $0x1  }
0x142: {  	v27 =	vadd.f32 v28, v27;
	_ =	sdelay $0x1  }
0x143: {  	[tilespmem:$0xA380] =	vst v27  }
0x144: {  	v27 =	vld [tilespmem:s10+$0x3C0]  }
0x145: {  	v50 =	vld [tilespmem:s10+$0x2BC0]  }
0x146: {  	v51 =	vld [tilespmem:s10+$0x53C0]  }
0x147: {  	v52 =	vld [tilespmem:s10+$0x3D0]  }
0x148: {  	v53 =	vld [tilespmem:s10+$0x2BD0]  }
0x149: {  	v54 =	vld [tilespmem:s10+$0x53D0]  }
0x14a: {  	v55 =	vld [tilespmem:s10+$0x3E0]  }
0x14b: {  	v56 =	vld [tilespmem:s10+$0x2BE0]  }
0x14c: {  	v58 =	vld [tilespmem:s10+$0x3F0]  }
0x14d: {  	v59 =	vld [tilespmem:s10+$0x2BF0]  }
0x14e: {  	v57 =	vld [tilespmem:s10+$0x53E0]  }
0x14f: {  	v60 =	vld [tilespmem:s10+$0x53F0];
	v27 =	vadd.f32 v50, v27;
	v30 =	vadd.f32 v53, v52  }
0x150: {  	v61 =	vadd.f32 v56, v55  }
0x151: {  	v27 =	vadd.f32 v51, v27;
	v30 =	vadd.f32 v54, v30  }
0x152: {  	v28 =	vadd.f32 v59, v58  }
0x153: {  	v31 =	vadd.f32 v57, v61;
	v62 =	vmul.f32 $2.000000030e-01, v27;
	v63 =	vmul.f32 $2.000000030e-01, v30  }
0x154: {  	v28 =	vadd.f32 v60, v28  }
0x155: {  	v36 =	vmul.f32 $2.000000030e-01, v31;
	v27 =	vmax.f32 v27, v62;
	v30 =	vmax.f32 v30, v63  }
0x156: {  	v27 =	vmul.f32 v27, v23;
	v37 =	vmul.f32 v30, v24  }
0x157: {  	v39 =	vmul.f32 $2.000000030e-01, v28;
	v38 =	vmax.f32 v31, v36  }
0x158: {  	v40 =	vmul.f32 v38, v25;
	v27 =	vadd.f32 v37, v27  }
0x159: {  	v28 =	vmax.f32 v28, v39  }
0x15a: {  	v28 =	vmul.f32 v28, v26;
	v27 =	vadd.f32 v40, v27;
	_ =	sdelay $0x1  }
0x15b: {  	v27 =	vadd.f32 v28, v27;
	_ =	sdelay $0x1  }
0x15c: {  	[tilespmem:$0xAB80] =	vst v27  }
0x15d: {  	v27 =	vld [tilespmem:s10+$0x400]  }
0x15e: {  	v41 =	vld [tilespmem:s10+$0x2C00]  }
0x15f: {  	v42 =	vld [tilespmem:s10+$0x5400]  }
0x160: {  	v43 =	vld [tilespmem:s10+$0x410]  }
0x161: {  	v44 =	vld [tilespmem:s10+$0x2C10]  }
0x162: {  	v45 =	vld [tilespmem:s10+$0x5410]  }
0x163: {  	v46 =	vld [tilespmem:s10+$0x420]  }
0x164: {  	v47 =	vld [tilespmem:s10+$0x2C20]  }
0x165: {  	v49 =	vld [tilespmem:s10+$0x430]  }
0x166: {  	v50 =	vld [tilespmem:s10+$0x2C30]  }
0x167: {  	v48 =	vld [tilespmem:s10+$0x5420]  }
0x168: {  	v51 =	vld [tilespmem:s10+$0x5430];
	v27 =	vadd.f32 v41, v27;
	v30 =	vadd.f32 v44, v43  }
0x169: {  	v52 =	vadd.f32 v47, v46  }
0x16a: {  	v27 =	vadd.f32 v42, v27;
	v30 =	vadd.f32 v45, v30  }
0x16b: {  	v28 =	vadd.f32 v50, v49  }
0x16c: {  	v31 =	vadd.f32 v48, v52;
	v53 =	vmul.f32 $2.000000030e-01, v27;
	v54 =	vmul.f32 $2.000000030e-01, v30  }
0x16d: {  	v28 =	vadd.f32 v51, v28  }
0x16e: {  	v55 =	vmul.f32 $2.000000030e-01, v31;
	v27 =	vmax.f32 v27, v53;
	v30 =	vmax.f32 v30, v54  }
0x16f: {  	v27 =	vmul.f32 v27, v19;
	v56 =	vmul.f32 v30, v20  }
0x170: {  	v58 =	vmul.f32 $2.000000030e-01, v28;
	v57 =	vmax.f32 v31, v55  }
0x171: {  	v59 =	vmul.f32 v57, v21;
	v27 =	vadd.f32 v56, v27  }
0x172: {  	v28 =	vmax.f32 v28, v58  }
0x173: {  	v28 =	vmul.f32 v28, v22;
	v27 =	vadd.f32 v59, v27;
	_ =	sdelay $0x1  }
0x174: {  	v27 =	vadd.f32 v28, v27;
	_ =	sdelay $0x1  }
0x175: {  	[tilespmem:$0xA400] =	vst v27  }
0x176: {  	v27 =	vld [tilespmem:s10+$0x440]  }
0x177: {  	v60 =	vld [tilespmem:s10+$0x2C40]  }
0x178: {  	v61 =	vld [tilespmem:s10+$0x5440]  }
0x179: {  	v62 =	vld [tilespmem:s10+$0x450]  }
0x17a: {  	v63 =	vld [tilespmem:s10+$0x2C50]  }
0x17b: {  	v40 =	vld [tilespmem:s10+$0x5450]  }
0x17c: {  	v41 =	vld [tilespmem:s10+$0x460]  }
0x17d: {  	v42 =	vld [tilespmem:s10+$0x2C60]  }
0x17e: {  	v44 =	vld [tilespmem:s10+$0x470]  }
0x17f: {  	v45 =	vld [tilespmem:s10+$0x2C70]  }
0x180: {  	v43 =	vld [tilespmem:s10+$0x5460]  }
0x181: {  	v46 =	vld [tilespmem:s10+$0x5470];
	v27 =	vadd.f32 v60, v27;
	v30 =	vadd.f32 v63, v62  }
0x182: {  	v47 =	vadd.f32 v42, v41  }
0x183: {  	v27 =	vadd.f32 v61, v27;
	v30 =	vadd.f32 v40, v30  }
0x184: {  	v28 =	vadd.f32 v45, v44  }
0x185: {  	v31 =	vadd.f32 v43, v47;
	v48 =	vmul.f32 $2.000000030e-01, v27;
	v49 =	vmul.f32 $2.000000030e-01, v30  }
0x186: {  	v28 =	vadd.f32 v46, v28  }
0x187: {  	v50 =	vmul.f32 $2.000000030e-01, v31;
	v27 =	vmax.f32 v27, v48;
	v30 =	vmax.f32 v30, v49  }
0x188: {  	v27 =	vmul.f32 v27, v23;
	v51 =	vmul.f32 v30, v24  }
0x189: {  	v53 =	vmul.f32 $2.000000030e-01, v28;
	v52 =	vmax.f32 v31, v50  }
0x18a: {  	v54 =	vmul.f32 v52, v25;
	v27 =	vadd.f32 v51, v27  }
0x18b: {  	v28 =	vmax.f32 v28, v53  }
0x18c: {  	v28 =	vmul.f32 v28, v26;
	v27 =	vadd.f32 v54, v27;
	_ =	sdelay $0x1  }
0x18d: {  	v27 =	vadd.f32 v28, v27;
	_ =	sdelay $0x1  }
0x18e: {  	[tilespmem:$0xAC00] =	vst v27  }
0x18f: {  	v27 =	vld [tilespmem:s10+$0x480]  }
0x190: {  	v55 =	vld [tilespmem:s10+$0x2C80]  }
0x191: {  	v56 =	vld [tilespmem:s10+$0x5480]  }
0x192: {  	v57 =	vld [tilespmem:s10+$0x490]  }
0x193: {  	v58 =	vld [tilespmem:s10+$0x2C90]  }
0x194: {  	v59 =	vld [tilespmem:s10+$0x5490]  }
0x195: {  	v60 =	vld [tilespmem:s10+$0x4A0]  }
0x196: {  	v61 =	vld [tilespmem:s10+$0x2CA0]  }
0x197: {  	v63 =	vld [tilespmem:s10+$0x4B0]  }
0x198: {  	v40 =	vld [tilespmem:s10+$0x2CB0]  }
0x199: {  	v62 =	vld [tilespmem:s10+$0x54A0]  }
0x19a: {  	v41 =	vld [tilespmem:s10+$0x54B0];
	v27 =	vadd.f32 v55, v27;
	v30 =	vadd.f32 v58, v57  }
0x19b: {  	v42 =	vadd.f32 v61, v60  }
0x19c: {  	v27 =	vadd.f32 v56, v27;
	v30 =	vadd.f32 v59, v30  }
0x19d: {  	v28 =	vadd.f32 v40, v63  }
0x19e: {  	v31 =	vadd.f32 v62, v42;
	v43 =	vmul.f32 $2.000000030e-01, v27;
	v44 =	vmul.f32 $2.000000030e-01, v30  }
0x19f: {  	v28 =	vadd.f32 v41, v28  }
0x1a0: {  	v45 =	vmul.f32 $2.000000030e-01, v31;
	v27 =	vmax.f32 v27, v43;
	v30 =	vmax.f32 v30, v44  }
0x1a1: {  	v27 =	vmul.f32 v27, v19;
	v46 =	vmul.f32 v30, v20  }
0x1a2: {  	v48 =	vmul.f32 $2.000000030e-01, v28;
	v47 =	vmax.f32 v31, v45  }
0x1a3: {  	v49 =	vmul.f32 v47, v21;
	v27 =	vadd.f32 v46, v27  }
0x1a4: {  	v28 =	vmax.f32 v28, v48  }
0x1a5: {  	v28 =	vmul.f32 v28, v22;
	v27 =	vadd.f32 v49, v27;
	_ =	sdelay $0x1  }
0x1a6: {  	v27 =	vadd.f32 v28, v27;
	_ =	sdelay $0x1  }
0x1a7: {  	[tilespmem:$0xA480] =	vst v27  }
0x1a8: {  	v27 =	vld [tilespmem:s10+$0x4C0]  }
0x1a9: {  	v50 =	vld [tilespmem:s10+$0x2CC0]  }
0x1aa: {  	v51 =	vld [tilespmem:s10+$0x54C0]  }
0x1ab: {  	v52 =	vld [tilespmem:s10+$0x4D0]  }
0x1ac: {  	v53 =	vld [tilespmem:s10+$0x2CD0]  }
0x1ad: {  	v54 =	vld [tilespmem:s10+$0x54D0]  }
0x1ae: {  	v55 =	vld [tilespmem:s10+$0x4E0]  }
0x1af: {  	v56 =	vld [tilespmem:s10+$0x2CE0]  }
0x1b0: {  	v58 =	vld [tilespmem:s10+$0x4F0]  }
0x1b1: {  	v59 =	vld [tilespmem:s10+$0x2CF0]  }
0x1b2: {  	v57 =	vld [tilespmem:s10+$0x54E0]  }
0x1b3: {  	v60 =	vld [tilespmem:s10+$0x54F0];
	v27 =	vadd.f32 v50, v27;
	v30 =	vadd.f32 v53, v52  }
0x1b4: {  	v61 =	vadd.f32 v56, v55  }
0x1b5: {  	v27 =	vadd.f32 v51, v27;
	v30 =	vadd.f32 v54, v30  }
0x1b6: {  	v28 =	vadd.f32 v59, v58  }
0x1b7: {  	v31 =	vadd.f32 v57, v61;
	v62 =	vmul.f32 $2.000000030e-01, v27;
	v63 =	vmul.f32 $2.000000030e-01, v30  }
0x1b8: {  	v28 =	vadd.f32 v60, v28  }
0x1b9: {  	v36 =	vmul.f32 $2.000000030e-01, v31;
	v27 =	vmax.f32 v27, v62;
	v30 =	vmax.f32 v30, v63  }
0x1ba: {  	v27 =	vmul.f32 v27, v23;
	v37 =	vmul.f32 v30, v24  }
0x1bb: {  	v39 =	vmul.f32 $2.000000030e-01, v28;
	v38 =	vmax.f32 v31, v36  }
0x1bc: {  	v40 =	vmul.f32 v38, v25;
	v27 =	vadd.f32 v37, v27  }
0x1bd: {  	v28 =	vmax.f32 v28, v39  }
0x1be: {  	v28 =	vmul.f32 v28, v26;
	v27 =	vadd.f32 v40, v27;
	_ =	sdelay $0x1  }
0x1bf: {  	v27 =	vadd.f32 v28, v27;
	_ =	sdelay $0x1  }
0x1c0: {  	[tilespmem:$0xAC80] =	vst v27  }
0x1c1: {  	v27 =	vld [tilespmem:s10+$0x500]  }
0x1c2: {  	v41 =	vld [tilespmem:s10+$0x2D00]  }
0x1c3: {  	v42 =	vld [tilespmem:s10+$0x5500]  }
0x1c4: {  	v43 =	vld [tilespmem:s10+$0x510]  }
0x1c5: {  	v44 =	vld [tilespmem:s10+$0x2D10]  }
0x1c6: {  	v45 =	vld [tilespmem:s10+$0x5510]  }
0x1c7: {  	v46 =	vld [tilespmem:s10+$0x520]  }
0x1c8: {  	v47 =	vld [tilespmem:s10+$0x2D20]  }
0x1c9: {  	v49 =	vld [tilespmem:s10+$0x530]  }
0x1ca: {  	v50 =	vld [tilespmem:s10+$0x2D30]  }
0x1cb: {  	v48 =	vld [tilespmem:s10+$0x5520]  }
0x1cc: {  	v51 =	vld [tilespmem:s10+$0x5530];
	v27 =	vadd.f32 v41, v27;
	v30 =	vadd.f32 v44, v43  }
0x1cd: {  	v52 =	vadd.f32 v47, v46  }
0x1ce: {  	v27 =	vadd.f32 v42, v27;
	v30 =	vadd.f32 v45, v30  }
0x1cf: {  	v28 =	vadd.f32 v50, v49  }
0x1d0: {  	v31 =	vadd.f32 v48, v52;
	v53 =	vmul.f32 $2.000000030e-01, v27;
	v54 =	vmul.f32 $2.000000030e-01, v30  }
0x1d1: {  	v28 =	vadd.f32 v51, v28  }
0x1d2: {  	v55 =	vmul.f32 $2.000000030e-01, v31;
	v27 =	vmax.f32 v27, v53;
	v30 =	vmax.f32 v30, v54  }
0x1d3: {  	v27 =	vmul.f32 v27, v19;
	v56 =	vmul.f32 v30, v20  }
0x1d4: {  	v58 =	vmul.f32 $2.000000030e-01, v28;
	v57 =	vmax.f32 v31, v55  }
0x1d5: {  	v59 =	vmul.f32 v57, v21;
	v27 =	vadd.f32 v56, v27  }
0x1d6: {  	v28 =	vmax.f32 v28, v58  }
0x1d7: {  	v28 =	vmul.f32 v28, v22;
	v27 =	vadd.f32 v59, v27;
	_ =	sdelay $0x1  }
0x1d8: {  	v27 =	vadd.f32 v28, v27;
	_ =	sdelay $0x1  }
0x1d9: {  	[tilespmem:$0xA500] =	vst v27  }
0x1da: {  	v27 =	vld [tilespmem:s10+$0x540]  }
0x1db: {  	v60 =	vld [tilespmem:s10+$0x2D40]  }
0x1dc: {  	v61 =	vld [tilespmem:s10+$0x5540]  }
0x1dd: {  	v62 =	vld [tilespmem:s10+$0x550]  }
0x1de: {  	v63 =	vld [tilespmem:s10+$0x2D50]  }
0x1df: {  	v40 =	vld [tilespmem:s10+$0x5550]  }
0x1e0: {  	v41 =	vld [tilespmem:s10+$0x560]  }
0x1e1: {  	v42 =	vld [tilespmem:s10+$0x2D60]  }
0x1e2: {  	v44 =	vld [tilespmem:s10+$0x570]  }
0x1e3: {  	v45 =	vld [tilespmem:s10+$0x2D70]  }
0x1e4: {  	v43 =	vld [tilespmem:s10+$0x5560]  }
0x1e5: {  	v46 =	vld [tilespmem:s10+$0x5570];
	v27 =	vadd.f32 v60, v27;
	v30 =	vadd.f32 v63, v62  }
0x1e6: {  	v47 =	vadd.f32 v42, v41  }
0x1e7: {  	v27 =	vadd.f32 v61, v27;
	v30 =	vadd.f32 v40, v30  }
0x1e8: {  	v28 =	vadd.f32 v45, v44  }
0x1e9: {  	v31 =	vadd.f32 v43, v47;
	v48 =	vmul.f32 $2.000000030e-01, v27;
	v49 =	vmul.f32 $2.000000030e-01, v30  }
0x1ea: {  	v28 =	vadd.f32 v46, v28  }
0x1eb: {  	v50 =	vmul.f32 $2.000000030e-01, v31;
	v27 =	vmax.f32 v27, v48;
	v30 =	vmax.f32 v30, v49  }
0x1ec: {  	v27 =	vmul.f32 v27, v23;
	v51 =	vmul.f32 v30, v24  }
0x1ed: {  	v53 =	vmul.f32 $2.000000030e-01, v28;
	v52 =	vmax.f32 v31, v50  }
0x1ee: {  	v54 =	vmul.f32 v52, v25;
	v27 =	vadd.f32 v51, v27  }
0x1ef: {  	v28 =	vmax.f32 v28, v53  }
0x1f0: {  	v28 =	vmul.f32 v28, v26;
	v27 =	vadd.f32 v54, v27;
	_ =	sdelay $0x1  }
0x1f1: {  	v27 =	vadd.f32 v28, v27;
	_ =	sdelay $0x1  }
0x1f2: {  	[tilespmem:$0xAD00] =	vst v27  }
0x1f3: {  	v27 =	vld [tilespmem:s10+$0x580]  }
0x1f4: {  	v55 =	vld [tilespmem:s10+$0x2D80]  }
0x1f5: {  	v56 =	vld [tilespmem:s10+$0x5580]  }
0x1f6: {  	v57 =	vld [tilespmem:s10+$0x590]  }
0x1f7: {  	v58 =	vld [tilespmem:s10+$0x2D90]  }
0x1f8: {  	v59 =	vld [tilespmem:s10+$0x5590]  }
0x1f9: {  	v60 =	vld [tilespmem:s10+$0x5A0]  }
0x1fa: {  	v61 =	vld [tilespmem:s10+$0x2DA0]  }
0x1fb: {  	v63 =	vld [tilespmem:s10+$0x5B0]  }
0x1fc: {  	v40 =	vld [tilespmem:s10+$0x2DB0]  }
0x1fd: {  	v62 =	vld [tilespmem:s10+$0x55A0]  }
0x1fe: {  	v41 =	vld [tilespmem:s10+$0x55B0];
	v27 =	vadd.f32 v55, v27;
	v30 =	vadd.f32 v58, v57  }
0x1ff: {  	v42 =	vadd.f32 v61, v60  }
0x200: {  	v27 =	vadd.f32 v56, v27;
	v30 =	vadd.f32 v59, v30  }
0x201: {  	v28 =	vadd.f32 v40, v63  }
0x202: {  	v31 =	vadd.f32 v62, v42;
	v43 =	vmul.f32 $2.000000030e-01, v27;
	v44 =	vmul.f32 $2.000000030e-01, v30  }
0x203: {  	v28 =	vadd.f32 v41, v28  }
0x204: {  	v45 =	vmul.f32 $2.000000030e-01, v31;
	v27 =	vmax.f32 v27, v43;
	v30 =	vmax.f32 v30, v44  }
0x205: {  	v27 =	vmul.f32 v27, v19;
	v46 =	vmul.f32 v30, v20  }
0x206: {  	v48 =	vmul.f32 $2.000000030e-01, v28;
	v47 =	vmax.f32 v31, v45  }
0x207: {  	v49 =	vmul.f32 v47, v21;
	v27 =	vadd.f32 v46, v27  }
0x208: {  	v28 =	vmax.f32 v28, v48  }
0x209: {  	v28 =	vmul.f32 v28, v22;
	v27 =	vadd.f32 v49, v27;
	_ =	sdelay $0x1  }
0x20a: {  	v27 =	vadd.f32 v28, v27;
	_ =	sdelay $0x1  }
0x20b: {  	[tilespmem:$0xA580] =	vst v27  }
0x20c: {  	v27 =	vld [tilespmem:s10+$0x5C0]  }
0x20d: {  	v50 =	vld [tilespmem:s10+$0x2DC0]  }
0x20e: {  	v51 =	vld [tilespmem:s10+$0x55C0]  }
0x20f: {  	v52 =	vld [tilespmem:s10+$0x5D0]  }
0x210: {  	v53 =	vld [tilespmem:s10+$0x2DD0]  }
0x211: {  	v54 =	vld [tilespmem:s10+$0x55D0]  }
0x212: {  	v55 =	vld [tilespmem:s10+$0x5E0]  }
0x213: {  	v56 =	vld [tilespmem:s10+$0x2DE0]  }
0x214: {  	v58 =	vld [tilespmem:s10+$0x5F0]  }
0x215: {  	v59 =	vld [tilespmem:s10+$0x2DF0]  }
0x216: {  	v57 =	vld [tilespmem:s10+$0x55E0]  }
0x217: {  	v60 =	vld [tilespmem:s10+$0x55F0];
	v27 =	vadd.f32 v50, v27;
	v30 =	vadd.f32 v53, v52  }
0x218: {  	v61 =	vadd.f32 v56, v55  }
0x219: {  	v27 =	vadd.f32 v51, v27;
	v30 =	vadd.f32 v54, v30  }
0x21a: {  	v28 =	vadd.f32 v59, v58  }
0x21b: {  	v31 =	vadd.f32 v57, v61;
	v62 =	vmul.f32 $2.000000030e-01, v27;
	v63 =	vmul.f32 $2.000000030e-01, v30  }
0x21c: {  	v28 =	vadd.f32 v60, v28  }
0x21d: {  	v36 =	vmul.f32 $2.000000030e-01, v31;
	v27 =	vmax.f32 v27, v62;
	v30 =	vmax.f32 v30, v63  }
0x21e: {  	v27 =	vmul.f32 v27, v23;
	v37 =	vmul.f32 v30, v24  }
0x21f: {  	v39 =	vmul.f32 $2.000000030e-01, v28;
	v38 =	vmax.f32 v31, v36  }
0x220: {  	v40 =	vmul.f32 v38, v25;
	v27 =	vadd.f32 v37, v27  }
0x221: {  	v28 =	vmax.f32 v28, v39  }
0x222: {  	v28 =	vmul.f32 v28, v26;
	v27 =	vadd.f32 v40, v27;
	_ =	sdelay $0x1  }
0x223: {  	v27 =	vadd.f32 v28, v27;
	_ =	sdelay $0x1  }
0x224: {  	[tilespmem:$0xAD80] =	vst v27  }
0x225: {  	v27 =	vld [tilespmem:s10+$0x600]  }
0x226: {  	v41 =	vld [tilespmem:s10+$0x2E00]  }
0x227: {  	v42 =	vld [tilespmem:s10+$0x5600]  }
0x228: {  	v43 =	vld [tilespmem:s10+$0x610]  }
0x229: {  	v44 =	vld [tilespmem:s10+$0x2E10]  }
0x22a: {  	v45 =	vld [tilespmem:s10+$0x5610]  }
0x22b: {  	v46 =	vld [tilespmem:s10+$0x620]  }
0x22c: {  	v47 =	vld [tilespmem:s10+$0x2E20]  }
0x22d: {  	v48 =	vld [tilespmem:s10+$0x5620]  }
0x22e: {  	v49 =	vld [tilespmem:s10+$0x630]  }
0x22f: {  	v50 =	vld [tilespmem:s10+$0x2E30];
	_ =	sdelay $0x1  }
0x230: {  	v51 =	vld [tilespmem:s10+$0x5630];
	v27 =	vadd.f32 v41, v27;
	v30 =	vadd.f32 v44, v43  }
0x231: {  	v52 =	vadd.f32 v47, v46  }
0x232: {  	v27 =	vadd.f32 v42, v27;
	v30 =	vadd.f32 v45, v30  }
0x233: {  	v28 =	vadd.f32 v50, v49  }
0x234: {  	v31 =	vadd.f32 v48, v52;
	v53 =	vmul.f32 $2.000000030e-01, v27;
	v54 =	vmul.f32 $2.000000030e-01, v30  }
0x235: {  	v28 =	vadd.f32 v51, v28  }
0x236: {  	v55 =	vmul.f32 $2.000000030e-01, v31;
	v27 =	vmax.f32 v27, v53;
	v30 =	vmax.f32 v30, v54  }
0x237: {  	v27 =	vmul.f32 v27, v19;
	v56 =	vmul.f32 v30, v20  }
0x238: {  	v58 =	vmul.f32 $2.000000030e-01, v28;
	v57 =	vmax.f32 v31, v55  }
0x239: {  	v59 =	vmul.f32 v57, v21;
	v27 =	vadd.f32 v56, v27  }
0x23a: {  	v28 =	vmax.f32 v28, v58  }
0x23b: {  	v28 =	vmul.f32 v28, v22;
	v27 =	vadd.f32 v59, v27;
	_ =	sdelay $0x1  }
0x23c: {  	v27 =	vadd.f32 v28, v27;
	_ =	sdelay $0x1  }
0x23d: {  	[tilespmem:$0xA600] =	vst v27  }
0x23e: {  	v27 =	vld [tilespmem:s10+$0x640]  }
0x23f: {  	v60 =	vld [tilespmem:s10+$0x2E40]  }
0x240: {  	v61 =	vld [tilespmem:s10+$0x5640]  }
0x241: {  	v62 =	vld [tilespmem:s10+$0x650]  }
0x242: {  	v63 =	vld [tilespmem:s10+$0x2E50]  }
0x243: {  	v40 =	vld [tilespmem:s10+$0x5650]  }
0x244: {  	v41 =	vld [tilespmem:s10+$0x660]  }
0x245: {  	v42 =	vld [tilespmem:s10+$0x2E60]  }
0x246: {  	v44 =	vld [tilespmem:s10+$0x670]  }
0x247: {  	v45 =	vld [tilespmem:s10+$0x2E70]  }
0x248: {  	v43 =	vld [tilespmem:s10+$0x5660]  }
0x249: {  	v46 =	vld [tilespmem:s10+$0x5670];
	v27 =	vadd.f32 v60, v27;
	v30 =	vadd.f32 v63, v62  }
0x24a: {  	v47 =	vadd.f32 v42, v41  }
0x24b: {  	v27 =	vadd.f32 v61, v27;
	v30 =	vadd.f32 v40, v30  }
0x24c: {  	v28 =	vadd.f32 v45, v44  }
0x24d: {  	v31 =	vadd.f32 v43, v47;
	v48 =	vmul.f32 $2.000000030e-01, v27;
	v49 =	vmul.f32 $2.000000030e-01, v30  }
0x24e: {  	v28 =	vadd.f32 v46, v28  }
0x24f: {  	v50 =	vmul.f32 $2.000000030e-01, v31;
	v27 =	vmax.f32 v27, v48;
	v30 =	vmax.f32 v30, v49  }
0x250: {  	v27 =	vmul.f32 v27, v23;
	v51 =	vmul.f32 v30, v24  }
0x251: {  	v53 =	vmul.f32 $2.000000030e-01, v28;
	v52 =	vmax.f32 v31, v50  }
0x252: {  	v54 =	vmul.f32 v52, v25;
	v27 =	vadd.f32 v51, v27  }
0x253: {  	v28 =	vmax.f32 v28, v53  }
0x254: {  	v28 =	vmul.f32 v28, v26;
	v27 =	vadd.f32 v54, v27;
	_ =	sdelay $0x1  }
0x255: {  	v27 =	vadd.f32 v28, v27;
	_ =	sdelay $0x1  }
0x256: {  	[tilespmem:$0xAE00] =	vst v27  }
0x257: {  	v27 =	vld [tilespmem:s10+$0x680]  }
0x258: {  	v55 =	vld [tilespmem:s10+$0x2E80]  }
0x259: {  	v56 =	vld [tilespmem:s10+$0x5680]  }
0x25a: {  	v57 =	vld [tilespmem:s10+$0x690]  }
0x25b: {  	v58 =	vld [tilespmem:s10+$0x2E90]  }
0x25c: {  	v59 =	vld [tilespmem:s10+$0x5690]  }
0x25d: {  	v60 =	vld [tilespmem:s10+$0x6A0]  }
0x25e: {  	v61 =	vld [tilespmem:s10+$0x2EA0]  }
0x25f: {  	v63 =	vld [tilespmem:s10+$0x6B0]  }
0x260: {  	v40 =	vld [tilespmem:s10+$0x2EB0]  }
0x261: {  	v62 =	vld [tilespmem:s10+$0x56A0]  }
0x262: {  	v41 =	vld [tilespmem:s10+$0x56B0];
	v27 =	vadd.f32 v55, v27;
	v30 =	vadd.f32 v58, v57  }
0x263: {  	v42 =	vadd.f32 v61, v60  }
0x264: {  	v27 =	vadd.f32 v56, v27;
	v30 =	vadd.f32 v59, v30  }
0x265: {  	v28 =	vadd.f32 v40, v63  }
0x266: {  	v31 =	vadd.f32 v62, v42;
	v43 =	vmul.f32 $2.000000030e-01, v27;
	v44 =	vmul.f32 $2.000000030e-01, v30  }
0x267: {  	v28 =	vadd.f32 v41, v28  }
0x268: {  	v45 =	vmul.f32 $2.000000030e-01, v31;
	v27 =	vmax.f32 v27, v43;
	v30 =	vmax.f32 v30, v44  }
0x269: {  	v27 =	vmul.f32 v27, v19;
	v46 =	vmul.f32 v30, v20  }
0x26a: {  	v48 =	vmul.f32 $2.000000030e-01, v28;
	v47 =	vmax.f32 v31, v45  }
0x26b: {  	v49 =	vmul.f32 v47, v21;
	v27 =	vadd.f32 v46, v27  }
0x26c: {  	v28 =	vmax.f32 v28, v48  }
0x26d: {  	v28 =	vmul.f32 v28, v22;
	v27 =	vadd.f32 v49, v27;
	_ =	sdelay $0x1  }
0x26e: {  	v27 =	vadd.f32 v28, v27;
	_ =	sdelay $0x1  }
0x26f: {  	[tilespmem:$0xA680] =	vst v27  }
0x270: {  	v27 =	vld [tilespmem:s10+$0x6C0]  }
0x271: {  	v50 =	vld [tilespmem:s10+$0x2EC0]  }
0x272: {  	v51 =	vld [tilespmem:s10+$0x56C0]  }
0x273: {  	v52 =	vld [tilespmem:s10+$0x6D0]  }
0x274: {  	v53 =	vld [tilespmem:s10+$0x2ED0]  }
0x275: {  	v54 =	vld [tilespmem:s10+$0x56D0]  }
0x276: {  	v55 =	vld [tilespmem:s10+$0x6E0]  }
0x277: {  	v56 =	vld [tilespmem:s10+$0x2EE0]  }
0x278: {  	v58 =	vld [tilespmem:s10+$0x6F0]  }
0x279: {  	v59 =	vld [tilespmem:s10+$0x2EF0]  }
0x27a: {  	v57 =	vld [tilespmem:s10+$0x56E0]  }
0x27b: {  	v60 =	vld [tilespmem:s10+$0x56F0];
	v27 =	vadd.f32 v50, v27;
	v30 =	vadd.f32 v53, v52  }
0x27c: {  	v61 =	vadd.f32 v56, v55  }
0x27d: {  	v27 =	vadd.f32 v51, v27;
	v30 =	vadd.f32 v54, v30  }
0x27e: {  	v28 =	vadd.f32 v59, v58  }
0x27f: {  	v31 =	vadd.f32 v57, v61;
	v62 =	vmul.f32 $2.000000030e-01, v27;
	v63 =	vmul.f32 $2.000000030e-01, v30  }
0x280: {  	v28 =	vadd.f32 v60, v28  }
0x281: {  	v36 =	vmul.f32 $2.000000030e-01, v31;
	v27 =	vmax.f32 v27, v62;
	v30 =	vmax.f32 v30, v63  }
0x282: {  	v27 =	vmul.f32 v27, v23;
	v37 =	vmul.f32 v30, v24  }
0x283: {  	v39 =	vmul.f32 $2.000000030e-01, v28;
	v38 =	vmax.f32 v31, v36  }
0x284: {  	v40 =	vmul.f32 v38, v25;
	v27 =	vadd.f32 v37, v27  }
0x285: {  	v28 =	vmax.f32 v28, v39  }
0x286: {  	v28 =	vmul.f32 v28, v26;
	v27 =	vadd.f32 v40, v27;
	_ =	sdelay $0x1  }
0x287: {  	v27 =	vadd.f32 v28, v27;
	_ =	sdelay $0x1  }
0x288: {  	[tilespmem:$0xAE80] =	vst v27  }
0x289: {  	v27 =	vld [tilespmem:s10+$0x700]  }
0x28a: {  	v41 =	vld [tilespmem:s10+$0x2F00]  }
0x28b: {  	v42 =	vld [tilespmem:s10+$0x5700]  }
0x28c: {  	v43 =	vld [tilespmem:s10+$0x710]  }
0x28d: {  	v44 =	vld [tilespmem:s10+$0x2F10]  }
0x28e: {  	v45 =	vld [tilespmem:s10+$0x5710]  }
0x28f: {  	v46 =	vld [tilespmem:s10+$0x720]  }
0x290: {  	v47 =	vld [tilespmem:s10+$0x2F20]  }
0x291: {  	v49 =	vld [tilespmem:s10+$0x730]  }
0x292: {  	v50 =	vld [tilespmem:s10+$0x2F30]  }
0x293: {  	v48 =	vld [tilespmem:s10+$0x5720]  }
0x294: {  	v51 =	vld [tilespmem:s10+$0x5730];
	v27 =	vadd.f32 v41, v27;
	v30 =	vadd.f32 v44, v43  }
0x295: {  	v52 =	vadd.f32 v47, v46  }
0x296: {  	v27 =	vadd.f32 v42, v27;
	v30 =	vadd.f32 v45, v30  }
0x297: {  	v28 =	vadd.f32 v50, v49  }
0x298: {  	v31 =	vadd.f32 v48, v52;
	v53 =	vmul.f32 $2.000000030e-01, v27;
	v54 =	vmul.f32 $2.000000030e-01, v30  }
0x299: {  	v28 =	vadd.f32 v51, v28  }
0x29a: {  	v55 =	vmul.f32 $2.000000030e-01, v31;
	v27 =	vmax.f32 v27, v53;
	v30 =	vmax.f32 v30, v54  }
0x29b: {  	v27 =	vmul.f32 v27, v19;
	v56 =	vmul.f32 v30, v20  }
0x29c: {  	v58 =	vmul.f32 $2.000000030e-01, v28;
	v57 =	vmax.f32 v31, v55  }
0x29d: {  	v59 =	vmul.f32 v57, v21;
	v27 =	vadd.f32 v56, v27  }
0x29e: {  	v28 =	vmax.f32 v28, v58  }
0x29f: {  	v28 =	vmul.f32 v28, v22;
	v27 =	vadd.f32 v59, v27;
	_ =	sdelay $0x1  }
0x2a0: {  	v27 =	vadd.f32 v28, v27;
	_ =	sdelay $0x1  }
0x2a1: {  	[tilespmem:$0xA700] =	vst v27  }
0x2a2: {  	v27 =	vld [tilespmem:s10+$0x740]  }
0x2a3: {  	v60 =	vld [tilespmem:s10+$0x2F40]  }
0x2a4: {  	v61 =	vld [tilespmem:s10+$0x5740]  }
0x2a5: {  	v62 =	vld [tilespmem:s10+$0x750]  }
0x2a6: {  	v63 =	vld [tilespmem:s10+$0x2F50]  }
0x2a7: {  	v40 =	vld [tilespmem:s10+$0x5750]  }
0x2a8: {  	v41 =	vld [tilespmem:s10+$0x760]  }
0x2a9: {  	v42 =	vld [tilespmem:s10+$0x2F60]  }
0x2aa: {  	v44 =	vld [tilespmem:s10+$0x770]  }
0x2ab: {  	v45 =	vld [tilespmem:s10+$0x2F70]  }
0x2ac: {  	v43 =	vld [tilespmem:s10+$0x5760]  }
0x2ad: {  	v46 =	vld [tilespmem:s10+$0x5770];
	v27 =	vadd.f32 v60, v27;
	v30 =	vadd.f32 v63, v62  }
0x2ae: {  	v47 =	vadd.f32 v42, v41  }
0x2af: {  	v27 =	vadd.f32 v61, v27;
	v30 =	vadd.f32 v40, v30  }
0x2b0: {  	v28 =	vadd.f32 v45, v44  }
0x2b1: {  	v31 =	vadd.f32 v43, v47;
	v48 =	vmul.f32 $2.000000030e-01, v27;
	v49 =	vmul.f32 $2.000000030e-01, v30  }
0x2b2: {  	v28 =	vadd.f32 v46, v28  }
0x2b3: {  	v50 =	vmul.f32 $2.000000030e-01, v31;
	v27 =	vmax.f32 v27, v48;
	v30 =	vmax.f32 v30, v49  }
0x2b4: {  	v27 =	vmul.f32 v27, v23;
	v51 =	vmul.f32 v30, v24  }
0x2b5: {  	v53 =	vmul.f32 $2.000000030e-01, v28;
	v52 =	vmax.f32 v31, v50  }
0x2b6: {  	v54 =	vmul.f32 v52, v25;
	v27 =	vadd.f32 v51, v27  }
0x2b7: {  	v28 =	vmax.f32 v28, v53  }
0x2b8: {  	v28 =	vmul.f32 v28, v26;
	v27 =	vadd.f32 v54, v27;
	_ =	sdelay $0x1  }
0x2b9: {  	v27 =	vadd.f32 v28, v27;
	_ =	sdelay $0x1  }
0x2ba: {  	[tilespmem:$0xAF00] =	vst v27  }
0x2bb: {  	v27 =	vld [tilespmem:s10+$0x780]  }
0x2bc: {  	v55 =	vld [tilespmem:s10+$0x2F80]  }
0x2bd: {  	v56 =	vld [tilespmem:s10+$0x5780]  }
0x2be: {  	v57 =	vld [tilespmem:s10+$0x790]  }
0x2bf: {  	v58 =	vld [tilespmem:s10+$0x2F90]  }
0x2c0: {  	v59 =	vld [tilespmem:s10+$0x5790]  }
0x2c1: {  	v60 =	vld [tilespmem:s10+$0x7A0]  }
0x2c2: {  	v61 =	vld [tilespmem:s10+$0x2FA0]  }
0x2c3: {  	v63 =	vld [tilespmem:s10+$0x7B0]  }
0x2c4: {  	v40 =	vld [tilespmem:s10+$0x2FB0]  }
0x2c5: {  	v62 =	vld [tilespmem:s10+$0x57A0]  }
0x2c6: {  	v41 =	vld [tilespmem:s10+$0x57B0];
	v27 =	vadd.f32 v55, v27;
	v30 =	vadd.f32 v58, v57  }
0x2c7: {  	v42 =	vadd.f32 v61, v60  }
0x2c8: {  	v27 =	vadd.f32 v56, v27;
	v30 =	vadd.f32 v59, v30  }
0x2c9: {  	v28 =	vadd.f32 v40, v63  }
0x2ca: {  	v31 =	vadd.f32 v62, v42;
	v43 =	vmul.f32 $2.000000030e-01, v27;
	v44 =	vmul.f32 $2.000000030e-01, v30  }
0x2cb: {  	v28 =	vadd.f32 v41, v28  }
0x2cc: {  	v45 =	vmul.f32 $2.000000030e-01, v31;
	v27 =	vmax.f32 v27, v43;
	v30 =	vmax.f32 v30, v44  }
0x2cd: {  	v27 =	vmul.f32 v27, v19;
	v46 =	vmul.f32 v30, v20  }
0x2ce: {  	v48 =	vmul.f32 $2.000000030e-01, v28;
	v47 =	vmax.f32 v31, v45  }
0x2cf: {  	v49 =	vmul.f32 v47, v21;
	v27 =	vadd.f32 v46, v27  }
0x2d0: {  	v28 =	vmax.f32 v28, v48  }
0x2d1: {  	v28 =	vmul.f32 v28, v22;
	v27 =	vadd.f32 v49, v27;
	_ =	sdelay $0x1  }
0x2d2: {  	v27 =	vadd.f32 v28, v27;
	_ =	sdelay $0x1  }
0x2d3: {  	[tilespmem:$0xA780] =	vst v27  }
0x2d4: {  	v27 =	vld [tilespmem:s10+$0x7C0]  }
0x2d5: {  	v50 =	vld [tilespmem:s10+$0x2FC0]  }
0x2d6: {  	v51 =	vld [tilespmem:s10+$0x57C0]  }
0x2d7: {  	v52 =	vld [tilespmem:s10+$0x7D0]  }
0x2d8: {  	v53 =	vld [tilespmem:s10+$0x2FD0]  }
0x2d9: {  	v54 =	vld [tilespmem:s10+$0x57D0]  }
0x2da: {  	v55 =	vld [tilespmem:s10+$0x7E0]  }
0x2db: {  	v56 =	vld [tilespmem:s10+$0x2FE0]  }
0x2dc: {  	v58 =	vld [tilespmem:s10+$0x7F0]  }
0x2dd: {  	v59 =	vld [tilespmem:s10+$0x2FF0]  }
0x2de: {  	v57 =	vld [tilespmem:s10+$0x57E0]  }
0x2df: {  	v60 =	vld [tilespmem:s10+$0x57F0];
	v27 =	vadd.f32 v50, v27;
	v30 =	vadd.f32 v53, v52  }
0x2e0: {  	v61 =	vadd.f32 v56, v55  }
0x2e1: {  	v27 =	vadd.f32 v51, v27;
	v30 =	vadd.f32 v54, v30  }
0x2e2: {  	v28 =	vadd.f32 v59, v58  }
0x2e3: {  	v31 =	vadd.f32 v57, v61;
	v62 =	vmul.f32 $2.000000030e-01, v27;
	v63 =	vmul.f32 $2.000000030e-01, v30  }
0x2e4: {  	v28 =	vadd.f32 v60, v28  }
0x2e5: {  	v36 =	vmul.f32 $2.000000030e-01, v31;
	v27 =	vmax.f32 v27, v62;
	v30 =	vmax.f32 v30, v63  }
0x2e6: {  	v27 =	vmul.f32 v27, v23;
	v37 =	vmul.f32 v30, v24  }
0x2e7: {  	v39 =	vmul.f32 $2.000000030e-01, v28;
	v38 =	vmax.f32 v31, v36  }
0x2e8: {  	v40 =	vmul.f32 v38, v25;
	v27 =	vadd.f32 v37, v27  }
0x2e9: {  	v28 =	vmax.f32 v28, v39  }
0x2ea: {  	v28 =	vmul.f32 v28, v26;
	v27 =	vadd.f32 v40, v27;
	_ =	sdelay $0x1  }
0x2eb: {  	v27 =	vadd.f32 v28, v27;
	_ =	sdelay $0x1  }
0x2ec: {  	[tilespmem:$0xAF80] =	vst v27  }
0x2ed: {  	v27 =	vld [tilespmem:s10+$0x800]  }
0x2ee: {  	v41 =	vld [tilespmem:s10+$0x3000]  }
0x2ef: {  	v42 =	vld [tilespmem:s10+$0x5800]  }
0x2f0: {  	v43 =	vld [tilespmem:s10+$0x810]  }
0x2f1: {  	v44 =	vld [tilespmem:s10+$0x3010]  }
0x2f2: {  	v45 =	vld [tilespmem:s10+$0x5810]  }
0x2f3: {  	v46 =	vld [tilespmem:s10+$0x820]  }
0x2f4: {  	v47 =	vld [tilespmem:s10+$0x3020]  }
0x2f5: {  	v49 =	vld [tilespmem:s10+$0x830]  }
0x2f6: {  	v50 =	vld [tilespmem:s10+$0x3030]  }
0x2f7: {  	v48 =	vld [tilespmem:s10+$0x5820]  }
0x2f8: {  	v51 =	vld [tilespmem:s10+$0x5830];
	v27 =	vadd.f32 v41, v27;
	v30 =	vadd.f32 v44, v43  }
0x2f9: {  	v52 =	vadd.f32 v47, v46  }
0x2fa: {  	v27 =	vadd.f32 v42, v27;
	v30 =	vadd.f32 v45, v30  }
0x2fb: {  	v28 =	vadd.f32 v50, v49  }
0x2fc: {  	v31 =	vadd.f32 v48, v52;
	v53 =	vmul.f32 $2.000000030e-01, v27;
	v54 =	vmul.f32 $2.000000030e-01, v30  }
0x2fd: {  	v28 =	vadd.f32 v51, v28  }
0x2fe: {  	v55 =	vmul.f32 $2.000000030e-01, v31;
	v27 =	vmax.f32 v27, v53;
	v30 =	vmax.f32 v30, v54  }
0x2ff: {  	v27 =	vmul.f32 v27, v19;
	v56 =	vmul.f32 v30, v20  }
0x300: {  	v58 =	vmul.f32 $2.000000030e-01, v28;
	v57 =	vmax.f32 v31, v55  }
0x301: {  	v59 =	vmul.f32 v57, v21;
	v27 =	vadd.f32 v56, v27  }
0x302: {  	v28 =	vmax.f32 v28, v58  }
0x303: {  	v28 =	vmul.f32 v28, v22;
	v27 =	vadd.f32 v59, v27;
	_ =	sdelay $0x1  }
0x304: {  	v27 =	vadd.f32 v28, v27;
	_ =	sdelay $0x1  }
0x305: {  	[tilespmem:$0xA800] =	vst v27  }
0x306: {  	v27 =	vld [tilespmem:s10+$0x840]  }
0x307: {  	v60 =	vld [tilespmem:s10+$0x3040]  }
0x308: {  	v61 =	vld [tilespmem:s10+$0x5840]  }
0x309: {  	v62 =	vld [tilespmem:s10+$0x850]  }
0x30a: {  	v63 =	vld [tilespmem:s10+$0x3050]  }
0x30b: {  	v40 =	vld [tilespmem:s10+$0x5850]  }
0x30c: {  	v41 =	vld [tilespmem:s10+$0x860]  }
0x30d: {  	v42 =	vld [tilespmem:s10+$0x3060]  }
0x30e: {  	v44 =	vld [tilespmem:s10+$0x870]  }
0x30f: {  	v45 =	vld [tilespmem:s10+$0x3070]  }
0x310: {  	v43 =	vld [tilespmem:s10+$0x5860]  }
0x311: {  	v46 =	vld [tilespmem:s10+$0x5870];
	v27 =	vadd.f32 v60, v27;
	v30 =	vadd.f32 v63, v62  }
0x312: {  	v47 =	vadd.f32 v42, v41  }
0x313: {  	v27 =	vadd.f32 v61, v27;
	v30 =	vadd.f32 v40, v30  }
0x314: {  	v28 =	vadd.f32 v45, v44  }
0x315: {  	v31 =	vadd.f32 v43, v47;
	v48 =	vmul.f32 $2.000000030e-01, v27;
	v49 =	vmul.f32 $2.000000030e-01, v30  }
0x316: {  	v28 =	vadd.f32 v46, v28  }
0x317: {  	v50 =	vmul.f32 $2.000000030e-01, v31;
	v27 =	vmax.f32 v27, v48;
	v30 =	vmax.f32 v30, v49  }
0x318: {  	v27 =	vmul.f32 v27, v23;
	v51 =	vmul.f32 v30, v24  }
0x319: {  	v53 =	vmul.f32 $2.000000030e-01, v28;
	v52 =	vmax.f32 v31, v50  }
0x31a: {  	v54 =	vmul.f32 v52, v25;
	v27 =	vadd.f32 v51, v27  }
0x31b: {  	v28 =	vmax.f32 v28, v53  }
0x31c: {  	v28 =	vmul.f32 v28, v26;
	v27 =	vadd.f32 v54, v27;
	_ =	sdelay $0x1  }
0x31d: {  	v27 =	vadd.f32 v28, v27;
	_ =	sdelay $0x1  }
0x31e: {  	[tilespmem:$0xB000] =	vst v27  }
0x31f: {  	v27 =	vld [tilespmem:s10+$0x880]  }
0x320: {  	v55 =	vld [tilespmem:s10+$0x3080]  }
0x321: {  	v56 =	vld [tilespmem:s10+$0x5880]  }
0x322: {  	v57 =	vld [tilespmem:s10+$0x890]  }
0x323: {  	v58 =	vld [tilespmem:s10+$0x3090]  }
0x324: {  	v59 =	vld [tilespmem:s10+$0x5890]  }
0x325: {  	v60 =	vld [tilespmem:s10+$0x8A0]  }
0x326: {  	v61 =	vld [tilespmem:s10+$0x30A0]  }
0x327: {  	v63 =	vld [tilespmem:s10+$0x8B0]  }
0x328: {  	v40 =	vld [tilespmem:s10+$0x30B0]  }
0x329: {  	v62 =	vld [tilespmem:s10+$0x58A0]  }
0x32a: {  	v41 =	vld [tilespmem:s10+$0x58B0];
	v27 =	vadd.f32 v55, v27;
	v30 =	vadd.f32 v58, v57  }
0x32b: {  	v42 =	vadd.f32 v61, v60  }
0x32c: {  	v27 =	vadd.f32 v56, v27;
	v30 =	vadd.f32 v59, v30  }
0x32d: {  	v28 =	vadd.f32 v40, v63  }
0x32e: {  	v31 =	vadd.f32 v62, v42;
	v43 =	vmul.f32 $2.000000030e-01, v27;
	v44 =	vmul.f32 $2.000000030e-01, v30  }
0x32f: {  	v28 =	vadd.f32 v41, v28  }
0x330: {  	v45 =	vmul.f32 $2.000000030e-01, v31;
	v27 =	vmax.f32 v27, v43;
	v30 =	vmax.f32 v30, v44  }
0x331: {  	v27 =	vmul.f32 v27, v19;
	v46 =	vmul.f32 v30, v20  }
0x332: {  	v48 =	vmul.f32 $2.000000030e-01, v28;
	v47 =	vmax.f32 v31, v45  }
0x333: {  	v49 =	vmul.f32 v47, v21;
	v27 =	vadd.f32 v46, v27  }
0x334: {  	v28 =	vmax.f32 v28, v48  }
0x335: {  	v28 =	vmul.f32 v28, v22;
	v27 =	vadd.f32 v49, v27;
	_ =	sdelay $0x1  }
0x336: {  	v27 =	vadd.f32 v28, v27;
	_ =	sdelay $0x1  }
0x337: {  	[tilespmem:$0xA880] =	vst v27  }
0x338: {  	v27 =	vld [tilespmem:s10+$0x8C0]  }
0x339: {  	v50 =	vld [tilespmem:s10+$0x30C0]  }
0x33a: {  	v51 =	vld [tilespmem:s10+$0x58C0]  }
0x33b: {  	v52 =	vld [tilespmem:s10+$0x8D0]  }
0x33c: {  	v53 =	vld [tilespmem:s10+$0x30D0]  }
0x33d: {  	v54 =	vld [tilespmem:s10+$0x58D0]  }
0x33e: {  	v55 =	vld [tilespmem:s10+$0x8E0]  }
0x33f: {  	v56 =	vld [tilespmem:s10+$0x30E0]  }
0x340: {  	v58 =	vld [tilespmem:s10+$0x8F0]  }
0x341: {  	v59 =	vld [tilespmem:s10+$0x30F0]  }
0x342: {  	v57 =	vld [tilespmem:s10+$0x58E0]  }
0x343: {  	v60 =	vld [tilespmem:s10+$0x58F0];
	v27 =	vadd.f32 v50, v27;
	v30 =	vadd.f32 v53, v52  }
0x344: {  	v61 =	vadd.f32 v56, v55  }
0x345: {  	v27 =	vadd.f32 v51, v27;
	v30 =	vadd.f32 v54, v30  }
0x346: {  	v28 =	vadd.f32 v59, v58  }
0x347: {  	v31 =	vadd.f32 v57, v61;
	v62 =	vmul.f32 $2.000000030e-01, v27;
	v63 =	vmul.f32 $2.000000030e-01, v30  }
0x348: {  	v28 =	vadd.f32 v60, v28  }
0x349: {  	v37 =	vmul.f32 $2.000000030e-01, v31;
	v27 =	vmax.f32 v27, v62;
	v30 =	vmax.f32 v30, v63  }
0x34a: {  	v27 =	vmul.f32 v27, v23;
	v38 =	vmul.f32 v30, v24  }
0x34b: {  	v40 =	vmul.f32 $2.000000030e-01, v28;
	v39 =	vmax.f32 v31, v37  }
0x34c: {  	v41 =	vmul.f32 v39, v25;
	v27 =	vadd.f32 v38, v27  }
0x34d: {  	v28 =	vmax.f32 v28, v40  }
0x34e: {  	v28 =	vmul.f32 v28, v26;
	v27 =	vadd.f32 v41, v27;
	_ =	sdelay $0x1  }
0x34f: {  	v27 =	vadd.f32 v28, v27;
	_ =	sdelay $0x1  }
0x350: {  	[tilespmem:$0xB080] =	vst v27  }
0x351: {  	v27 =	vld [tilespmem:s10+$0x900]  }
0x352: {  	v42 =	vld [tilespmem:s10+$0x3100]  }
0x353: {  	v43 =	vld [tilespmem:s10+$0x5900]  }
0x354: {  	v44 =	vld [tilespmem:s10+$0x910]  }
0x355: {  	v45 =	vld [tilespmem:s10+$0x3110]  }
0x356: {  	v46 =	vld [tilespmem:s10+$0x5910]  }
0x357: {  	v47 =	vld [tilespmem:s10+$0x920]  }
0x358: {  	v48 =	vld [tilespmem:s10+$0x3120]  }
0x359: {  	v50 =	vld [tilespmem:s10+$0x930]  }
0x35a: {  	v51 =	vld [tilespmem:s10+$0x3130]  }
0x35b: {  	v49 =	vld [tilespmem:s10+$0x5920]  }
0x35c: {  	v52 =	vld [tilespmem:s10+$0x5930];
	v27 =	vadd.f32 v42, v27;
	v30 =	vadd.f32 v45, v44  }
0x35d: {  	v53 =	vadd.f32 v48, v47  }
0x35e: {  	v27 =	vadd.f32 v43, v27;
	v30 =	vadd.f32 v46, v30  }
0x35f: {  	v28 =	vadd.f32 v51, v50  }
0x360: {  	v31 =	vadd.f32 v49, v53;
	v54 =	vmul.f32 $2.000000030e-01, v27;
	v55 =	vmul.f32 $2.000000030e-01, v30  }
0x361: {  	v28 =	vadd.f32 v52, v28  }
0x362: {  	v56 =	vmul.f32 $2.000000030e-01, v31;
	v27 =	vmax.f32 v27, v54;
	v30 =	vmax.f32 v30, v55  }
0x363: {  	v27 =	vmul.f32 v27, v19;
	v57 =	vmul.f32 v30, v20  }
0x364: {  	v59 =	vmul.f32 $2.000000030e-01, v28;
	v58 =	vmax.f32 v31, v56  }
0x365: {  	v60 =	vmul.f32 v58, v21;
	v27 =	vadd.f32 v57, v27  }
0x366: {  	v28 =	vmax.f32 v28, v59  }
0x367: {  	v28 =	vmul.f32 v28, v22;
	v27 =	vadd.f32 v60, v27;
	_ =	sdelay $0x1  }
0x368: {  	v27 =	vadd.f32 v28, v27;
	_ =	sdelay $0x1  }
0x369: {  	[tilespmem:$0xA900] =	vst v27  }
0x36a: {  	v27 =	vld [tilespmem:s10+$0x940]  }
0x36b: {  	v61 =	vld [tilespmem:s10+$0x3140]  }
0x36c: {  	v62 =	vld [tilespmem:s10+$0x5940]  }
0x36d: {  	v63 =	vld [tilespmem:s10+$0x950]  }
0x36e: {  	v36 =	vld [tilespmem:s10+$0x3150]  }
0x36f: {  	v37 =	vld [tilespmem:s10+$0x5950]  }
0x370: {  	v38 =	vld [tilespmem:s10+$0x960]  }
0x371: {  	v39 =	vld [tilespmem:s10+$0x3160]  }
0x372: {  	v41 =	vld [tilespmem:s10+$0x970]  }
0x373: {  	v42 =	vld [tilespmem:s10+$0x3170]  }
0x374: {  	v40 =	vld [tilespmem:s10+$0x5960]  }
0x375: {  	v44 =	vld [tilespmem:s10+$0x5970];
	v27 =	vadd.f32 v61, v27;
	v30 =	vadd.f32 v36, v63  }
0x376: {  	v33 =	vadd.f32 v39, v38  }
0x377: {  	v48 =	vld [tilespmem:$0xB180];
	v27 =	vadd.f32 v62, v27;
	v43 =	vadd.f32 v37, v30  }
0x378: {  	v28 =	vadd.f32 v42, v41  }
0x379: {  	v50 =	vld [tilespmem:$0xB200];
	v47 =	vadd.f32 v40, v33;
	v45 =	vmul.f32 $2.000000030e-01, v27;
	v46 =	vmul.f32 $2.000000030e-01, v43  }
0x37a: {  	v28 =	vadd.f32 v44, v28  }
0x37b: {  	v53 =	vld [tilespmem:$0xB280];
	v33 =	vmul.f32 $2.000000030e-01, v47;
	v27 =	vmax.f32 v27, v45;
	v29 =	vmax.f32 v43, v46  }
0x37c: {  	v32 =	vand.u32 $0xFFFFFF80, v48;
	v55 =	vld [tilespmem:$0xB300];
	v27 =	vmul.f32 v27, v23;
	v29 =	vmul.f32 v29, v24  }
0x37d: {  	v31 =	vand.u32 $0x7F, v48;
	v59 =	vld [tilespmem:$0xB600];
	v30 =	vmul.f32 $2.000000030e-01, v28;
	v49 =	vmax.f32 v47, v33  }
0x37e: {  	v54 =	vadd.s32 v18, v50;
	v50 =	vld [tilespmem:$0xB900];
	v27 =	vadd.f32 v29, v27;
	v29 =	vmul.f32 v49, v25  }
0x37f: {  	v51 =	vor.u32 v31, v32;
	v57 =	vld [tilespmem:$0xB380];
	v28 =	vmax.f32 v28, v30  }
0x380: {  	v52 =	vadd.s32 v18, v51;
	v60 =	vld [tilespmem:$0xB680];
	v28 =	vmul.f32 v28, v26;
	v27 =	vadd.f32 v29, v27  }
0x381: {  	v38 =	vld [tilespmem:$0xB480]  }
0x382: {  	v39 =	vld [tilespmem:$0xB500];
	v27 =	vadd.f32 v28, v27  }
0x383: {  	v41 =	vld [tilespmem:$0xB580];
	v30 =	vadd.s32 v18, v53  }
0x384: {  	v37 =	vld [tilespmem:$0xB400];
	[tilespmem:$0xB100] =	vst v27  }
0x385: {  	v33 =	vadd.s32 v18, v55;
	v27 =	vld.idx.msk [tilespmem:v52+s28+$0x0], $0xffff  }
0x386: {  	v56 =	vld.idx.msk [tilespmem:v54+s28+$0x0], $0xffff  }
0x387: {  	v35 =	vadd.s32 v18, v57;
	v44 =	vld [tilespmem:$0xB700]  }
0x388: {  	v58 =	vld.idx.msk [tilespmem:v30+s28+$0x0], $0xffff  }
0x389: {  	v45 =	vld [tilespmem:$0xB780];
	v37 =	vadd.s32 v18, v37  }
0x38a: {  	v40 =	vld.idx.msk [tilespmem:v33+s28+$0x0], $0xffff  }
0x38b: {  	v38 =	vadd.s32 v18, v38;
	v46 =	vld [tilespmem:$0xB800];
	v27 =	vadd.f32 v56, v27  }
0x38c: {  	v42 =	vld.idx.msk [tilespmem:v35+s28+$0x0], $0xffff  }
0x38d: {  	v39 =	vadd.s32 v18, v39;
	v47 =	vld [tilespmem:$0xB880];
	v27 =	vadd.f32 v58, v27  }
0x38e: {  	v43 =	vld.idx.msk [tilespmem:v37+s28+$0x0], $0xffff  }
0x38f: {  	v41 =	vadd.s32 v18, v41;
	v29 =	vld.idx.msk [tilespmem:v52+s29+$0x0], $0xffff;
	v27 =	vadd.f32 v40, v27  }
0x390: {  	v61 =	vld.idx.msk [tilespmem:v38+s28+$0x0], $0xffff  }
0x391: {  	v34 =	vadd.s32 v18, v59;
	v28 =	vld.idx.msk [tilespmem:v54+s29+$0x0], $0xffff;
	v27 =	vadd.f32 v42, v27  }
0x392: {  	v36 =	vadd.s32 v18, v60;
	v62 =	vld.idx.msk [tilespmem:v39+s28+$0x0], $0xffff  }
0x393: {  	v30 =	vld.idx.msk [tilespmem:v30+s29+$0x0], $0xffff;
	v27 =	vadd.f32 v43, v27  }
0x394: {  	v44 =	vadd.s32 v18, v44;
	v63 =	vld.idx.msk [tilespmem:v41+s28+$0x0], $0xffff  }
0x395: {  	v33 =	vld.idx.msk [tilespmem:v33+s29+$0x0], $0xffff;
	v27 =	vadd.f32 v61, v27  }
0x396: {  	v45 =	vadd.s32 v18, v45;
	v48 =	vld.idx.msk [tilespmem:v34+s28+$0x0], $0xffff  }
0x397: {  	v49 =	vld.idx.msk [tilespmem:v36+s28+$0x0], $0xffff;
	v28 =	vadd.f32 v28, v29;
	v27 =	vadd.f32 v62, v27  }
0x398: {  	v51 =	vadd.s32 v18, v46;
	v35 =	vld.idx.msk [tilespmem:v35+s29+$0x0], $0xffff  }
0x399: {  	v52 =	vld.idx.msk [tilespmem:v44+s28+$0x0], $0xffff;
	v28 =	vadd.f32 v30, v28;
	v27 =	vadd.f32 v63, v27  }
0x39a: {  	v53 =	vadd.s32 v18, v47;
	v37 =	vld.idx.msk [tilespmem:v37+s29+$0x0], $0xffff  }
0x39b: {  	v54 =	vld.idx.msk [tilespmem:v45+s28+$0x0], $0xffff;
	v28 =	vadd.f32 v33, v28;
	v27 =	vadd.f32 v48, v27  }
0x39c: {  	v38 =	vld.idx.msk [tilespmem:v38+s29+$0x0], $0xffff  }
0x39d: {  	v55 =	vld.idx.msk [tilespmem:v51+s28+$0x0], $0xffff;
	v29 =	vadd.s32 v18, v50;
	v28 =	vadd.f32 v35, v28;
	v27 =	vadd.f32 v49, v27  }
0x39e: {  	v56 =	vld.idx.msk [tilespmem:v39+s29+$0x0], $0xffff  }
0x39f: {  	v57 =	vld.idx.msk [tilespmem:v53+s28+$0x0], $0xffff;
	v28 =	vadd.f32 v37, v28;
	v27 =	vadd.f32 v52, v27  }
0x3a0: {  	v58 =	vld.idx.msk [tilespmem:v41+s29+$0x0], $0xffff  }
0x3a1: {  	v34 =	vld.idx.msk [tilespmem:v34+s29+$0x0], $0xffff;
	v28 =	vadd.f32 v38, v28;
	v27 =	vadd.f32 v54, v27  }
0x3a2: {  	v59 =	vld.idx.msk [tilespmem:v29+s28+$0x0], $0xffff  }
0x3a3: {  	v28 =	vadd.f32 v56, v28;
	v27 =	vadd.f32 v55, v27  }
0x3a4: {  	v60 =	vld.idx.msk [tilespmem:v36+s29+$0x0], $0xffff  }
0x3a5: {  	v28 =	vadd.f32 v58, v28;
	v27 =	vadd.f32 v57, v27  }
0x3a6: {  	v61 =	vld.idx.msk [tilespmem:v44+s29+$0x0], $0xffff  }
0x3a7: {  	v28 =	vadd.f32 v34, v28;
	v27 =	vadd.f32 v59, v27  }
0x3a8: {  	v62 =	vld.idx.msk [tilespmem:v45+s29+$0x0], $0xffff  }
0x3a9: {  	v28 =	vadd.f32 v60, v28;
	v27 =	vmul.f32 $1.442695020e+00, v27  }
0x3aa: {  	v63 =	vld.idx.msk [tilespmem:v51+s29+$0x0], $0xffff  }
0x3ab: {  	(erf) = vpow2.f32 v27;
	v27 =	vadd.f32 v61, v28  }
0x3ac: {  	s16 =	sshll.u32 s9, $0x4;
	v37 =	vld.idx.msk [tilespmem:v53+s29+$0x0], $0xffff  }
0x3ad: {  	v36 =	vmov s16;
	v27 =	vadd.f32 v62, v27  }
0x3ae: {  	v28 =	vshll.u32 v36, $0x7  }
0x3af: {  	v28 =	vor.u32 v18, v28;
	v27 =	vadd.f32 v63, v27  }
0x3b0: {  	v29 =	vld.idx.msk [tilespmem:v29+s29+$0x0], $0xffff;
	v32 =	vadd.s32 v28, v32  }
0x3b1: {  	v38 =	vor.u32 v31, v32;
	v27 =	vadd.f32 v37, v27;
	_ =	sdelay $0x3  }
0x3b2: {  	v29 =	vadd.f32 v29, v27;
	v27 =	vpop (erf)  }
0x3b3: {  	[tilespmem:v38+s30+$0x0] =	vst.idx.msk $0xffff, v27  }
0x3b4: {  	v29 =	vmul.f32 $1.442695020e+00, v29;
	v30 =	vld [tilespmem:$0xB200];
	_ =	sdelay $0x1  }
0x3b5: {  	(erf) = vpow2.f32 v29;
	_ =	sdelay $0x2  }
0x3b6: {  	v39 =	vand.u32 $0xFFFFFF80, v30  }
0x3b7: {  	v30 =	vand.u32 $0x7F, v30;
	v28 =	vadd.s32 v28, v39  }
0x3b8: {  	v29 =	vor.u32 v30, v28;
	_ =	sdelay $0x3  }
0x3b9: {  	v28 =	vpop (erf)  }
0x3ba: {  	[tilespmem:v29+s30+$0x0] =	vst.idx.msk $0xffff, v28  }
0x3bb: {  	v29 =	vld [tilespmem:$0xB180];
	_ =	sdelay $0x1  }
0x3bc: {  	v40 =	vld [tilespmem:s10+$0x180]  }
0x3bd: {  	v41 =	vld [tilespmem:s10+$0x190]  }
0x3be: {  	v42 =	vld [tilespmem:s10+$0x1A0]  }
0x3bf: {  	v44 =	vld [tilespmem:s10+$0x1B0];
	v43 =	vperm.xlane v27, v29  }
0x3c0: {  	v45 =	vld [tilespmem:s10+$0x1C0]  }
0x3c1: {  	v46 =	vld [tilespmem:s10+$0x1D0];
	v30 =	vmul.f32 v40, v43  }
0x3c2: {  	v47 =	vld [tilespmem:s10+$0x1E0];
	v31 =	vmul.f32 v41, v43  }
0x3c3: {  	v49 =	vld [tilespmem:s10+$0x1F0];
	v29 =	vperm.xlane v28, v29;
	v48 =	vmul.f32 v42, v43;
	[tilespmem:s10+$0x2980] =	vst v30  }
0x3c4: {  	v50 =	vmul.f32 v44, v43;
	[tilespmem:s10+$0x2990] =	vst v31  }
0x3c5: {  	v51 =	vmul.f32 v45, v29;
	[tilespmem:s10+$0x29A0] =	vst v48  }
0x3c6: {  	v52 =	vmul.f32 v46, v29;
	[tilespmem:s10+$0x29B0] =	vst v50  }
0x3c7: {  	v53 =	vmul.f32 v47, v29;
	[tilespmem:s10+$0x29C0] =	vst v51  }
0x3c8: {  	v29 =	vmul.f32 v49, v29;
	[tilespmem:s10+$0x29D0] =	vst v52  }
0x3c9: {  	[tilespmem:s10+$0x29E0] =	vst v53  }
0x3ca: {  	[tilespmem:s10+$0x29F0] =	vst v29  }
0x3cb: {  	v29 =	vld [tilespmem:$0xB200];
	_ =	sdelay $0x1  }
0x3cc: {  	v54 =	vld [tilespmem:s10+$0x200]  }
0x3cd: {  	v55 =	vld [tilespmem:s10+$0x210]  }
0x3ce: {  	v56 =	vld [tilespmem:s10+$0x220]  }
0x3cf: {  	v58 =	vld [tilespmem:s10+$0x230];
	v57 =	vperm.xlane v27, v29  }
0x3d0: {  	v59 =	vld [tilespmem:s10+$0x240]  }
0x3d1: {  	v60 =	vld [tilespmem:s10+$0x250];
	v30 =	vmul.f32 v54, v57  }
0x3d2: {  	v61 =	vld [tilespmem:s10+$0x260];
	v31 =	vmul.f32 v55, v57  }
0x3d3: {  	v63 =	vld [tilespmem:s10+$0x270];
	v29 =	vperm.xlane v28, v29;
	v62 =	vmul.f32 v56, v57;
	[tilespmem:s10+$0x2A00] =	vst v30  }
0x3d4: {  	v34 =	vmul.f32 v58, v57;
	[tilespmem:s10+$0x2A10] =	vst v31  }
0x3d5: {  	v35 =	vmul.f32 v59, v29;
	[tilespmem:s10+$0x2A20] =	vst v62  }
0x3d6: {  	v38 =	vmul.f32 v60, v29;
	[tilespmem:s10+$0x2A30] =	vst v34  }
0x3d7: {  	v39 =	vmul.f32 v61, v29;
	[tilespmem:s10+$0x2A40] =	vst v35  }
0x3d8: {  	v29 =	vmul.f32 v63, v29;
	[tilespmem:s10+$0x2A50] =	vst v38  }
0x3d9: {  	[tilespmem:s10+$0x2A60] =	vst v39  }
0x3da: {  	[tilespmem:s10+$0x2A70] =	vst v29  }
0x3db: {  	v29 =	vld [tilespmem:$0xB280];
	_ =	sdelay $0x1  }
0x3dc: {  	v40 =	vld [tilespmem:s10+$0x280]  }
0x3dd: {  	v41 =	vld [tilespmem:s10+$0x290]  }
0x3de: {  	v42 =	vld [tilespmem:s10+$0x2A0]  }
0x3df: {  	v44 =	vld [tilespmem:s10+$0x2B0];
	v43 =	vperm.xlane v27, v29  }
0x3e0: {  	v45 =	vld [tilespmem:s10+$0x2C0]  }
0x3e1: {  	v46 =	vld [tilespmem:s10+$0x2D0];
	v30 =	vmul.f32 v40, v43  }
0x3e2: {  	v47 =	vld [tilespmem:s10+$0x2E0];
	v31 =	vmul.f32 v41, v43  }
0x3e3: {  	v49 =	vld [tilespmem:s10+$0x2F0];
	v29 =	vperm.xlane v28, v29;
	v48 =	vmul.f32 v42, v43;
	[tilespmem:s10+$0x2A80] =	vst v30  }
0x3e4: {  	v50 =	vmul.f32 v44, v43;
	[tilespmem:s10+$0x2A90] =	vst v31  }
0x3e5: {  	v51 =	vmul.f32 v45, v29;
	[tilespmem:s10+$0x2AA0] =	vst v48  }
0x3e6: {  	v52 =	vmul.f32 v46, v29;
	[tilespmem:s10+$0x2AB0] =	vst v50  }
0x3e7: {  	v53 =	vmul.f32 v47, v29;
	[tilespmem:s10+$0x2AC0] =	vst v51  }
0x3e8: {  	v29 =	vmul.f32 v49, v29;
	[tilespmem:s10+$0x2AD0] =	vst v52  }
0x3e9: {  	[tilespmem:s10+$0x2AE0] =	vst v53  }
0x3ea: {  	[tilespmem:s10+$0x2AF0] =	vst v29  }
0x3eb: {  	v29 =	vld [tilespmem:$0xB300];
	_ =	sdelay $0x1  }
0x3ec: {  	v54 =	vld [tilespmem:s10+$0x300]  }
0x3ed: {  	v55 =	vld [tilespmem:s10+$0x310]  }
0x3ee: {  	v56 =	vld [tilespmem:s10+$0x320]  }
0x3ef: {  	v58 =	vld [tilespmem:s10+$0x330];
	v57 =	vperm.xlane v27, v29  }
0x3f0: {  	v59 =	vld [tilespmem:s10+$0x340]  }
0x3f1: {  	v60 =	vld [tilespmem:s10+$0x350];
	v30 =	vmul.f32 v54, v57  }
0x3f2: {  	v61 =	vld [tilespmem:s10+$0x360];
	v31 =	vmul.f32 v55, v57  }
0x3f3: {  	v63 =	vld [tilespmem:s10+$0x370];
	v29 =	vperm.xlane v28, v29;
	v62 =	vmul.f32 v56, v57;
	[tilespmem:s10+$0x2B00] =	vst v30  }
0x3f4: {  	v34 =	vmul.f32 v58, v57;
	[tilespmem:s10+$0x2B10] =	vst v31  }
0x3f5: {  	v35 =	vmul.f32 v59, v29;
	[tilespmem:s10+$0x2B20] =	vst v62  }
0x3f6: {  	v38 =	vmul.f32 v60, v29;
	[tilespmem:s10+$0x2B30] =	vst v34  }
0x3f7: {  	v39 =	vmul.f32 v61, v29;
	[tilespmem:s10+$0x2B40] =	vst v35  }
0x3f8: {  	v29 =	vmul.f32 v63, v29;
	[tilespmem:s10+$0x2B50] =	vst v38  }
0x3f9: {  	[tilespmem:s10+$0x2B60] =	vst v39  }
0x3fa: {  	[tilespmem:s10+$0x2B70] =	vst v29  }
0x3fb: {  	v29 =	vld [tilespmem:$0xB380];
	_ =	sdelay $0x1  }
0x3fc: {  	v40 =	vld [tilespmem:s10+$0x380]  }
0x3fd: {  	v41 =	vld [tilespmem:s10+$0x390]  }
0x3fe: {  	v42 =	vld [tilespmem:s10+$0x3A0]  }
0x3ff: {  	v44 =	vld [tilespmem:s10+$0x3B0];
	v43 =	vperm.xlane v27, v29  }
0x400: {  	v45 =	vld [tilespmem:s10+$0x3C0]  }
0x401: {  	v46 =	vld [tilespmem:s10+$0x3D0];
	v30 =	vmul.f32 v40, v43  }
0x402: {  	v47 =	vld [tilespmem:s10+$0x3E0];
	v31 =	vmul.f32 v41, v43  }
0x403: {  	v49 =	vld [tilespmem:s10+$0x3F0];
	v29 =	vperm.xlane v28, v29;
	v48 =	vmul.f32 v42, v43;
	[tilespmem:s10+$0x2B80] =	vst v30  }
0x404: {  	v50 =	vmul.f32 v44, v43;
	[tilespmem:s10+$0x2B90] =	vst v31  }
0x405: {  	v51 =	vmul.f32 v45, v29;
	[tilespmem:s10+$0x2BA0] =	vst v48  }
0x406: {  	v52 =	vmul.f32 v46, v29;
	[tilespmem:s10+$0x2BB0] =	vst v50  }
0x407: {  	v53 =	vmul.f32 v47, v29;
	[tilespmem:s10+$0x2BC0] =	vst v51  }
0x408: {  	v29 =	vmul.f32 v49, v29;
	[tilespmem:s10+$0x2BD0] =	vst v52  }
0x409: {  	[tilespmem:s10+$0x2BE0] =	vst v53  }
0x40a: {  	[tilespmem:s10+$0x2BF0] =	vst v29  }
0x40b: {  	v29 =	vld [tilespmem:$0xB400];
	_ =	sdelay $0x1  }
0x40c: {  	v54 =	vld [tilespmem:s10+$0x400]  }
0x40d: {  	v55 =	vld [tilespmem:s10+$0x410]  }
0x40e: {  	v56 =	vld [tilespmem:s10+$0x420]  }
0x40f: {  	v58 =	vld [tilespmem:s10+$0x430];
	v57 =	vperm.xlane v27, v29  }
0x410: {  	v59 =	vld [tilespmem:s10+$0x440]  }
0x411: {  	v60 =	vld [tilespmem:s10+$0x450];
	v30 =	vmul.f32 v54, v57  }
0x412: {  	v61 =	vld [tilespmem:s10+$0x460];
	v31 =	vmul.f32 v55, v57  }
0x413: {  	v63 =	vld [tilespmem:s10+$0x470];
	v29 =	vperm.xlane v28, v29;
	v62 =	vmul.f32 v56, v57;
	[tilespmem:s10+$0x2C00] =	vst v30  }
0x414: {  	v34 =	vmul.f32 v58, v57;
	[tilespmem:s10+$0x2C10] =	vst v31  }
0x415: {  	v35 =	vmul.f32 v59, v29;
	[tilespmem:s10+$0x2C20] =	vst v62  }
0x416: {  	v38 =	vmul.f32 v60, v29;
	[tilespmem:s10+$0x2C30] =	vst v34  }
0x417: {  	v39 =	vmul.f32 v61, v29;
	[tilespmem:s10+$0x2C40] =	vst v35  }
0x418: {  	v29 =	vmul.f32 v63, v29;
	[tilespmem:s10+$0x2C50] =	vst v38  }
0x419: {  	[tilespmem:s10+$0x2C60] =	vst v39  }
0x41a: {  	[tilespmem:s10+$0x2C70] =	vst v29  }
0x41b: {  	v29 =	vld [tilespmem:$0xB480];
	_ =	sdelay $0x1  }
0x41c: {  	v40 =	vld [tilespmem:s10+$0x480]  }
0x41d: {  	v41 =	vld [tilespmem:s10+$0x490]  }
0x41e: {  	v42 =	vld [tilespmem:s10+$0x4A0]  }
0x41f: {  	v44 =	vld [tilespmem:s10+$0x4B0];
	v43 =	vperm.xlane v27, v29  }
0x420: {  	v45 =	vld [tilespmem:s10+$0x4C0]  }
0x421: {  	v46 =	vld [tilespmem:s10+$0x4D0];
	v30 =	vmul.f32 v40, v43  }
0x422: {  	v47 =	vld [tilespmem:s10+$0x4E0];
	v31 =	vmul.f32 v41, v43  }
0x423: {  	v49 =	vld [tilespmem:s10+$0x4F0];
	v29 =	vperm.xlane v28, v29;
	v48 =	vmul.f32 v42, v43;
	[tilespmem:s10+$0x2C80] =	vst v30  }
0x424: {  	v50 =	vmul.f32 v44, v43;
	[tilespmem:s10+$0x2C90] =	vst v31  }
0x425: {  	v51 =	vmul.f32 v45, v29;
	[tilespmem:s10+$0x2CA0] =	vst v48  }
0x426: {  	v52 =	vmul.f32 v46, v29;
	[tilespmem:s10+$0x2CB0] =	vst v50  }
0x427: {  	v53 =	vmul.f32 v47, v29;
	[tilespmem:s10+$0x2CC0] =	vst v51  }
0x428: {  	v29 =	vmul.f32 v49, v29;
	[tilespmem:s10+$0x2CD0] =	vst v52  }
0x429: {  	[tilespmem:s10+$0x2CE0] =	vst v53  }
0x42a: {  	[tilespmem:s10+$0x2CF0] =	vst v29  }
0x42b: {  	v29 =	vld [tilespmem:$0xB500];
	_ =	sdelay $0x1  }
0x42c: {  	v54 =	vld [tilespmem:s10+$0x500]  }
0x42d: {  	v55 =	vld [tilespmem:s10+$0x510]  }
0x42e: {  	v56 =	vld [tilespmem:s10+$0x520]  }
0x42f: {  	v58 =	vld [tilespmem:s10+$0x530];
	v57 =	vperm.xlane v27, v29  }
0x430: {  	v59 =	vld [tilespmem:s10+$0x540]  }
0x431: {  	v60 =	vld [tilespmem:s10+$0x550];
	v30 =	vmul.f32 v54, v57  }
0x432: {  	v61 =	vld [tilespmem:s10+$0x560];
	v31 =	vmul.f32 v55, v57  }
0x433: {  	v63 =	vld [tilespmem:s10+$0x570];
	v29 =	vperm.xlane v28, v29;
	v62 =	vmul.f32 v56, v57;
	[tilespmem:s10+$0x2D00] =	vst v30  }
0x434: {  	v34 =	vmul.f32 v58, v57;
	[tilespmem:s10+$0x2D10] =	vst v31  }
0x435: {  	v35 =	vmul.f32 v59, v29;
	[tilespmem:s10+$0x2D20] =	vst v62  }
0x436: {  	v38 =	vmul.f32 v60, v29;
	[tilespmem:s10+$0x2D30] =	vst v34  }
0x437: {  	v39 =	vmul.f32 v61, v29;
	[tilespmem:s10+$0x2D40] =	vst v35  }
0x438: {  	v29 =	vmul.f32 v63, v29;
	[tilespmem:s10+$0x2D50] =	vst v38  }
0x439: {  	[tilespmem:s10+$0x2D60] =	vst v39  }
0x43a: {  	[tilespmem:s10+$0x2D70] =	vst v29  }
0x43b: {  	v29 =	vld [tilespmem:$0xB580];
	_ =	sdelay $0x1  }
0x43c: {  	v40 =	vld [tilespmem:s10+$0x580]  }
0x43d: {  	v41 =	vld [tilespmem:s10+$0x590]  }
0x43e: {  	v42 =	vld [tilespmem:s10+$0x5A0]  }
0x43f: {  	v44 =	vld [tilespmem:s10+$0x5B0];
	v43 =	vperm.xlane v27, v29  }
0x440: {  	v45 =	vld [tilespmem:s10+$0x5C0]  }
0x441: {  	v46 =	vld [tilespmem:s10+$0x5D0];
	v30 =	vmul.f32 v40, v43  }
0x442: {  	v47 =	vld [tilespmem:s10+$0x5E0];
	v31 =	vmul.f32 v41, v43  }
0x443: {  	v49 =	vld [tilespmem:s10+$0x5F0];
	v29 =	vperm.xlane v28, v29;
	v48 =	vmul.f32 v42, v43;
	[tilespmem:s10+$0x2D80] =	vst v30  }
0x444: {  	v50 =	vmul.f32 v44, v43;
	[tilespmem:s10+$0x2D90] =	vst v31  }
0x445: {  	v51 =	vmul.f32 v45, v29;
	[tilespmem:s10+$0x2DA0] =	vst v48  }
0x446: {  	v52 =	vmul.f32 v46, v29;
	[tilespmem:s10+$0x2DB0] =	vst v50  }
0x447: {  	v53 =	vmul.f32 v47, v29;
	[tilespmem:s10+$0x2DC0] =	vst v51  }
0x448: {  	v29 =	vmul.f32 v49, v29;
	[tilespmem:s10+$0x2DD0] =	vst v52  }
0x449: {  	[tilespmem:s10+$0x2DE0] =	vst v53  }
0x44a: {  	[tilespmem:s10+$0x2DF0] =	vst v29  }
0x44b: {  	v29 =	vld [tilespmem:$0xB600];
	_ =	sdelay $0x1  }
0x44c: {  	v54 =	vld [tilespmem:s10+$0x600]  }
0x44d: {  	v55 =	vld [tilespmem:s10+$0x610]  }
0x44e: {  	v56 =	vld [tilespmem:s10+$0x620]  }
0x44f: {  	v58 =	vld [tilespmem:s10+$0x630];
	v57 =	vperm.xlane v27, v29  }
0x450: {  	v59 =	vld [tilespmem:s10+$0x640]  }
0x451: {  	v60 =	vld [tilespmem:s10+$0x650];
	v30 =	vmul.f32 v54, v57  }
0x452: {  	v61 =	vld [tilespmem:s10+$0x660];
	v31 =	vmul.f32 v55, v57  }
0x453: {  	v63 =	vld [tilespmem:s10+$0x670];
	v29 =	vperm.xlane v28, v29;
	v62 =	vmul.f32 v56, v57;
	[tilespmem:s10+$0x2E00] =	vst v30  }
0x454: {  	v34 =	vmul.f32 v58, v57;
	[tilespmem:s10+$0x2E10] =	vst v31  }
0x455: {  	v35 =	vmul.f32 v59, v29;
	[tilespmem:s10+$0x2E20] =	vst v62  }
0x456: {  	v38 =	vmul.f32 v60, v29;
	[tilespmem:s10+$0x2E30] =	vst v34  }
0x457: {  	v39 =	vmul.f32 v61, v29;
	[tilespmem:s10+$0x2E40] =	vst v35  }
0x458: {  	v29 =	vmul.f32 v63, v29;
	[tilespmem:s10+$0x2E50] =	vst v38  }
0x459: {  	[tilespmem:s10+$0x2E60] =	vst v39  }
0x45a: {  	[tilespmem:s10+$0x2E70] =	vst v29  }
0x45b: {  	v29 =	vld [tilespmem:$0xB680];
	_ =	sdelay $0x1  }
0x45c: {  	v40 =	vld [tilespmem:s10+$0x680]  }
0x45d: {  	v41 =	vld [tilespmem:s10+$0x690]  }
0x45e: {  	v42 =	vld [tilespmem:s10+$0x6A0]  }
0x45f: {  	v44 =	vld [tilespmem:s10+$0x6B0];
	v43 =	vperm.xlane v27, v29  }
0x460: {  	v45 =	vld [tilespmem:s10+$0x6C0]  }
0x461: {  	v46 =	vld [tilespmem:s10+$0x6D0];
	v30 =	vmul.f32 v40, v43  }
0x462: {  	v47 =	vld [tilespmem:s10+$0x6E0];
	v31 =	vmul.f32 v41, v43  }
0x463: {  	v49 =	vld [tilespmem:s10+$0x6F0];
	v29 =	vperm.xlane v28, v29;
	v48 =	vmul.f32 v42, v43;
	[tilespmem:s10+$0x2E80] =	vst v30  }
0x464: {  	v50 =	vmul.f32 v44, v43;
	[tilespmem:s10+$0x2E90] =	vst v31  }
0x465: {  	v51 =	vmul.f32 v45, v29;
	[tilespmem:s10+$0x2EA0] =	vst v48  }
0x466: {  	v52 =	vmul.f32 v46, v29;
	[tilespmem:s10+$0x2EB0] =	vst v50  }
0x467: {  	v53 =	vmul.f32 v47, v29;
	[tilespmem:s10+$0x2EC0] =	vst v51  }
0x468: {  	v29 =	vmul.f32 v49, v29;
	[tilespmem:s10+$0x2ED0] =	vst v52  }
0x469: {  	[tilespmem:s10+$0x2EE0] =	vst v53  }
0x46a: {  	[tilespmem:s10+$0x2EF0] =	vst v29  }
0x46b: {  	v29 =	vld [tilespmem:$0xB700];
	_ =	sdelay $0x1  }
0x46c: {  	v54 =	vld [tilespmem:s10+$0x700]  }
0x46d: {  	v55 =	vld [tilespmem:s10+$0x710]  }
0x46e: {  	v56 =	vld [tilespmem:s10+$0x720]  }
0x46f: {  	v58 =	vld [tilespmem:s10+$0x730];
	v57 =	vperm.xlane v27, v29  }
0x470: {  	v59 =	vld [tilespmem:s10+$0x740]  }
0x471: {  	v60 =	vld [tilespmem:s10+$0x750];
	v30 =	vmul.f32 v54, v57  }
0x472: {  	v61 =	vld [tilespmem:s10+$0x760];
	v31 =	vmul.f32 v55, v57  }
0x473: {  	v63 =	vld [tilespmem:s10+$0x770];
	v29 =	vperm.xlane v28, v29;
	v62 =	vmul.f32 v56, v57;
	[tilespmem:s10+$0x2F00] =	vst v30  }
0x474: {  	v34 =	vmul.f32 v58, v57;
	[tilespmem:s10+$0x2F10] =	vst v31  }
0x475: {  	v35 =	vmul.f32 v59, v29;
	[tilespmem:s10+$0x2F20] =	vst v62  }
0x476: {  	v38 =	vmul.f32 v60, v29;
	[tilespmem:s10+$0x2F30] =	vst v34  }
0x477: {  	v39 =	vmul.f32 v61, v29;
	[tilespmem:s10+$0x2F40] =	vst v35  }
0x478: {  	v29 =	vmul.f32 v63, v29;
	[tilespmem:s10+$0x2F50] =	vst v38  }
0x479: {  	[tilespmem:s10+$0x2F60] =	vst v39  }
0x47a: {  	[tilespmem:s10+$0x2F70] =	vst v29  }
0x47b: {  	v29 =	vld [tilespmem:$0xB780];
	_ =	sdelay $0x1  }
0x47c: {  	v40 =	vld [tilespmem:s10+$0x780]  }
0x47d: {  	v41 =	vld [tilespmem:s10+$0x790]  }
0x47e: {  	v42 =	vld [tilespmem:s10+$0x7A0]  }
0x47f: {  	v44 =	vld [tilespmem:s10+$0x7B0];
	v43 =	vperm.xlane v27, v29  }
0x480: {  	v45 =	vld [tilespmem:s10+$0x7C0]  }
0x481: {  	v46 =	vld [tilespmem:s10+$0x7D0];
	v30 =	vmul.f32 v40, v43  }
0x482: {  	v47 =	vld [tilespmem:s10+$0x7E0];
	v31 =	vmul.f32 v41, v43  }
0x483: {  	v49 =	vld [tilespmem:s10+$0x7F0];
	v29 =	vperm.xlane v28, v29;
	v48 =	vmul.f32 v42, v43;
	[tilespmem:s10+$0x2F80] =	vst v30  }
0x484: {  	v50 =	vmul.f32 v44, v43;
	[tilespmem:s10+$0x2F90] =	vst v31  }
0x485: {  	v51 =	vmul.f32 v45, v29;
	[tilespmem:s10+$0x2FA0] =	vst v48  }
0x486: {  	v52 =	vmul.f32 v46, v29;
	[tilespmem:s10+$0x2FB0] =	vst v50  }
0x487: {  	v53 =	vmul.f32 v47, v29;
	[tilespmem:s10+$0x2FC0] =	vst v51  }
0x488: {  	v29 =	vmul.f32 v49, v29;
	[tilespmem:s10+$0x2FD0] =	vst v52  }
0x489: {  	[tilespmem:s10+$0x2FE0] =	vst v53  }
0x48a: {  	[tilespmem:s10+$0x2FF0] =	vst v29  }
0x48b: {  	v29 =	vld [tilespmem:$0xB800];
	_ =	sdelay $0x1  }
0x48c: {  	v54 =	vld [tilespmem:s10+$0x800]  }
0x48d: {  	v55 =	vld [tilespmem:s10+$0x810]  }
0x48e: {  	v56 =	vld [tilespmem:s10+$0x820]  }
0x48f: {  	v58 =	vld [tilespmem:s10+$0x830];
	v57 =	vperm.xlane v27, v29  }
0x490: {  	v59 =	vld [tilespmem:s10+$0x840]  }
0x491: {  	v60 =	vld [tilespmem:s10+$0x850];
	v30 =	vmul.f32 v54, v57  }
0x492: {  	v61 =	vld [tilespmem:s10+$0x860];
	v31 =	vmul.f32 v55, v57  }
0x493: {  	v63 =	vld [tilespmem:s10+$0x870];
	v29 =	vperm.xlane v28, v29;
	v62 =	vmul.f32 v56, v57;
	[tilespmem:s10+$0x3000] =	vst v30  }
0x494: {  	v34 =	vmul.f32 v58, v57;
	[tilespmem:s10+$0x3010] =	vst v31  }
0x495: {  	v35 =	vmul.f32 v59, v29;
	[tilespmem:s10+$0x3020] =	vst v62  }
0x496: {  	v36 =	vmul.f32 v60, v29;
	[tilespmem:s10+$0x3030] =	vst v34  }
0x497: {  	v38 =	vmul.f32 v61, v29;
	[tilespmem:s10+$0x3040] =	vst v35  }
0x498: {  	v29 =	vmul.f32 v63, v29;
	[tilespmem:s10+$0x3050] =	vst v36  }
0x499: {  	[tilespmem:s10+$0x3060] =	vst v38  }
0x49a: {  	[tilespmem:s10+$0x3070] =	vst v29  }
0x49b: {  	v29 =	vld [tilespmem:$0xB880];
	_ =	sdelay $0x1  }
0x49c: {  	v39 =	vld [tilespmem:s10+$0x880]  }
0x49d: {  	v40 =	vld [tilespmem:s10+$0x890]  }
0x49e: {  	v41 =	vld [tilespmem:s10+$0x8A0]  }
0x49f: {  	v43 =	vld [tilespmem:s10+$0x8B0];
	v42 =	vperm.xlane v27, v29  }
0x4a0: {  	v44 =	vld [tilespmem:s10+$0x8C0]  }
0x4a1: {  	v45 =	vld [tilespmem:s10+$0x8D0];
	v30 =	vmul.f32 v39, v42  }
0x4a2: {  	v46 =	vld [tilespmem:s10+$0x8E0];
	v31 =	vmul.f32 v40, v42  }
0x4a3: {  	v48 =	vld [tilespmem:s10+$0x8F0];
	v29 =	vperm.xlane v28, v29;
	v47 =	vmul.f32 v41, v42;
	[tilespmem:s10+$0x3080] =	vst v30  }
0x4a4: {  	v49 =	vmul.f32 v43, v42;
	[tilespmem:s10+$0x3090] =	vst v31  }
0x4a5: {  	v50 =	vmul.f32 v44, v29;
	[tilespmem:s10+$0x30A0] =	vst v47  }
0x4a6: {  	v51 =	vmul.f32 v45, v29;
	[tilespmem:s10+$0x30B0] =	vst v49  }
0x4a7: {  	v52 =	vmul.f32 v46, v29;
	[tilespmem:s10+$0x30C0] =	vst v50  }
0x4a8: {  	v29 =	vmul.f32 v48, v29;
	[tilespmem:s10+$0x30D0] =	vst v51  }
0x4a9: {  	[tilespmem:s10+$0x30E0] =	vst v52  }
0x4aa: {  	[tilespmem:s10+$0x30F0] =	vst v29  }
0x4ab: {  	v29 =	vld [tilespmem:$0xB900];
	_ =	sdelay $0x1  }
0x4ac: {  	v53 =	vld [tilespmem:s10+$0x900]  }
0x4ad: {  	v54 =	vld [tilespmem:s10+$0x910]  }
0x4ae: {  	v55 =	vld [tilespmem:s10+$0x920]  }
0x4af: {  	v56 =	vld [tilespmem:s10+$0x930];
	v27 =	vperm.xlane v27, v29  }
0x4b0: {  	v57 =	vld [tilespmem:s10+$0x940]  }
0x4b1: {  	v58 =	vld [tilespmem:s10+$0x950];
	v30 =	vmul.f32 v53, v27  }
0x4b2: {  	v59 =	vld [tilespmem:s10+$0x960];
	v31 =	vmul.f32 v54, v27  }
0x4b3: {  	v61 =	vld [tilespmem:s10+$0x970];
	v28 =	vperm.xlane v28, v29;
	v60 =	vmul.f32 v55, v27;
	[tilespmem:s10+$0x3100] =	vst v30  }
0x4b4: {  	v27 =	vmul.f32 v56, v27;
	[tilespmem:s10+$0x3110] =	vst v31  }
0x4b5: {  	p0 =	sne.s32 s9, $0x4;
	v62 =	vmul.f32 v57, v28;
	[tilespmem:s10+$0x3120] =	vst v60  }
.Ltmp1:
0x4b6: {  	[tilespmem:s10+$0x3130] =	vst v27;
	v27 =	vmul.f32 v58, v28;
	(pc) =	sbr.rel @p0 .LBB2_5-.Ltmp1, $4  }
0x4b7: {  	v63 =	vmul.f32 v59, v28;
	[tilespmem:s10+$0x3140] =	vst v62  }
0x4b8: {  	[tilespmem:s10+$0x3150] =	vst v27;
	v27 =	vmul.f32 v61, v28  }
0x4b9: {  	[tilespmem:s10+$0x3160] =	vst v63  }
0x4ba: {  	s9 =	sadd.s32 $0x1, s9;
	[tilespmem:s10+$0x3170] =	vst v27  }
0x4bb: {  	[spmem:s2] =	stream.indirect.scatter.add.f32 [tilespmem:s25], [sflag:$0x1], $0x80, s21, s22, $0xb8;
	[tilespmem:$0x1F680] =	vst v63  }
0x4bc: {  	s3 =	sadd.s32 $0x1, s3;
	_ =	swait.ge [sflag:s19], $0x2800  }
0x4bd: {  	p0 =	sne.s32 s3, $0x80;
	[sflag:s19] =	ssyncset.done $0x0  }
.Ltmp2:
0x4be: {  	s9 =	sadd.s32 s11, s20;
	[sflag:s19] =	ssyncadd.s32 $0xFFFFD800;
	(pc) =	sbr.rel @p0 .LBB2_4-.Ltmp2, $4  }
0x4bf: {  	[hbm4b:s9+s4] =	stream.linear.scatter [tilespmem:s30], [sflag:$0x1], $0x2800, $0x38;
	[tilespmem:$0x1F680] =	vst v63  }
0x4c0: {  	_ =	swait.ge [sflag:s19], $0x2800  }
0x4c1: {  	[sflag:s19] =	ssyncset.done $0x0  }
0x4c2: {  	[sflag:s19] =	ssyncadd.s32 $0xFFFFD800  }
0x4c3: {  	s31 =	sadd.s32 $0x1, s31  }
0x4c4: {  	[bflag:$0x0] =	sbarrier.arrive $0xFFFF;
	p0 =	sne.s32 s31, s17  }
.Ltmp3:
0x4c5: {  	s0 =	rddreg [dreg:$0x6];
	(pc) =	sbr.rel @p0 .LBB2_1-.Ltmp3, $4  }
0x4c6: {  	[hbm:s0], [sflag:s13] =	dma.local [spmem:s18], $0x2780  }
0x4c7: {  	_ =	swait.ge [sflag:s19], $0x2780  }
0x4c8: {  	[sflag:s19] =	ssyncset.done $0x0  }
0x4c9: {  	[sflag:s19] =	ssyncadd.s32 $0xFFFFD880  }
0x4ca: {  	_ =	sfence.sel $0x180000  }
0x4cb: {  	[bflag:$0x0] =	sbarrier.arrive $0xFFFF  }
0x4cc: {  	_ =	strace $0x90000047  }
0x4cd: {  	s0 =	stileid.u32;
	[bflag:$0x2] =	sbarrier.arrive $0xFFFF  }
0x4ce: {  	p0 =	sne.s32 s0, $0x0;
	s0 =	rddreg [dreg:$0x3]  }
0x4cf: {  	s0 =	sadd.s32 @!p0 $0x100000, s0  }
0x4d0: {  	[sflag:s0] =	ssyncadd.tile.s32 @!p0 $0x1;
	_ =	shalt  }
.Lfunc_end2:
_tile_overlayer_lowered:
.L_overlay_start_2:
0x4d1: {  	(tag) =	ssettag $0x2  }
0x4d2: {  	s0 =	rddreg [dreg:$0x0];
	s2 =	stileid.u32  }
0x4d3: {  	s1 =	rddreg [dreg:$0x1];
	p0 =	sne.s32 s2, $0x0  }
0x4d4: {  	s3 =	rddreg [dreg:$0x2];
	[bflag:$0x3] =	sbarrier.arrive $0xFFFF;
	s2 =	simm.s32 @!p0 $0x1C01  }
0x4d5: {  	[timem:s3], [sflag:s2] =	dma.local @!p0 [hbm:s0], s1  }
0x4d6: {  	s0 =	simm.s32 @!p0 $0x1  }
0x4d7: {  	_ =	swait.ge @!p0 [sflag:s0], s1  }
0x4d8: {  	s1 =	ssub.s32 @!p0 $0x0, s1;
	[sflag:s0] =	ssyncset.done @!p0 $0x0  }
0x4d9: {  	[sflag:s0] =	ssyncadd.s32 @!p0 s1  }
0x4da: {  	[bflag:$0x3] =	sbarrier.arrive $0xFFFF  }
0x4db: {  	_ =	shalt  }

</sc_bundles>
